<compile_context>
chip_gen: v7x
topology: tpu7x:2x2x1
jax: 0.10.2.dev20260603
libtpu: 0.0.44.dev20260713+nightly
codegen_flags: <defaults>
</compile_context>

<pallas_src>
import functools
import math

import jax
import jax.numpy as jnp
from jax import lax
from jax.experimental import pallas as pl
from jax.experimental.pallas import tpu as pltpu
from jax.experimental.pallas import tpu_sc as plsc

_VOCAB = 1000000
_EMBED = 128
_MAX_LEN = 512
_B, _L = 1024, 200

_NC, _NS = 2, 16
_NW = _NC * _NS
_ROWS = _B * _L
_RPW = _ROWS // _NW
_CHUNK = 160
_GSPLIT = 2
_SUB = _CHUNK // _GSPLIT
_NCHUNK = _RPW // _CHUNK
_NBUF = 3
_AHEAD = 2

_PE_ROWS = (_CHUNK if _CHUNK % _L == 0
            else _L - math.gcd(_CHUNK, _L) + _CHUNK)


def _pos_table():
    position = jnp.arange(_MAX_LEN, dtype=jnp.float32)[:, None]
    div_term = jnp.exp(
        jnp.arange(0, _EMBED, 2, dtype=jnp.float32) * -(math.log(10000.0) / _EMBED)
    )
    pe = jnp.zeros((_MAX_LEN, _EMBED), dtype=jnp.float32)
    pe = pe.at[:, 0::2].set(jnp.sin(position * div_term))
    pe = pe.at[:, 1::2].set(jnp.cos(position * div_term))
    return pe[:_L]


_mesh = plsc.VectorSubcoreMesh(core_axis_name="c", subcore_axis_name="s")


@functools.partial(
    pl.kernel,
    out_type=jax.ShapeDtypeStruct((_ROWS, _EMBED), jnp.float32),
    mesh=_mesh,
    scratch_types=(
        [pltpu.VMEM((_NCHUNK, _GSPLIT, _SUB), jnp.int32),
         pltpu.VMEM((_PE_ROWS, _EMBED), jnp.float32)]
        + [pltpu.VMEM((_CHUNK, _EMBED), jnp.float32) for _ in range(_NBUF)]
        + [pltpu.SemaphoreType.DMA for _ in range(2 * _NBUF)]
    ),
)
def _embed_kernel(table_hbm, idx_hbm, pe_hbm, out_hbm, idx_v, pe_v, *rest):
    bufs = rest[:_NBUF]
    sems_i = rest[_NBUF:2 * _NBUF]
    sems_o = rest[2 * _NBUF:]

    wid = lax.axis_index("s") * _NC + lax.axis_index("c")
    base = wid * _RPW
    pltpu.sync_copy(idx_hbm.at[wid], idx_v)
    pltpu.sync_copy(pe_hbm, pe_v)

    def gather_chunk(c, buf, sem):
        for g in range(_GSPLIT):
            pltpu.async_copy(
                table_hbm.at[idx_v.at[c, g]], buf.at[pl.ds(g * _SUB, _SUB)], sem)

    def wait_gather(buf, sem):
        for g in range(_GSPLIT):
            pltpu.make_async_copy(
                table_hbm.at[idx_v.at[0, 0]],
                buf.at[pl.ds(g * _SUB, _SUB)], sem).wait()

    def issue_out(c, buf, sem):
        pltpu.async_copy(buf, out_hbm.at[pl.ds(base + c * _CHUNK, _CHUNK)], sem)

    def wait_out(buf, sem):
        pltpu.make_async_copy(buf, out_hbm.at[pl.ds(base, _CHUNK)], sem).wait()

    def add_pe(buf, poff):
        def row_body(i, carry2):
            prow = poff + i
            for j in range(_EMBED // 16):
                cols = pl.ds(j * 16, 16)
                plsc.addupdate(buf.at[i, cols], pe_v[prow, cols])
            return carry2

        lax.fori_loop(0, _CHUNK, row_body, 0, unroll=2)

    def on_buf(sel, fn):
        for k in range(_NBUF):
            @pl.when(sel == k)
            def _(k=k):
                fn(bufs[k], sems_i[k], sems_o[k])

    for k in range(_AHEAD):
        gather_chunk(k, bufs[k], sems_i[k])

    def body(t, carry):
        def process(buf, sem_i, sem_o):
            wait_gather(buf, sem_i)
            if _CHUNK % _L == 0:
                add_pe(buf, 0)
            else:
                _P = _L // math.gcd(_CHUNK, _L)
                ph = lax.rem(t, _P)
                for kk in range(_P):
                    @pl.when(ph == kk)
                    def _(kk=kk):
                        add_pe(buf, (kk * _CHUNK) % _L)
            issue_out(t, buf, sem_o)

        on_buf(lax.rem(t, _NBUF), process)

        @pl.when(t + _AHEAD < _NCHUNK)
        def _():
            def prefetch(buf, sem_i, sem_o):
                @pl.when(t >= _NBUF - _AHEAD)
                def _():
                    wait_out(buf, sem_o)
                gather_chunk(t + _AHEAD, buf, sem_i)

            on_buf(lax.rem(t + _AHEAD, _NBUF), prefetch)

        return carry

    lax.fori_loop(0, _NCHUNK, body, 0)
    for k in range(_NBUF):
        wait_out(bufs[k], sems_o[k])


def kernel(sequence, token_table):
    idx = sequence.astype(jnp.int32).reshape(_NW, _NCHUNK, _GSPLIT, _SUB)
    pe = _pos_table()
    reps = -(-_PE_ROWS // _L)
    pe_full = jnp.concatenate([pe] * reps, axis=0)[:_PE_ROWS]
    out = _embed_kernel(token_table, idx, pe_full)
    return out.reshape(_B, _L, _EMBED)

# --- scband reference (transcript-rebuilt; emitter-appended) ---
"""Pipeline reference for scband-bertembedding-3891240370610 (READ-ONLY COPY).

The authoritative reference and input builder live on the scoring server;
editing this copy changes nothing except your own understanding.
"""

import jax, jax.numpy as jnp
import numpy as np
import math

VOCAB = 1000000
EMBED = 128
MAX_LEN = 512
B, L = 1024, 200


def make_pe(max_len, d_model):
    position = jnp.arange(max_len, dtype=jnp.float32)[:, None]
    div_term = jnp.exp(jnp.arange(0, d_model, 2, dtype=jnp.float32) * -(math.log(10000.0) / d_model))
    pe = jnp.zeros((max_len, d_model), dtype=jnp.float32)
    pe = pe.at[:, 0::2].set(jnp.sin(position * div_term))
    pe = pe.at[:, 1::2].set(jnp.cos(position * div_term))
    return pe


def setup_inputs(seed: int = 0) -> dict:
    key = jax.random.key(seed)
    k_idx, k_tab = jax.random.split(key)
    sequence = jax.random.randint(k_idx, (B, L), 0, VOCAB, dtype=jnp.int64 if jax.config.jax_enable_x64 else jnp.int32)
    token_table = jax.random.normal(k_tab, (VOCAB, EMBED), dtype=jnp.float32) * 0.02
    return {"sequence": sequence, "token_table": token_table}


def reference(sequence, token_table):
    # TokenEmbedding: gather rows of the token table
    tok = jnp.take(token_table, sequence, axis=0)  # [B, L, E]
    # PositionalEmbedding: fixed sin/cos buffer, sliced to seq_len, broadcast over batch
    pe = make_pe(MAX_LEN, EMBED)[None, : sequence.shape[1], :]  # [1, L, E]
    x = tok + pe
    # dropout p=0.0 (inference) -> identity
    return x

if __name__ == "__main__":
    import jax
    _d = setup_inputs()
    print(jax.jit(kernel)(*tuple(_d.values())))

</pallas_src>

<mosaic_0001>
#map = affine_map<(d0, d1) -> (0, 0)>
#map1 = affine_map<(d0, d1) -> (0, 0, 0, 0)>
module attributes {stable_mosaic.version = 14 : i64} {
  func.func @_embed_kernel(%arg0: i32, %arg1: i32, %arg2: memref<1000000x128xf32, #tpu.memory_space<hbm>>, %arg3: memref<32x40x2x80xi32, #tpu.memory_space<hbm>>, %arg4: memref<320x128xf32, #tpu.memory_space<hbm>>, %arg5: memref<204800x128xf32, #tpu.memory_space<hbm>>, %arg6: memref<40x2x80xi32, #tpu.memory_space<vmem>>, %arg7: memref<320x128xf32, #tpu.memory_space<vmem>>, %arg8: memref<160x128xf32, #tpu.memory_space<vmem>>, %arg9: memref<160x128xf32, #tpu.memory_space<vmem>>, %arg10: memref<160x128xf32, #tpu.memory_space<vmem>>, %arg11: memref<!tpu.dma_semaphore, #tpu.memory_space<semaphore_mem>>, %arg12: memref<!tpu.dma_semaphore, #tpu.memory_space<semaphore_mem>>, %arg13: memref<!tpu.dma_semaphore, #tpu.memory_space<semaphore_mem>>, %arg14: memref<!tpu.dma_semaphore, #tpu.memory_space<semaphore_mem>>, %arg15: memref<!tpu.dma_semaphore, #tpu.memory_space<semaphore_mem>>, %arg16: memref<!tpu.dma_semaphore, #tpu.memory_space<semaphore_mem>>) attributes {dimension_semantics = [#tpu.dimension_semantics<core_parallel>, #tpu.dimension_semantics<subcore_parallel>], iteration_bounds = array<i64: 2, 16>, scalar_prefetch = 0 : i64, scratch_operands = 11 : i64, tpu.core_type = #tpu.core_type<sc_vector_subcore>, window_params = [{transform_indices = #map}, {transform_indices = #map1}, {transform_indices = #map}, {transform_indices = #map}]} {
    %mul3A = arith.constant 2 : i32
    %mul3A_0 = arith.muli %arg1, %mul3A : i32
    %add3A = arith.addi %mul3A_0, %arg0 : i32
    %mul3A_1 = arith.constant 6400 : i32
    %mul3A_2 = arith.muli %add3A, %mul3A_1 : i32
    "tpu.region"() ({
      %run_scoped3A = tpu.sem_alloc : memref<!tpu.dma_semaphore, #tpu.memory_space<semaphore_mem>>
      %dma_start3A_62 = arith.constant 0 : i32
      %dma_start3A_63 = arith.constant 0 : i32
      %dma_start3A_64 = arith.constant 0 : i32
      %dma_start3A_65 = tpu.memref_slice %arg3[%add3A, %dma_start3A_62, %dma_start3A_63, %dma_start3A_64] : memref<32x40x2x80xi32, #tpu.memory_space<hbm>> -> memref<1x40x2x80xi32, #tpu.memory_space<hbm>>
      %dma_start3A_66 = tpu.memref_squeeze %dma_start3A_65 : memref<1x40x2x80xi32, #tpu.memory_space<hbm>> -> memref<40x2x80xi32, #tpu.memory_space<hbm>>
      %dma_start3A_67 = arith.constant 0 : i32
      %dma_start3A_68 = arith.constant 0 : i32
      %dma_start3A_69 = arith.constant 0 : i32
      %dma_start3A_70 = tpu.memref_slice %arg3[%add3A, %dma_start3A_67, %dma_start3A_68, %dma_start3A_69] : memref<32x40x2x80xi32, #tpu.memory_space<hbm>> -> memref<1x40x2x80xi32, #tpu.memory_space<hbm>>
      %dma_start3A_71 = tpu.memref_squeeze %dma_start3A_70 : memref<1x40x2x80xi32, #tpu.memory_space<hbm>> -> memref<40x2x80xi32, #tpu.memory_space<hbm>>
      tpu.enqueue_dma source(%dma_start3A_71 : memref<40x2x80xi32, #tpu.memory_space<hbm>>) target(%arg6 : memref<40x2x80xi32, #tpu.memory_space<vmem>>) target_semaphore(%run_scoped3A : memref<!tpu.dma_semaphore, #tpu.memory_space<semaphore_mem>>)
      %dma_wait3A_72 = arith.constant 0 : i32
      %dma_wait3A_73 = arith.constant 0 : i32
      %dma_wait3A_74 = arith.constant 0 : i32
      %dma_wait3A_75 = tpu.memref_slice %arg3[%add3A, %dma_wait3A_72, %dma_wait3A_73, %dma_wait3A_74] : memref<32x40x2x80xi32, #tpu.memory_space<hbm>> -> memref<1x40x2x80xi32, #tpu.memory_space<hbm>>
      %dma_wait3A_76 = tpu.memref_squeeze %dma_wait3A_75 : memref<1x40x2x80xi32, #tpu.memory_space<hbm>> -> memref<40x2x80xi32, #tpu.memory_space<hbm>>
      %dma_wait3A_77 = arith.constant 0 : i32
      %dma_wait3A_78 = arith.constant 0 : i32
      %dma_wait3A_79 = arith.constant 0 : i32
      %dma_wait3A_80 = tpu.memref_slice %arg3[%add3A, %dma_wait3A_77, %dma_wait3A_78, %dma_wait3A_79] : memref<32x40x2x80xi32, #tpu.memory_space<hbm>> -> memref<1x40x2x80xi32, #tpu.memory_space<hbm>>
      %dma_wait3A_81 = tpu.memref_squeeze %dma_wait3A_80 : memref<1x40x2x80xi32, #tpu.memory_space<hbm>> -> memref<40x2x80xi32, #tpu.memory_space<hbm>>
      tpu.wait_dma2 semaphore(%run_scoped3A : memref<!tpu.dma_semaphore, #tpu.memory_space<semaphore_mem>>) src(%dma_wait3A_81 : memref<40x2x80xi32, #tpu.memory_space<hbm>>) dst(%arg6 : memref<40x2x80xi32, #tpu.memory_space<vmem>>)
      tpu.yield
    }) : () -> ()
    "tpu.region"() ({
      %run_scoped3A = tpu.sem_alloc : memref<!tpu.dma_semaphore, #tpu.memory_space<semaphore_mem>>
      tpu.enqueue_dma source(%arg4 : memref<320x128xf32, #tpu.memory_space<hbm>>) target(%arg7 : memref<320x128xf32, #tpu.memory_space<vmem>>) target_semaphore(%run_scoped3A : memref<!tpu.dma_semaphore, #tpu.memory_space<semaphore_mem>>)
      tpu.wait_dma2 semaphore(%run_scoped3A : memref<!tpu.dma_semaphore, #tpu.memory_space<semaphore_mem>>) src(%arg4 : memref<320x128xf32, #tpu.memory_space<hbm>>) dst(%arg7 : memref<320x128xf32, #tpu.memory_space<vmem>>)
      tpu.yield
    }) : () -> ()
    %dma_start3A = arith.constant 0 : i32
    %dma_start3A_3 = arith.constant 0 : i32
    %dma_start3A_4 = arith.constant 0 : i32
    %dma_start3A_5 = arith.constant 0 : i32
    %dma_start3A_6 = tpu.memref_slice %arg8[%dma_start3A_4, %dma_start3A_5] : memref<160x128xf32, #tpu.memory_space<vmem>> -> memref<80x128xf32, #tpu.memory_space<vmem>>
    %dma_start3A_7 = arith.constant 0 : i32
    %dma_start3A_8 = tpu.memref_slice %arg6[%dma_start3A, %dma_start3A_3, %dma_start3A_7] : memref<40x2x80xi32, #tpu.memory_space<vmem>> -> memref<1x1x80xi32, #tpu.memory_space<vmem>>
    %dma_start3A_9 = tpu.memref_squeeze %dma_start3A_8 : memref<1x1x80xi32, #tpu.memory_space<vmem>> -> memref<80xi32, #tpu.memory_space<vmem>>
    %dma_start3A_10 = arith.constant 0 : i32
    %dma_start3A_11 = arith.constant 0 : i32
    %dma_start3A_12 = tpu.memref_slice %arg2[%dma_start3A_10, %dma_start3A_11] : memref<1000000x128xf32, #tpu.memory_space<hbm>> -> memref<1000000x128xf32, #tpu.memory_space<hbm>>
    tpu.enqueue_indirect_dma source(%dma_start3A_12 : memref<1000000x128xf32, #tpu.memory_space<hbm>>) target(%dma_start3A_6 : memref<80x128xf32, #tpu.memory_space<vmem>>) offsets(%dma_start3A_9 : memref<80xi32, #tpu.memory_space<vmem>>) semaphore(%arg11 : memref<!tpu.dma_semaphore, #tpu.memory_space<semaphore_mem>>)
    %dma_start3A_13 = arith.constant 0 : i32
    %dma_start3A_14 = arith.constant 1 : i32
    %dma_start3A_15 = arith.constant 80 : i32
    %dma_start3A_16 = arith.constant 0 : i32
    %dma_start3A_17 = tpu.memref_slice %arg8[%dma_start3A_15, %dma_start3A_16] : memref<160x128xf32, #tpu.memory_space<vmem>> -> memref<80x128xf32, #tpu.memory_space<vmem>>
    %dma_start3A_18 = arith.constant 0 : i32
    %dma_start3A_19 = tpu.memref_slice %arg6[%dma_start3A_13, %dma_start3A_14, %dma_start3A_18] : memref<40x2x80xi32, #tpu.memory_space<vmem>> -> memref<1x1x80xi32, #tpu.memory_space<vmem>>
    %dma_start3A_20 = tpu.memref_squeeze %dma_start3A_19 : memref<1x1x80xi32, #tpu.memory_space<vmem>> -> memref<80xi32, #tpu.memory_space<vmem>>
    %dma_start3A_21 = arith.constant 0 : i32
    %dma_start3A_22 = arith.constant 0 : i32
    %dma_start3A_23 = tpu.memref_slice %arg2[%dma_start3A_21, %dma_start3A_22] : memref<1000000x128xf32, #tpu.memory_space<hbm>> -> memref<1000000x128xf32, #tpu.memory_space<hbm>>
    tpu.enqueue_indirect_dma source(%dma_start3A_23 : memref<1000000x128xf32, #tpu.memory_space<hbm>>) target(%dma_start3A_17 : memref<80x128xf32, #tpu.memory_space<vmem>>) offsets(%dma_start3A_20 : memref<80xi32, #tpu.memory_space<vmem>>) semaphore(%arg11 : memref<!tpu.dma_semaphore, #tpu.memory_space<semaphore_mem>>)
    %dma_start3A_24 = arith.constant 1 : i32
    %dma_start3A_25 = arith.constant 0 : i32
    %dma_start3A_26 = arith.constant 0 : i32
    %dma_start3A_27 = arith.constant 0 : i32
    %dma_start3A_28 = tpu.memref_slice %arg9[%dma_start3A_26, %dma_start3A_27] : memref<160x128xf32, #tpu.memory_space<vmem>> -> memref<80x128xf32, #tpu.memory_space<vmem>>
    %dma_start3A_29 = arith.constant 0 : i32
    %dma_start3A_30 = tpu.memref_slice %arg6[%dma_start3A_24, %dma_start3A_25, %dma_start3A_29] : memref<40x2x80xi32, #tpu.memory_space<vmem>> -> memref<1x1x80xi32, #tpu.memory_space<vmem>>
    %dma_start3A_31 = tpu.memref_squeeze %dma_start3A_30 : memref<1x1x80xi32, #tpu.memory_space<vmem>> -> memref<80xi32, #tpu.memory_space<vmem>>
    %dma_start3A_32 = arith.constant 0 : i32
    %dma_start3A_33 = arith.constant 0 : i32
    %dma_start3A_34 = tpu.memref_slice %arg2[%dma_start3A_32, %dma_start3A_33] : memref<1000000x128xf32, #tpu.memory_space<hbm>> -> memref<1000000x128xf32, #tpu.memory_space<hbm>>
    tpu.enqueue_indirect_dma source(%dma_start3A_34 : memref<1000000x128xf32, #tpu.memory_space<hbm>>) target(%dma_start3A_28 : memref<80x128xf32, #tpu.memory_space<vmem>>) offsets(%dma_start3A_31 : memref<80xi32, #tpu.memory_space<vmem>>) semaphore(%arg12 : memref<!tpu.dma_semaphore, #tpu.memory_space<semaphore_mem>>)
    %dma_start3A_35 = arith.constant 1 : i32
    %dma_start3A_36 = arith.constant 1 : i32
    %dma_start3A_37 = arith.constant 80 : i32
    %dma_start3A_38 = arith.constant 0 : i32
    %dma_start3A_39 = tpu.memref_slice %arg9[%dma_start3A_37, %dma_start3A_38] : memref<160x128xf32, #tpu.memory_space<vmem>> -> memref<80x128xf32, #tpu.memory_space<vmem>>
    %dma_start3A_40 = arith.constant 0 : i32
    %dma_start3A_41 = tpu.memref_slice %arg6[%dma_start3A_35, %dma_start3A_36, %dma_start3A_40] : memref<40x2x80xi32, #tpu.memory_space<vmem>> -> memref<1x1x80xi32, #tpu.memory_space<vmem>>
    %dma_start3A_42 = tpu.memref_squeeze %dma_start3A_41 : memref<1x1x80xi32, #tpu.memory_space<vmem>> -> memref<80xi32, #tpu.memory_space<vmem>>
    %dma_start3A_43 = arith.constant 0 : i32
    %dma_start3A_44 = arith.constant 0 : i32
    %dma_start3A_45 = tpu.memref_slice %arg2[%dma_start3A_43, %dma_start3A_44] : memref<1000000x128xf32, #tpu.memory_space<hbm>> -> memref<1000000x128xf32, #tpu.memory_space<hbm>>
    tpu.enqueue_indirect_dma source(%dma_start3A_45 : memref<1000000x128xf32, #tpu.memory_space<hbm>>) target(%dma_start3A_39 : memref<80x128xf32, #tpu.memory_space<vmem>>) offsets(%dma_start3A_42 : memref<80xi32, #tpu.memory_space<vmem>>) semaphore(%arg12 : memref<!tpu.dma_semaphore, #tpu.memory_space<semaphore_mem>>)
    %scan3A = arith.constant 0 : i32
    %scan3A_46 = arith.constant 0 : i32
    %scan3A_47 = arith.constant 40 : i32
    %scan3A_48 = arith.addi %scan3A_46, %scan3A_47 : i32
    %scan3A_49 = arith.constant 1 : i32
    scf.for %scan3A_62 = %scan3A_46 to %scan3A_48 step %scan3A_49  : i32 {
      %rem3A = arith.constant 3 : i32
      %rem3A_63 = arith.remsi %scan3A_62, %rem3A : i32
      %eq3A = arith.constant 0 : i32
      %eq3A_64 = arith.cmpi eq, %rem3A_63, %eq3A : i32
      %convert_element_type3A = arith.extui %eq3A_64 : i1 to i32
      %cond3A = arith.constant 0 : i32
      %cond3A_65 = arith.cmpi ne, %convert_element_type3A, %cond3A : i32
      scf.if %cond3A_65 {
        %dma_wait3A_82 = arith.constant 0 : i32
        %dma_wait3A_83 = arith.constant 0 : i32
        %dma_wait3A_84 = arith.constant 0 : i32
        %dma_wait3A_85 = arith.constant 0 : i32
        %dma_wait3A_86 = tpu.memref_slice %arg8[%dma_wait3A_84, %dma_wait3A_85] : memref<160x128xf32, #tpu.memory_space<vmem>> -> memref<80x128xf32, #tpu.memory_space<vmem>>
        %dma_wait3A_87 = arith.constant 0 : i32
        %dma_wait3A_88 = tpu.memref_slice %arg6[%dma_wait3A_82, %dma_wait3A_83, %dma_wait3A_87] : memref<40x2x80xi32, #tpu.memory_space<vmem>> -> memref<1x1x80xi32, #tpu.memory_space<vmem>>
        %dma_wait3A_89 = tpu.memref_squeeze %dma_wait3A_88 : memref<1x1x80xi32, #tpu.memory_space<vmem>> -> memref<80xi32, #tpu.memory_space<vmem>>
        %dma_wait3A_90 = arith.constant 0 : i32
        %dma_wait3A_91 = arith.constant 0 : i32
        %dma_wait3A_92 = tpu.memref_slice %arg2[%dma_wait3A_90, %dma_wait3A_91] : memref<1000000x128xf32, #tpu.memory_space<hbm>> -> memref<1000000x128xf32, #tpu.memory_space<hbm>>
        tpu.wait_indirect_dma semaphore(%arg11 : memref<!tpu.dma_semaphore, #tpu.memory_space<semaphore_mem>>) src(%dma_wait3A_92 : memref<1000000x128xf32, #tpu.memory_space<hbm>>) dst(%dma_wait3A_86 : memref<80x128xf32, #tpu.memory_space<vmem>>)
        %dma_wait3A_93 = arith.constant 0 : i32
        %dma_wait3A_94 = arith.constant 0 : i32
        %dma_wait3A_95 = arith.constant 80 : i32
        %dma_wait3A_96 = arith.constant 0 : i32
        %dma_wait3A_97 = tpu.memref_slice %arg8[%dma_wait3A_95, %dma_wait3A_96] : memref<160x128xf32, #tpu.memory_space<vmem>> -> memref<80x128xf32, #tpu.memory_space<vmem>>
        %dma_wait3A_98 = arith.constant 0 : i32
        %dma_wait3A_99 = tpu.memref_slice %arg6[%dma_wait3A_93, %dma_wait3A_94, %dma_wait3A_98] : memref<40x2x80xi32, #tpu.memory_space<vmem>> -> memref<1x1x80xi32, #tpu.memory_space<vmem>>
        %dma_wait3A_100 = tpu.memref_squeeze %dma_wait3A_99 : memref<1x1x80xi32, #tpu.memory_space<vmem>> -> memref<80xi32, #tpu.memory_space<vmem>>
        %dma_wait3A_101 = arith.constant 0 : i32
        %dma_wait3A_102 = arith.constant 0 : i32
        %dma_wait3A_103 = tpu.memref_slice %arg2[%dma_wait3A_101, %dma_wait3A_102] : memref<1000000x128xf32, #tpu.memory_space<hbm>> -> memref<1000000x128xf32, #tpu.memory_space<hbm>>
        tpu.wait_indirect_dma semaphore(%arg11 : memref<!tpu.dma_semaphore, #tpu.memory_space<semaphore_mem>>) src(%dma_wait3A_103 : memref<1000000x128xf32, #tpu.memory_space<hbm>>) dst(%dma_wait3A_97 : memref<80x128xf32, #tpu.memory_space<vmem>>)
        %rem3A_104 = arith.constant 5 : i32
        %rem3A_105 = arith.remsi %scan3A_62, %rem3A_104 : i32
        %eq3A_106 = arith.constant 0 : i32
        %eq3A_107 = arith.cmpi eq, %rem3A_105, %eq3A_106 : i32
        %convert_element_type3A_108 = arith.extui %eq3A_107 : i1 to i32
        %cond3A_109 = arith.constant 0 : i32
        %cond3A_110 = arith.cmpi ne, %convert_element_type3A_108, %cond3A_109 : i32
        scf.if %cond3A_110 {
          %scan3A_138 = arith.constant 0 : i32
          %scan3A_139 = arith.constant 0 : i32
          %scan3A_140 = arith.constant 160 : i32
          %scan3A_141 = arith.addi %scan3A_139, %scan3A_140 : i32
          %scan3A_142 = arith.constant 2 : i32
          scf.for %scan3A_144 = %scan3A_139 to %scan3A_141 step %scan3A_142  : i32 {
            %add3A_145 = arith.constant 0 : i32
            %add3A_146 = arith.addi %add3A_145, %scan3A_144 : i32
            %get3A = arith.index_cast %add3A_146 : i32 to index
            %get3A_147 = arith.constant 0 : index
            %get3A_148 = tpu.vector_load %arg7[%get3A, %get3A_147] {strides = array<i32>} : memref<320x128xf32, #tpu.memory_space<vmem>>, vector<1x16xf32>,
            %get3A_149 = vector.shape_cast %get3A_148 : vector<1x16xf32> to vector<16xf32>
            %swap3A = arith.index_cast %scan3A_144 : i32 to index
            %swap3A_150 = arith.constant 0 : index
            %swap3A_151 = tpu.vector_load %arg8[%swap3A, %swap3A_150] {strides = array<i32>} : memref<160x128xf32, #tpu.memory_space<vmem>>, vector<1x16xf32>,
            %swap3A_152 = vector.shape_cast %swap3A_151 : vector<1x16xf32> to vector<16xf32>
            %swap3A_153 = vector.shape_cast %get3A_149 : vector<16xf32> to vector<1x16xf32>
            tpu.vector_store %arg8[%swap3A, %swap3A_150], %swap3A_153 {add = true, strides = array<i32>} : memref<160x128xf32, #tpu.memory_space<vmem>>, vector<1x16xf32>,
            %get3A_154 = arith.index_cast %add3A_146 : i32 to index
            %get3A_155 = arith.constant 16 : index
            %get3A_156 = tpu.vector_load %arg7[%get3A_154, %get3A_155] {strides = array<i32>} : memref<320x128xf32, #tpu.memory_space<vmem>>, vector<1x16xf32>,
            %get3A_157 = vector.shape_cast %get3A_156 : vector<1x16xf32> to vector<16xf32>
            %swap3A_158 = arith.index_cast %scan3A_144 : i32 to index
            %swap3A_159 = arith.constant 16 : index
            %swap3A_160 = tpu.vector_load %arg8[%swap3A_158, %swap3A_159] {strides = array<i32>} : memref<160x128xf32, #tpu.memory_space<vmem>>, vector<1x16xf32>,
            %swap3A_161 = vector.shape_cast %swap3A_160 : vector<1x16xf32> to vector<16xf32>
            %swap3A_162 = vector.shape_cast %get3A_157 : vector<16xf32> to vector<1x16xf32>
            tpu.vector_store %arg8[%swap3A_158, %swap3A_159], %swap3A_162 {add = true, strides = array<i32>} : memref<160x128xf32, #tpu.memory_space<vmem>>, vector<1x16xf32>,
            %get3A_163 = arith.index_cast %add3A_146 : i32 to index
            %get3A_164 = arith.constant 32 : index
            %get3A_165 = tpu.vector_load %arg7[%get3A_163, %get3A_164] {strides = array<i32>} : memref<320x128xf32, #tpu.memory_space<vmem>>, vector<1x16xf32>,
            %get3A_166 = vector.shape_cast %get3A_165 : vector<1x16xf32> to vector<16xf32>
            %swap3A_167 = arith.index_cast %scan3A_144 : i32 to index
            %swap3A_168 = arith.constant 32 : index
            %swap3A_169 = tpu.vector_load %arg8[%swap3A_167, %swap3A_168] {strides = array<i32>} : memref<160x128xf32, #tpu.memory_space<vmem>>, vector<1x16xf32>,
            %swap3A_170 = vector.shape_cast %swap3A_169 : vector<1x16xf32> to vector<16xf32>
            %swap3A_171 = vector.shape_cast %get3A_166 : vector<16xf32> to vector<1x16xf32>
            tpu.vector_store %arg8[%swap3A_167, %swap3A_168], %swap3A_171 {add = true, strides = array<i32>} : memref<160x128xf32, #tpu.memory_space<vmem>>, vector<1x16xf32>,
            %get3A_172 = arith.index_cast %add3A_146 : i32 to index
            %get3A_173 = arith.constant 48 : index
            %get3A_174 = tpu.vector_load %arg7[%get3A_172, %get3A_173] {strides = array<i32>} : memref<320x128xf32, #tpu.memory_space<vmem>>, vector<1x16xf32>,
            %get3A_175 = vector.shape_cast %get3A_174 : vector<1x16xf32> to vector<16xf32>
            %swap3A_176 = arith.index_cast %scan3A_144 : i32 to index
            %swap3A_177 = arith.constant 48 : index
            %swap3A_178 = tpu.vector_load %arg8[%swap3A_176, %swap3A_177] {strides = array<i32>} : memref<160x128xf32, #tpu.memory_space<vmem>>, vector<1x16xf32>,
            %swap3A_179 = vector.shape_cast %swap3A_178 : vector<1x16xf32> to vector<16xf32>
            %swap3A_180 = vector.shape_cast %get3A_175 : vector<16xf32> to vector<1x16xf32>
            tpu.vector_store %arg8[%swap3A_176, %swap3A_177], %swap3A_180 {add = true, strides = array<i32>} : memref<160x128xf32, #tpu.memory_space<vmem>>, vector<1x16xf32>,
            %get3A_181 = arith.index_cast %add3A_146 : i32 to index
            %get3A_182 = arith.constant 64 : index
            %get3A_183 = tpu.vector_load %arg7[%get3A_181, %get3A_182] {strides = array<i32>} : memref<320x128xf32, #tpu.memory_space<vmem>>, vector<1x16xf32>,
            %get3A_184 = vector.shape_cast %get3A_183 : vector<1x16xf32> to vector<16xf32>
            %swap3A_185 = arith.index_cast %scan3A_144 : i32 to index
            %swap3A_186 = arith.constant 64 : index
            %swap3A_187 = tpu.vector_load %arg8[%swap3A_185, %swap3A_186] {strides = array<i32>} : memref<160x128xf32, #tpu.memory_space<vmem>>, vector<1x16xf32>,
            %swap3A_188 = vector.shape_cast %swap3A_187 : vector<1x16xf32> to vector<16xf32>
            %swap3A_189 = vector.shape_cast %get3A_184 : vector<16xf32> to vector<1x16xf32>
            tpu.vector_store %arg8[%swap3A_185, %swap3A_186], %swap3A_189 {add = true, strides = array<i32>} : memref<160x128xf32, #tpu.memory_space<vmem>>, vector<1x16xf32>,
            %get3A_190 = arith.index_cast %add3A_146 : i32 to index
            %get3A_191 = arith.constant 80 : index
            %get3A_192 = tpu.vector_load %arg7[%get3A_190, %get3A_191] {strides = array<i32>} : memref<320x128xf32, #tpu.memory_space<vmem>>, vector<1x16xf32>,
            %get3A_193 = vector.shape_cast %get3A_192 : vector<1x16xf32> to vector<16xf32>
            %swap3A_194 = arith.index_cast %scan3A_144 : i32 to index
            %swap3A_195 = arith.constant 80 : index
            %swap3A_196 = tpu.vector_load %arg8[%swap3A_194, %swap3A_195] {strides = array<i32>} : memref<160x128xf32, #tpu.memory_space<vmem>>, vector<1x16xf32>,
            %swap3A_197 = vector.shape_cast %swap3A_196 : vector<1x16xf32> to vector<16xf32>
            %swap3A_198 = vector.shape_cast %get3A_193 : vector<16xf32> to vector<1x16xf32>
            tpu.vector_store %arg8[%swap3A_194, %swap3A_195], %swap3A_198 {add = true, strides = array<i32>} : memref<160x128xf32, #tpu.memory_space<vmem>>, vector<1x16xf32>,
            %get3A_199 = arith.index_cast %add3A_146 : i32 to index
            %get3A_200 = arith.constant 96 : index
            %get3A_201 = tpu.vector_load %arg7[%get3A_199, %get3A_200] {strides = array<i32>} : memref<320x128xf32, #tpu.memory_space<vmem>>, vector<1x16xf32>,
            %get3A_202 = vector.shape_cast %get3A_201 : vector<1x16xf32> to vector<16xf32>
            %swap3A_203 = arith.index_cast %scan3A_144 : i32 to index
            %swap3A_204 = arith.constant 96 : index
            %swap3A_205 = tpu.vector_load %arg8[%swap3A_203, %swap3A_204] {strides = array<i32>} : memref<160x128xf32, #tpu.memory_space<vmem>>, vector<1x16xf32>,
            %swap3A_206 = vector.shape_cast %swap3A_205 : vector<1x16xf32> to vector<16xf32>
            %swap3A_207 = vector.shape_cast %get3A_202 : vector<16xf32> to vector<1x16xf32>
            tpu.vector_store %arg8[%swap3A_203, %swap3A_204], %swap3A_207 {add = true, strides = array<i32>} : memref<160x128xf32, #tpu.memory_space<vmem>>, vector<1x16xf32>,
            %get3A_208 = arith.index_cast %add3A_146 : i32 to index
            %get3A_209 = arith.constant 112 : index
            %get3A_210 = tpu.vector_load %arg7[%get3A_208, %get3A_209] {strides = array<i32>} : memref<320x128xf32, #tpu.memory_space<vmem>>, vector<1x16xf32>,
            %get3A_211 = vector.shape_cast %get3A_210 : vector<1x16xf32> to vector<16xf32>
            %swap3A_212 = arith.index_cast %scan3A_144 : i32 to index
            %swap3A_213 = arith.constant 112 : index
            %swap3A_214 = tpu.vector_load %arg8[%swap3A_212, %swap3A_213] {strides = array<i32>} : memref<160x128xf32, #tpu.memory_space<vmem>>, vector<1x16xf32>,
            %swap3A_215 = vector.shape_cast %swap3A_214 : vector<1x16xf32> to vector<16xf32>
            %swap3A_216 = vector.shape_cast %get3A_211 : vector<16xf32> to vector<1x16xf32>
            tpu.vector_store %arg8[%swap3A_212, %swap3A_213], %swap3A_216 {add = true, strides = array<i32>} : memref<160x128xf32, #tpu.memory_space<vmem>>, vector<1x16xf32>,
            %scan3A_217 = arith.constant 1 : i32
            %scan3A_218 = arith.addi %scan3A_144, %scan3A_217 : i32
            %add3A_219 = arith.constant 0 : i32
            %add3A_220 = arith.addi %add3A_219, %scan3A_218 : i32
            %get3A_221 = arith.index_cast %add3A_220 : i32 to index
            %get3A_222 = arith.constant 0 : index
            %get3A_223 = tpu.vector_load %arg7[%get3A_221, %get3A_222] {strides = array<i32>} : memref<320x128xf32, #tpu.memory_space<vmem>>, vector<1x16xf32>,
            %get3A_224 = vector.shape_cast %get3A_223 : vector<1x16xf32> to vector<16xf32>
            %swap3A_225 = arith.index_cast %scan3A_218 : i32 to index
            %swap3A_226 = arith.constant 0 : index
            %swap3A_227 = tpu.vector_load %arg8[%swap3A_225, %swap3A_226] {strides = array<i32>} : memref<160x128xf32, #tpu.memory_space<vmem>>, vector<1x16xf32>,
            %swap3A_228 = vector.shape_cast %swap3A_227 : vector<1x16xf32> to vector<16xf32>
            %swap3A_229 = vector.shape_cast %get3A_224 : vector<16xf32> to vector<1x16xf32>
            tpu.vector_store %arg8[%swap3A_225, %swap3A_226], %swap3A_229 {add = true, strides = array<i32>} : memref<160x128xf32, #tpu.memory_space<vmem>>, vector<1x16xf32>,
            %get3A_230 = arith.index_cast %add3A_220 : i32 to index
            %get3A_231 = arith.constant 16 : index
            %get3A_232 = tpu.vector_load %arg7[%get3A_230, %get3A_231] {strides = array<i32>} : memref<320x128xf32, #tpu.memory_space<vmem>>, vector<1x16xf32>,
            %get3A_233 = vector.shape_cast %get3A_232 : vector<1x16xf32> to vector<16xf32>
            %swap3A_234 = arith.index_cast %scan3A_218 : i32 to index
            %swap3A_235 = arith.constant 16 : index
            %swap3A_236 = tpu.vector_load %arg8[%swap3A_234, %swap3A_235] {strides = array<i32>} : memref<160x128xf32, #tpu.memory_space<vmem>>, vector<1x16xf32>,
            %swap3A_237 = vector.shape_cast %swap3A_236 : vector<1x16xf32> to vector<16xf32>
            %swap3A_238 = vector.shape_cast %get3A_233 : vector<16xf32> to vector<1x16xf32>
            tpu.vector_store %arg8[%swap3A_234, %swap3A_235], %swap3A_238 {add = true, strides = array<i32>} : memref<160x128xf32, #tpu.memory_space<vmem>>, vector<1x16xf32>,
            %get3A_239 = arith.index_cast %add3A_220 : i32 to index
            %get3A_240 = arith.constant 32 : index
            %get3A_241 = tpu.vector_load %arg7[%get3A_239, %get3A_240] {strides = array<i32>} : memref<320x128xf32, #tpu.memory_space<vmem>>, vector<1x16xf32>,
            %get3A_242 = vector.shape_cast %get3A_241 : vector<1x16xf32> to vector<16xf32>
            %swap3A_243 = arith.index_cast %scan3A_218 : i32 to index
            %swap3A_244 = arith.constant 32 : index
            %swap3A_245 = tpu.vector_load %arg8[%swap3A_243, %swap3A_244] {strides = array<i32>} : memref<160x128xf32, #tpu.memory_space<vmem>>, vector<1x16xf32>,
            %swap3A_246 = vector.shape_cast %swap3A_245 : vector<1x16xf32> to vector<16xf32>
            %swap3A_247 = vector.shape_cast %get3A_242 : vector<16xf32> to vector<1x16xf32>
            tpu.vector_store %arg8[%swap3A_243, %swap3A_244], %swap3A_247 {add = true, strides = array<i32>} : memref<160x128xf32, #tpu.memory_space<vmem>>, vector<1x16xf32>,
            %get3A_248 = arith.index_cast %add3A_220 : i32 to index
            %get3A_249 = arith.constant 48 : index
            %get3A_250 = tpu.vector_load %arg7[%get3A_248, %get3A_249] {strides = array<i32>} : memref<320x128xf32, #tpu.memory_space<vmem>>, vector<1x16xf32>,
            %get3A_251 = vector.shape_cast %get3A_250 : vector<1x16xf32> to vector<16xf32>
            %swap3A_252 = arith.index_cast %scan3A_218 : i32 to index
            %swap3A_253 = arith.constant 48 : index
            %swap3A_254 = tpu.vector_load %arg8[%swap3A_252, %swap3A_253] {strides = array<i32>} : memref<160x128xf32, #tpu.memory_space<vmem>>, vector<1x16xf32>,
            %swap3A_255 = vector.shape_cast %swap3A_254 : vector<1x16xf32> to vector<16xf32>
            %swap3A_256 = vector.shape_cast %get3A_251 : vector<16xf32> to vector<1x16xf32>
            tpu.vector_store %arg8[%swap3A_252, %swap3A_253], %swap3A_256 {add = true, strides = array<i32>} : memref<160x128xf32, #tpu.memory_space<vmem>>, vector<1x16xf32>,
            %get3A_257 = arith.index_cast %add3A_220 : i32 to index
            %get3A_258 = arith.constant 64 : index
            %get3A_259 = tpu.vector_load %arg7[%get3A_257, %get3A_258] {strides = array<i32>} : memref<320x128xf32, #tpu.memory_space<vmem>>, vector<1x16xf32>,
            %get3A_260 = vector.shape_cast %get3A_259 : vector<1x16xf32> to vector<16xf32>
            %swap3A_261 = arith.index_cast %scan3A_218 : i32 to index
            %swap3A_262 = arith.constant 64 : index
            %swap3A_263 = tpu.vector_load %arg8[%swap3A_261, %swap3A_262] {strides = array<i32>} : memref<160x128xf32, #tpu.memory_space<vmem>>, vector<1x16xf32>,
            %swap3A_264 = vector.shape_cast %swap3A_263 : vector<1x16xf32> to vector<16xf32>
            %swap3A_265 = vector.shape_cast %get3A_260 : vector<16xf32> to vector<1x16xf32>
            tpu.vector_store %arg8[%swap3A_261, %swap3A_262], %swap3A_265 {add = true, strides = array<i32>} : memref<160x128xf32, #tpu.memory_space<vmem>>, vector<1x16xf32>,
            %get3A_266 = arith.index_cast %add3A_220 : i32 to index
            %get3A_267 = arith.constant 80 : index
            %get3A_268 = tpu.vector_load %arg7[%get3A_266, %get3A_267] {strides = array<i32>} : memref<320x128xf32, #tpu.memory_space<vmem>>, vector<1x16xf32>,
            %get3A_269 = vector.shape_cast %get3A_268 : vector<1x16xf32> to vector<16xf32>
            %swap3A_270 = arith.index_cast %scan3A_218 : i32 to index
            %swap3A_271 = arith.constant 80 : index
            %swap3A_272 = tpu.vector_load %arg8[%swap3A_270, %swap3A_271] {strides = array<i32>} : memref<160x128xf32, #tpu.memory_space<vmem>>, vector<1x16xf32>,
            %swap3A_273 = vector.shape_cast %swap3A_272 : vector<1x16xf32> to vector<16xf32>
            %swap3A_274 = vector.shape_cast %get3A_269 : vector<16xf32> to vector<1x16xf32>
            tpu.vector_store %arg8[%swap3A_270, %swap3A_271], %swap3A_274 {add = true, strides = array<i32>} : memref<160x128xf32, #tpu.memory_space<vmem>>, vector<1x16xf32>,
            %get3A_275 = arith.index_cast %add3A_220 : i32 to index
            %get3A_276 = arith.constant 96 : index
            %get3A_277 = tpu.vector_load %arg7[%get3A_275, %get3A_276] {strides = array<i32>} : memref<320x128xf32, #tpu.memory_space<vmem>>, vector<1x16xf32>,
            %get3A_278 = vector.shape_cast %get3A_277 : vector<1x16xf32> to vector<16xf32>
            %swap3A_279 = arith.index_cast %scan3A_218 : i32 to index
            %swap3A_280 = arith.constant 96 : index
            %swap3A_281 = tpu.vector_load %arg8[%swap3A_279, %swap3A_280] {strides = array<i32>} : memref<160x128xf32, #tpu.memory_space<vmem>>, vector<1x16xf32>,
            %swap3A_282 = vector.shape_cast %swap3A_281 : vector<1x16xf32> to vector<16xf32>
            %swap3A_283 = vector.shape_cast %get3A_278 : vector<16xf32> to vector<1x16xf32>
            tpu.vector_store %arg8[%swap3A_279, %swap3A_280], %swap3A_283 {add = true, strides = array<i32>} : memref<160x128xf32, #tpu.memory_space<vmem>>, vector<1x16xf32>,
            %get3A_284 = arith.index_cast %add3A_220 : i32 to index
            %get3A_285 = arith.constant 112 : index
            %get3A_286 = tpu.vector_load %arg7[%get3A_284, %get3A_285] {strides = array<i32>} : memref<320x128xf32, #tpu.memory_space<vmem>>, vector<1x16xf32>,
            %get3A_287 = vector.shape_cast %get3A_286 : vector<1x16xf32> to vector<16xf32>
            %swap3A_288 = arith.index_cast %scan3A_218 : i32 to index
            %swap3A_289 = arith.constant 112 : index
            %swap3A_290 = tpu.vector_load %arg8[%swap3A_288, %swap3A_289] {strides = array<i32>} : memref<160x128xf32, #tpu.memory_space<vmem>>, vector<1x16xf32>,
            %swap3A_291 = vector.shape_cast %swap3A_290 : vector<1x16xf32> to vector<16xf32>
            %swap3A_292 = vector.shape_cast %get3A_287 : vector<16xf32> to vector<1x16xf32>
            tpu.vector_store %arg8[%swap3A_288, %swap3A_289], %swap3A_292 {add = true, strides = array<i32>} : memref<160x128xf32, #tpu.memory_space<vmem>>, vector<1x16xf32>,
          }
          %scan3A_143 = arith.constant 160 : i32
        } else {
        }
        %eq3A_111 = arith.constant 1 : i32
        %eq3A_112 = arith.cmpi eq, %rem3A_105, %eq3A_111 : i32
        %convert_element_type3A_113 = arith.extui %eq3A_112 : i1 to i32
        %cond3A_114 = arith.constant 0 : i32
        %cond3A_115 = arith.cmpi ne, %convert_element_type3A_113, %cond3A_114 : i32
        scf.if %cond3A_115 {
          %scan3A_138 = arith.constant 0 : i32
          %scan3A_139 = arith.constant 0 : i32
          %scan3A_140 = arith.constant 160 : i32
          %scan3A_141 = arith.addi %scan3A_139, %scan3A_140 : i32
          %scan3A_142 = arith.constant 2 : i32
          scf.for %scan3A_144 = %scan3A_139 to %scan3A_141 step %scan3A_142  : i32 {
            %add3A_145 = arith.constant 160 : i32
            %add3A_146 = arith.addi %add3A_145, %scan3A_144 : i32
            %get3A = arith.index_cast %add3A_146 : i32 to index
            %get3A_147 = arith.constant 0 : index
            %get3A_148 = tpu.vector_load %arg7[%get3A, %get3A_147] {strides = array<i32>} : memref<320x128xf32, #tpu.memory_space<vmem>>, vector<1x16xf32>,
            %get3A_149 = vector.shape_cast %get3A_148 : vector<1x16xf32> to vector<16xf32>
            %swap3A = arith.index_cast %scan3A_144 : i32 to index
            %swap3A_150 = arith.constant 0 : index
            %swap3A_151 = tpu.vector_load %arg8[%swap3A, %swap3A_150] {strides = array<i32>} : memref<160x128xf32, #tpu.memory_space<vmem>>, vector<1x16xf32>,
            %swap3A_152 = vector.shape_cast %swap3A_151 : vector<1x16xf32> to vector<16xf32>
            %swap3A_153 = vector.shape_cast %get3A_149 : vector<16xf32> to vector<1x16xf32>
            tpu.vector_store %arg8[%swap3A, %swap3A_150], %swap3A_153 {add = true, strides = array<i32>} : memref<160x128xf32, #tpu.memory_space<vmem>>, vector<1x16xf32>,
            %get3A_154 = arith.index_cast %add3A_146 : i32 to index
            %get3A_155 = arith.constant 16 : index
            %get3A_156 = tpu.vector_load %arg7[%get3A_154, %get3A_155] {strides = array<i32>} : memref<320x128xf32, #tpu.memory_space<vmem>>, vector<1x16xf32>,
            %get3A_157 = vector.shape_cast %get3A_156 : vector<1x16xf32> to vector<16xf32>
            %swap3A_158 = arith.index_cast %scan3A_144 : i32 to index
            %swap3A_159 = arith.constant 16 : index
            %swap3A_160 = tpu.vector_load %arg8[%swap3A_158, %swap3A_159] {strides = array<i32>} : memref<160x128xf32, #tpu.memory_space<vmem>>, vector<1x16xf32>,
            %swap3A_161 = vector.shape_cast %swap3A_160 : vector<1x16xf32> to vector<16xf32>
            %swap3A_162 = vector.shape_cast %get3A_157 : vector<16xf32> to vector<1x16xf32>
            tpu.vector_store %arg8[%swap3A_158, %swap3A_159], %swap3A_162 {add = true, strides = array<i32>} : memref<160x128xf32, #tpu.memory_space<vmem>>, vector<1x16xf32>,
            %get3A_163 = arith.index_cast %add3A_146 : i32 to index
            %get3A_164 = arith.constant 32 : index
            %get3A_165 = tpu.vector_load %arg7[%get3A_163, %get3A_164] {strides = array<i32>} : memref<320x128xf32, #tpu.memory_space<vmem>>, vector<1x16xf32>,
            %get3A_166 = vector.shape_cast %get3A_165 : vector<1x16xf32> to vector<16xf32>
            %swap3A_167 = arith.index_cast %scan3A_144 : i32 to index
            %swap3A_168 = arith.constant 32 : index
            %swap3A_169 = tpu.vector_load %arg8[%swap3A_167, %swap3A_168] {strides = array<i32>} : memref<160x128xf32, #tpu.memory_space<vmem>>, vector<1x16xf32>,
            %swap3A_170 = vector.shape_cast %swap3A_169 : vector<1x16xf32> to vector<16xf32>
            %swap3A_171 = vector.shape_cast %get3A_166 : vector<16xf32> to vector<1x16xf32>
            tpu.vector_store %arg8[%swap3A_167, %swap3A_168], %swap3A_171 {add = true, strides = array<i32>} : memref<160x128xf32, #tpu.memory_space<vmem>>, vector<1x16xf32>,
            %get3A_172 = arith.index_cast %add3A_146 : i32 to index
            %get3A_173 = arith.constant 48 : index
            %get3A_174 = tpu.vector_load %arg7[%get3A_172, %get3A_173] {strides = array<i32>} : memref<320x128xf32, #tpu.memory_space<vmem>>, vector<1x16xf32>,
            %get3A_175 = vector.shape_cast %get3A_174 : vector<1x16xf32> to vector<16xf32>
            %swap3A_176 = arith.index_cast %scan3A_144 : i32 to index
            %swap3A_177 = arith.constant 48 : index
            %swap3A_178 = tpu.vector_load %arg8[%swap3A_176, %swap3A_177] {strides = array<i32>} : memref<160x128xf32, #tpu.memory_space<vmem>>, vector<1x16xf32>,
            %swap3A_179 = vector.shape_cast %swap3A_178 : vector<1x16xf32> to vector<16xf32>
            %swap3A_180 = vector.shape_cast %get3A_175 : vector<16xf32> to vector<1x16xf32>
            tpu.vector_store %arg8[%swap3A_176, %swap3A_177], %swap3A_180 {add = true, strides = array<i32>} : memref<160x128xf32, #tpu.memory_space<vmem>>, vector<1x16xf32>,
            %get3A_181 = arith.index_cast %add3A_146 : i32 to index
            %get3A_182 = arith.constant 64 : index
            %get3A_183 = tpu.vector_load %arg7[%get3A_181, %get3A_182] {strides = array<i32>} : memref<320x128xf32, #tpu.memory_space<vmem>>, vector<1x16xf32>,
            %get3A_184 = vector.shape_cast %get3A_183 : vector<1x16xf32> to vector<16xf32>
            %swap3A_185 = arith.index_cast %scan3A_144 : i32 to index
            %swap3A_186 = arith.constant 64 : index
            %swap3A_187 = tpu.vector_load %arg8[%swap3A_185, %swap3A_186] {strides = array<i32>} : memref<160x128xf32, #tpu.memory_space<vmem>>, vector<1x16xf32>,
            %swap3A_188 = vector.shape_cast %swap3A_187 : vector<1x16xf32> to vector<16xf32>
            %swap3A_189 = vector.shape_cast %get3A_184 : vector<16xf32> to vector<1x16xf32>
            tpu.vector_store %arg8[%swap3A_185, %swap3A_186], %swap3A_189 {add = true, strides = array<i32>} : memref<160x128xf32, #tpu.memory_space<vmem>>, vector<1x16xf32>,
            %get3A_190 = arith.index_cast %add3A_146 : i32 to index
            %get3A_191 = arith.constant 80 : index
            %get3A_192 = tpu.vector_load %arg7[%get3A_190, %get3A_191] {strides = array<i32>} : memref<320x128xf32, #tpu.memory_space<vmem>>, vector<1x16xf32>,
            %get3A_193 = vector.shape_cast %get3A_192 : vector<1x16xf32> to vector<16xf32>
            %swap3A_194 = arith.index_cast %scan3A_144 : i32 to index
            %swap3A_195 = arith.constant 80 : index
            %swap3A_196 = tpu.vector_load %arg8[%swap3A_194, %swap3A_195] {strides = array<i32>} : memref<160x128xf32, #tpu.memory_space<vmem>>, vector<1x16xf32>,
            %swap3A_197 = vector.shape_cast %swap3A_196 : vector<1x16xf32> to vector<16xf32>
            %swap3A_198 = vector.shape_cast %get3A_193 : vector<16xf32> to vector<1x16xf32>
            tpu.vector_store %arg8[%swap3A_194, %swap3A_195], %swap3A_198 {add = true, strides = array<i32>} : memref<160x128xf32, #tpu.memory_space<vmem>>, vector<1x16xf32>,
            %get3A_199 = arith.index_cast %add3A_146 : i32 to index
            %get3A_200 = arith.constant 96 : index
            %get3A_201 = tpu.vector_load %arg7[%get3A_199, %get3A_200] {strides = array<i32>} : memref<320x128xf32, #tpu.memory_space<vmem>>, vector<1x16xf32>,
            %get3A_202 = vector.shape_cast %get3A_201 : vector<1x16xf32> to vector<16xf32>
            %swap3A_203 = arith.index_cast %scan3A_144 : i32 to index
            %swap3A_204 = arith.constant 96 : index
            %swap3A_205 = tpu.vector_load %arg8[%swap3A_203, %swap3A_204] {strides = array<i32>} : memref<160x128xf32, #tpu.memory_space<vmem>>, vector<1x16xf32>,
            %swap3A_206 = vector.shape_cast %swap3A_205 : vector<1x16xf32> to vector<16xf32>
            %swap3A_207 = vector.shape_cast %get3A_202 : vector<16xf32> to vector<1x16xf32>
            tpu.vector_store %arg8[%swap3A_203, %swap3A_204], %swap3A_207 {add = true, strides = array<i32>} : memref<160x128xf32, #tpu.memory_space<vmem>>, vector<1x16xf32>,
            %get3A_208 = arith.index_cast %add3A_146 : i32 to index
            %get3A_209 = arith.constant 112 : index
            %get3A_210 = tpu.vector_load %arg7[%get3A_208, %get3A_209] {strides = array<i32>} : memref<320x128xf32, #tpu.memory_space<vmem>>, vector<1x16xf32>,
            %get3A_211 = vector.shape_cast %get3A_210 : vector<1x16xf32> to vector<16xf32>
            %swap3A_212 = arith.index_cast %scan3A_144 : i32 to index
            %swap3A_213 = arith.constant 112 : index
            %swap3A_214 = tpu.vector_load %arg8[%swap3A_212, %swap3A_213] {strides = array<i32>} : memref<160x128xf32, #tpu.memory_space<vmem>>, vector<1x16xf32>,
            %swap3A_215 = vector.shape_cast %swap3A_214 : vector<1x16xf32> to vector<16xf32>
            %swap3A_216 = vector.shape_cast %get3A_211 : vector<16xf32> to vector<1x16xf32>
            tpu.vector_store %arg8[%swap3A_212, %swap3A_213], %swap3A_216 {add = true, strides = array<i32>} : memref<160x128xf32, #tpu.memory_space<vmem>>, vector<1x16xf32>,
            %scan3A_217 = arith.constant 1 : i32
            %scan3A_218 = arith.addi %scan3A_144, %scan3A_217 : i32
            %add3A_219 = arith.constant 160 : i32
            %add3A_220 = arith.addi %add3A_219, %scan3A_218 : i32
            %get3A_221 = arith.index_cast %add3A_220 : i32 to index
            %get3A_222 = arith.constant 0 : index
            %get3A_223 = tpu.vector_load %arg7[%get3A_221, %get3A_222] {strides = array<i32>} : memref<320x128xf32, #tpu.memory_space<vmem>>, vector<1x16xf32>,
            %get3A_224 = vector.shape_cast %get3A_223 : vector<1x16xf32> to vector<16xf32>
            %swap3A_225 = arith.index_cast %scan3A_218 : i32 to index
            %swap3A_226 = arith.constant 0 : index
            %swap3A_227 = tpu.vector_load %arg8[%swap3A_225, %swap3A_226] {strides = array<i32>} : memref<160x128xf32, #tpu.memory_space<vmem>>, vector<1x16xf32>,
            %swap3A_228 = vector.shape_cast %swap3A_227 : vector<1x16xf32> to vector<16xf32>
            %swap3A_229 = vector.shape_cast %get3A_224 : vector<16xf32> to vector<1x16xf32>
            tpu.vector_store %arg8[%swap3A_225, %swap3A_226], %swap3A_229 {add = true, strides = array<i32>} : memref<160x128xf32, #tpu.memory_space<vmem>>, vector<1x16xf32>,
            %get3A_230 = arith.index_cast %add3A_220 : i32 to index
            %get3A_231 = arith.constant 16 : index
            %get3A_232 = tpu.vector_load %arg7[%get3A_230, %get3A_231] {strides = array<i32>} : memref<320x128xf32, #tpu.memory_space<vmem>>, vector<1x16xf32>,
            %get3A_233 = vector.shape_cast %get3A_232 : vector<1x16xf32> to vector<16xf32>
            %swap3A_234 = arith.index_cast %scan3A_218 : i32 to index
            %swap3A_235 = arith.constant 16 : index
            %swap3A_236 = tpu.vector_load %arg8[%swap3A_234, %swap3A_235] {strides = array<i32>} : memref<160x128xf32, #tpu.memory_space<vmem>>, vector<1x16xf32>,
            %swap3A_237 = vector.shape_cast %swap3A_236 : vector<1x16xf32> to vector<16xf32>
            %swap3A_238 = vector.shape_cast %get3A_233 : vector<16xf32> to vector<1x16xf32>
            tpu.vector_store %arg8[%swap3A_234, %swap3A_235], %swap3A_238 {add = true, strides = array<i32>} : memref<160x128xf32, #tpu.memory_space<vmem>>, vector<1x16xf32>,
            %get3A_239 = arith.index_cast %add3A_220 : i32 to index
            %get3A_240 = arith.constant 32 : index
            %get3A_241 = tpu.vector_load %arg7[%get3A_239, %get3A_240] {strides = array<i32>} : memref<320x128xf32, #tpu.memory_space<vmem>>, vector<1x16xf32>,
            %get3A_242 = vector.shape_cast %get3A_241 : vector<1x16xf32> to vector<16xf32>
            %swap3A_243 = arith.index_cast %scan3A_218 : i32 to index
            %swap3A_244 = arith.constant 32 : index
            %swap3A_245 = tpu.vector_load %arg8[%swap3A_243, %swap3A_244] {strides = array<i32>} : memref<160x128xf32, #tpu.memory_space<vmem>>, vector<1x16xf32>,
            %swap3A_246 = vector.shape_cast %swap3A_245 : vector<1x16xf32> to vector<16xf32>
            %swap3A_247 = vector.shape_cast %get3A_242 : vector<16xf32> to vector<1x16xf32>
            tpu.vector_store %arg8[%swap3A_243, %swap3A_244], %swap3A_247 {add = true, strides = array<i32>} : memref<160x128xf32, #tpu.memory_space<vmem>>, vector<1x16xf32>,
            %get3A_248 = arith.index_cast %add3A_220 : i32 to index
            %get3A_249 = arith.constant 48 : index
            %get3A_250 = tpu.vector_load %arg7[%get3A_248, %get3A_249] {strides = array<i32>} : memref<320x128xf32, #tpu.memory_space<vmem>>, vector<1x16xf32>,
            %get3A_251 = vector.shape_cast %get3A_250 : vector<1x16xf32> to vector<16xf32>
            %swap3A_252 = arith.index_cast %scan3A_218 : i32 to index
            %swap3A_253 = arith.constant 48 : index
            %swap3A_254 = tpu.vector_load %arg8[%swap3A_252, %swap3A_253] {strides = array<i32>} : memref<160x128xf32, #tpu.memory_space<vmem>>, vector<1x16xf32>,
            %swap3A_255 = vector.shape_cast %swap3A_254 : vector<1x16xf32> to vector<16xf32>
            %swap3A_256 = vector.shape_cast %get3A_251 : vector<16xf32> to vector<1x16xf32>
            tpu.vector_store %arg8[%swap3A_252, %swap3A_253], %swap3A_256 {add = true, strides = array<i32>} : memref<160x128xf32, #tpu.memory_space<vmem>>, vector<1x16xf32>,
            %get3A_257 = arith.index_cast %add3A_220 : i32 to index
            %get3A_258 = arith.constant 64 : index
            %get3A_259 = tpu.vector_load %arg7[%get3A_257, %get3A_258] {strides = array<i32>} : memref<320x128xf32, #tpu.memory_space<vmem>>, vector<1x16xf32>,
            %get3A_260 = vector.shape_cast %get3A_259 : vector<1x16xf32> to vector<16xf32>
            %swap3A_261 = arith.index_cast %scan3A_218 : i32 to index
            %swap3A_262 = arith.constant 64 : index
            %swap3A_263 = tpu.vector_load %arg8[%swap3A_261, %swap3A_262] {strides = array<i32>} : memref<160x128xf32, #tpu.memory_space<vmem>>, vector<1x16xf32>,
            %swap3A_264 = vector.shape_cast %swap3A_263 : vector<1x16xf32> to vector<16xf32>
            %swap3A_265 = vector.shape_cast %get3A_260 : vector<16xf32> to vector<1x16xf32>
            tpu.vector_store %arg8[%swap3A_261, %swap3A_262], %swap3A_265 {add = true, strides = array<i32>} : memref<160x128xf32, #tpu.memory_space<vmem>>, vector<1x16xf32>,
            %get3A_266 = arith.index_cast %add3A_220 : i32 to index
            %get3A_267 = arith.constant 80 : index
            %get3A_268 = tpu.vector_load %arg7[%get3A_266, %get3A_267] {strides = array<i32>} : memref<320x128xf32, #tpu.memory_space<vmem>>, vector<1x16xf32>,
            %get3A_269 = vector.shape_cast %get3A_268 : vector<1x16xf32> to vector<16xf32>
            %swap3A_270 = arith.index_cast %scan3A_218 : i32 to index
            %swap3A_271 = arith.constant 80 : index
            %swap3A_272 = tpu.vector_load %arg8[%swap3A_270, %swap3A_271] {strides = array<i32>} : memref<160x128xf32, #tpu.memory_space<vmem>>, vector<1x16xf32>,
            %swap3A_273 = vector.shape_cast %swap3A_272 : vector<1x16xf32> to vector<16xf32>
            %swap3A_274 = vector.shape_cast %get3A_269 : vector<16xf32> to vector<1x16xf32>
            tpu.vector_store %arg8[%swap3A_270, %swap3A_271], %swap3A_274 {add = true, strides = array<i32>} : memref<160x128xf32, #tpu.memory_space<vmem>>, vector<1x16xf32>,
            %get3A_275 = arith.index_cast %add3A_220 : i32 to index
            %get3A_276 = arith.constant 96 : index
            %get3A_277 = tpu.vector_load %arg7[%get3A_275, %get3A_276] {strides = array<i32>} : memref<320x128xf32, #tpu.memory_space<vmem>>, vector<1x16xf32>,
            %get3A_278 = vector.shape_cast %get3A_277 : vector<1x16xf32> to vector<16xf32>
            %swap3A_279 = arith.index_cast %scan3A_218 : i32 to index
            %swap3A_280 = arith.constant 96 : index
            %swap3A_281 = tpu.vector_load %arg8[%swap3A_279, %swap3A_280] {strides = array<i32>} : memref<160x128xf32, #tpu.memory_space<vmem>>, vector<1x16xf32>,
            %swap3A_282 = vector.shape_cast %swap3A_281 : vector<1x16xf32> to vector<16xf32>
            %swap3A_283 = vector.shape_cast %get3A_278 : vector<16xf32> to vector<1x16xf32>
            tpu.vector_store %arg8[%swap3A_279, %swap3A_280], %swap3A_283 {add = true, strides = array<i32>} : memref<160x128xf32, #tpu.memory_space<vmem>>, vector<1x16xf32>,
            %get3A_284 = arith.index_cast %add3A_220 : i32 to index
            %get3A_285 = arith.constant 112 : index
            %get3A_286 = tpu.vector_load %arg7[%get3A_284, %get3A_285] {strides = array<i32>} : memref<320x128xf32, #tpu.memory_space<vmem>>, vector<1x16xf32>,
            %get3A_287 = vector.shape_cast %get3A_286 : vector<1x16xf32> to vector<16xf32>
            %swap3A_288 = arith.index_cast %scan3A_218 : i32 to index
            %swap3A_289 = arith.constant 112 : index
            %swap3A_290 = tpu.vector_load %arg8[%swap3A_288, %swap3A_289] {strides = array<i32>} : memref<160x128xf32, #tpu.memory_space<vmem>>, vector<1x16xf32>,
            %swap3A_291 = vector.shape_cast %swap3A_290 : vector<1x16xf32> to vector<16xf32>
            %swap3A_292 = vector.shape_cast %get3A_287 : vector<16xf32> to vector<1x16xf32>
            tpu.vector_store %arg8[%swap3A_288, %swap3A_289], %swap3A_292 {add = true, strides = array<i32>} : memref<160x128xf32, #tpu.memory_space<vmem>>, vector<1x16xf32>,
          }
          %scan3A_143 = arith.constant 160 : i32
        } else {
        }
        %eq3A_116 = arith.constant 2 : i32
        %eq3A_117 = arith.cmpi eq, %rem3A_105, %eq3A_116 : i32
        %convert_element_type3A_118 = arith.extui %eq3A_117 : i1 to i32
        %cond3A_119 = arith.constant 0 : i32
        %cond3A_120 = arith.cmpi ne, %convert_element_type3A_118, %cond3A_119 : i32
        scf.if %cond3A_120 {
          %scan3A_138 = arith.constant 0 : i32
          %scan3A_139 = arith.constant 0 : i32
          %scan3A_140 = arith.constant 160 : i32
          %scan3A_141 = arith.addi %scan3A_139, %scan3A_140 : i32
          %scan3A_142 = arith.constant 2 : i32
          scf.for %scan3A_144 = %scan3A_139 to %scan3A_141 step %scan3A_142  : i32 {
            %add3A_145 = arith.constant 120 : i32
            %add3A_146 = arith.addi %add3A_145, %scan3A_144 : i32
            %get3A = arith.index_cast %add3A_146 : i32 to index
            %get3A_147 = arith.constant 0 : index
            %get3A_148 = tpu.vector_load %arg7[%get3A, %get3A_147] {strides = array<i32>} : memref<320x128xf32, #tpu.memory_space<vmem>>, vector<1x16xf32>,
            %get3A_149 = vector.shape_cast %get3A_148 : vector<1x16xf32> to vector<16xf32>
            %swap3A = arith.index_cast %scan3A_144 : i32 to index
            %swap3A_150 = arith.constant 0 : index
            %swap3A_151 = tpu.vector_load %arg8[%swap3A, %swap3A_150] {strides = array<i32>} : memref<160x128xf32, #tpu.memory_space<vmem>>, vector<1x16xf32>,
            %swap3A_152 = vector.shape_cast %swap3A_151 : vector<1x16xf32> to vector<16xf32>
            %swap3A_153 = vector.shape_cast %get3A_149 : vector<16xf32> to vector<1x16xf32>
            tpu.vector_store %arg8[%swap3A, %swap3A_150], %swap3A_153 {add = true, strides = array<i32>} : memref<160x128xf32, #tpu.memory_space<vmem>>, vector<1x16xf32>,
            %get3A_154 = arith.index_cast %add3A_146 : i32 to index
            %get3A_155 = arith.constant 16 : index
            %get3A_156 = tpu.vector_load %arg7[%get3A_154, %get3A_155] {strides = array<i32>} : memref<320x128xf32, #tpu.memory_space<vmem>>, vector<1x16xf32>,
            %get3A_157 = vector.shape_cast %get3A_156 : vector<1x16xf32> to vector<16xf32>
            %swap3A_158 = arith.index_cast %scan3A_144 : i32 to index
            %swap3A_159 = arith.constant 16 : index
            %swap3A_160 = tpu.vector_load %arg8[%swap3A_158, %swap3A_159] {strides = array<i32>} : memref<160x128xf32, #tpu.memory_space<vmem>>, vector<1x16xf32>,
            %swap3A_161 = vector.shape_cast %swap3A_160 : vector<1x16xf32> to vector<16xf32>
            %swap3A_162 = vector.shape_cast %get3A_157 : vector<16xf32> to vector<1x16xf32>
            tpu.vector_store %arg8[%swap3A_158, %swap3A_159], %swap3A_162 {add = true, strides = array<i32>} : memref<160x128xf32, #tpu.memory_space<vmem>>, vector<1x16xf32>,
            %get3A_163 = arith.index_cast %add3A_146 : i32 to index
            %get3A_164 = arith.constant 32 : index
            %get3A_165 = tpu.vector_load %arg7[%get3A_163, %get3A_164] {strides = array<i32>} : memref<320x128xf32, #tpu.memory_space<vmem>>, vector<1x16xf32>,
            %get3A_166 = vector.shape_cast %get3A_165 : vector<1x16xf32> to vector<16xf32>
            %swap3A_167 = arith.index_cast %scan3A_144 : i32 to index
            %swap3A_168 = arith.constant 32 : index
            %swap3A_169 = tpu.vector_load %arg8[%swap3A_167, %swap3A_168] {strides = array<i32>} : memref<160x128xf32, #tpu.memory_space<vmem>>, vector<1x16xf32>,
            %swap3A_170 = vector.shape_cast %swap3A_169 : vector<1x16xf32> to vector<16xf32>
            %swap3A_171 = vector.shape_cast %get3A_166 : vector<16xf32> to vector<1x16xf32>
            tpu.vector_store %arg8[%swap3A_167, %swap3A_168], %swap3A_171 {add = true, strides = array<i32>} : memref<160x128xf32, #tpu.memory_space<vmem>>, vector<1x16xf32>,
            %get3A_172 = arith.index_cast %add3A_146 : i32 to index
            %get3A_173 = arith.constant 48 : index
            %get3A_174 = tpu.vector_load %arg7[%get3A_172, %get3A_173] {strides = array<i32>} : memref<320x128xf32, #tpu.memory_space<vmem>>, vector<1x16xf32>,
            %get3A_175 = vector.shape_cast %get3A_174 : vector<1x16xf32> to vector<16xf32>
            %swap3A_176 = arith.index_cast %scan3A_144 : i32 to index
            %swap3A_177 = arith.constant 48 : index
            %swap3A_178 = tpu.vector_load %arg8[%swap3A_176, %swap3A_177] {strides = array<i32>} : memref<160x128xf32, #tpu.memory_space<vmem>>, vector<1x16xf32>,
            %swap3A_179 = vector.shape_cast %swap3A_178 : vector<1x16xf32> to vector<16xf32>
            %swap3A_180 = vector.shape_cast %get3A_175 : vector<16xf32> to vector<1x16xf32>
            tpu.vector_store %arg8[%swap3A_176, %swap3A_177], %swap3A_180 {add = true, strides = array<i32>} : memref<160x128xf32, #tpu.memory_space<vmem>>, vector<1x16xf32>,
            %get3A_181 = arith.index_cast %add3A_146 : i32 to index
            %get3A_182 = arith.constant 64 : index
            %get3A_183 = tpu.vector_load %arg7[%get3A_181, %get3A_182] {strides = array<i32>} : memref<320x128xf32, #tpu.memory_space<vmem>>, vector<1x16xf32>,
            %get3A_184 = vector.shape_cast %get3A_183 : vector<1x16xf32> to vector<16xf32>
            %swap3A_185 = arith.index_cast %scan3A_144 : i32 to index
            %swap3A_186 = arith.constant 64 : index
            %swap3A_187 = tpu.vector_load %arg8[%swap3A_185, %swap3A_186] {strides = array<i32>} : memref<160x128xf32, #tpu.memory_space<vmem>>, vector<1x16xf32>,
            %swap3A_188 = vector.shape_cast %swap3A_187 : vector<1x16xf32> to vector<16xf32>
            %swap3A_189 = vector.shape_cast %get3A_184 : vector<16xf32> to vector<1x16xf32>
            tpu.vector_store %arg8[%swap3A_185, %swap3A_186], %swap3A_189 {add = true, strides = array<i32>} : memref<160x128xf32, #tpu.memory_space<vmem>>, vector<1x16xf32>,
            %get3A_190 = arith.index_cast %add3A_146 : i32 to index
            %get3A_191 = arith.constant 80 : index
            %get3A_192 = tpu.vector_load %arg7[%get3A_190, %get3A_191] {strides = array<i32>} : memref<320x128xf32, #tpu.memory_space<vmem>>, vector<1x16xf32>,
            %get3A_193 = vector.shape_cast %get3A_192 : vector<1x16xf32> to vector<16xf32>
            %swap3A_194 = arith.index_cast %scan3A_144 : i32 to index
            %swap3A_195 = arith.constant 80 : index
            %swap3A_196 = tpu.vector_load %arg8[%swap3A_194, %swap3A_195] {strides = array<i32>} : memref<160x128xf32, #tpu.memory_space<vmem>>, vector<1x16xf32>,
            %swap3A_197 = vector.shape_cast %swap3A_196 : vector<1x16xf32> to vector<16xf32>
            %swap3A_198 = vector.shape_cast %get3A_193 : vector<16xf32> to vector<1x16xf32>
            tpu.vector_store %arg8[%swap3A_194, %swap3A_195], %swap3A_198 {add = true, strides = array<i32>} : memref<160x128xf32, #tpu.memory_space<vmem>>, vector<1x16xf32>,
            %get3A_199 = arith.index_cast %add3A_146 : i32 to index
            %get3A_200 = arith.constant 96 : index
            %get3A_201 = tpu.vector_load %arg7[%get3A_199, %get3A_200] {strides = array<i32>} : memref<320x128xf32, #tpu.memory_space<vmem>>, vector<1x16xf32>,
            %get3A_202 = vector.shape_cast %get3A_201 : vector<1x16xf32> to vector<16xf32>
            %swap3A_203 = arith.index_cast %scan3A_144 : i32 to index
            %swap3A_204 = arith.constant 96 : index
            %swap3A_205 = tpu.vector_load %arg8[%swap3A_203, %swap3A_204] {strides = array<i32>} : memref<160x128xf32, #tpu.memory_space<vmem>>, vector<1x16xf32>,
            %swap3A_206 = vector.shape_cast %swap3A_205 : vector<1x16xf32> to vector<16xf32>
            %swap3A_207 = vector.shape_cast %get3A_202 : vector<16xf32> to vector<1x16xf32>
            tpu.vector_store %arg8[%swap3A_203, %swap3A_204], %swap3A_207 {add = true, strides = array<i32>} : memref<160x128xf32, #tpu.memory_space<vmem>>, vector<1x16xf32>,
            %get3A_208 = arith.index_cast %add3A_146 : i32 to index
            %get3A_209 = arith.constant 112 : index
            %get3A_210 = tpu.vector_load %arg7[%get3A_208, %get3A_209] {strides = array<i32>} : memref<320x128xf32, #tpu.memory_space<vmem>>, vector<1x16xf32>,
            %get3A_211 = vector.shape_cast %get3A_210 : vector<1x16xf32> to vector<16xf32>
            %swap3A_212 = arith.index_cast %scan3A_144 : i32 to index
            %swap3A_213 = arith.constant 112 : index
            %swap3A_214 = tpu.vector_load %arg8[%swap3A_212, %swap3A_213] {strides = array<i32>} : memref<160x128xf32, #tpu.memory_space<vmem>>, vector<1x16xf32>,
            %swap3A_215 = vector.shape_cast %swap3A_214 : vector<1x16xf32> to vector<16xf32>
            %swap3A_216 = vector.shape_cast %get3A_211 : vector<16xf32> to vector<1x16xf32>
            tpu.vector_store %arg8[%swap3A_212, %swap3A_213], %swap3A_216 {add = true, strides = array<i32>} : memref<160x128xf32, #tpu.memory_space<vmem>>, vector<1x16xf32>,
            %scan3A_217 = arith.constant 1 : i32
            %scan3A_218 = arith.addi %scan3A_144, %scan3A_217 : i32
            %add3A_219 = arith.constant 120 : i32
            %add3A_220 = arith.addi %add3A_219, %scan3A_218 : i32
            %get3A_221 = arith.index_cast %add3A_220 : i32 to index
            %get3A_222 = arith.constant 0 : index
            %get3A_223 = tpu.vector_load %arg7[%get3A_221, %get3A_222] {strides = array<i32>} : memref<320x128xf32, #tpu.memory_space<vmem>>, vector<1x16xf32>,
            %get3A_224 = vector.shape_cast %get3A_223 : vector<1x16xf32> to vector<16xf32>
            %swap3A_225 = arith.index_cast %scan3A_218 : i32 to index
            %swap3A_226 = arith.constant 0 : index
            %swap3A_227 = tpu.vector_load %arg8[%swap3A_225, %swap3A_226] {strides = array<i32>} : memref<160x128xf32, #tpu.memory_space<vmem>>, vector<1x16xf32>,
            %swap3A_228 = vector.shape_cast %swap3A_227 : vector<1x16xf32> to vector<16xf32>
            %swap3A_229 = vector.shape_cast %get3A_224 : vector<16xf32> to vector<1x16xf32>
            tpu.vector_store %arg8[%swap3A_225, %swap3A_226], %swap3A_229 {add = true, strides = array<i32>} : memref<160x128xf32, #tpu.memory_space<vmem>>, vector<1x16xf32>,
            %get3A_230 = arith.index_cast %add3A_220 : i32 to index
            %get3A_231 = arith.constant 16 : index
            %get3A_232 = tpu.vector_load %arg7[%get3A_230, %get3A_231] {strides = array<i32>} : memref<320x128xf32, #tpu.memory_space<vmem>>, vector<1x16xf32>,
            %get3A_233 = vector.shape_cast %get3A_232 : vector<1x16xf32> to vector<16xf32>
            %swap3A_234 = arith.index_cast %scan3A_218 : i32 to index
            %swap3A_235 = arith.constant 16 : index
            %swap3A_236 = tpu.vector_load %arg8[%swap3A_234, %swap3A_235] {strides = array<i32>} : memref<160x128xf32, #tpu.memory_space<vmem>>, vector<1x16xf32>,
            %swap3A_237 = vector.shape_cast %swap3A_236 : vector<1x16xf32> to vector<16xf32>
            %swap3A_238 = vector.shape_cast %get3A_233 : vector<16xf32> to vector<1x16xf32>
            tpu.vector_store %arg8[%swap3A_234, %swap3A_235], %swap3A_238 {add = true, strides = array<i32>} : memref<160x128xf32, #tpu.memory_space<vmem>>, vector<1x16xf32>,
            %get3A_239 = arith.index_cast %add3A_220 : i32 to index
            %get3A_240 = arith.constant 32 : index
            %get3A_241 = tpu.vector_load %arg7[%get3A_239, %get3A_240] {strides = array<i32>} : memref<320x128xf32, #tpu.memory_space<vmem>>, vector<1x16xf32>,
            %get3A_242 = vector.shape_cast %get3A_241 : vector<1x16xf32> to vector<16xf32>
            %swap3A_243 = arith.index_cast %scan3A_218 : i32 to index
            %swap3A_244 = arith.constant 32 : index
            %swap3A_245 = tpu.vector_load %arg8[%swap3A_243, %swap3A_244] {strides = array<i32>} : memref<160x128xf32, #tpu.memory_space<vmem>>, vector<1x16xf32>,
            %swap3A_246 = vector.shape_cast %swap3A_245 : vector<1x16xf32> to vector<16xf32>
            %swap3A_247 = vector.shape_cast %get3A_242 : vector<16xf32> to vector<1x16xf32>
            tpu.vector_store %arg8[%swap3A_243, %swap3A_244], %swap3A_247 {add = true, strides = array<i32>} : memref<160x128xf32, #tpu.memory_space<vmem>>, vector<1x16xf32>,
            %get3A_248 = arith.index_cast %add3A_220 : i32 to index
            %get3A_249 = arith.constant 48 : index
            %get3A_250 = tpu.vector_load %arg7[%get3A_248, %get3A_249] {strides = array<i32>} : memref<320x128xf32, #tpu.memory_space<vmem>>, vector<1x16xf32>,
            %get3A_251 = vector.shape_cast %get3A_250 : vector<1x16xf32> to vector<16xf32>
            %swap3A_252 = arith.index_cast %scan3A_218 : i32 to index
            %swap3A_253 = arith.constant 48 : index
            %swap3A_254 = tpu.vector_load %arg8[%swap3A_252, %swap3A_253] {strides = array<i32>} : memref<160x128xf32, #tpu.memory_space<vmem>>, vector<1x16xf32>,
            %swap3A_255 = vector.shape_cast %swap3A_254 : vector<1x16xf32> to vector<16xf32>
            %swap3A_256 = vector.shape_cast %get3A_251 : vector<16xf32> to vector<1x16xf32>
            tpu.vector_store %arg8[%swap3A_252, %swap3A_253], %swap3A_256 {add = true, strides = array<i32>} : memref<160x128xf32, #tpu.memory_space<vmem>>, vector<1x16xf32>,
            %get3A_257 = arith.index_cast %add3A_220 : i32 to index
            %get3A_258 = arith.constant 64 : index
            %get3A_259 = tpu.vector_load %arg7[%get3A_257, %get3A_258] {strides = array<i32>} : memref<320x128xf32, #tpu.memory_space<vmem>>, vector<1x16xf32>,
            %get3A_260 = vector.shape_cast %get3A_259 : vector<1x16xf32> to vector<16xf32>
            %swap3A_261 = arith.index_cast %scan3A_218 : i32 to index
            %swap3A_262 = arith.constant 64 : index
            %swap3A_263 = tpu.vector_load %arg8[%swap3A_261, %swap3A_262] {strides = array<i32>} : memref<160x128xf32, #tpu.memory_space<vmem>>, vector<1x16xf32>,
            %swap3A_264 = vector.shape_cast %swap3A_263 : vector<1x16xf32> to vector<16xf32>
            %swap3A_265 = vector.shape_cast %get3A_260 : vector<16xf32> to vector<1x16xf32>
            tpu.vector_store %arg8[%swap3A_261, %swap3A_262], %swap3A_265 {add = true, strides = array<i32>} : memref<160x128xf32, #tpu.memory_space<vmem>>, vector<1x16xf32>,
            %get3A_266 = arith.index_cast %add3A_220 : i32 to index
            %get3A_267 = arith.constant 80 : index
            %get3A_268 = tpu.vector_load %arg7[%get3A_266, %get3A_267] {strides = array<i32>} : memref<320x128xf32, #tpu.memory_space<vmem>>, vector<1x16xf32>,
            %get3A_269 = vector.shape_cast %get3A_268 : vector<1x16xf32> to vector<16xf32>
            %swap3A_270 = arith.index_cast %scan3A_218 : i32 to index
            %swap3A_271 = arith.constant 80 : index
            %swap3A_272 = tpu.vector_load %arg8[%swap3A_270, %swap3A_271] {strides = array<i32>} : memref<160x128xf32, #tpu.memory_space<vmem>>, vector<1x16xf32>,
            %swap3A_273 = vector.shape_cast %swap3A_272 : vector<1x16xf32> to vector<16xf32>
            %swap3A_274 = vector.shape_cast %get3A_269 : vector<16xf32> to vector<1x16xf32>
            tpu.vector_store %arg8[%swap3A_270, %swap3A_271], %swap3A_274 {add = true, strides = array<i32>} : memref<160x128xf32, #tpu.memory_space<vmem>>, vector<1x16xf32>,
            %get3A_275 = arith.index_cast %add3A_220 : i32 to index
            %get3A_276 = arith.constant 96 : index
            %get3A_277 = tpu.vector_load %arg7[%get3A_275, %get3A_276] {strides = array<i32>} : memref<320x128xf32, #tpu.memory_space<vmem>>, vector<1x16xf32>,
            %get3A_278 = vector.shape_cast %get3A_277 : vector<1x16xf32> to vector<16xf32>
            %swap3A_279 = arith.index_cast %scan3A_218 : i32 to index
            %swap3A_280 = arith.constant 96 : index
            %swap3A_281 = tpu.vector_load %arg8[%swap3A_279, %swap3A_280] {strides = array<i32>} : memref<160x128xf32, #tpu.memory_space<vmem>>, vector<1x16xf32>,
            %swap3A_282 = vector.shape_cast %swap3A_281 : vector<1x16xf32> to vector<16xf32>
            %swap3A_283 = vector.shape_cast %get3A_278 : vector<16xf32> to vector<1x16xf32>
            tpu.vector_store %arg8[%swap3A_279, %swap3A_280], %swap3A_283 {add = true, strides = array<i32>} : memref<160x128xf32, #tpu.memory_space<vmem>>, vector<1x16xf32>,
            %get3A_284 = arith.index_cast %add3A_220 : i32 to index
            %get3A_285 = arith.constant 112 : index
            %get3A_286 = tpu.vector_load %arg7[%get3A_284, %get3A_285] {strides = array<i32>} : memref<320x128xf32, #tpu.memory_space<vmem>>, vector<1x16xf32>,
            %get3A_287 = vector.shape_cast %get3A_286 : vector<1x16xf32> to vector<16xf32>
            %swap3A_288 = arith.index_cast %scan3A_218 : i32 to index
            %swap3A_289 = arith.constant 112 : index
            %swap3A_290 = tpu.vector_load %arg8[%swap3A_288, %swap3A_289] {strides = array<i32>} : memref<160x128xf32, #tpu.memory_space<vmem>>, vector<1x16xf32>,
            %swap3A_291 = vector.shape_cast %swap3A_290 : vector<1x16xf32> to vector<16xf32>
            %swap3A_292 = vector.shape_cast %get3A_287 : vector<16xf32> to vector<1x16xf32>
            tpu.vector_store %arg8[%swap3A_288, %swap3A_289], %swap3A_292 {add = true, strides = array<i32>} : memref<160x128xf32, #tpu.memory_space<vmem>>, vector<1x16xf32>,
          }
          %scan3A_143 = arith.constant 160 : i32
        } else {
        }
        %eq3A_121 = arith.constant 3 : i32
        %eq3A_122 = arith.cmpi eq, %rem3A_105, %eq3A_121 : i32
        %convert_element_type3A_123 = arith.extui %eq3A_122 : i1 to i32
        %cond3A_124 = arith.constant 0 : i32
        %cond3A_125 = arith.cmpi ne, %convert_element_type3A_123, %cond3A_124 : i32
        scf.if %cond3A_125 {
          %scan3A_138 = arith.constant 0 : i32
          %scan3A_139 = arith.constant 0 : i32
          %scan3A_140 = arith.constant 160 : i32
          %scan3A_141 = arith.addi %scan3A_139, %scan3A_140 : i32
          %scan3A_142 = arith.constant 2 : i32
          scf.for %scan3A_144 = %scan3A_139 to %scan3A_141 step %scan3A_142  : i32 {
            %add3A_145 = arith.constant 80 : i32
            %add3A_146 = arith.addi %add3A_145, %scan3A_144 : i32
            %get3A = arith.index_cast %add3A_146 : i32 to index
            %get3A_147 = arith.constant 0 : index
            %get3A_148 = tpu.vector_load %arg7[%get3A, %get3A_147] {strides = array<i32>} : memref<320x128xf32, #tpu.memory_space<vmem>>, vector<1x16xf32>,
            %get3A_149 = vector.shape_cast %get3A_148 : vector<1x16xf32> to vector<16xf32>
            %swap3A = arith.index_cast %scan3A_144 : i32 to index
            %swap3A_150 = arith.constant 0 : index
            %swap3A_151 = tpu.vector_load %arg8[%swap3A, %swap3A_150] {strides = array<i32>} : memref<160x128xf32, #tpu.memory_space<vmem>>, vector<1x16xf32>,
            %swap3A_152 = vector.shape_cast %swap3A_151 : vector<1x16xf32> to vector<16xf32>
            %swap3A_153 = vector.shape_cast %get3A_149 : vector<16xf32> to vector<1x16xf32>
            tpu.vector_store %arg8[%swap3A, %swap3A_150], %swap3A_153 {add = true, strides = array<i32>} : memref<160x128xf32, #tpu.memory_space<vmem>>, vector<1x16xf32>,
            %get3A_154 = arith.index_cast %add3A_146 : i32 to index
            %get3A_155 = arith.constant 16 : index
            %get3A_156 = tpu.vector_load %arg7[%get3A_154, %get3A_155] {strides = array<i32>} : memref<320x128xf32, #tpu.memory_space<vmem>>, vector<1x16xf32>,
            %get3A_157 = vector.shape_cast %get3A_156 : vector<1x16xf32> to vector<16xf32>
            %swap3A_158 = arith.index_cast %scan3A_144 : i32 to index
            %swap3A_159 = arith.constant 16 : index
            %swap3A_160 = tpu.vector_load %arg8[%swap3A_158, %swap3A_159] {strides = array<i32>} : memref<160x128xf32, #tpu.memory_space<vmem>>, vector<1x16xf32>,
            %swap3A_161 = vector.shape_cast %swap3A_160 : vector<1x16xf32> to vector<16xf32>
            %swap3A_162 = vector.shape_cast %get3A_157 : vector<16xf32> to vector<1x16xf32>
            tpu.vector_store %arg8[%swap3A_158, %swap3A_159], %swap3A_162 {add = true, strides = array<i32>} : memref<160x128xf32, #tpu.memory_space<vmem>>, vector<1x16xf32>,
            %get3A_163 = arith.index_cast %add3A_146 : i32 to index
            %get3A_164 = arith.constant 32 : index
            %get3A_165 = tpu.vector_load %arg7[%get3A_163, %get3A_164] {strides = array<i32>} : memref<320x128xf32, #tpu.memory_space<vmem>>, vector<1x16xf32>,
            %get3A_166 = vector.shape_cast %get3A_165 : vector<1x16xf32> to vector<16xf32>
            %swap3A_167 = arith.index_cast %scan3A_144 : i32 to index
            %swap3A_168 = arith.constant 32 : index
            %swap3A_169 = tpu.vector_load %arg8[%swap3A_167, %swap3A_168] {strides = array<i32>} : memref<160x128xf32, #tpu.memory_space<vmem>>, vector<1x16xf32>,
            %swap3A_170 = vector.shape_cast %swap3A_169 : vector<1x16xf32> to vector<16xf32>
            %swap3A_171 = vector.shape_cast %get3A_166 : vector<16xf32> to vector<1x16xf32>
            tpu.vector_store %arg8[%swap3A_167, %swap3A_168], %swap3A_171 {add = true, strides = array<i32>} : memref<160x128xf32, #tpu.memory_space<vmem>>, vector<1x16xf32>,
            %get3A_172 = arith.index_cast %add3A_146 : i32 to index
            %get3A_173 = arith.constant 48 : index
            %get3A_174 = tpu.vector_load %arg7[%get3A_172, %get3A_173] {strides = array<i32>} : memref<320x128xf32, #tpu.memory_space<vmem>>, vector<1x16xf32>,
            %get3A_175 = vector.shape_cast %get3A_174 : vector<1x16xf32> to vector<16xf32>
            %swap3A_176 = arith.index_cast %scan3A_144 : i32 to index
            %swap3A_177 = arith.constant 48 : index
            %swap3A_178 = tpu.vector_load %arg8[%swap3A_176, %swap3A_177] {strides = array<i32>} : memref<160x128xf32, #tpu.memory_space<vmem>>, vector<1x16xf32>,
            %swap3A_179 = vector.shape_cast %swap3A_178 : vector<1x16xf32> to vector<16xf32>
            %swap3A_180 = vector.shape_cast %get3A_175 : vector<16xf32> to vector<1x16xf32>
            tpu.vector_store %arg8[%swap3A_176, %swap3A_177], %swap3A_180 {add = true, strides = array<i32>} : memref<160x128xf32, #tpu.memory_space<vmem>>, vector<1x16xf32>,
            %get3A_181 = arith.index_cast %add3A_146 : i32 to index
            %get3A_182 = arith.constant 64 : index
            %get3A_183 = tpu.vector_load %arg7[%get3A_181, %get3A_182] {strides = array<i32>} : memref<320x128xf32, #tpu.memory_space<vmem>>, vector<1x16xf32>,
            %get3A_184 = vector.shape_cast %get3A_183 : vector<1x16xf32> to vector<16xf32>
            %swap3A_185 = arith.index_cast %scan3A_144 : i32 to index
            %swap3A_186 = arith.constant 64 : index
            %swap3A_187 = tpu.vector_load %arg8[%swap3A_185, %swap3A_186] {strides = array<i32>} : memref<160x128xf32, #tpu.memory_space<vmem>>, vector<1x16xf32>,
            %swap3A_188 = vector.shape_cast %swap3A_187 : vector<1x16xf32> to vector<16xf32>
            %swap3A_189 = vector.shape_cast %get3A_184 : vector<16xf32> to vector<1x16xf32>
            tpu.vector_store %arg8[%swap3A_185, %swap3A_186], %swap3A_189 {add = true, strides = array<i32>} : memref<160x128xf32, #tpu.memory_space<vmem>>, vector<1x16xf32>,
            %get3A_190 = arith.index_cast %add3A_146 : i32 to index
            %get3A_191 = arith.constant 80 : index
            %get3A_192 = tpu.vector_load %arg7[%get3A_190, %get3A_191] {strides = array<i32>} : memref<320x128xf32, #tpu.memory_space<vmem>>, vector<1x16xf32>,
            %get3A_193 = vector.shape_cast %get3A_192 : vector<1x16xf32> to vector<16xf32>
            %swap3A_194 = arith.index_cast %scan3A_144 : i32 to index
            %swap3A_195 = arith.constant 80 : index
            %swap3A_196 = tpu.vector_load %arg8[%swap3A_194, %swap3A_195] {strides = array<i32>} : memref<160x128xf32, #tpu.memory_space<vmem>>, vector<1x16xf32>,
            %swap3A_197 = vector.shape_cast %swap3A_196 : vector<1x16xf32> to vector<16xf32>
            %swap3A_198 = vector.shape_cast %get3A_193 : vector<16xf32> to vector<1x16xf32>
            tpu.vector_store %arg8[%swap3A_194, %swap3A_195], %swap3A_198 {add = true, strides = array<i32>} : memref<160x128xf32, #tpu.memory_space<vmem>>, vector<1x16xf32>,
            %get3A_199 = arith.index_cast %add3A_146 : i32 to index
            %get3A_200 = arith.constant 96 : index
            %get3A_201 = tpu.vector_load %arg7[%get3A_199, %get3A_200] {strides = array<i32>} : memref<320x128xf32, #tpu.memory_space<vmem>>, vector<1x16xf32>,
            %get3A_202 = vector.shape_cast %get3A_201 : vector<1x16xf32> to vector<16xf32>
            %swap3A_203 = arith.index_cast %scan3A_144 : i32 to index
            %swap3A_204 = arith.constant 96 : index
            %swap3A_205 = tpu.vector_load %arg8[%swap3A_203, %swap3A_204] {strides = array<i32>} : memref<160x128xf32, #tpu.memory_space<vmem>>, vector<1x16xf32>,
            %swap3A_206 = vector.shape_cast %swap3A_205 : vector<1x16xf32> to vector<16xf32>
            %swap3A_207 = vector.shape_cast %get3A_202 : vector<16xf32> to vector<1x16xf32>
            tpu.vector_store %arg8[%swap3A_203, %swap3A_204], %swap3A_207 {add = true, strides = array<i32>} : memref<160x128xf32, #tpu.memory_space<vmem>>, vector<1x16xf32>,
            %get3A_208 = arith.index_cast %add3A_146 : i32 to index
            %get3A_209 = arith.constant 112 : index
            %get3A_210 = tpu.vector_load %arg7[%get3A_208, %get3A_209] {strides = array<i32>} : memref<320x128xf32, #tpu.memory_space<vmem>>, vector<1x16xf32>,
            %get3A_211 = vector.shape_cast %get3A_210 : vector<1x16xf32> to vector<16xf32>
            %swap3A_212 = arith.index_cast %scan3A_144 : i32 to index
            %swap3A_213 = arith.constant 112 : index
            %swap3A_214 = tpu.vector_load %arg8[%swap3A_212, %swap3A_213] {strides = array<i32>} : memref<160x128xf32, #tpu.memory_space<vmem>>, vector<1x16xf32>,
            %swap3A_215 = vector.shape_cast %swap3A_214 : vector<1x16xf32> to vector<16xf32>
            %swap3A_216 = vector.shape_cast %get3A_211 : vector<16xf32> to vector<1x16xf32>
            tpu.vector_store %arg8[%swap3A_212, %swap3A_213], %swap3A_216 {add = true, strides = array<i32>} : memref<160x128xf32, #tpu.memory_space<vmem>>, vector<1x16xf32>,
            %scan3A_217 = arith.constant 1 : i32
            %scan3A_218 = arith.addi %scan3A_144, %scan3A_217 : i32
            %add3A_219 = arith.constant 80 : i32
            %add3A_220 = arith.addi %add3A_219, %scan3A_218 : i32
            %get3A_221 = arith.index_cast %add3A_220 : i32 to index
            %get3A_222 = arith.constant 0 : index
            %get3A_223 = tpu.vector_load %arg7[%get3A_221, %get3A_222] {strides = array<i32>} : memref<320x128xf32, #tpu.memory_space<vmem>>, vector<1x16xf32>,
            %get3A_224 = vector.shape_cast %get3A_223 : vector<1x16xf32> to vector<16xf32>
            %swap3A_225 = arith.index_cast %scan3A_218 : i32 to index
            %swap3A_226 = arith.constant 0 : index
            %swap3A_227 = tpu.vector_load %arg8[%swap3A_225, %swap3A_226] {strides = array<i32>} : memref<160x128xf32, #tpu.memory_space<vmem>>, vector<1x16xf32>,
            %swap3A_228 = vector.shape_cast %swap3A_227 : vector<1x16xf32> to vector<16xf32>
            %swap3A_229 = vector.shape_cast %get3A_224 : vector<16xf32> to vector<1x16xf32>
            tpu.vector_store %arg8[%swap3A_225, %swap3A_226], %swap3A_229 {add = true, strides = array<i32>} : memref<160x128xf32, #tpu.memory_space<vmem>>, vector<1x16xf32>,
            %get3A_230 = arith.index_cast %add3A_220 : i32 to index
            %get3A_231 = arith.constant 16 : index
            %get3A_232 = tpu.vector_load %arg7[%get3A_230, %get3A_231] {strides = array<i32>} : memref<320x128xf32, #tpu.memory_space<vmem>>, vector<1x16xf32>,
            %get3A_233 = vector.shape_cast %get3A_232 : vector<1x16xf32> to vector<16xf32>
            %swap3A_234 = arith.index_cast %scan3A_218 : i32 to index
            %swap3A_235 = arith.constant 16 : index
            %swap3A_236 = tpu.vector_load %arg8[%swap3A_234, %swap3A_235] {strides = array<i32>} : memref<160x128xf32, #tpu.memory_space<vmem>>, vector<1x16xf32>,
            %swap3A_237 = vector.shape_cast %swap3A_236 : vector<1x16xf32> to vector<16xf32>
            %swap3A_238 = vector.shape_cast %get3A_233 : vector<16xf32> to vector<1x16xf32>
            tpu.vector_store %arg8[%swap3A_234, %swap3A_235], %swap3A_238 {add = true, strides = array<i32>} : memref<160x128xf32, #tpu.memory_space<vmem>>, vector<1x16xf32>,
            %get3A_239 = arith.index_cast %add3A_220 : i32 to index
            %get3A_240 = arith.constant 32 : index
            %get3A_241 = tpu.vector_load %arg7[%get3A_239, %get3A_240] {strides = array<i32>} : memref<320x128xf32, #tpu.memory_space<vmem>>, vector<1x16xf32>,
            %get3A_242 = vector.shape_cast %get3A_241 : vector<1x16xf32> to vector<16xf32>
            %swap3A_243 = arith.index_cast %scan3A_218 : i32 to index
            %swap3A_244 = arith.constant 32 : index
            %swap3A_245 = tpu.vector_load %arg8[%swap3A_243, %swap3A_244] {strides = array<i32>} : memref<160x128xf32, #tpu.memory_space<vmem>>, vector<1x16xf32>,
            %swap3A_246 = vector.shape_cast %swap3A_245 : vector<1x16xf32> to vector<16xf32>
            %swap3A_247 = vector.shape_cast %get3A_242 : vector<16xf32> to vector<1x16xf32>
            tpu.vector_store %arg8[%swap3A_243, %swap3A_244], %swap3A_247 {add = true, strides = array<i32>} : memref<160x128xf32, #tpu.memory_space<vmem>>, vector<1x16xf32>,
            %get3A_248 = arith.index_cast %add3A_220 : i32 to index
            %get3A_249 = arith.constant 48 : index
            %get3A_250 = tpu.vector_load %arg7[%get3A_248, %get3A_249] {strides = array<i32>} : memref<320x128xf32, #tpu.memory_space<vmem>>, vector<1x16xf32>,
            %get3A_251 = vector.shape_cast %get3A_250 : vector<1x16xf32> to vector<16xf32>
            %swap3A_252 = arith.index_cast %scan3A_218 : i32 to index
            %swap3A_253 = arith.constant 48 : index
            %swap3A_254 = tpu.vector_load %arg8[%swap3A_252, %swap3A_253] {strides = array<i32>} : memref<160x128xf32, #tpu.memory_space<vmem>>, vector<1x16xf32>,
            %swap3A_255 = vector.shape_cast %swap3A_254 : vector<1x16xf32> to vector<16xf32>
            %swap3A_256 = vector.shape_cast %get3A_251 : vector<16xf32> to vector<1x16xf32>
            tpu.vector_store %arg8[%swap3A_252, %swap3A_253], %swap3A_256 {add = true, strides = array<i32>} : memref<160x128xf32, #tpu.memory_space<vmem>>, vector<1x16xf32>,
            %get3A_257 = arith.index_cast %add3A_220 : i32 to index
            %get3A_258 = arith.constant 64 : index
            %get3A_259 = tpu.vector_load %arg7[%get3A_257, %get3A_258] {strides = array<i32>} : memref<320x128xf32, #tpu.memory_space<vmem>>, vector<1x16xf32>,
            %get3A_260 = vector.shape_cast %get3A_259 : vector<1x16xf32> to vector<16xf32>
            %swap3A_261 = arith.index_cast %scan3A_218 : i32 to index
            %swap3A_262 = arith.constant 64 : index
            %swap3A_263 = tpu.vector_load %arg8[%swap3A_261, %swap3A_262] {strides = array<i32>} : memref<160x128xf32, #tpu.memory_space<vmem>>, vector<1x16xf32>,
            %swap3A_264 = vector.shape_cast %swap3A_263 : vector<1x16xf32> to vector<16xf32>
            %swap3A_265 = vector.shape_cast %get3A_260 : vector<16xf32> to vector<1x16xf32>
            tpu.vector_store %arg8[%swap3A_261, %swap3A_262], %swap3A_265 {add = true, strides = array<i32>} : memref<160x128xf32, #tpu.memory_space<vmem>>, vector<1x16xf32>,
            %get3A_266 = arith.index_cast %add3A_220 : i32 to index
            %get3A_267 = arith.constant 80 : index
            %get3A_268 = tpu.vector_load %arg7[%get3A_266, %get3A_267] {strides = array<i32>} : memref<320x128xf32, #tpu.memory_space<vmem>>, vector<1x16xf32>,
            %get3A_269 = vector.shape_cast %get3A_268 : vector<1x16xf32> to vector<16xf32>
            %swap3A_270 = arith.index_cast %scan3A_218 : i32 to index
            %swap3A_271 = arith.constant 80 : index
            %swap3A_272 = tpu.vector_load %arg8[%swap3A_270, %swap3A_271] {strides = array<i32>} : memref<160x128xf32, #tpu.memory_space<vmem>>, vector<1x16xf32>,
            %swap3A_273 = vector.shape_cast %swap3A_272 : vector<1x16xf32> to vector<16xf32>
            %swap3A_274 = vector.shape_cast %get3A_269 : vector<16xf32> to vector<1x16xf32>
            tpu.vector_store %arg8[%swap3A_270, %swap3A_271], %swap3A_274 {add = true, strides = array<i32>} : memref<160x128xf32, #tpu.memory_space<vmem>>, vector<1x16xf32>,
            %get3A_275 = arith.index_cast %add3A_220 : i32 to index
            %get3A_276 = arith.constant 96 : index
            %get3A_277 = tpu.vector_load %arg7[%get3A_275, %get3A_276] {strides = array<i32>} : memref<320x128xf32, #tpu.memory_space<vmem>>, vector<1x16xf32>,
            %get3A_278 = vector.shape_cast %get3A_277 : vector<1x16xf32> to vector<16xf32>
            %swap3A_279 = arith.index_cast %scan3A_218 : i32 to index
            %swap3A_280 = arith.constant 96 : index
            %swap3A_281 = tpu.vector_load %arg8[%swap3A_279, %swap3A_280] {strides = array<i32>} : memref<160x128xf32, #tpu.memory_space<vmem>>, vector<1x16xf32>,
            %swap3A_282 = vector.shape_cast %swap3A_281 : vector<1x16xf32> to vector<16xf32>
            %swap3A_283 = vector.shape_cast %get3A_278 : vector<16xf32> to vector<1x16xf32>
            tpu.vector_store %arg8[%swap3A_279, %swap3A_280], %swap3A_283 {add = true, strides = array<i32>} : memref<160x128xf32, #tpu.memory_space<vmem>>, vector<1x16xf32>,
            %get3A_284 = arith.index_cast %add3A_220 : i32 to index
            %get3A_285 = arith.constant 112 : index
            %get3A_286 = tpu.vector_load %arg7[%get3A_284, %get3A_285] {strides = array<i32>} : memref<320x128xf32, #tpu.memory_space<vmem>>, vector<1x16xf32>,
            %get3A_287 = vector.shape_cast %get3A_286 : vector<1x16xf32> to vector<16xf32>
            %swap3A_288 = arith.index_cast %scan3A_218 : i32 to index
            %swap3A_289 = arith.constant 112 : index
            %swap3A_290 = tpu.vector_load %arg8[%swap3A_288, %swap3A_289] {strides = array<i32>} : memref<160x128xf32, #tpu.memory_space<vmem>>, vector<1x16xf32>,
            %swap3A_291 = vector.shape_cast %swap3A_290 : vector<1x16xf32> to vector<16xf32>
            %swap3A_292 = vector.shape_cast %get3A_287 : vector<16xf32> to vector<1x16xf32>
            tpu.vector_store %arg8[%swap3A_288, %swap3A_289], %swap3A_292 {add = true, strides = array<i32>} : memref<160x128xf32, #tpu.memory_space<vmem>>, vector<1x16xf32>,
          }
          %scan3A_143 = arith.constant 160 : i32
        } else {
        }
        %eq3A_126 = arith.constant 4 : i32
        %eq3A_127 = arith.cmpi eq, %rem3A_105, %eq3A_126 : i32
        %convert_element_type3A_128 = arith.extui %eq3A_127 : i1 to i32
        %cond3A_129 = arith.constant 0 : i32
        %cond3A_130 = arith.cmpi ne, %convert_element_type3A_128, %cond3A_129 : i32
        scf.if %cond3A_130 {
          %scan3A_138 = arith.constant 0 : i32
          %scan3A_139 = arith.constant 0 : i32
          %scan3A_140 = arith.constant 160 : i32
          %scan3A_141 = arith.addi %scan3A_139, %scan3A_140 : i32
          %scan3A_142 = arith.constant 2 : i32
          scf.for %scan3A_144 = %scan3A_139 to %scan3A_141 step %scan3A_142  : i32 {
            %add3A_145 = arith.constant 40 : i32
            %add3A_146 = arith.addi %add3A_145, %scan3A_144 : i32
            %get3A = arith.index_cast %add3A_146 : i32 to index
            %get3A_147 = arith.constant 0 : index
            %get3A_148 = tpu.vector_load %arg7[%get3A, %get3A_147] {strides = array<i32>} : memref<320x128xf32, #tpu.memory_space<vmem>>, vector<1x16xf32>,
            %get3A_149 = vector.shape_cast %get3A_148 : vector<1x16xf32> to vector<16xf32>
            %swap3A = arith.index_cast %scan3A_144 : i32 to index
            %swap3A_150 = arith.constant 0 : index
            %swap3A_151 = tpu.vector_load %arg8[%swap3A, %swap3A_150] {strides = array<i32>} : memref<160x128xf32, #tpu.memory_space<vmem>>, vector<1x16xf32>,
            %swap3A_152 = vector.shape_cast %swap3A_151 : vector<1x16xf32> to vector<16xf32>
            %swap3A_153 = vector.shape_cast %get3A_149 : vector<16xf32> to vector<1x16xf32>
            tpu.vector_store %arg8[%swap3A, %swap3A_150], %swap3A_153 {add = true, strides = array<i32>} : memref<160x128xf32, #tpu.memory_space<vmem>>, vector<1x16xf32>,
            %get3A_154 = arith.index_cast %add3A_146 : i32 to index
            %get3A_155 = arith.constant 16 : index
            %get3A_156 = tpu.vector_load %arg7[%get3A_154, %get3A_155] {strides = array<i32>} : memref<320x128xf32, #tpu.memory_space<vmem>>, vector<1x16xf32>,
            %get3A_157 = vector.shape_cast %get3A_156 : vector<1x16xf32> to vector<16xf32>
            %swap3A_158 = arith.index_cast %scan3A_144 : i32 to index
            %swap3A_159 = arith.constant 16 : index
            %swap3A_160 = tpu.vector_load %arg8[%swap3A_158, %swap3A_159] {strides = array<i32>} : memref<160x128xf32, #tpu.memory_space<vmem>>, vector<1x16xf32>,
            %swap3A_161 = vector.shape_cast %swap3A_160 : vector<1x16xf32> to vector<16xf32>
            %swap3A_162 = vector.shape_cast %get3A_157 : vector<16xf32> to vector<1x16xf32>
            tpu.vector_store %arg8[%swap3A_158, %swap3A_159], %swap3A_162 {add = true, strides = array<i32>} : memref<160x128xf32, #tpu.memory_space<vmem>>, vector<1x16xf32>,
            %get3A_163 = arith.index_cast %add3A_146 : i32 to index
            %get3A_164 = arith.constant 32 : index
            %get3A_165 = tpu.vector_load %arg7[%get3A_163, %get3A_164] {strides = array<i32>} : memref<320x128xf32, #tpu.memory_space<vmem>>, vector<1x16xf32>,
            %get3A_166 = vector.shape_cast %get3A_165 : vector<1x16xf32> to vector<16xf32>
            %swap3A_167 = arith.index_cast %scan3A_144 : i32 to index
            %swap3A_168 = arith.constant 32 : index
            %swap3A_169 = tpu.vector_load %arg8[%swap3A_167, %swap3A_168] {strides = array<i32>} : memref<160x128xf32, #tpu.memory_space<vmem>>, vector<1x16xf32>,
            %swap3A_170 = vector.shape_cast %swap3A_169 : vector<1x16xf32> to vector<16xf32>
            %swap3A_171 = vector.shape_cast %get3A_166 : vector<16xf32> to vector<1x16xf32>
            tpu.vector_store %arg8[%swap3A_167, %swap3A_168], %swap3A_171 {add = true, strides = array<i32>} : memref<160x128xf32, #tpu.memory_space<vmem>>, vector<1x16xf32>,
            %get3A_172 = arith.index_cast %add3A_146 : i32 to index
            %get3A_173 = arith.constant 48 : index
            %get3A_174 = tpu.vector_load %arg7[%get3A_172, %get3A_173] {strides = array<i32>} : memref<320x128xf32, #tpu.memory_space<vmem>>, vector<1x16xf32>,
            %get3A_175 = vector.shape_cast %get3A_174 : vector<1x16xf32> to vector<16xf32>
            %swap3A_176 = arith.index_cast %scan3A_144 : i32 to index
            %swap3A_177 = arith.constant 48 : index
            %swap3A_178 = tpu.vector_load %arg8[%swap3A_176, %swap3A_177] {strides = array<i32>} : memref<160x128xf32, #tpu.memory_space<vmem>>, vector<1x16xf32>,
            %swap3A_179 = vector.shape_cast %swap3A_178 : vector<1x16xf32> to vector<16xf32>
            %swap3A_180 = vector.shape_cast %get3A_175 : vector<16xf32> to vector<1x16xf32>
            tpu.vector_store %arg8[%swap3A_176, %swap3A_177], %swap3A_180 {add = true, strides = array<i32>} : memref<160x128xf32, #tpu.memory_space<vmem>>, vector<1x16xf32>,
            %get3A_181 = arith.index_cast %add3A_146 : i32 to index
            %get3A_182 = arith.constant 64 : index
            %get3A_183 = tpu.vector_load %arg7[%get3A_181, %get3A_182] {strides = array<i32>} : memref<320x128xf32, #tpu.memory_space<vmem>>, vector<1x16xf32>,
            %get3A_184 = vector.shape_cast %get3A_183 : vector<1x16xf32> to vector<16xf32>
            %swap3A_185 = arith.index_cast %scan3A_144 : i32 to index
            %swap3A_186 = arith.constant 64 : index
            %swap3A_187 = tpu.vector_load %arg8[%swap3A_185, %swap3A_186] {strides = array<i32>} : memref<160x128xf32, #tpu.memory_space<vmem>>, vector<1x16xf32>,
            %swap3A_188 = vector.shape_cast %swap3A_187 : vector<1x16xf32> to vector<16xf32>
            %swap3A_189 = vector.shape_cast %get3A_184 : vector<16xf32> to vector<1x16xf32>
            tpu.vector_store %arg8[%swap3A_185, %swap3A_186], %swap3A_189 {add = true, strides = array<i32>} : memref<160x128xf32, #tpu.memory_space<vmem>>, vector<1x16xf32>,
            %get3A_190 = arith.index_cast %add3A_146 : i32 to index
            %get3A_191 = arith.constant 80 : index
            %get3A_192 = tpu.vector_load %arg7[%get3A_190, %get3A_191] {strides = array<i32>} : memref<320x128xf32, #tpu.memory_space<vmem>>, vector<1x16xf32>,
            %get3A_193 = vector.shape_cast %get3A_192 : vector<1x16xf32> to vector<16xf32>
            %swap3A_194 = arith.index_cast %scan3A_144 : i32 to index
            %swap3A_195 = arith.constant 80 : index
            %swap3A_196 = tpu.vector_load %arg8[%swap3A_194, %swap3A_195] {strides = array<i32>} : memref<160x128xf32, #tpu.memory_space<vmem>>, vector<1x16xf32>,
            %swap3A_197 = vector.shape_cast %swap3A_196 : vector<1x16xf32> to vector<16xf32>
            %swap3A_198 = vector.shape_cast %get3A_193 : vector<16xf32> to vector<1x16xf32>
            tpu.vector_store %arg8[%swap3A_194, %swap3A_195], %swap3A_198 {add = true, strides = array<i32>} : memref<160x128xf32, #tpu.memory_space<vmem>>, vector<1x16xf32>,
            %get3A_199 = arith.index_cast %add3A_146 : i32 to index
            %get3A_200 = arith.constant 96 : index
            %get3A_201 = tpu.vector_load %arg7[%get3A_199, %get3A_200] {strides = array<i32>} : memref<320x128xf32, #tpu.memory_space<vmem>>, vector<1x16xf32>,
            %get3A_202 = vector.shape_cast %get3A_201 : vector<1x16xf32> to vector<16xf32>
            %swap3A_203 = arith.index_cast %scan3A_144 : i32 to index
            %swap3A_204 = arith.constant 96 : index
            %swap3A_205 = tpu.vector_load %arg8[%swap3A_203, %swap3A_204] {strides = array<i32>} : memref<160x128xf32, #tpu.memory_space<vmem>>, vector<1x16xf32>,
            %swap3A_206 = vector.shape_cast %swap3A_205 : vector<1x16xf32> to vector<16xf32>
            %swap3A_207 = vector.shape_cast %get3A_202 : vector<16xf32> to vector<1x16xf32>
            tpu.vector_store %arg8[%swap3A_203, %swap3A_204], %swap3A_207 {add = true, strides = array<i32>} : memref<160x128xf32, #tpu.memory_space<vmem>>, vector<1x16xf32>,
            %get3A_208 = arith.index_cast %add3A_146 : i32 to index
            %get3A_209 = arith.constant 112 : index
            %get3A_210 = tpu.vector_load %arg7[%get3A_208, %get3A_209] {strides = array<i32>} : memref<320x128xf32, #tpu.memory_space<vmem>>, vector<1x16xf32>,
            %get3A_211 = vector.shape_cast %get3A_210 : vector<1x16xf32> to vector<16xf32>
            %swap3A_212 = arith.index_cast %scan3A_144 : i32 to index
            %swap3A_213 = arith.constant 112 : index
            %swap3A_214 = tpu.vector_load %arg8[%swap3A_212, %swap3A_213] {strides = array<i32>} : memref<160x128xf32, #tpu.memory_space<vmem>>, vector<1x16xf32>,
            %swap3A_215 = vector.shape_cast %swap3A_214 : vector<1x16xf32> to vector<16xf32>
            %swap3A_216 = vector.shape_cast %get3A_211 : vector<16xf32> to vector<1x16xf32>
            tpu.vector_store %arg8[%swap3A_212, %swap3A_213], %swap3A_216 {add = true, strides = array<i32>} : memref<160x128xf32, #tpu.memory_space<vmem>>, vector<1x16xf32>,
            %scan3A_217 = arith.constant 1 : i32
            %scan3A_218 = arith.addi %scan3A_144, %scan3A_217 : i32
            %add3A_219 = arith.constant 40 : i32
            %add3A_220 = arith.addi %add3A_219, %scan3A_218 : i32
            %get3A_221 = arith.index_cast %add3A_220 : i32 to index
            %get3A_222 = arith.constant 0 : index
            %get3A_223 = tpu.vector_load %arg7[%get3A_221, %get3A_222] {strides = array<i32>} : memref<320x128xf32, #tpu.memory_space<vmem>>, vector<1x16xf32>,
            %get3A_224 = vector.shape_cast %get3A_223 : vector<1x16xf32> to vector<16xf32>
            %swap3A_225 = arith.index_cast %scan3A_218 : i32 to index
            %swap3A_226 = arith.constant 0 : index
            %swap3A_227 = tpu.vector_load %arg8[%swap3A_225, %swap3A_226] {strides = array<i32>} : memref<160x128xf32, #tpu.memory_space<vmem>>, vector<1x16xf32>,
            %swap3A_228 = vector.shape_cast %swap3A_227 : vector<1x16xf32> to vector<16xf32>
            %swap3A_229 = vector.shape_cast %get3A_224 : vector<16xf32> to vector<1x16xf32>
            tpu.vector_store %arg8[%swap3A_225, %swap3A_226], %swap3A_229 {add = true, strides = array<i32>} : memref<160x128xf32, #tpu.memory_space<vmem>>, vector<1x16xf32>,
            %get3A_230 = arith.index_cast %add3A_220 : i32 to index
            %get3A_231 = arith.constant 16 : index
            %get3A_232 = tpu.vector_load %arg7[%get3A_230, %get3A_231] {strides = array<i32>} : memref<320x128xf32, #tpu.memory_space<vmem>>, vector<1x16xf32>,
            %get3A_233 = vector.shape_cast %get3A_232 : vector<1x16xf32> to vector<16xf32>
            %swap3A_234 = arith.index_cast %scan3A_218 : i32 to index
            %swap3A_235 = arith.constant 16 : index
            %swap3A_236 = tpu.vector_load %arg8[%swap3A_234, %swap3A_235] {strides = array<i32>} : memref<160x128xf32, #tpu.memory_space<vmem>>, vector<1x16xf32>,
            %swap3A_237 = vector.shape_cast %swap3A_236 : vector<1x16xf32> to vector<16xf32>
            %swap3A_238 = vector.shape_cast %get3A_233 : vector<16xf32> to vector<1x16xf32>
            tpu.vector_store %arg8[%swap3A_234, %swap3A_235], %swap3A_238 {add = true, strides = array<i32>} : memref<160x128xf32, #tpu.memory_space<vmem>>, vector<1x16xf32>,
            %get3A_239 = arith.index_cast %add3A_220 : i32 to index
            %get3A_240 = arith.constant 32 : index
            %get3A_241 = tpu.vector_load %arg7[%get3A_239, %get3A_240] {strides = array<i32>} : memref<320x128xf32, #tpu.memory_space<vmem>>, vector<1x16xf32>,
            %get3A_242 = vector.shape_cast %get3A_241 : vector<1x16xf32> to vector<16xf32>
            %swap3A_243 = arith.index_cast %scan3A_218 : i32 to index
            %swap3A_244 = arith.constant 32 : index
            %swap3A_245 = tpu.vector_load %arg8[%swap3A_243, %swap3A_244] {strides = array<i32>} : memref<160x128xf32, #tpu.memory_space<vmem>>, vector<1x16xf32>,
            %swap3A_246 = vector.shape_cast %swap3A_245 : vector<1x16xf32> to vector<16xf32>
            %swap3A_247 = vector.shape_cast %get3A_242 : vector<16xf32> to vector<1x16xf32>
            tpu.vector_store %arg8[%swap3A_243, %swap3A_244], %swap3A_247 {add = true, strides = array<i32>} : memref<160x128xf32, #tpu.memory_space<vmem>>, vector<1x16xf32>,
            %get3A_248 = arith.index_cast %add3A_220 : i32 to index
            %get3A_249 = arith.constant 48 : index
            %get3A_250 = tpu.vector_load %arg7[%get3A_248, %get3A_249] {strides = array<i32>} : memref<320x128xf32, #tpu.memory_space<vmem>>, vector<1x16xf32>,
            %get3A_251 = vector.shape_cast %get3A_250 : vector<1x16xf32> to vector<16xf32>
            %swap3A_252 = arith.index_cast %scan3A_218 : i32 to index
            %swap3A_253 = arith.constant 48 : index
            %swap3A_254 = tpu.vector_load %arg8[%swap3A_252, %swap3A_253] {strides = array<i32>} : memref<160x128xf32, #tpu.memory_space<vmem>>, vector<1x16xf32>,
            %swap3A_255 = vector.shape_cast %swap3A_254 : vector<1x16xf32> to vector<16xf32>
            %swap3A_256 = vector.shape_cast %get3A_251 : vector<16xf32> to vector<1x16xf32>
            tpu.vector_store %arg8[%swap3A_252, %swap3A_253], %swap3A_256 {add = true, strides = array<i32>} : memref<160x128xf32, #tpu.memory_space<vmem>>, vector<1x16xf32>,
            %get3A_257 = arith.index_cast %add3A_220 : i32 to index
            %get3A_258 = arith.constant 64 : index
            %get3A_259 = tpu.vector_load %arg7[%get3A_257, %get3A_258] {strides = array<i32>} : memref<320x128xf32, #tpu.memory_space<vmem>>, vector<1x16xf32>,
            %get3A_260 = vector.shape_cast %get3A_259 : vector<1x16xf32> to vector<16xf32>
            %swap3A_261 = arith.index_cast %scan3A_218 : i32 to index
            %swap3A_262 = arith.constant 64 : index
            %swap3A_263 = tpu.vector_load %arg8[%swap3A_261, %swap3A_262] {strides = array<i32>} : memref<160x128xf32, #tpu.memory_space<vmem>>, vector<1x16xf32>,
            %swap3A_264 = vector.shape_cast %swap3A_263 : vector<1x16xf32> to vector<16xf32>
            %swap3A_265 = vector.shape_cast %get3A_260 : vector<16xf32> to vector<1x16xf32>
            tpu.vector_store %arg8[%swap3A_261, %swap3A_262], %swap3A_265 {add = true, strides = array<i32>} : memref<160x128xf32, #tpu.memory_space<vmem>>, vector<1x16xf32>,
            %get3A_266 = arith.index_cast %add3A_220 : i32 to index
            %get3A_267 = arith.constant 80 : index
            %get3A_268 = tpu.vector_load %arg7[%get3A_266, %get3A_267] {strides = array<i32>} : memref<320x128xf32, #tpu.memory_space<vmem>>, vector<1x16xf32>,
            %get3A_269 = vector.shape_cast %get3A_268 : vector<1x16xf32> to vector<16xf32>
            %swap3A_270 = arith.index_cast %scan3A_218 : i32 to index
            %swap3A_271 = arith.constant 80 : index
            %swap3A_272 = tpu.vector_load %arg8[%swap3A_270, %swap3A_271] {strides = array<i32>} : memref<160x128xf32, #tpu.memory_space<vmem>>, vector<1x16xf32>,
            %swap3A_273 = vector.shape_cast %swap3A_272 : vector<1x16xf32> to vector<16xf32>
            %swap3A_274 = vector.shape_cast %get3A_269 : vector<16xf32> to vector<1x16xf32>
            tpu.vector_store %arg8[%swap3A_270, %swap3A_271], %swap3A_274 {add = true, strides = array<i32>} : memref<160x128xf32, #tpu.memory_space<vmem>>, vector<1x16xf32>,
            %get3A_275 = arith.index_cast %add3A_220 : i32 to index
            %get3A_276 = arith.constant 96 : index
            %get3A_277 = tpu.vector_load %arg7[%get3A_275, %get3A_276] {strides = array<i32>} : memref<320x128xf32, #tpu.memory_space<vmem>>, vector<1x16xf32>,
            %get3A_278 = vector.shape_cast %get3A_277 : vector<1x16xf32> to vector<16xf32>
            %swap3A_279 = arith.index_cast %scan3A_218 : i32 to index
            %swap3A_280 = arith.constant 96 : index
            %swap3A_281 = tpu.vector_load %arg8[%swap3A_279, %swap3A_280] {strides = array<i32>} : memref<160x128xf32, #tpu.memory_space<vmem>>, vector<1x16xf32>,
            %swap3A_282 = vector.shape_cast %swap3A_281 : vector<1x16xf32> to vector<16xf32>
            %swap3A_283 = vector.shape_cast %get3A_278 : vector<16xf32> to vector<1x16xf32>
            tpu.vector_store %arg8[%swap3A_279, %swap3A_280], %swap3A_283 {add = true, strides = array<i32>} : memref<160x128xf32, #tpu.memory_space<vmem>>, vector<1x16xf32>,
            %get3A_284 = arith.index_cast %add3A_220 : i32 to index
            %get3A_285 = arith.constant 112 : index
            %get3A_286 = tpu.vector_load %arg7[%get3A_284, %get3A_285] {strides = array<i32>} : memref<320x128xf32, #tpu.memory_space<vmem>>, vector<1x16xf32>,
            %get3A_287 = vector.shape_cast %get3A_286 : vector<1x16xf32> to vector<16xf32>
            %swap3A_288 = arith.index_cast %scan3A_218 : i32 to index
            %swap3A_289 = arith.constant 112 : index
            %swap3A_290 = tpu.vector_load %arg8[%swap3A_288, %swap3A_289] {strides = array<i32>} : memref<160x128xf32, #tpu.memory_space<vmem>>, vector<1x16xf32>,
            %swap3A_291 = vector.shape_cast %swap3A_290 : vector<1x16xf32> to vector<16xf32>
            %swap3A_292 = vector.shape_cast %get3A_287 : vector<16xf32> to vector<1x16xf32>
            tpu.vector_store %arg8[%swap3A_288, %swap3A_289], %swap3A_292 {add = true, strides = array<i32>} : memref<160x128xf32, #tpu.memory_space<vmem>>, vector<1x16xf32>,
          }
          %scan3A_143 = arith.constant 160 : i32
        } else {
        }
        %mul3A_131 = arith.constant 160 : i32
        %mul3A_132 = arith.muli %scan3A_62, %mul3A_131 : i32
        %add3A_133 = arith.addi %mul3A_2, %mul3A_132 : i32
        %dma_start3A_134 = arith.constant 0 : i32
        %dma_start3A_135 = tpu.memref_slice %arg5[%add3A_133, %dma_start3A_134] : memref<204800x128xf32, #tpu.memory_space<hbm>> -> memref<160x128xf32, #tpu.memory_space<hbm>>
        %dma_start3A_136 = arith.constant 0 : i32
        %dma_start3A_137 = tpu.memref_slice %arg5[%add3A_133, %dma_start3A_136] : memref<204800x128xf32, #tpu.memory_space<hbm>> -> memref<160x128xf32, #tpu.memory_space<hbm>>
        tpu.enqueue_dma source(%arg8 : memref<160x128xf32, #tpu.memory_space<vmem>>) target(%dma_start3A_137 : memref<160x128xf32, #tpu.memory_space<hbm>>) target_semaphore(%arg14 : memref<!tpu.dma_semaphore, #tpu.memory_space<semaphore_mem>>)
      } else {
      }
      %eq3A_66 = arith.constant 1 : i32
      %eq3A_67 = arith.cmpi eq, %rem3A_63, %eq3A_66 : i32
      %convert_element_type3A_68 = arith.extui %eq3A_67 : i1 to i32
      %cond3A_69 = arith.constant 0 : i32
      %cond3A_70 = arith.cmpi ne, %convert_element_type3A_68, %cond3A_69 : i32
      scf.if %cond3A_70 {
        %dma_wait3A_82 = arith.constant 0 : i32
        %dma_wait3A_83 = arith.constant 0 : i32
        %dma_wait3A_84 = arith.constant 0 : i32
        %dma_wait3A_85 = arith.constant 0 : i32
        %dma_wait3A_86 = tpu.memref_slice %arg9[%dma_wait3A_84, %dma_wait3A_85] : memref<160x128xf32, #tpu.memory_space<vmem>> -> memref<80x128xf32, #tpu.memory_space<vmem>>
        %dma_wait3A_87 = arith.constant 0 : i32
        %dma_wait3A_88 = tpu.memref_slice %arg6[%dma_wait3A_82, %dma_wait3A_83, %dma_wait3A_87] : memref<40x2x80xi32, #tpu.memory_space<vmem>> -> memref<1x1x80xi32, #tpu.memory_space<vmem>>
        %dma_wait3A_89 = tpu.memref_squeeze %dma_wait3A_88 : memref<1x1x80xi32, #tpu.memory_space<vmem>> -> memref<80xi32, #tpu.memory_space<vmem>>
        %dma_wait3A_90 = arith.constant 0 : i32
        %dma_wait3A_91 = arith.constant 0 : i32
        %dma_wait3A_92 = tpu.memref_slice %arg2[%dma_wait3A_90, %dma_wait3A_91] : memref<1000000x128xf32, #tpu.memory_space<hbm>> -> memref<1000000x128xf32, #tpu.memory_space<hbm>>
        tpu.wait_indirect_dma semaphore(%arg12 : memref<!tpu.dma_semaphore, #tpu.memory_space<semaphore_mem>>) src(%dma_wait3A_92 : memref<1000000x128xf32, #tpu.memory_space<hbm>>) dst(%dma_wait3A_86 : memref<80x128xf32, #tpu.memory_space<vmem>>)
        %dma_wait3A_93 = arith.constant 0 : i32
        %dma_wait3A_94 = arith.constant 0 : i32
        %dma_wait3A_95 = arith.constant 80 : i32
        %dma_wait3A_96 = arith.constant 0 : i32
        %dma_wait3A_97 = tpu.memref_slice %arg9[%dma_wait3A_95, %dma_wait3A_96] : memref<160x128xf32, #tpu.memory_space<vmem>> -> memref<80x128xf32, #tpu.memory_space<vmem>>
        %dma_wait3A_98 = arith.constant 0 : i32
        %dma_wait3A_99 = tpu.memref_slice %arg6[%dma_wait3A_93, %dma_wait3A_94, %dma_wait3A_98] : memref<40x2x80xi32, #tpu.memory_space<vmem>> -> memref<1x1x80xi32, #tpu.memory_space<vmem>>
        %dma_wait3A_100 = tpu.memref_squeeze %dma_wait3A_99 : memref<1x1x80xi32, #tpu.memory_space<vmem>> -> memref<80xi32, #tpu.memory_space<vmem>>
        %dma_wait3A_101 = arith.constant 0 : i32
        %dma_wait3A_102 = arith.constant 0 : i32
        %dma_wait3A_103 = tpu.memref_slice %arg2[%dma_wait3A_101, %dma_wait3A_102] : memref<1000000x128xf32, #tpu.memory_space<hbm>> -> memref<1000000x128xf32, #tpu.memory_space<hbm>>
        tpu.wait_indirect_dma semaphore(%arg12 : memref<!tpu.dma_semaphore, #tpu.memory_space<semaphore_mem>>) src(%dma_wait3A_103 : memref<1000000x128xf32, #tpu.memory_space<hbm>>) dst(%dma_wait3A_97 : memref<80x128xf32, #tpu.memory_space<vmem>>)
        %rem3A_104 = arith.constant 5 : i32
        %rem3A_105 = arith.remsi %scan3A_62, %rem3A_104 : i32
        %eq3A_106 = arith.constant 0 : i32
        %eq3A_107 = arith.cmpi eq, %rem3A_105, %eq3A_106 : i32
        %convert_element_type3A_108 = arith.extui %eq3A_107 : i1 to i32
        %cond3A_109 = arith.constant 0 : i32
        %cond3A_110 = arith.cmpi ne, %convert_element_type3A_108, %cond3A_109 : i32
        scf.if %cond3A_110 {
          %scan3A_138 = arith.constant 0 : i32
          %scan3A_139 = arith.constant 0 : i32
          %scan3A_140 = arith.constant 160 : i32
          %scan3A_141 = arith.addi %scan3A_139, %scan3A_140 : i32
          %scan3A_142 = arith.constant 2 : i32
          scf.for %scan3A_144 = %scan3A_139 to %scan3A_141 step %scan3A_142  : i32 {
            %add3A_145 = arith.constant 0 : i32
            %add3A_146 = arith.addi %add3A_145, %scan3A_144 : i32
            %get3A = arith.index_cast %add3A_146 : i32 to index
            %get3A_147 = arith.constant 0 : index
            %get3A_148 = tpu.vector_load %arg7[%get3A, %get3A_147] {strides = array<i32>} : memref<320x128xf32, #tpu.memory_space<vmem>>, vector<1x16xf32>,
            %get3A_149 = vector.shape_cast %get3A_148 : vector<1x16xf32> to vector<16xf32>
            %swap3A = arith.index_cast %scan3A_144 : i32 to index
            %swap3A_150 = arith.constant 0 : index
            %swap3A_151 = tpu.vector_load %arg9[%swap3A, %swap3A_150] {strides = array<i32>} : memref<160x128xf32, #tpu.memory_space<vmem>>, vector<1x16xf32>,
            %swap3A_152 = vector.shape_cast %swap3A_151 : vector<1x16xf32> to vector<16xf32>
            %swap3A_153 = vector.shape_cast %get3A_149 : vector<16xf32> to vector<1x16xf32>
            tpu.vector_store %arg9[%swap3A, %swap3A_150], %swap3A_153 {add = true, strides = array<i32>} : memref<160x128xf32, #tpu.memory_space<vmem>>, vector<1x16xf32>,
            %get3A_154 = arith.index_cast %add3A_146 : i32 to index
            %get3A_155 = arith.constant 16 : index
            %get3A_156 = tpu.vector_load %arg7[%get3A_154, %get3A_155] {strides = array<i32>} : memref<320x128xf32, #tpu.memory_space<vmem>>, vector<1x16xf32>,
            %get3A_157 = vector.shape_cast %get3A_156 : vector<1x16xf32> to vector<16xf32>
            %swap3A_158 = arith.index_cast %scan3A_144 : i32 to index
            %swap3A_159 = arith.constant 16 : index
            %swap3A_160 = tpu.vector_load %arg9[%swap3A_158, %swap3A_159] {strides = array<i32>} : memref<160x128xf32, #tpu.memory_space<vmem>>, vector<1x16xf32>,
            %swap3A_161 = vector.shape_cast %swap3A_160 : vector<1x16xf32> to vector<16xf32>
            %swap3A_162 = vector.shape_cast %get3A_157 : vector<16xf32> to vector<1x16xf32>
            tpu.vector_store %arg9[%swap3A_158, %swap3A_159], %swap3A_162 {add = true, strides = array<i32>} : memref<160x128xf32, #tpu.memory_space<vmem>>, vector<1x16xf32>,
            %get3A_163 = arith.index_cast %add3A_146 : i32 to index
            %get3A_164 = arith.constant 32 : index
            %get3A_165 = tpu.vector_load %arg7[%get3A_163, %get3A_164] {strides = array<i32>} : memref<320x128xf32, #tpu.memory_space<vmem>>, vector<1x16xf32>,
            %get3A_166 = vector.shape_cast %get3A_165 : vector<1x16xf32> to vector<16xf32>
            %swap3A_167 = arith.index_cast %scan3A_144 : i32 to index
            %swap3A_168 = arith.constant 32 : index
            %swap3A_169 = tpu.vector_load %arg9[%swap3A_167, %swap3A_168] {strides = array<i32>} : memref<160x128xf32, #tpu.memory_space<vmem>>, vector<1x16xf32>,
            %swap3A_170 = vector.shape_cast %swap3A_169 : vector<1x16xf32> to vector<16xf32>
            %swap3A_171 = vector.shape_cast %get3A_166 : vector<16xf32> to vector<1x16xf32>
            tpu.vector_store %arg9[%swap3A_167, %swap3A_168], %swap3A_171 {add = true, strides = array<i32>} : memref<160x128xf32, #tpu.memory_space<vmem>>, vector<1x16xf32>,
            %get3A_172 = arith.index_cast %add3A_146 : i32 to index
            %get3A_173 = arith.constant 48 : index
            %get3A_174 = tpu.vector_load %arg7[%get3A_172, %get3A_173] {strides = array<i32>} : memref<320x128xf32, #tpu.memory_space<vmem>>, vector<1x16xf32>,
            %get3A_175 = vector.shape_cast %get3A_174 : vector<1x16xf32> to vector<16xf32>
            %swap3A_176 = arith.index_cast %scan3A_144 : i32 to index
            %swap3A_177 = arith.constant 48 : index
            %swap3A_178 = tpu.vector_load %arg9[%swap3A_176, %swap3A_177] {strides = array<i32>} : memref<160x128xf32, #tpu.memory_space<vmem>>, vector<1x16xf32>,
            %swap3A_179 = vector.shape_cast %swap3A_178 : vector<1x16xf32> to vector<16xf32>
            %swap3A_180 = vector.shape_cast %get3A_175 : vector<16xf32> to vector<1x16xf32>
            tpu.vector_store %arg9[%swap3A_176, %swap3A_177], %swap3A_180 {add = true, strides = array<i32>} : memref<160x128xf32, #tpu.memory_space<vmem>>, vector<1x16xf32>,
            %get3A_181 = arith.index_cast %add3A_146 : i32 to index
            %get3A_182 = arith.constant 64 : index
            %get3A_183 = tpu.vector_load %arg7[%get3A_181, %get3A_182] {strides = array<i32>} : memref<320x128xf32, #tpu.memory_space<vmem>>, vector<1x16xf32>,
            %get3A_184 = vector.shape_cast %get3A_183 : vector<1x16xf32> to vector<16xf32>
            %swap3A_185 = arith.index_cast %scan3A_144 : i32 to index
            %swap3A_186 = arith.constant 64 : index
            %swap3A_187 = tpu.vector_load %arg9[%swap3A_185, %swap3A_186] {strides = array<i32>} : memref<160x128xf32, #tpu.memory_space<vmem>>, vector<1x16xf32>,
            %swap3A_188 = vector.shape_cast %swap3A_187 : vector<1x16xf32> to vector<16xf32>
            %swap3A_189 = vector.shape_cast %get3A_184 : vector<16xf32> to vector<1x16xf32>
            tpu.vector_store %arg9[%swap3A_185, %swap3A_186], %swap3A_189 {add = true, strides = array<i32>} : memref<160x128xf32, #tpu.memory_space<vmem>>, vector<1x16xf32>,
            %get3A_190 = arith.index_cast %add3A_146 : i32 to index
            %get3A_191 = arith.constant 80 : index
            %get3A_192 = tpu.vector_load %arg7[%get3A_190, %get3A_191] {strides = array<i32>} : memref<320x128xf32, #tpu.memory_space<vmem>>, vector<1x16xf32>,
            %get3A_193 = vector.shape_cast %get3A_192 : vector<1x16xf32> to vector<16xf32>
            %swap3A_194 = arith.index_cast %scan3A_144 : i32 to index
            %swap3A_195 = arith.constant 80 : index
            %swap3A_196 = tpu.vector_load %arg9[%swap3A_194, %swap3A_195] {strides = array<i32>} : memref<160x128xf32, #tpu.memory_space<vmem>>, vector<1x16xf32>,
            %swap3A_197 = vector.shape_cast %swap3A_196 : vector<1x16xf32> to vector<16xf32>
            %swap3A_198 = vector.shape_cast %get3A_193 : vector<16xf32> to vector<1x16xf32>
            tpu.vector_store %arg9[%swap3A_194, %swap3A_195], %swap3A_198 {add = true, strides = array<i32>} : memref<160x128xf32, #tpu.memory_space<vmem>>, vector<1x16xf32>,
            %get3A_199 = arith.index_cast %add3A_146 : i32 to index
            %get3A_200 = arith.constant 96 : index
            %get3A_201 = tpu.vector_load %arg7[%get3A_199, %get3A_200] {strides = array<i32>} : memref<320x128xf32, #tpu.memory_space<vmem>>, vector<1x16xf32>,
            %get3A_202 = vector.shape_cast %get3A_201 : vector<1x16xf32> to vector<16xf32>
            %swap3A_203 = arith.index_cast %scan3A_144 : i32 to index
            %swap3A_204 = arith.constant 96 : index
            %swap3A_205 = tpu.vector_load %arg9[%swap3A_203, %swap3A_204] {strides = array<i32>} : memref<160x128xf32, #tpu.memory_space<vmem>>, vector<1x16xf32>,
            %swap3A_206 = vector.shape_cast %swap3A_205 : vector<1x16xf32> to vector<16xf32>
            %swap3A_207 = vector.shape_cast %get3A_202 : vector<16xf32> to vector<1x16xf32>
            tpu.vector_store %arg9[%swap3A_203, %swap3A_204], %swap3A_207 {add = true, strides = array<i32>} : memref<160x128xf32, #tpu.memory_space<vmem>>, vector<1x16xf32>,
            %get3A_208 = arith.index_cast %add3A_146 : i32 to index
            %get3A_209 = arith.constant 112 : index
            %get3A_210 = tpu.vector_load %arg7[%get3A_208, %get3A_209] {strides = array<i32>} : memref<320x128xf32, #tpu.memory_space<vmem>>, vector<1x16xf32>,
            %get3A_211 = vector.shape_cast %get3A_210 : vector<1x16xf32> to vector<16xf32>
            %swap3A_212 = arith.index_cast %scan3A_144 : i32 to index
            %swap3A_213 = arith.constant 112 : index
            %swap3A_214 = tpu.vector_load %arg9[%swap3A_212, %swap3A_213] {strides = array<i32>} : memref<160x128xf32, #tpu.memory_space<vmem>>, vector<1x16xf32>,
            %swap3A_215 = vector.shape_cast %swap3A_214 : vector<1x16xf32> to vector<16xf32>
            %swap3A_216 = vector.shape_cast %get3A_211 : vector<16xf32> to vector<1x16xf32>
            tpu.vector_store %arg9[%swap3A_212, %swap3A_213], %swap3A_216 {add = true, strides = array<i32>} : memref<160x128xf32, #tpu.memory_space<vmem>>, vector<1x16xf32>,
            %scan3A_217 = arith.constant 1 : i32
            %scan3A_218 = arith.addi %scan3A_144, %scan3A_217 : i32
            %add3A_219 = arith.constant 0 : i32
            %add3A_220 = arith.addi %add3A_219, %scan3A_218 : i32
            %get3A_221 = arith.index_cast %add3A_220 : i32 to index
            %get3A_222 = arith.constant 0 : index
            %get3A_223 = tpu.vector_load %arg7[%get3A_221, %get3A_222] {strides = array<i32>} : memref<320x128xf32, #tpu.memory_space<vmem>>, vector<1x16xf32>,
            %get3A_224 = vector.shape_cast %get3A_223 : vector<1x16xf32> to vector<16xf32>
            %swap3A_225 = arith.index_cast %scan3A_218 : i32 to index
            %swap3A_226 = arith.constant 0 : index
            %swap3A_227 = tpu.vector_load %arg9[%swap3A_225, %swap3A_226] {strides = array<i32>} : memref<160x128xf32, #tpu.memory_space<vmem>>, vector<1x16xf32>,
            %swap3A_228 = vector.shape_cast %swap3A_227 : vector<1x16xf32> to vector<16xf32>
            %swap3A_229 = vector.shape_cast %get3A_224 : vector<16xf32> to vector<1x16xf32>
            tpu.vector_store %arg9[%swap3A_225, %swap3A_226], %swap3A_229 {add = true, strides = array<i32>} : memref<160x128xf32, #tpu.memory_space<vmem>>, vector<1x16xf32>,
            %get3A_230 = arith.index_cast %add3A_220 : i32 to index
            %get3A_231 = arith.constant 16 : index
            %get3A_232 = tpu.vector_load %arg7[%get3A_230, %get3A_231] {strides = array<i32>} : memref<320x128xf32, #tpu.memory_space<vmem>>, vector<1x16xf32>,
            %get3A_233 = vector.shape_cast %get3A_232 : vector<1x16xf32> to vector<16xf32>
            %swap3A_234 = arith.index_cast %scan3A_218 : i32 to index
            %swap3A_235 = arith.constant 16 : index
            %swap3A_236 = tpu.vector_load %arg9[%swap3A_234, %swap3A_235] {strides = array<i32>} : memref<160x128xf32, #tpu.memory_space<vmem>>, vector<1x16xf32>,
            %swap3A_237 = vector.shape_cast %swap3A_236 : vector<1x16xf32> to vector<16xf32>
            %swap3A_238 = vector.shape_cast %get3A_233 : vector<16xf32> to vector<1x16xf32>
            tpu.vector_store %arg9[%swap3A_234, %swap3A_235], %swap3A_238 {add = true, strides = array<i32>} : memref<160x128xf32, #tpu.memory_space<vmem>>, vector<1x16xf32>,
            %get3A_239 = arith.index_cast %add3A_220 : i32 to index
            %get3A_240 = arith.constant 32 : index
            %get3A_241 = tpu.vector_load %arg7[%get3A_239, %get3A_240] {strides = array<i32>} : memref<320x128xf32, #tpu.memory_space<vmem>>, vector<1x16xf32>,
            %get3A_242 = vector.shape_cast %get3A_241 : vector<1x16xf32> to vector<16xf32>
            %swap3A_243 = arith.index_cast %scan3A_218 : i32 to index
            %swap3A_244 = arith.constant 32 : index
            %swap3A_245 = tpu.vector_load %arg9[%swap3A_243, %swap3A_244] {strides = array<i32>} : memref<160x128xf32, #tpu.memory_space<vmem>>, vector<1x16xf32>,
            %swap3A_246 = vector.shape_cast %swap3A_245 : vector<1x16xf32> to vector<16xf32>
            %swap3A_247 = vector.shape_cast %get3A_242 : vector<16xf32> to vector<1x16xf32>
            tpu.vector_store %arg9[%swap3A_243, %swap3A_244], %swap3A_247 {add = true, strides = array<i32>} : memref<160x128xf32, #tpu.memory_space<vmem>>, vector<1x16xf32>,
            %get3A_248 = arith.index_cast %add3A_220 : i32 to index
            %get3A_249 = arith.constant 48 : index
            %get3A_250 = tpu.vector_load %arg7[%get3A_248, %get3A_249] {strides = array<i32>} : memref<320x128xf32, #tpu.memory_space<vmem>>, vector<1x16xf32>,
            %get3A_251 = vector.shape_cast %get3A_250 : vector<1x16xf32> to vector<16xf32>
            %swap3A_252 = arith.index_cast %scan3A_218 : i32 to index
            %swap3A_253 = arith.constant 48 : index
            %swap3A_254 = tpu.vector_load %arg9[%swap3A_252, %swap3A_253] {strides = array<i32>} : memref<160x128xf32, #tpu.memory_space<vmem>>, vector<1x16xf32>,
            %swap3A_255 = vector.shape_cast %swap3A_254 : vector<1x16xf32> to vector<16xf32>
            %swap3A_256 = vector.shape_cast %get3A_251 : vector<16xf32> to vector<1x16xf32>
            tpu.vector_store %arg9[%swap3A_252, %swap3A_253], %swap3A_256 {add = true, strides = array<i32>} : memref<160x128xf32, #tpu.memory_space<vmem>>, vector<1x16xf32>,
            %get3A_257 = arith.index_cast %add3A_220 : i32 to index
            %get3A_258 = arith.constant 64 : index
            %get3A_259 = tpu.vector_load %arg7[%get3A_257, %get3A_258] {strides = array<i32>} : memref<320x128xf32, #tpu.memory_space<vmem>>, vector<1x16xf32>,
            %get3A_260 = vector.shape_cast %get3A_259 : vector<1x16xf32> to vector<16xf32>
            %swap3A_261 = arith.index_cast %scan3A_218 : i32 to index
            %swap3A_262 = arith.constant 64 : index
            %swap3A_263 = tpu.vector_load %arg9[%swap3A_261, %swap3A_262] {strides = array<i32>} : memref<160x128xf32, #tpu.memory_space<vmem>>, vector<1x16xf32>,
            %swap3A_264 = vector.shape_cast %swap3A_263 : vector<1x16xf32> to vector<16xf32>
            %swap3A_265 = vector.shape_cast %get3A_260 : vector<16xf32> to vector<1x16xf32>
            tpu.vector_store %arg9[%swap3A_261, %swap3A_262], %swap3A_265 {add = true, strides = array<i32>} : memref<160x128xf32, #tpu.memory_space<vmem>>, vector<1x16xf32>,
            %get3A_266 = arith.index_cast %add3A_220 : i32 to index
            %get3A_267 = arith.constant 80 : index
            %get3A_268 = tpu.vector_load %arg7[%get3A_266, %get3A_267] {strides = array<i32>} : memref<320x128xf32, #tpu.memory_space<vmem>>, vector<1x16xf32>,
            %get3A_269 = vector.shape_cast %get3A_268 : vector<1x16xf32> to vector<16xf32>
            %swap3A_270 = arith.index_cast %scan3A_218 : i32 to index
            %swap3A_271 = arith.constant 80 : index
            %swap3A_272 = tpu.vector_load %arg9[%swap3A_270, %swap3A_271] {strides = array<i32>} : memref<160x128xf32, #tpu.memory_space<vmem>>, vector<1x16xf32>,
            %swap3A_273 = vector.shape_cast %swap3A_272 : vector<1x16xf32> to vector<16xf32>
            %swap3A_274 = vector.shape_cast %get3A_269 : vector<16xf32> to vector<1x16xf32>
            tpu.vector_store %arg9[%swap3A_270, %swap3A_271], %swap3A_274 {add = true, strides = array<i32>} : memref<160x128xf32, #tpu.memory_space<vmem>>, vector<1x16xf32>,
            %get3A_275 = arith.index_cast %add3A_220 : i32 to index
            %get3A_276 = arith.constant 96 : index
            %get3A_277 = tpu.vector_load %arg7[%get3A_275, %get3A_276] {strides = array<i32>} : memref<320x128xf32, #tpu.memory_space<vmem>>, vector<1x16xf32>,
            %get3A_278 = vector.shape_cast %get3A_277 : vector<1x16xf32> to vector<16xf32>
            %swap3A_279 = arith.index_cast %scan3A_218 : i32 to index
            %swap3A_280 = arith.constant 96 : index
            %swap3A_281 = tpu.vector_load %arg9[%swap3A_279, %swap3A_280] {strides = array<i32>} : memref<160x128xf32, #tpu.memory_space<vmem>>, vector<1x16xf32>,
            %swap3A_282 = vector.shape_cast %swap3A_281 : vector<1x16xf32> to vector<16xf32>
            %swap3A_283 = vector.shape_cast %get3A_278 : vector<16xf32> to vector<1x16xf32>
            tpu.vector_store %arg9[%swap3A_279, %swap3A_280], %swap3A_283 {add = true, strides = array<i32>} : memref<160x128xf32, #tpu.memory_space<vmem>>, vector<1x16xf32>,
            %get3A_284 = arith.index_cast %add3A_220 : i32 to index
            %get3A_285 = arith.constant 112 : index
            %get3A_286 = tpu.vector_load %arg7[%get3A_284, %get3A_285] {strides = array<i32>} : memref<320x128xf32, #tpu.memory_space<vmem>>, vector<1x16xf32>,
            %get3A_287 = vector.shape_cast %get3A_286 : vector<1x16xf32> to vector<16xf32>
            %swap3A_288 = arith.index_cast %scan3A_218 : i32 to index
            %swap3A_289 = arith.constant 112 : index
            %swap3A_290 = tpu.vector_load %arg9[%swap3A_288, %swap3A_289] {strides = array<i32>} : memref<160x128xf32, #tpu.memory_space<vmem>>, vector<1x16xf32>,
            %swap3A_291 = vector.shape_cast %swap3A_290 : vector<1x16xf32> to vector<16xf32>
            %swap3A_292 = vector.shape_cast %get3A_287 : vector<16xf32> to vector<1x16xf32>
            tpu.vector_store %arg9[%swap3A_288, %swap3A_289], %swap3A_292 {add = true, strides = array<i32>} : memref<160x128xf32, #tpu.memory_space<vmem>>, vector<1x16xf32>,
          }
          %scan3A_143 = arith.constant 160 : i32
        } else {
        }
        %eq3A_111 = arith.constant 1 : i32
        %eq3A_112 = arith.cmpi eq, %rem3A_105, %eq3A_111 : i32
        %convert_element_type3A_113 = arith.extui %eq3A_112 : i1 to i32
        %cond3A_114 = arith.constant 0 : i32
        %cond3A_115 = arith.cmpi ne, %convert_element_type3A_113, %cond3A_114 : i32
        scf.if %cond3A_115 {
          %scan3A_138 = arith.constant 0 : i32
          %scan3A_139 = arith.constant 0 : i32
          %scan3A_140 = arith.constant 160 : i32
          %scan3A_141 = arith.addi %scan3A_139, %scan3A_140 : i32
          %scan3A_142 = arith.constant 2 : i32
          scf.for %scan3A_144 = %scan3A_139 to %scan3A_141 step %scan3A_142  : i32 {
            %add3A_145 = arith.constant 160 : i32
            %add3A_146 = arith.addi %add3A_145, %scan3A_144 : i32
            %get3A = arith.index_cast %add3A_146 : i32 to index
            %get3A_147 = arith.constant 0 : index
            %get3A_148 = tpu.vector_load %arg7[%get3A, %get3A_147] {strides = array<i32>} : memref<320x128xf32, #tpu.memory_space<vmem>>, vector<1x16xf32>,
            %get3A_149 = vector.shape_cast %get3A_148 : vector<1x16xf32> to vector<16xf32>
            %swap3A = arith.index_cast %scan3A_144 : i32 to index
            %swap3A_150 = arith.constant 0 : index
            %swap3A_151 = tpu.vector_load %arg9[%swap3A, %swap3A_150] {strides = array<i32>} : memref<160x128xf32, #tpu.memory_space<vmem>>, vector<1x16xf32>,
            %swap3A_152 = vector.shape_cast %swap3A_151 : vector<1x16xf32> to vector<16xf32>
            %swap3A_153 = vector.shape_cast %get3A_149 : vector<16xf32> to vector<1x16xf32>
            tpu.vector_store %arg9[%swap3A, %swap3A_150], %swap3A_153 {add = true, strides = array<i32>} : memref<160x128xf32, #tpu.memory_space<vmem>>, vector<1x16xf32>,
            %get3A_154 = arith.index_cast %add3A_146 : i32 to index
            %get3A_155 = arith.constant 16 : index
            %get3A_156 = tpu.vector_load %arg7[%get3A_154, %get3A_155] {strides = array<i32>} : memref<320x128xf32, #tpu.memory_space<vmem>>, vector<1x16xf32>,
            %get3A_157 = vector.shape_cast %get3A_156 : vector<1x16xf32> to vector<16xf32>
            %swap3A_158 = arith.index_cast %scan3A_144 : i32 to index
            %swap3A_159 = arith.constant 16 : index
            %swap3A_160 = tpu.vector_load %arg9[%swap3A_158, %swap3A_159] {strides = array<i32>} : memref<160x128xf32, #tpu.memory_space<vmem>>, vector<1x16xf32>,
            %swap3A_161 = vector.shape_cast %swap3A_160 : vector<1x16xf32> to vector<16xf32>
            %swap3A_162 = vector.shape_cast %get3A_157 : vector<16xf32> to vector<1x16xf32>
            tpu.vector_store %arg9[%swap3A_158, %swap3A_159], %swap3A_162 {add = true, strides = array<i32>} : memref<160x128xf32, #tpu.memory_space<vmem>>, vector<1x16xf32>,
            %get3A_163 = arith.index_cast %add3A_146 : i32 to index
            %get3A_164 = arith.constant 32 : index
            %get3A_165 = tpu.vector_load %arg7[%get3A_163, %get3A_164] {strides = array<i32>} : memref<320x128xf32, #tpu.memory_space<vmem>>, vector<1x16xf32>,
            %get3A_166 = vector.shape_cast %get3A_165 : vector<1x16xf32> to vector<16xf32>
            %swap3A_167 = arith.index_cast %scan3A_144 : i32 to index
            %swap3A_168 = arith.constant 32 : index
            %swap3A_169 = tpu.vector_load %arg9[%swap3A_167, %swap3A_168] {strides = array<i32>} : memref<160x128xf32, #tpu.memory_space<vmem>>, vector<1x16xf32>,
            %swap3A_170 = vector.shape_cast %swap3A_169 : vector<1x16xf32> to vector<16xf32>
            %swap3A_171 = vector.shape_cast %get3A_166 : vector<16xf32> to vector<1x16xf32>
            tpu.vector_store %arg9[%swap3A_167, %swap3A_168], %swap3A_171 {add = true, strides = array<i32>} : memref<160x128xf32, #tpu.memory_space<vmem>>, vector<1x16xf32>,
            %get3A_172 = arith.index_cast %add3A_146 : i32 to index
            %get3A_173 = arith.constant 48 : index
            %get3A_174 = tpu.vector_load %arg7[%get3A_172, %get3A_173] {strides = array<i32>} : memref<320x128xf32, #tpu.memory_space<vmem>>, vector<1x16xf32>,
            %get3A_175 = vector.shape_cast %get3A_174 : vector<1x16xf32> to vector<16xf32>
            %swap3A_176 = arith.index_cast %scan3A_144 : i32 to index
            %swap3A_177 = arith.constant 48 : index
            %swap3A_178 = tpu.vector_load %arg9[%swap3A_176, %swap3A_177] {strides = array<i32>} : memref<160x128xf32, #tpu.memory_space<vmem>>, vector<1x16xf32>,
            %swap3A_179 = vector.shape_cast %swap3A_178 : vector<1x16xf32> to vector<16xf32>
            %swap3A_180 = vector.shape_cast %get3A_175 : vector<16xf32> to vector<1x16xf32>
            tpu.vector_store %arg9[%swap3A_176, %swap3A_177], %swap3A_180 {add = true, strides = array<i32>} : memref<160x128xf32, #tpu.memory_space<vmem>>, vector<1x16xf32>,
            %get3A_181 = arith.index_cast %add3A_146 : i32 to index
            %get3A_182 = arith.constant 64 : index
            %get3A_183 = tpu.vector_load %arg7[%get3A_181, %get3A_182] {strides = array<i32>} : memref<320x128xf32, #tpu.memory_space<vmem>>, vector<1x16xf32>,
            %get3A_184 = vector.shape_cast %get3A_183 : vector<1x16xf32> to vector<16xf32>
            %swap3A_185 = arith.index_cast %scan3A_144 : i32 to index
            %swap3A_186 = arith.constant 64 : index
            %swap3A_187 = tpu.vector_load %arg9[%swap3A_185, %swap3A_186] {strides = array<i32>} : memref<160x128xf32, #tpu.memory_space<vmem>>, vector<1x16xf32>,
            %swap3A_188 = vector.shape_cast %swap3A_187 : vector<1x16xf32> to vector<16xf32>
            %swap3A_189 = vector.shape_cast %get3A_184 : vector<16xf32> to vector<1x16xf32>
            tpu.vector_store %arg9[%swap3A_185, %swap3A_186], %swap3A_189 {add = true, strides = array<i32>} : memref<160x128xf32, #tpu.memory_space<vmem>>, vector<1x16xf32>,
            %get3A_190 = arith.index_cast %add3A_146 : i32 to index
            %get3A_191 = arith.constant 80 : index
            %get3A_192 = tpu.vector_load %arg7[%get3A_190, %get3A_191] {strides = array<i32>} : memref<320x128xf32, #tpu.memory_space<vmem>>, vector<1x16xf32>,
            %get3A_193 = vector.shape_cast %get3A_192 : vector<1x16xf32> to vector<16xf32>
            %swap3A_194 = arith.index_cast %scan3A_144 : i32 to index
            %swap3A_195 = arith.constant 80 : index
            %swap3A_196 = tpu.vector_load %arg9[%swap3A_194, %swap3A_195] {strides = array<i32>} : memref<160x128xf32, #tpu.memory_space<vmem>>, vector<1x16xf32>,
            %swap3A_197 = vector.shape_cast %swap3A_196 : vector<1x16xf32> to vector<16xf32>
            %swap3A_198 = vector.shape_cast %get3A_193 : vector<16xf32> to vector<1x16xf32>
            tpu.vector_store %arg9[%swap3A_194, %swap3A_195], %swap3A_198 {add = true, strides = array<i32>} : memref<160x128xf32, #tpu.memory_space<vmem>>, vector<1x16xf32>,
            %get3A_199 = arith.index_cast %add3A_146 : i32 to index
            %get3A_200 = arith.constant 96 : index
            %get3A_201 = tpu.vector_load %arg7[%get3A_199, %get3A_200] {strides = array<i32>} : memref<320x128xf32, #tpu.memory_space<vmem>>, vector<1x16xf32>,
            %get3A_202 = vector.shape_cast %get3A_201 : vector<1x16xf32> to vector<16xf32>
            %swap3A_203 = arith.index_cast %scan3A_144 : i32 to index
            %swap3A_204 = arith.constant 96 : index
            %swap3A_205 = tpu.vector_load %arg9[%swap3A_203, %swap3A_204] {strides = array<i32>} : memref<160x128xf32, #tpu.memory_space<vmem>>, vector<1x16xf32>,
            %swap3A_206 = vector.shape_cast %swap3A_205 : vector<1x16xf32> to vector<16xf32>
            %swap3A_207 = vector.shape_cast %get3A_202 : vector<16xf32> to vector<1x16xf32>
            tpu.vector_store %arg9[%swap3A_203, %swap3A_204], %swap3A_207 {add = true, strides = array<i32>} : memref<160x128xf32, #tpu.memory_space<vmem>>, vector<1x16xf32>,
            %get3A_208 = arith.index_cast %add3A_146 : i32 to index
            %get3A_209 = arith.constant 112 : index
            %get3A_210 = tpu.vector_load %arg7[%get3A_208, %get3A_209] {strides = array<i32>} : memref<320x128xf32, #tpu.memory_space<vmem>>, vector<1x16xf32>,
            %get3A_211 = vector.shape_cast %get3A_210 : vector<1x16xf32> to vector<16xf32>
            %swap3A_212 = arith.index_cast %scan3A_144 : i32 to index
            %swap3A_213 = arith.constant 112 : index
            %swap3A_214 = tpu.vector_load %arg9[%swap3A_212, %swap3A_213] {strides = array<i32>} : memref<160x128xf32, #tpu.memory_space<vmem>>, vector<1x16xf32>,
            %swap3A_215 = vector.shape_cast %swap3A_214 : vector<1x16xf32> to vector<16xf32>
            %swap3A_216 = vector.shape_cast %get3A_211 : vector<16xf32> to vector<1x16xf32>
            tpu.vector_store %arg9[%swap3A_212, %swap3A_213], %swap3A_216 {add = true, strides = array<i32>} : memref<160x128xf32, #tpu.memory_space<vmem>>, vector<1x16xf32>,
            %scan3A_217 = arith.constant 1 : i32
            %scan3A_218 = arith.addi %scan3A_144, %scan3A_217 : i32
            %add3A_219 = arith.constant 160 : i32
            %add3A_220 = arith.addi %add3A_219, %scan3A_218 : i32
            %get3A_221 = arith.index_cast %add3A_220 : i32 to index
            %get3A_222 = arith.constant 0 : index
            %get3A_223 = tpu.vector_load %arg7[%get3A_221, %get3A_222] {strides = array<i32>} : memref<320x128xf32, #tpu.memory_space<vmem>>, vector<1x16xf32>,
            %get3A_224 = vector.shape_cast %get3A_223 : vector<1x16xf32> to vector<16xf32>
            %swap3A_225 = arith.index_cast %scan3A_218 : i32 to index
            %swap3A_226 = arith.constant 0 : index
            %swap3A_227 = tpu.vector_load %arg9[%swap3A_225, %swap3A_226] {strides = array<i32>} : memref<160x128xf32, #tpu.memory_space<vmem>>, vector<1x16xf32>,
            %swap3A_228 = vector.shape_cast %swap3A_227 : vector<1x16xf32> to vector<16xf32>
            %swap3A_229 = vector.shape_cast %get3A_224 : vector<16xf32> to vector<1x16xf32>
            tpu.vector_store %arg9[%swap3A_225, %swap3A_226], %swap3A_229 {add = true, strides = array<i32>} : memref<160x128xf32, #tpu.memory_space<vmem>>, vector<1x16xf32>,
            %get3A_230 = arith.index_cast %add3A_220 : i32 to index
            %get3A_231 = arith.constant 16 : index
            %get3A_232 = tpu.vector_load %arg7[%get3A_230, %get3A_231] {strides = array<i32>} : memref<320x128xf32, #tpu.memory_space<vmem>>, vector<1x16xf32>,
            %get3A_233 = vector.shape_cast %get3A_232 : vector<1x16xf32> to vector<16xf32>
            %swap3A_234 = arith.index_cast %scan3A_218 : i32 to index
            %swap3A_235 = arith.constant 16 : index
            %swap3A_236 = tpu.vector_load %arg9[%swap3A_234, %swap3A_235] {strides = array<i32>} : memref<160x128xf32, #tpu.memory_space<vmem>>, vector<1x16xf32>,
            %swap3A_237 = vector.shape_cast %swap3A_236 : vector<1x16xf32> to vector<16xf32>
            %swap3A_238 = vector.shape_cast %get3A_233 : vector<16xf32> to vector<1x16xf32>
            tpu.vector_store %arg9[%swap3A_234, %swap3A_235], %swap3A_238 {add = true, strides = array<i32>} : memref<160x128xf32, #tpu.memory_space<vmem>>, vector<1x16xf32>,
            %get3A_239 = arith.index_cast %add3A_220 : i32 to index
            %get3A_240 = arith.constant 32 : index
            %get3A_241 = tpu.vector_load %arg7[%get3A_239, %get3A_240] {strides = array<i32>} : memref<320x128xf32, #tpu.memory_space<vmem>>, vector<1x16xf32>,
            %get3A_242 = vector.shape_cast %get3A_241 : vector<1x16xf32> to vector<16xf32>
            %swap3A_243 = arith.index_cast %scan3A_218 : i32 to index
            %swap3A_244 = arith.constant 32 : index
            %swap3A_245 = tpu.vector_load %arg9[%swap3A_243, %swap3A_244] {strides = array<i32>} : memref<160x128xf32, #tpu.memory_space<vmem>>, vector<1x16xf32>,
            %swap3A_246 = vector.shape_cast %swap3A_245 : vector<1x16xf32> to vector<16xf32>
            %swap3A_247 = vector.shape_cast %get3A_242 : vector<16xf32> to vector<1x16xf32>
            tpu.vector_store %arg9[%swap3A_243, %swap3A_244], %swap3A_247 {add = true, strides = array<i32>} : memref<160x128xf32, #tpu.memory_space<vmem>>, vector<1x16xf32>,
            %get3A_248 = arith.index_cast %add3A_220 : i32 to index
            %get3A_249 = arith.constant 48 : index
            %get3A_250 = tpu.vector_load %arg7[%get3A_248, %get3A_249] {strides = array<i32>} : memref<320x128xf32, #tpu.memory_space<vmem>>, vector<1x16xf32>,
            %get3A_251 = vector.shape_cast %get3A_250 : vector<1x16xf32> to vector<16xf32>
            %swap3A_252 = arith.index_cast %scan3A_218 : i32 to index
            %swap3A_253 = arith.constant 48 : index
            %swap3A_254 = tpu.vector_load %arg9[%swap3A_252, %swap3A_253] {strides = array<i32>} : memref<160x128xf32, #tpu.memory_space<vmem>>, vector<1x16xf32>,
            %swap3A_255 = vector.shape_cast %swap3A_254 : vector<1x16xf32> to vector<16xf32>
            %swap3A_256 = vector.shape_cast %get3A_251 : vector<16xf32> to vector<1x16xf32>
            tpu.vector_store %arg9[%swap3A_252, %swap3A_253], %swap3A_256 {add = true, strides = array<i32>} : memref<160x128xf32, #tpu.memory_space<vmem>>, vector<1x16xf32>,
            %get3A_257 = arith.index_cast %add3A_220 : i32 to index
            %get3A_258 = arith.constant 64 : index
            %get3A_259 = tpu.vector_load %arg7[%get3A_257, %get3A_258] {strides = array<i32>} : memref<320x128xf32, #tpu.memory_space<vmem>>, vector<1x16xf32>,
            %get3A_260 = vector.shape_cast %get3A_259 : vector<1x16xf32> to vector<16xf32>
            %swap3A_261 = arith.index_cast %scan3A_218 : i32 to index
            %swap3A_262 = arith.constant 64 : index
            %swap3A_263 = tpu.vector_load %arg9[%swap3A_261, %swap3A_262] {strides = array<i32>} : memref<160x128xf32, #tpu.memory_space<vmem>>, vector<1x16xf32>,
            %swap3A_264 = vector.shape_cast %swap3A_263 : vector<1x16xf32> to vector<16xf32>
            %swap3A_265 = vector.shape_cast %get3A_260 : vector<16xf32> to vector<1x16xf32>
            tpu.vector_store %arg9[%swap3A_261, %swap3A_262], %swap3A_265 {add = true, strides = array<i32>} : memref<160x128xf32, #tpu.memory_space<vmem>>, vector<1x16xf32>,
            %get3A_266 = arith.index_cast %add3A_220 : i32 to index
            %get3A_267 = arith.constant 80 : index
            %get3A_268 = tpu.vector_load %arg7[%get3A_266, %get3A_267] {strides = array<i32>} : memref<320x128xf32, #tpu.memory_space<vmem>>, vector<1x16xf32>,
            %get3A_269 = vector.shape_cast %get3A_268 : vector<1x16xf32> to vector<16xf32>
            %swap3A_270 = arith.index_cast %scan3A_218 : i32 to index
            %swap3A_271 = arith.constant 80 : index
            %swap3A_272 = tpu.vector_load %arg9[%swap3A_270, %swap3A_271] {strides = array<i32>} : memref<160x128xf32, #tpu.memory_space<vmem>>, vector<1x16xf32>,
            %swap3A_273 = vector.shape_cast %swap3A_272 : vector<1x16xf32> to vector<16xf32>
            %swap3A_274 = vector.shape_cast %get3A_269 : vector<16xf32> to vector<1x16xf32>
            tpu.vector_store %arg9[%swap3A_270, %swap3A_271], %swap3A_274 {add = true, strides = array<i32>} : memref<160x128xf32, #tpu.memory_space<vmem>>, vector<1x16xf32>,
            %get3A_275 = arith.index_cast %add3A_220 : i32 to index
            %get3A_276 = arith.constant 96 : index
            %get3A_277 = tpu.vector_load %arg7[%get3A_275, %get3A_276] {strides = array<i32>} : memref<320x128xf32, #tpu.memory_space<vmem>>, vector<1x16xf32>,
            %get3A_278 = vector.shape_cast %get3A_277 : vector<1x16xf32> to vector<16xf32>
            %swap3A_279 = arith.index_cast %scan3A_218 : i32 to index
            %swap3A_280 = arith.constant 96 : index
            %swap3A_281 = tpu.vector_load %arg9[%swap3A_279, %swap3A_280] {strides = array<i32>} : memref<160x128xf32, #tpu.memory_space<vmem>>, vector<1x16xf32>,
            %swap3A_282 = vector.shape_cast %swap3A_281 : vector<1x16xf32> to vector<16xf32>
            %swap3A_283 = vector.shape_cast %get3A_278 : vector<16xf32> to vector<1x16xf32>
            tpu.vector_store %arg9[%swap3A_279, %swap3A_280], %swap3A_283 {add = true, strides = array<i32>} : memref<160x128xf32, #tpu.memory_space<vmem>>, vector<1x16xf32>,
            %get3A_284 = arith.index_cast %add3A_220 : i32 to index
            %get3A_285 = arith.constant 112 : index
            %get3A_286 = tpu.vector_load %arg7[%get3A_284, %get3A_285] {strides = array<i32>} : memref<320x128xf32, #tpu.memory_space<vmem>>, vector<1x16xf32>,
            %get3A_287 = vector.shape_cast %get3A_286 : vector<1x16xf32> to vector<16xf32>
            %swap3A_288 = arith.index_cast %scan3A_218 : i32 to index
            %swap3A_289 = arith.constant 112 : index
            %swap3A_290 = tpu.vector_load %arg9[%swap3A_288, %swap3A_289] {strides = array<i32>} : memref<160x128xf32, #tpu.memory_space<vmem>>, vector<1x16xf32>,
            %swap3A_291 = vector.shape_cast %swap3A_290 : vector<1x16xf32> to vector<16xf32>
            %swap3A_292 = vector.shape_cast %get3A_287 : vector<16xf32> to vector<1x16xf32>
            tpu.vector_store %arg9[%swap3A_288, %swap3A_289], %swap3A_292 {add = true, strides = array<i32>} : memref<160x128xf32, #tpu.memory_space<vmem>>, vector<1x16xf32>,
          }
          %scan3A_143 = arith.constant 160 : i32
        } else {
        }
        %eq3A_116 = arith.constant 2 : i32
        %eq3A_117 = arith.cmpi eq, %rem3A_105, %eq3A_116 : i32
        %convert_element_type3A_118 = arith.extui %eq3A_117 : i1 to i32
        %cond3A_119 = arith.constant 0 : i32
        %cond3A_120 = arith.cmpi ne, %convert_element_type3A_118, %cond3A_119 : i32
        scf.if %cond3A_120 {
          %scan3A_138 = arith.constant 0 : i32
          %scan3A_139 = arith.constant 0 : i32
          %scan3A_140 = arith.constant 160 : i32
          %scan3A_141 = arith.addi %scan3A_139, %scan3A_140 : i32
          %scan3A_142 = arith.constant 2 : i32
          scf.for %scan3A_144 = %scan3A_139 to %scan3A_141 step %scan3A_142  : i32 {
            %add3A_145 = arith.constant 120 : i32
            %add3A_146 = arith.addi %add3A_145, %scan3A_144 : i32
            %get3A = arith.index_cast %add3A_146 : i32 to index
            %get3A_147 = arith.constant 0 : index
            %get3A_148 = tpu.vector_load %arg7[%get3A, %get3A_147] {strides = array<i32>} : memref<320x128xf32, #tpu.memory_space<vmem>>, vector<1x16xf32>,
            %get3A_149 = vector.shape_cast %get3A_148 : vector<1x16xf32> to vector<16xf32>
            %swap3A = arith.index_cast %scan3A_144 : i32 to index
            %swap3A_150 = arith.constant 0 : index
            %swap3A_151 = tpu.vector_load %arg9[%swap3A, %swap3A_150] {strides = array<i32>} : memref<160x128xf32, #tpu.memory_space<vmem>>, vector<1x16xf32>,
            %swap3A_152 = vector.shape_cast %swap3A_151 : vector<1x16xf32> to vector<16xf32>
            %swap3A_153 = vector.shape_cast %get3A_149 : vector<16xf32> to vector<1x16xf32>
            tpu.vector_store %arg9[%swap3A, %swap3A_150], %swap3A_153 {add = true, strides = array<i32>} : memref<160x128xf32, #tpu.memory_space<vmem>>, vector<1x16xf32>,
            %get3A_154 = arith.index_cast %add3A_146 : i32 to index
            %get3A_155 = arith.constant 16 : index
            %get3A_156 = tpu.vector_load %arg7[%get3A_154, %get3A_155] {strides = array<i32>} : memref<320x128xf32, #tpu.memory_space<vmem>>, vector<1x16xf32>,
            %get3A_157 = vector.shape_cast %get3A_156 : vector<1x16xf32> to vector<16xf32>
            %swap3A_158 = arith.index_cast %scan3A_144 : i32 to index
            %swap3A_159 = arith.constant 16 : index
            %swap3A_160 = tpu.vector_load %arg9[%swap3A_158, %swap3A_159] {strides = array<i32>} : memref<160x128xf32, #tpu.memory_space<vmem>>, vector<1x16xf32>,
            %swap3A_161 = vector.shape_cast %swap3A_160 : vector<1x16xf32> to vector<16xf32>
            %swap3A_162 = vector.shape_cast %get3A_157 : vector<16xf32> to vector<1x16xf32>
            tpu.vector_store %arg9[%swap3A_158, %swap3A_159], %swap3A_162 {add = true, strides = array<i32>} : memref<160x128xf32, #tpu.memory_space<vmem>>, vector<1x16xf32>,
            %get3A_163 = arith.index_cast %add3A_146 : i32 to index
            %get3A_164 = arith.constant 32 : index
            %get3A_165 = tpu.vector_load %arg7[%get3A_163, %get3A_164] {strides = array<i32>} : memref<320x128xf32, #tpu.memory_space<vmem>>, vector<1x16xf32>,
            %get3A_166 = vector.shape_cast %get3A_165 : vector<1x16xf32> to vector<16xf32>
            %swap3A_167 = arith.index_cast %scan3A_144 : i32 to index
            %swap3A_168 = arith.constant 32 : index
            %swap3A_169 = tpu.vector_load %arg9[%swap3A_167, %swap3A_168] {strides = array<i32>} : memref<160x128xf32, #tpu.memory_space<vmem>>, vector<1x16xf32>,
            %swap3A_170 = vector.shape_cast %swap3A_169 : vector<1x16xf32> to vector<16xf32>
            %swap3A_171 = vector.shape_cast %get3A_166 : vector<16xf32> to vector<1x16xf32>
            tpu.vector_store %arg9[%swap3A_167, %swap3A_168], %swap3A_171 {add = true, strides = array<i32>} : memref<160x128xf32, #tpu.memory_space<vmem>>, vector<1x16xf32>,
            %get3A_172 = arith.index_cast %add3A_146 : i32 to index
            %get3A_173 = arith.constant 48 : index
            %get3A_174 = tpu.vector_load %arg7[%get3A_172, %get3A_173] {strides = array<i32>} : memref<320x128xf32, #tpu.memory_space<vmem>>, vector<1x16xf32>,
            %get3A_175 = vector.shape_cast %get3A_174 : vector<1x16xf32> to vector<16xf32>
            %swap3A_176 = arith.index_cast %scan3A_144 : i32 to index
            %swap3A_177 = arith.constant 48 : index
            %swap3A_178 = tpu.vector_load %arg9[%swap3A_176, %swap3A_177] {strides = array<i32>} : memref<160x128xf32, #tpu.memory_space<vmem>>, vector<1x16xf32>,
            %swap3A_179 = vector.shape_cast %swap3A_178 : vector<1x16xf32> to vector<16xf32>
            %swap3A_180 = vector.shape_cast %get3A_175 : vector<16xf32> to vector<1x16xf32>
            tpu.vector_store %arg9[%swap3A_176, %swap3A_177], %swap3A_180 {add = true, strides = array<i32>} : memref<160x128xf32, #tpu.memory_space<vmem>>, vector<1x16xf32>,
            %get3A_181 = arith.index_cast %add3A_146 : i32 to index
            %get3A_182 = arith.constant 64 : index
            %get3A_183 = tpu.vector_load %arg7[%get3A_181, %get3A_182] {strides = array<i32>} : memref<320x128xf32, #tpu.memory_space<vmem>>, vector<1x16xf32>,
            %get3A_184 = vector.shape_cast %get3A_183 : vector<1x16xf32> to vector<16xf32>
            %swap3A_185 = arith.index_cast %scan3A_144 : i32 to index
            %swap3A_186 = arith.constant 64 : index
            %swap3A_187 = tpu.vector_load %arg9[%swap3A_185, %swap3A_186] {strides = array<i32>} : memref<160x128xf32, #tpu.memory_space<vmem>>, vector<1x16xf32>,
            %swap3A_188 = vector.shape_cast %swap3A_187 : vector<1x16xf32> to vector<16xf32>
            %swap3A_189 = vector.shape_cast %get3A_184 : vector<16xf32> to vector<1x16xf32>
            tpu.vector_store %arg9[%swap3A_185, %swap3A_186], %swap3A_189 {add = true, strides = array<i32>} : memref<160x128xf32, #tpu.memory_space<vmem>>, vector<1x16xf32>,
            %get3A_190 = arith.index_cast %add3A_146 : i32 to index
            %get3A_191 = arith.constant 80 : index
            %get3A_192 = tpu.vector_load %arg7[%get3A_190, %get3A_191] {strides = array<i32>} : memref<320x128xf32, #tpu.memory_space<vmem>>, vector<1x16xf32>,
            %get3A_193 = vector.shape_cast %get3A_192 : vector<1x16xf32> to vector<16xf32>
            %swap3A_194 = arith.index_cast %scan3A_144 : i32 to index
            %swap3A_195 = arith.constant 80 : index
            %swap3A_196 = tpu.vector_load %arg9[%swap3A_194, %swap3A_195] {strides = array<i32>} : memref<160x128xf32, #tpu.memory_space<vmem>>, vector<1x16xf32>,
            %swap3A_197 = vector.shape_cast %swap3A_196 : vector<1x16xf32> to vector<16xf32>
            %swap3A_198 = vector.shape_cast %get3A_193 : vector<16xf32> to vector<1x16xf32>
            tpu.vector_store %arg9[%swap3A_194, %swap3A_195], %swap3A_198 {add = true, strides = array<i32>} : memref<160x128xf32, #tpu.memory_space<vmem>>, vector<1x16xf32>,
            %get3A_199 = arith.index_cast %add3A_146 : i32 to index
            %get3A_200 = arith.constant 96 : index
            %get3A_201 = tpu.vector_load %arg7[%get3A_199, %get3A_200] {strides = array<i32>} : memref<320x128xf32, #tpu.memory_space<vmem>>, vector<1x16xf32>,
            %get3A_202 = vector.shape_cast %get3A_201 : vector<1x16xf32> to vector<16xf32>
            %swap3A_203 = arith.index_cast %scan3A_144 : i32 to index
            %swap3A_204 = arith.constant 96 : index
            %swap3A_205 = tpu.vector_load %arg9[%swap3A_203, %swap3A_204] {strides = array<i32>} : memref<160x128xf32, #tpu.memory_space<vmem>>, vector<1x16xf32>,
            %swap3A_206 = vector.shape_cast %swap3A_205 : vector<1x16xf32> to vector<16xf32>
            %swap3A_207 = vector.shape_cast %get3A_202 : vector<16xf32> to vector<1x16xf32>
            tpu.vector_store %arg9[%swap3A_203, %swap3A_204], %swap3A_207 {add = true, strides = array<i32>} : memref<160x128xf32, #tpu.memory_space<vmem>>, vector<1x16xf32>,
            %get3A_208 = arith.index_cast %add3A_146 : i32 to index
            %get3A_209 = arith.constant 112 : index
            %get3A_210 = tpu.vector_load %arg7[%get3A_208, %get3A_209] {strides = array<i32>} : memref<320x128xf32, #tpu.memory_space<vmem>>, vector<1x16xf32>,
            %get3A_211 = vector.shape_cast %get3A_210 : vector<1x16xf32> to vector<16xf32>
            %swap3A_212 = arith.index_cast %scan3A_144 : i32 to index
            %swap3A_213 = arith.constant 112 : index
            %swap3A_214 = tpu.vector_load %arg9[%swap3A_212, %swap3A_213] {strides = array<i32>} : memref<160x128xf32, #tpu.memory_space<vmem>>, vector<1x16xf32>,
            %swap3A_215 = vector.shape_cast %swap3A_214 : vector<1x16xf32> to vector<16xf32>
            %swap3A_216 = vector.shape_cast %get3A_211 : vector<16xf32> to vector<1x16xf32>
            tpu.vector_store %arg9[%swap3A_212, %swap3A_213], %swap3A_216 {add = true, strides = array<i32>} : memref<160x128xf32, #tpu.memory_space<vmem>>, vector<1x16xf32>,
            %scan3A_217 = arith.constant 1 : i32
            %scan3A_218 = arith.addi %scan3A_144, %scan3A_217 : i32
            %add3A_219 = arith.constant 120 : i32
            %add3A_220 = arith.addi %add3A_219, %scan3A_218 : i32
            %get3A_221 = arith.index_cast %add3A_220 : i32 to index
            %get3A_222 = arith.constant 0 : index
            %get3A_223 = tpu.vector_load %arg7[%get3A_221, %get3A_222] {strides = array<i32>} : memref<320x128xf32, #tpu.memory_space<vmem>>, vector<1x16xf32>,
            %get3A_224 = vector.shape_cast %get3A_223 : vector<1x16xf32> to vector<16xf32>
            %swap3A_225 = arith.index_cast %scan3A_218 : i32 to index
            %swap3A_226 = arith.constant 0 : index
            %swap3A_227 = tpu.vector_load %arg9[%swap3A_225, %swap3A_226] {strides = array<i32>} : memref<160x128xf32, #tpu.memory_space<vmem>>, vector<1x16xf32>,
            %swap3A_228 = vector.shape_cast %swap3A_227 : vector<1x16xf32> to vector<16xf32>
            %swap3A_229 = vector.shape_cast %get3A_224 : vector<16xf32> to vector<1x16xf32>
            tpu.vector_store %arg9[%swap3A_225, %swap3A_226], %swap3A_229 {add = true, strides = array<i32>} : memref<160x128xf32, #tpu.memory_space<vmem>>, vector<1x16xf32>,
            %get3A_230 = arith.index_cast %add3A_220 : i32 to index
            %get3A_231 = arith.constant 16 : index
            %get3A_232 = tpu.vector_load %arg7[%get3A_230, %get3A_231] {strides = array<i32>} : memref<320x128xf32, #tpu.memory_space<vmem>>, vector<1x16xf32>,
            %get3A_233 = vector.shape_cast %get3A_232 : vector<1x16xf32> to vector<16xf32>
            %swap3A_234 = arith.index_cast %scan3A_218 : i32 to index
            %swap3A_235 = arith.constant 16 : index
            %swap3A_236 = tpu.vector_load %arg9[%swap3A_234, %swap3A_235] {strides = array<i32>} : memref<160x128xf32, #tpu.memory_space<vmem>>, vector<1x16xf32>,
            %swap3A_237 = vector.shape_cast %swap3A_236 : vector<1x16xf32> to vector<16xf32>
            %swap3A_238 = vector.shape_cast %get3A_233 : vector<16xf32> to vector<1x16xf32>
            tpu.vector_store %arg9[%swap3A_234, %swap3A_235], %swap3A_238 {add = true, strides = array<i32>} : memref<160x128xf32, #tpu.memory_space<vmem>>, vector<1x16xf32>,
            %get3A_239 = arith.index_cast %add3A_220 : i32 to index
            %get3A_240 = arith.constant 32 : index
            %get3A_241 = tpu.vector_load %arg7[%get3A_239, %get3A_240] {strides = array<i32>} : memref<320x128xf32, #tpu.memory_space<vmem>>, vector<1x16xf32>,
            %get3A_242 = vector.shape_cast %get3A_241 : vector<1x16xf32> to vector<16xf32>
            %swap3A_243 = arith.index_cast %scan3A_218 : i32 to index
            %swap3A_244 = arith.constant 32 : index
            %swap3A_245 = tpu.vector_load %arg9[%swap3A_243, %swap3A_244] {strides = array<i32>} : memref<160x128xf32, #tpu.memory_space<vmem>>, vector<1x16xf32>,
            %swap3A_246 = vector.shape_cast %swap3A_245 : vector<1x16xf32> to vector<16xf32>
            %swap3A_247 = vector.shape_cast %get3A_242 : vector<16xf32> to vector<1x16xf32>
            tpu.vector_store %arg9[%swap3A_243, %swap3A_244], %swap3A_247 {add = true, strides = array<i32>} : memref<160x128xf32, #tpu.memory_space<vmem>>, vector<1x16xf32>,
            %get3A_248 = arith.index_cast %add3A_220 : i32 to index
            %get3A_249 = arith.constant 48 : index
            %get3A_250 = tpu.vector_load %arg7[%get3A_248, %get3A_249] {strides = array<i32>} : memref<320x128xf32, #tpu.memory_space<vmem>>, vector<1x16xf32>,
            %get3A_251 = vector.shape_cast %get3A_250 : vector<1x16xf32> to vector<16xf32>
            %swap3A_252 = arith.index_cast %scan3A_218 : i32 to index
            %swap3A_253 = arith.constant 48 : index
            %swap3A_254 = tpu.vector_load %arg9[%swap3A_252, %swap3A_253] {strides = array<i32>} : memref<160x128xf32, #tpu.memory_space<vmem>>, vector<1x16xf32>,
            %swap3A_255 = vector.shape_cast %swap3A_254 : vector<1x16xf32> to vector<16xf32>
            %swap3A_256 = vector.shape_cast %get3A_251 : vector<16xf32> to vector<1x16xf32>
            tpu.vector_store %arg9[%swap3A_252, %swap3A_253], %swap3A_256 {add = true, strides = array<i32>} : memref<160x128xf32, #tpu.memory_space<vmem>>, vector<1x16xf32>,
            %get3A_257 = arith.index_cast %add3A_220 : i32 to index
            %get3A_258 = arith.constant 64 : index
            %get3A_259 = tpu.vector_load %arg7[%get3A_257, %get3A_258] {strides = array<i32>} : memref<320x128xf32, #tpu.memory_space<vmem>>, vector<1x16xf32>,
            %get3A_260 = vector.shape_cast %get3A_259 : vector<1x16xf32> to vector<16xf32>
            %swap3A_261 = arith.index_cast %scan3A_218 : i32 to index
            %swap3A_262 = arith.constant 64 : index
            %swap3A_263 = tpu.vector_load %arg9[%swap3A_261, %swap3A_262] {strides = array<i32>} : memref<160x128xf32, #tpu.memory_space<vmem>>, vector<1x16xf32>,
            %swap3A_264 = vector.shape_cast %swap3A_263 : vector<1x16xf32> to vector<16xf32>
            %swap3A_265 = vector.shape_cast %get3A_260 : vector<16xf32> to vector<1x16xf32>
            tpu.vector_store %arg9[%swap3A_261, %swap3A_262], %swap3A_265 {add = true, strides = array<i32>} : memref<160x128xf32, #tpu.memory_space<vmem>>, vector<1x16xf32>,
            %get3A_266 = arith.index_cast %add3A_220 : i32 to index
            %get3A_267 = arith.constant 80 : index
            %get3A_268 = tpu.vector_load %arg7[%get3A_266, %get3A_267] {strides = array<i32>} : memref<320x128xf32, #tpu.memory_space<vmem>>, vector<1x16xf32>,
            %get3A_269 = vector.shape_cast %get3A_268 : vector<1x16xf32> to vector<16xf32>
            %swap3A_270 = arith.index_cast %scan3A_218 : i32 to index
            %swap3A_271 = arith.constant 80 : index
            %swap3A_272 = tpu.vector_load %arg9[%swap3A_270, %swap3A_271] {strides = array<i32>} : memref<160x128xf32, #tpu.memory_space<vmem>>, vector<1x16xf32>,
            %swap3A_273 = vector.shape_cast %swap3A_272 : vector<1x16xf32> to vector<16xf32>
            %swap3A_274 = vector.shape_cast %get3A_269 : vector<16xf32> to vector<1x16xf32>
            tpu.vector_store %arg9[%swap3A_270, %swap3A_271], %swap3A_274 {add = true, strides = array<i32>} : memref<160x128xf32, #tpu.memory_space<vmem>>, vector<1x16xf32>,
            %get3A_275 = arith.index_cast %add3A_220 : i32 to index
            %get3A_276 = arith.constant 96 : index
            %get3A_277 = tpu.vector_load %arg7[%get3A_275, %get3A_276] {strides = array<i32>} : memref<320x128xf32, #tpu.memory_space<vmem>>, vector<1x16xf32>,
            %get3A_278 = vector.shape_cast %get3A_277 : vector<1x16xf32> to vector<16xf32>
            %swap3A_279 = arith.index_cast %scan3A_218 : i32 to index
            %swap3A_280 = arith.constant 96 : index
            %swap3A_281 = tpu.vector_load %arg9[%swap3A_279, %swap3A_280] {strides = array<i32>} : memref<160x128xf32, #tpu.memory_space<vmem>>, vector<1x16xf32>,
            %swap3A_282 = vector.shape_cast %swap3A_281 : vector<1x16xf32> to vector<16xf32>
            %swap3A_283 = vector.shape_cast %get3A_278 : vector<16xf32> to vector<1x16xf32>
            tpu.vector_store %arg9[%swap3A_279, %swap3A_280], %swap3A_283 {add = true, strides = array<i32>} : memref<160x128xf32, #tpu.memory_space<vmem>>, vector<1x16xf32>,
            %get3A_284 = arith.index_cast %add3A_220 : i32 to index
            %get3A_285 = arith.constant 112 : index
            %get3A_286 = tpu.vector_load %arg7[%get3A_284, %get3A_285] {strides = array<i32>} : memref<320x128xf32, #tpu.memory_space<vmem>>, vector<1x16xf32>,
            %get3A_287 = vector.shape_cast %get3A_286 : vector<1x16xf32> to vector<16xf32>
            %swap3A_288 = arith.index_cast %scan3A_218 : i32 to index
            %swap3A_289 = arith.constant 112 : index
            %swap3A_290 = tpu.vector_load %arg9[%swap3A_288, %swap3A_289] {strides = array<i32>} : memref<160x128xf32, #tpu.memory_space<vmem>>, vector<1x16xf32>,
            %swap3A_291 = vector.shape_cast %swap3A_290 : vector<1x16xf32> to vector<16xf32>
            %swap3A_292 = vector.shape_cast %get3A_287 : vector<16xf32> to vector<1x16xf32>
            tpu.vector_store %arg9[%swap3A_288, %swap3A_289], %swap3A_292 {add = true, strides = array<i32>} : memref<160x128xf32, #tpu.memory_space<vmem>>, vector<1x16xf32>,
          }
          %scan3A_143 = arith.constant 160 : i32
        } else {
        }
        %eq3A_121 = arith.constant 3 : i32
        %eq3A_122 = arith.cmpi eq, %rem3A_105, %eq3A_121 : i32
        %convert_element_type3A_123 = arith.extui %eq3A_122 : i1 to i32
        %cond3A_124 = arith.constant 0 : i32
        %cond3A_125 = arith.cmpi ne, %convert_element_type3A_123, %cond3A_124 : i32
        scf.if %cond3A_125 {
          %scan3A_138 = arith.constant 0 : i32
          %scan3A_139 = arith.constant 0 : i32
          %scan3A_140 = arith.constant 160 : i32
          %scan3A_141 = arith.addi %scan3A_139, %scan3A_140 : i32
          %scan3A_142 = arith.constant 2 : i32
          scf.for %scan3A_144 = %scan3A_139 to %scan3A_141 step %scan3A_142  : i32 {
            %add3A_145 = arith.constant 80 : i32
            %add3A_146 = arith.addi %add3A_145, %scan3A_144 : i32
            %get3A = arith.index_cast %add3A_146 : i32 to index
            %get3A_147 = arith.constant 0 : index
            %get3A_148 = tpu.vector_load %arg7[%get3A, %get3A_147] {strides = array<i32>} : memref<320x128xf32, #tpu.memory_space<vmem>>, vector<1x16xf32>,
            %get3A_149 = vector.shape_cast %get3A_148 : vector<1x16xf32> to vector<16xf32>
            %swap3A = arith.index_cast %scan3A_144 : i32 to index
            %swap3A_150 = arith.constant 0 : index
            %swap3A_151 = tpu.vector_load %arg9[%swap3A, %swap3A_150] {strides = array<i32>} : memref<160x128xf32, #tpu.memory_space<vmem>>, vector<1x16xf32>,
            %swap3A_152 = vector.shape_cast %swap3A_151 : vector<1x16xf32> to vector<16xf32>
            %swap3A_153 = vector.shape_cast %get3A_149 : vector<16xf32> to vector<1x16xf32>
            tpu.vector_store %arg9[%swap3A, %swap3A_150], %swap3A_153 {add = true, strides = array<i32>} : memref<160x128xf32, #tpu.memory_space<vmem>>, vector<1x16xf32>,
            %get3A_154 = arith.index_cast %add3A_146 : i32 to index
            %get3A_155 = arith.constant 16 : index
            %get3A_156 = tpu.vector_load %arg7[%get3A_154, %get3A_155] {strides = array<i32>} : memref<320x128xf32, #tpu.memory_space<vmem>>, vector<1x16xf32>,
            %get3A_157 = vector.shape_cast %get3A_156 : vector<1x16xf32> to vector<16xf32>
            %swap3A_158 = arith.index_cast %scan3A_144 : i32 to index
            %swap3A_159 = arith.constant 16 : index
            %swap3A_160 = tpu.vector_load %arg9[%swap3A_158, %swap3A_159] {strides = array<i32>} : memref<160x128xf32, #tpu.memory_space<vmem>>, vector<1x16xf32>,
            %swap3A_161 = vector.shape_cast %swap3A_160 : vector<1x16xf32> to vector<16xf32>
            %swap3A_162 = vector.shape_cast %get3A_157 : vector<16xf32> to vector<1x16xf32>
            tpu.vector_store %arg9[%swap3A_158, %swap3A_159], %swap3A_162 {add = true, strides = array<i32>} : memref<160x128xf32, #tpu.memory_space<vmem>>, vector<1x16xf32>,
            %get3A_163 = arith.index_cast %add3A_146 : i32 to index
            %get3A_164 = arith.constant 32 : index
            %get3A_165 = tpu.vector_load %arg7[%get3A_163, %get3A_164] {strides = array<i32>} : memref<320x128xf32, #tpu.memory_space<vmem>>, vector<1x16xf32>,
            %get3A_166 = vector.shape_cast %get3A_165 : vector<1x16xf32> to vector<16xf32>
            %swap3A_167 = arith.index_cast %scan3A_144 : i32 to index
            %swap3A_168 = arith.constant 32 : index
            %swap3A_169 = tpu.vector_load %arg9[%swap3A_167, %swap3A_168] {strides = array<i32>} : memref<160x128xf32, #tpu.memory_space<vmem>>, vector<1x16xf32>,
            %swap3A_170 = vector.shape_cast %swap3A_169 : vector<1x16xf32> to vector<16xf32>
            %swap3A_171 = vector.shape_cast %get3A_166 : vector<16xf32> to vector<1x16xf32>
            tpu.vector_store %arg9[%swap3A_167, %swap3A_168], %swap3A_171 {add = true, strides = array<i32>} : memref<160x128xf32, #tpu.memory_space<vmem>>, vector<1x16xf32>,
            %get3A_172 = arith.index_cast %add3A_146 : i32 to index
            %get3A_173 = arith.constant 48 : index
            %get3A_174 = tpu.vector_load %arg7[%get3A_172, %get3A_173] {strides = array<i32>} : memref<320x128xf32, #tpu.memory_space<vmem>>, vector<1x16xf32>,
            %get3A_175 = vector.shape_cast %get3A_174 : vector<1x16xf32> to vector<16xf32>
            %swap3A_176 = arith.index_cast %scan3A_144 : i32 to index
            %swap3A_177 = arith.constant 48 : index
            %swap3A_178 = tpu.vector_load %arg9[%swap3A_176, %swap3A_177] {strides = array<i32>} : memref<160x128xf32, #tpu.memory_space<vmem>>, vector<1x16xf32>,
            %swap3A_179 = vector.shape_cast %swap3A_178 : vector<1x16xf32> to vector<16xf32>
            %swap3A_180 = vector.shape_cast %get3A_175 : vector<16xf32> to vector<1x16xf32>
            tpu.vector_store %arg9[%swap3A_176, %swap3A_177], %swap3A_180 {add = true, strides = array<i32>} : memref<160x128xf32, #tpu.memory_space<vmem>>, vector<1x16xf32>,
            %get3A_181 = arith.index_cast %add3A_146 : i32 to index
            %get3A_182 = arith.constant 64 : index
            %get3A_183 = tpu.vector_load %arg7[%get3A_181, %get3A_182] {strides = array<i32>} : memref<320x128xf32, #tpu.memory_space<vmem>>, vector<1x16xf32>,
            %get3A_184 = vector.shape_cast %get3A_183 : vector<1x16xf32> to vector<16xf32>
            %swap3A_185 = arith.index_cast %scan3A_144 : i32 to index
            %swap3A_186 = arith.constant 64 : index
            %swap3A_187 = tpu.vector_load %arg9[%swap3A_185, %swap3A_186] {strides = array<i32>} : memref<160x128xf32, #tpu.memory_space<vmem>>, vector<1x16xf32>,
            %swap3A_188 = vector.shape_cast %swap3A_187 : vector<1x16xf32> to vector<16xf32>
            %swap3A_189 = vector.shape_cast %get3A_184 : vector<16xf32> to vector<1x16xf32>
            tpu.vector_store %arg9[%swap3A_185, %swap3A_186], %swap3A_189 {add = true, strides = array<i32>} : memref<160x128xf32, #tpu.memory_space<vmem>>, vector<1x16xf32>,
            %get3A_190 = arith.index_cast %add3A_146 : i32 to index
            %get3A_191 = arith.constant 80 : index
            %get3A_192 = tpu.vector_load %arg7[%get3A_190, %get3A_191] {strides = array<i32>} : memref<320x128xf32, #tpu.memory_space<vmem>>, vector<1x16xf32>,
            %get3A_193 = vector.shape_cast %get3A_192 : vector<1x16xf32> to vector<16xf32>
            %swap3A_194 = arith.index_cast %scan3A_144 : i32 to index
            %swap3A_195 = arith.constant 80 : index
            %swap3A_196 = tpu.vector_load %arg9[%swap3A_194, %swap3A_195] {strides = array<i32>} : memref<160x128xf32, #tpu.memory_space<vmem>>, vector<1x16xf32>,
            %swap3A_197 = vector.shape_cast %swap3A_196 : vector<1x16xf32> to vector<16xf32>
            %swap3A_198 = vector.shape_cast %get3A_193 : vector<16xf32> to vector<1x16xf32>
            tpu.vector_store %arg9[%swap3A_194, %swap3A_195], %swap3A_198 {add = true, strides = array<i32>} : memref<160x128xf32, #tpu.memory_space<vmem>>, vector<1x16xf32>,
            %get3A_199 = arith.index_cast %add3A_146 : i32 to index
            %get3A_200 = arith.constant 96 : index
            %get3A_201 = tpu.vector_load %arg7[%get3A_199, %get3A_200] {strides = array<i32>} : memref<320x128xf32, #tpu.memory_space<vmem>>, vector<1x16xf32>,
            %get3A_202 = vector.shape_cast %get3A_201 : vector<1x16xf32> to vector<16xf32>
            %swap3A_203 = arith.index_cast %scan3A_144 : i32 to index
            %swap3A_204 = arith.constant 96 : index
            %swap3A_205 = tpu.vector_load %arg9[%swap3A_203, %swap3A_204] {strides = array<i32>} : memref<160x128xf32, #tpu.memory_space<vmem>>, vector<1x16xf32>,
            %swap3A_206 = vector.shape_cast %swap3A_205 : vector<1x16xf32> to vector<16xf32>
            %swap3A_207 = vector.shape_cast %get3A_202 : vector<16xf32> to vector<1x16xf32>
            tpu.vector_store %arg9[%swap3A_203, %swap3A_204], %swap3A_207 {add = true, strides = array<i32>} : memref<160x128xf32, #tpu.memory_space<vmem>>, vector<1x16xf32>,
            %get3A_208 = arith.index_cast %add3A_146 : i32 to index
            %get3A_209 = arith.constant 112 : index
            %get3A_210 = tpu.vector_load %arg7[%get3A_208, %get3A_209] {strides = array<i32>} : memref<320x128xf32, #tpu.memory_space<vmem>>, vector<1x16xf32>,
            %get3A_211 = vector.shape_cast %get3A_210 : vector<1x16xf32> to vector<16xf32>
            %swap3A_212 = arith.index_cast %scan3A_144 : i32 to index
            %swap3A_213 = arith.constant 112 : index
            %swap3A_214 = tpu.vector_load %arg9[%swap3A_212, %swap3A_213] {strides = array<i32>} : memref<160x128xf32, #tpu.memory_space<vmem>>, vector<1x16xf32>,
            %swap3A_215 = vector.shape_cast %swap3A_214 : vector<1x16xf32> to vector<16xf32>
            %swap3A_216 = vector.shape_cast %get3A_211 : vector<16xf32> to vector<1x16xf32>
            tpu.vector_store %arg9[%swap3A_212, %swap3A_213], %swap3A_216 {add = true, strides = array<i32>} : memref<160x128xf32, #tpu.memory_space<vmem>>, vector<1x16xf32>,
            %scan3A_217 = arith.constant 1 : i32
            %scan3A_218 = arith.addi %scan3A_144, %scan3A_217 : i32
            %add3A_219 = arith.constant 80 : i32
            %add3A_220 = arith.addi %add3A_219, %scan3A_218 : i32
            %get3A_221 = arith.index_cast %add3A_220 : i32 to index
            %get3A_222 = arith.constant 0 : index
            %get3A_223 = tpu.vector_load %arg7[%get3A_221, %get3A_222] {strides = array<i32>} : memref<320x128xf32, #tpu.memory_space<vmem>>, vector<1x16xf32>,
            %get3A_224 = vector.shape_cast %get3A_223 : vector<1x16xf32> to vector<16xf32>
            %swap3A_225 = arith.index_cast %scan3A_218 : i32 to index
            %swap3A_226 = arith.constant 0 : index
            %swap3A_227 = tpu.vector_load %arg9[%swap3A_225, %swap3A_226] {strides = array<i32>} : memref<160x128xf32, #tpu.memory_space<vmem>>, vector<1x16xf32>,
            %swap3A_228 = vector.shape_cast %swap3A_227 : vector<1x16xf32> to vector<16xf32>
            %swap3A_229 = vector.shape_cast %get3A_224 : vector<16xf32> to vector<1x16xf32>
            tpu.vector_store %arg9[%swap3A_225, %swap3A_226], %swap3A_229 {add = true, strides = array<i32>} : memref<160x128xf32, #tpu.memory_space<vmem>>, vector<1x16xf32>,
            %get3A_230 = arith.index_cast %add3A_220 : i32 to index
            %get3A_231 = arith.constant 16 : index
            %get3A_232 = tpu.vector_load %arg7[%get3A_230, %get3A_231] {strides = array<i32>} : memref<320x128xf32, #tpu.memory_space<vmem>>, vector<1x16xf32>,
            %get3A_233 = vector.shape_cast %get3A_232 : vector<1x16xf32> to vector<16xf32>
            %swap3A_234 = arith.index_cast %scan3A_218 : i32 to index
            %swap3A_235 = arith.constant 16 : index
            %swap3A_236 = tpu.vector_load %arg9[%swap3A_234, %swap3A_235] {strides = array<i32>} : memref<160x128xf32, #tpu.memory_space<vmem>>, vector<1x16xf32>,
            %swap3A_237 = vector.shape_cast %swap3A_236 : vector<1x16xf32> to vector<16xf32>
            %swap3A_238 = vector.shape_cast %get3A_233 : vector<16xf32> to vector<1x16xf32>
            tpu.vector_store %arg9[%swap3A_234, %swap3A_235], %swap3A_238 {add = true, strides = array<i32>} : memref<160x128xf32, #tpu.memory_space<vmem>>, vector<1x16xf32>,
            %get3A_239 = arith.index_cast %add3A_220 : i32 to index
            %get3A_240 = arith.constant 32 : index
            %get3A_241 = tpu.vector_load %arg7[%get3A_239, %get3A_240] {strides = array<i32>} : memref<320x128xf32, #tpu.memory_space<vmem>>, vector<1x16xf32>,
            %get3A_242 = vector.shape_cast %get3A_241 : vector<1x16xf32> to vector<16xf32>
            %swap3A_243 = arith.index_cast %scan3A_218 : i32 to index
            %swap3A_244 = arith.constant 32 : index
            %swap3A_245 = tpu.vector_load %arg9[%swap3A_243, %swap3A_244] {strides = array<i32>} : memref<160x128xf32, #tpu.memory_space<vmem>>, vector<1x16xf32>,
            %swap3A_246 = vector.shape_cast %swap3A_245 : vector<1x16xf32> to vector<16xf32>
            %swap3A_247 = vector.shape_cast %get3A_242 : vector<16xf32> to vector<1x16xf32>
            tpu.vector_store %arg9[%swap3A_243, %swap3A_244], %swap3A_247 {add = true, strides = array<i32>} : memref<160x128xf32, #tpu.memory_space<vmem>>, vector<1x16xf32>,
            %get3A_248 = arith.index_cast %add3A_220 : i32 to index
            %get3A_249 = arith.constant 48 : index
            %get3A_250 = tpu.vector_load %arg7[%get3A_248, %get3A_249] {strides = array<i32>} : memref<320x128xf32, #tpu.memory_space<vmem>>, vector<1x16xf32>,
            %get3A_251 = vector.shape_cast %get3A_250 : vector<1x16xf32> to vector<16xf32>
            %swap3A_252 = arith.index_cast %scan3A_218 : i32 to index
            %swap3A_253 = arith.constant 48 : index
            %swap3A_254 = tpu.vector_load %arg9[%swap3A_252, %swap3A_253] {strides = array<i32>} : memref<160x128xf32, #tpu.memory_space<vmem>>, vector<1x16xf32>,
            %swap3A_255 = vector.shape_cast %swap3A_254 : vector<1x16xf32> to vector<16xf32>
            %swap3A_256 = vector.shape_cast %get3A_251 : vector<16xf32> to vector<1x16xf32>
            tpu.vector_store %arg9[%swap3A_252, %swap3A_253], %swap3A_256 {add = true, strides = array<i32>} : memref<160x128xf32, #tpu.memory_space<vmem>>, vector<1x16xf32>,
            %get3A_257 = arith.index_cast %add3A_220 : i32 to index
            %get3A_258 = arith.constant 64 : index
            %get3A_259 = tpu.vector_load %arg7[%get3A_257, %get3A_258] {strides = array<i32>} : memref<320x128xf32, #tpu.memory_space<vmem>>, vector<1x16xf32>,
            %get3A_260 = vector.shape_cast %get3A_259 : vector<1x16xf32> to vector<16xf32>
            %swap3A_261 = arith.index_cast %scan3A_218 : i32 to index
            %swap3A_262 = arith.constant 64 : index
            %swap3A_263 = tpu.vector_load %arg9[%swap3A_261, %swap3A_262] {strides = array<i32>} : memref<160x128xf32, #tpu.memory_space<vmem>>, vector<1x16xf32>,
            %swap3A_264 = vector.shape_cast %swap3A_263 : vector<1x16xf32> to vector<16xf32>
            %swap3A_265 = vector.shape_cast %get3A_260 : vector<16xf32> to vector<1x16xf32>
            tpu.vector_store %arg9[%swap3A_261, %swap3A_262], %swap3A_265 {add = true, strides = array<i32>} : memref<160x128xf32, #tpu.memory_space<vmem>>, vector<1x16xf32>,
            %get3A_266 = arith.index_cast %add3A_220 : i32 to index
            %get3A_267 = arith.constant 80 : index
            %get3A_268 = tpu.vector_load %arg7[%get3A_266, %get3A_267] {strides = array<i32>} : memref<320x128xf32, #tpu.memory_space<vmem>>, vector<1x16xf32>,
            %get3A_269 = vector.shape_cast %get3A_268 : vector<1x16xf32> to vector<16xf32>
            %swap3A_270 = arith.index_cast %scan3A_218 : i32 to index
            %swap3A_271 = arith.constant 80 : index
            %swap3A_272 = tpu.vector_load %arg9[%swap3A_270, %swap3A_271] {strides = array<i32>} : memref<160x128xf32, #tpu.memory_space<vmem>>, vector<1x16xf32>,
            %swap3A_273 = vector.shape_cast %swap3A_272 : vector<1x16xf32> to vector<16xf32>
            %swap3A_274 = vector.shape_cast %get3A_269 : vector<16xf32> to vector<1x16xf32>
            tpu.vector_store %arg9[%swap3A_270, %swap3A_271], %swap3A_274 {add = true, strides = array<i32>} : memref<160x128xf32, #tpu.memory_space<vmem>>, vector<1x16xf32>,
            %get3A_275 = arith.index_cast %add3A_220 : i32 to index
            %get3A_276 = arith.constant 96 : index
            %get3A_277 = tpu.vector_load %arg7[%get3A_275, %get3A_276] {strides = array<i32>} : memref<320x128xf32, #tpu.memory_space<vmem>>, vector<1x16xf32>,
            %get3A_278 = vector.shape_cast %get3A_277 : vector<1x16xf32> to vector<16xf32>
            %swap3A_279 = arith.index_cast %scan3A_218 : i32 to index
            %swap3A_280 = arith.constant 96 : index
            %swap3A_281 = tpu.vector_load %arg9[%swap3A_279, %swap3A_280] {strides = array<i32>} : memref<160x128xf32, #tpu.memory_space<vmem>>, vector<1x16xf32>,
            %swap3A_282 = vector.shape_cast %swap3A_281 : vector<1x16xf32> to vector<16xf32>
            %swap3A_283 = vector.shape_cast %get3A_278 : vector<16xf32> to vector<1x16xf32>
            tpu.vector_store %arg9[%swap3A_279, %swap3A_280], %swap3A_283 {add = true, strides = array<i32>} : memref<160x128xf32, #tpu.memory_space<vmem>>, vector<1x16xf32>,
            %get3A_284 = arith.index_cast %add3A_220 : i32 to index
            %get3A_285 = arith.constant 112 : index
            %get3A_286 = tpu.vector_load %arg7[%get3A_284, %get3A_285] {strides = array<i32>} : memref<320x128xf32, #tpu.memory_space<vmem>>, vector<1x16xf32>,
            %get3A_287 = vector.shape_cast %get3A_286 : vector<1x16xf32> to vector<16xf32>
            %swap3A_288 = arith.index_cast %scan3A_218 : i32 to index
            %swap3A_289 = arith.constant 112 : index
            %swap3A_290 = tpu.vector_load %arg9[%swap3A_288, %swap3A_289] {strides = array<i32>} : memref<160x128xf32, #tpu.memory_space<vmem>>, vector<1x16xf32>,
            %swap3A_291 = vector.shape_cast %swap3A_290 : vector<1x16xf32> to vector<16xf32>
            %swap3A_292 = vector.shape_cast %get3A_287 : vector<16xf32> to vector<1x16xf32>
            tpu.vector_store %arg9[%swap3A_288, %swap3A_289], %swap3A_292 {add = true, strides = array<i32>} : memref<160x128xf32, #tpu.memory_space<vmem>>, vector<1x16xf32>,
          }
          %scan3A_143 = arith.constant 160 : i32
        } else {
        }
        %eq3A_126 = arith.constant 4 : i32
        %eq3A_127 = arith.cmpi eq, %rem3A_105, %eq3A_126 : i32
        %convert_element_type3A_128 = arith.extui %eq3A_127 : i1 to i32
        %cond3A_129 = arith.constant 0 : i32
        %cond3A_130 = arith.cmpi ne, %convert_element_type3A_128, %cond3A_129 : i32
        scf.if %cond3A_130 {
          %scan3A_138 = arith.constant 0 : i32
          %scan3A_139 = arith.constant 0 : i32
          %scan3A_140 = arith.constant 160 : i32
          %scan3A_141 = arith.addi %scan3A_139, %scan3A_140 : i32
          %scan3A_142 = arith.constant 2 : i32
          scf.for %scan3A_144 = %scan3A_139 to %scan3A_141 step %scan3A_142  : i32 {
            %add3A_145 = arith.constant 40 : i32
            %add3A_146 = arith.addi %add3A_145, %scan3A_144 : i32
            %get3A = arith.index_cast %add3A_146 : i32 to index
            %get3A_147 = arith.constant 0 : index
            %get3A_148 = tpu.vector_load %arg7[%get3A, %get3A_147] {strides = array<i32>} : memref<320x128xf32, #tpu.memory_space<vmem>>, vector<1x16xf32>,
            %get3A_149 = vector.shape_cast %get3A_148 : vector<1x16xf32> to vector<16xf32>
            %swap3A = arith.index_cast %scan3A_144 : i32 to index
            %swap3A_150 = arith.constant 0 : index
            %swap3A_151 = tpu.vector_load %arg9[%swap3A, %swap3A_150] {strides = array<i32>} : memref<160x128xf32, #tpu.memory_space<vmem>>, vector<1x16xf32>,
            %swap3A_152 = vector.shape_cast %swap3A_151 : vector<1x16xf32> to vector<16xf32>
            %swap3A_153 = vector.shape_cast %get3A_149 : vector<16xf32> to vector<1x16xf32>
            tpu.vector_store %arg9[%swap3A, %swap3A_150], %swap3A_153 {add = true, strides = array<i32>} : memref<160x128xf32, #tpu.memory_space<vmem>>, vector<1x16xf32>,
            %get3A_154 = arith.index_cast %add3A_146 : i32 to index
            %get3A_155 = arith.constant 16 : index
            %get3A_156 = tpu.vector_load %arg7[%get3A_154, %get3A_155] {strides = array<i32>} : memref<320x128xf32, #tpu.memory_space<vmem>>, vector<1x16xf32>,
            %get3A_157 = vector.shape_cast %get3A_156 : vector<1x16xf32> to vector<16xf32>
            %swap3A_158 = arith.index_cast %scan3A_144 : i32 to index
            %swap3A_159 = arith.constant 16 : index
            %swap3A_160 = tpu.vector_load %arg9[%swap3A_158, %swap3A_159] {strides = array<i32>} : memref<160x128xf32, #tpu.memory_space<vmem>>, vector<1x16xf32>,
            %swap3A_161 = vector.shape_cast %swap3A_160 : vector<1x16xf32> to vector<16xf32>
            %swap3A_162 = vector.shape_cast %get3A_157 : vector<16xf32> to vector<1x16xf32>
            tpu.vector_store %arg9[%swap3A_158, %swap3A_159], %swap3A_162 {add = true, strides = array<i32>} : memref<160x128xf32, #tpu.memory_space<vmem>>, vector<1x16xf32>,
            %get3A_163 = arith.index_cast %add3A_146 : i32 to index
            %get3A_164 = arith.constant 32 : index
            %get3A_165 = tpu.vector_load %arg7[%get3A_163, %get3A_164] {strides = array<i32>} : memref<320x128xf32, #tpu.memory_space<vmem>>, vector<1x16xf32>,
            %get3A_166 = vector.shape_cast %get3A_165 : vector<1x16xf32> to vector<16xf32>
            %swap3A_167 = arith.index_cast %scan3A_144 : i32 to index
            %swap3A_168 = arith.constant 32 : index
            %swap3A_169 = tpu.vector_load %arg9[%swap3A_167, %swap3A_168] {strides = array<i32>} : memref<160x128xf32, #tpu.memory_space<vmem>>, vector<1x16xf32>,
            %swap3A_170 = vector.shape_cast %swap3A_169 : vector<1x16xf32> to vector<16xf32>
            %swap3A_171 = vector.shape_cast %get3A_166 : vector<16xf32> to vector<1x16xf32>
            tpu.vector_store %arg9[%swap3A_167, %swap3A_168], %swap3A_171 {add = true, strides = array<i32>} : memref<160x128xf32, #tpu.memory_space<vmem>>, vector<1x16xf32>,
            %get3A_172 = arith.index_cast %add3A_146 : i32 to index
            %get3A_173 = arith.constant 48 : index
            %get3A_174 = tpu.vector_load %arg7[%get3A_172, %get3A_173] {strides = array<i32>} : memref<320x128xf32, #tpu.memory_space<vmem>>, vector<1x16xf32>,
            %get3A_175 = vector.shape_cast %get3A_174 : vector<1x16xf32> to vector<16xf32>
            %swap3A_176 = arith.index_cast %scan3A_144 : i32 to index
            %swap3A_177 = arith.constant 48 : index
            %swap3A_178 = tpu.vector_load %arg9[%swap3A_176, %swap3A_177] {strides = array<i32>} : memref<160x128xf32, #tpu.memory_space<vmem>>, vector<1x16xf32>,
            %swap3A_179 = vector.shape_cast %swap3A_178 : vector<1x16xf32> to vector<16xf32>
            %swap3A_180 = vector.shape_cast %get3A_175 : vector<16xf32> to vector<1x16xf32>
            tpu.vector_store %arg9[%swap3A_176, %swap3A_177], %swap3A_180 {add = true, strides = array<i32>} : memref<160x128xf32, #tpu.memory_space<vmem>>, vector<1x16xf32>,
            %get3A_181 = arith.index_cast %add3A_146 : i32 to index
            %get3A_182 = arith.constant 64 : index
            %get3A_183 = tpu.vector_load %arg7[%get3A_181, %get3A_182] {strides = array<i32>} : memref<320x128xf32, #tpu.memory_space<vmem>>, vector<1x16xf32>,
            %get3A_184 = vector.shape_cast %get3A_183 : vector<1x16xf32> to vector<16xf32>
            %swap3A_185 = arith.index_cast %scan3A_144 : i32 to index
            %swap3A_186 = arith.constant 64 : index
            %swap3A_187 = tpu.vector_load %arg9[%swap3A_185, %swap3A_186] {strides = array<i32>} : memref<160x128xf32, #tpu.memory_space<vmem>>, vector<1x16xf32>,
            %swap3A_188 = vector.shape_cast %swap3A_187 : vector<1x16xf32> to vector<16xf32>
            %swap3A_189 = vector.shape_cast %get3A_184 : vector<16xf32> to vector<1x16xf32>
            tpu.vector_store %arg9[%swap3A_185, %swap3A_186], %swap3A_189 {add = true, strides = array<i32>} : memref<160x128xf32, #tpu.memory_space<vmem>>, vector<1x16xf32>,
            %get3A_190 = arith.index_cast %add3A_146 : i32 to index
            %get3A_191 = arith.constant 80 : index
            %get3A_192 = tpu.vector_load %arg7[%get3A_190, %get3A_191] {strides = array<i32>} : memref<320x128xf32, #tpu.memory_space<vmem>>, vector<1x16xf32>,
            %get3A_193 = vector.shape_cast %get3A_192 : vector<1x16xf32> to vector<16xf32>
            %swap3A_194 = arith.index_cast %scan3A_144 : i32 to index
            %swap3A_195 = arith.constant 80 : index
            %swap3A_196 = tpu.vector_load %arg9[%swap3A_194, %swap3A_195] {strides = array<i32>} : memref<160x128xf32, #tpu.memory_space<vmem>>, vector<1x16xf32>,
            %swap3A_197 = vector.shape_cast %swap3A_196 : vector<1x16xf32> to vector<16xf32>
            %swap3A_198 = vector.shape_cast %get3A_193 : vector<16xf32> to vector<1x16xf32>
            tpu.vector_store %arg9[%swap3A_194, %swap3A_195], %swap3A_198 {add = true, strides = array<i32>} : memref<160x128xf32, #tpu.memory_space<vmem>>, vector<1x16xf32>,
            %get3A_199 = arith.index_cast %add3A_146 : i32 to index
            %get3A_200 = arith.constant 96 : index
            %get3A_201 = tpu.vector_load %arg7[%get3A_199, %get3A_200] {strides = array<i32>} : memref<320x128xf32, #tpu.memory_space<vmem>>, vector<1x16xf32>,
            %get3A_202 = vector.shape_cast %get3A_201 : vector<1x16xf32> to vector<16xf32>
            %swap3A_203 = arith.index_cast %scan3A_144 : i32 to index
            %swap3A_204 = arith.constant 96 : index
            %swap3A_205 = tpu.vector_load %arg9[%swap3A_203, %swap3A_204] {strides = array<i32>} : memref<160x128xf32, #tpu.memory_space<vmem>>, vector<1x16xf32>,
            %swap3A_206 = vector.shape_cast %swap3A_205 : vector<1x16xf32> to vector<16xf32>
            %swap3A_207 = vector.shape_cast %get3A_202 : vector<16xf32> to vector<1x16xf32>
            tpu.vector_store %arg9[%swap3A_203, %swap3A_204], %swap3A_207 {add = true, strides = array<i32>} : memref<160x128xf32, #tpu.memory_space<vmem>>, vector<1x16xf32>,
            %get3A_208 = arith.index_cast %add3A_146 : i32 to index
            %get3A_209 = arith.constant 112 : index
            %get3A_210 = tpu.vector_load %arg7[%get3A_208, %get3A_209] {strides = array<i32>} : memref<320x128xf32, #tpu.memory_space<vmem>>, vector<1x16xf32>,
            %get3A_211 = vector.shape_cast %get3A_210 : vector<1x16xf32> to vector<16xf32>
            %swap3A_212 = arith.index_cast %scan3A_144 : i32 to index
            %swap3A_213 = arith.constant 112 : index
            %swap3A_214 = tpu.vector_load %arg9[%swap3A_212, %swap3A_213] {strides = array<i32>} : memref<160x128xf32, #tpu.memory_space<vmem>>, vector<1x16xf32>,
            %swap3A_215 = vector.shape_cast %swap3A_214 : vector<1x16xf32> to vector<16xf32>
            %swap3A_216 = vector.shape_cast %get3A_211 : vector<16xf32> to vector<1x16xf32>
            tpu.vector_store %arg9[%swap3A_212, %swap3A_213], %swap3A_216 {add = true, strides = array<i32>} : memref<160x128xf32, #tpu.memory_space<vmem>>, vector<1x16xf32>,
            %scan3A_217 = arith.constant 1 : i32
            %scan3A_218 = arith.addi %scan3A_144, %scan3A_217 : i32
            %add3A_219 = arith.constant 40 : i32
            %add3A_220 = arith.addi %add3A_219, %scan3A_218 : i32
            %get3A_221 = arith.index_cast %add3A_220 : i32 to index
            %get3A_222 = arith.constant 0 : index
            %get3A_223 = tpu.vector_load %arg7[%get3A_221, %get3A_222] {strides = array<i32>} : memref<320x128xf32, #tpu.memory_space<vmem>>, vector<1x16xf32>,
            %get3A_224 = vector.shape_cast %get3A_223 : vector<1x16xf32> to vector<16xf32>
            %swap3A_225 = arith.index_cast %scan3A_218 : i32 to index
            %swap3A_226 = arith.constant 0 : index
            %swap3A_227 = tpu.vector_load %arg9[%swap3A_225, %swap3A_226] {strides = array<i32>} : memref<160x128xf32, #tpu.memory_space<vmem>>, vector<1x16xf32>,
            %swap3A_228 = vector.shape_cast %swap3A_227 : vector<1x16xf32> to vector<16xf32>
            %swap3A_229 = vector.shape_cast %get3A_224 : vector<16xf32> to vector<1x16xf32>
            tpu.vector_store %arg9[%swap3A_225, %swap3A_226], %swap3A_229 {add = true, strides = array<i32>} : memref<160x128xf32, #tpu.memory_space<vmem>>, vector<1x16xf32>,
            %get3A_230 = arith.index_cast %add3A_220 : i32 to index
            %get3A_231 = arith.constant 16 : index
            %get3A_232 = tpu.vector_load %arg7[%get3A_230, %get3A_231] {strides = array<i32>} : memref<320x128xf32, #tpu.memory_space<vmem>>, vector<1x16xf32>,
            %get3A_233 = vector.shape_cast %get3A_232 : vector<1x16xf32> to vector<16xf32>
            %swap3A_234 = arith.index_cast %scan3A_218 : i32 to index
            %swap3A_235 = arith.constant 16 : index
            %swap3A_236 = tpu.vector_load %arg9[%swap3A_234, %swap3A_235] {strides = array<i32>} : memref<160x128xf32, #tpu.memory_space<vmem>>, vector<1x16xf32>,
            %swap3A_237 = vector.shape_cast %swap3A_236 : vector<1x16xf32> to vector<16xf32>
            %swap3A_238 = vector.shape_cast %get3A_233 : vector<16xf32> to vector<1x16xf32>
            tpu.vector_store %arg9[%swap3A_234, %swap3A_235], %swap3A_238 {add = true, strides = array<i32>} : memref<160x128xf32, #tpu.memory_space<vmem>>, vector<1x16xf32>,
            %get3A_239 = arith.index_cast %add3A_220 : i32 to index
            %get3A_240 = arith.constant 32 : index
            %get3A_241 = tpu.vector_load %arg7[%get3A_239, %get3A_240] {strides = array<i32>} : memref<320x128xf32, #tpu.memory_space<vmem>>, vector<1x16xf32>,
            %get3A_242 = vector.shape_cast %get3A_241 : vector<1x16xf32> to vector<16xf32>
            %swap3A_243 = arith.index_cast %scan3A_218 : i32 to index
            %swap3A_244 = arith.constant 32 : index
            %swap3A_245 = tpu.vector_load %arg9[%swap3A_243, %swap3A_244] {strides = array<i32>} : memref<160x128xf32, #tpu.memory_space<vmem>>, vector<1x16xf32>,
            %swap3A_246 = vector.shape_cast %swap3A_245 : vector<1x16xf32> to vector<16xf32>
            %swap3A_247 = vector.shape_cast %get3A_242 : vector<16xf32> to vector<1x16xf32>
            tpu.vector_store %arg9[%swap3A_243, %swap3A_244], %swap3A_247 {add = true, strides = array<i32>} : memref<160x128xf32, #tpu.memory_space<vmem>>, vector<1x16xf32>,
            %get3A_248 = arith.index_cast %add3A_220 : i32 to index
            %get3A_249 = arith.constant 48 : index
            %get3A_250 = tpu.vector_load %arg7[%get3A_248, %get3A_249] {strides = array<i32>} : memref<320x128xf32, #tpu.memory_space<vmem>>, vector<1x16xf32>,
            %get3A_251 = vector.shape_cast %get3A_250 : vector<1x16xf32> to vector<16xf32>
            %swap3A_252 = arith.index_cast %scan3A_218 : i32 to index
            %swap3A_253 = arith.constant 48 : index
            %swap3A_254 = tpu.vector_load %arg9[%swap3A_252, %swap3A_253] {strides = array<i32>} : memref<160x128xf32, #tpu.memory_space<vmem>>, vector<1x16xf32>,
            %swap3A_255 = vector.shape_cast %swap3A_254 : vector<1x16xf32> to vector<16xf32>
            %swap3A_256 = vector.shape_cast %get3A_251 : vector<16xf32> to vector<1x16xf32>
            tpu.vector_store %arg9[%swap3A_252, %swap3A_253], %swap3A_256 {add = true, strides = array<i32>} : memref<160x128xf32, #tpu.memory_space<vmem>>, vector<1x16xf32>,
            %get3A_257 = arith.index_cast %add3A_220 : i32 to index
            %get3A_258 = arith.constant 64 : index
            %get3A_259 = tpu.vector_load %arg7[%get3A_257, %get3A_258] {strides = array<i32>} : memref<320x128xf32, #tpu.memory_space<vmem>>, vector<1x16xf32>,
            %get3A_260 = vector.shape_cast %get3A_259 : vector<1x16xf32> to vector<16xf32>
            %swap3A_261 = arith.index_cast %scan3A_218 : i32 to index
            %swap3A_262 = arith.constant 64 : index
            %swap3A_263 = tpu.vector_load %arg9[%swap3A_261, %swap3A_262] {strides = array<i32>} : memref<160x128xf32, #tpu.memory_space<vmem>>, vector<1x16xf32>,
            %swap3A_264 = vector.shape_cast %swap3A_263 : vector<1x16xf32> to vector<16xf32>
            %swap3A_265 = vector.shape_cast %get3A_260 : vector<16xf32> to vector<1x16xf32>
            tpu.vector_store %arg9[%swap3A_261, %swap3A_262], %swap3A_265 {add = true, strides = array<i32>} : memref<160x128xf32, #tpu.memory_space<vmem>>, vector<1x16xf32>,
            %get3A_266 = arith.index_cast %add3A_220 : i32 to index
            %get3A_267 = arith.constant 80 : index
            %get3A_268 = tpu.vector_load %arg7[%get3A_266, %get3A_267] {strides = array<i32>} : memref<320x128xf32, #tpu.memory_space<vmem>>, vector<1x16xf32>,
            %get3A_269 = vector.shape_cast %get3A_268 : vector<1x16xf32> to vector<16xf32>
            %swap3A_270 = arith.index_cast %scan3A_218 : i32 to index
            %swap3A_271 = arith.constant 80 : index
            %swap3A_272 = tpu.vector_load %arg9[%swap3A_270, %swap3A_271] {strides = array<i32>} : memref<160x128xf32, #tpu.memory_space<vmem>>, vector<1x16xf32>,
            %swap3A_273 = vector.shape_cast %swap3A_272 : vector<1x16xf32> to vector<16xf32>
            %swap3A_274 = vector.shape_cast %get3A_269 : vector<16xf32> to vector<1x16xf32>
            tpu.vector_store %arg9[%swap3A_270, %swap3A_271], %swap3A_274 {add = true, strides = array<i32>} : memref<160x128xf32, #tpu.memory_space<vmem>>, vector<1x16xf32>,
            %get3A_275 = arith.index_cast %add3A_220 : i32 to index
            %get3A_276 = arith.constant 96 : index
            %get3A_277 = tpu.vector_load %arg7[%get3A_275, %get3A_276] {strides = array<i32>} : memref<320x128xf32, #tpu.memory_space<vmem>>, vector<1x16xf32>,
            %get3A_278 = vector.shape_cast %get3A_277 : vector<1x16xf32> to vector<16xf32>
            %swap3A_279 = arith.index_cast %scan3A_218 : i32 to index
            %swap3A_280 = arith.constant 96 : index
            %swap3A_281 = tpu.vector_load %arg9[%swap3A_279, %swap3A_280] {strides = array<i32>} : memref<160x128xf32, #tpu.memory_space<vmem>>, vector<1x16xf32>,
            %swap3A_282 = vector.shape_cast %swap3A_281 : vector<1x16xf32> to vector<16xf32>
            %swap3A_283 = vector.shape_cast %get3A_278 : vector<16xf32> to vector<1x16xf32>
            tpu.vector_store %arg9[%swap3A_279, %swap3A_280], %swap3A_283 {add = true, strides = array<i32>} : memref<160x128xf32, #tpu.memory_space<vmem>>, vector<1x16xf32>,
            %get3A_284 = arith.index_cast %add3A_220 : i32 to index
            %get3A_285 = arith.constant 112 : index
            %get3A_286 = tpu.vector_load %arg7[%get3A_284, %get3A_285] {strides = array<i32>} : memref<320x128xf32, #tpu.memory_space<vmem>>, vector<1x16xf32>,
            %get3A_287 = vector.shape_cast %get3A_286 : vector<1x16xf32> to vector<16xf32>
            %swap3A_288 = arith.index_cast %scan3A_218 : i32 to index
            %swap3A_289 = arith.constant 112 : index
            %swap3A_290 = tpu.vector_load %arg9[%swap3A_288, %swap3A_289] {strides = array<i32>} : memref<160x128xf32, #tpu.memory_space<vmem>>, vector<1x16xf32>,
            %swap3A_291 = vector.shape_cast %swap3A_290 : vector<1x16xf32> to vector<16xf32>
            %swap3A_292 = vector.shape_cast %get3A_287 : vector<16xf32> to vector<1x16xf32>
            tpu.vector_store %arg9[%swap3A_288, %swap3A_289], %swap3A_292 {add = true, strides = array<i32>} : memref<160x128xf32, #tpu.memory_space<vmem>>, vector<1x16xf32>,
          }
          %scan3A_143 = arith.constant 160 : i32
        } else {
        }
        %mul3A_131 = arith.constant 160 : i32
        %mul3A_132 = arith.muli %scan3A_62, %mul3A_131 : i32
        %add3A_133 = arith.addi %mul3A_2, %mul3A_132 : i32
        %dma_start3A_134 = arith.constant 0 : i32
        %dma_start3A_135 = tpu.memref_slice %arg5[%add3A_133, %dma_start3A_134] : memref<204800x128xf32, #tpu.memory_space<hbm>> -> memref<160x128xf32, #tpu.memory_space<hbm>>
        %dma_start3A_136 = arith.constant 0 : i32
        %dma_start3A_137 = tpu.memref_slice %arg5[%add3A_133, %dma_start3A_136] : memref<204800x128xf32, #tpu.memory_space<hbm>> -> memref<160x128xf32, #tpu.memory_space<hbm>>
        tpu.enqueue_dma source(%arg9 : memref<160x128xf32, #tpu.memory_space<vmem>>) target(%dma_start3A_137 : memref<160x128xf32, #tpu.memory_space<hbm>>) target_semaphore(%arg15 : memref<!tpu.dma_semaphore, #tpu.memory_space<semaphore_mem>>)
      } else {
      }
      %eq3A_71 = arith.constant 2 : i32
      %eq3A_72 = arith.cmpi eq, %rem3A_63, %eq3A_71 : i32
      %convert_element_type3A_73 = arith.extui %eq3A_72 : i1 to i32
      %cond3A_74 = arith.constant 0 : i32
      %cond3A_75 = arith.cmpi ne, %convert_element_type3A_73, %cond3A_74 : i32
      scf.if %cond3A_75 {
        %dma_wait3A_82 = arith.constant 0 : i32
        %dma_wait3A_83 = arith.constant 0 : i32
        %dma_wait3A_84 = arith.constant 0 : i32
        %dma_wait3A_85 = arith.constant 0 : i32
        %dma_wait3A_86 = tpu.memref_slice %arg10[%dma_wait3A_84, %dma_wait3A_85] : memref<160x128xf32, #tpu.memory_space<vmem>> -> memref<80x128xf32, #tpu.memory_space<vmem>>
        %dma_wait3A_87 = arith.constant 0 : i32
        %dma_wait3A_88 = tpu.memref_slice %arg6[%dma_wait3A_82, %dma_wait3A_83, %dma_wait3A_87] : memref<40x2x80xi32, #tpu.memory_space<vmem>> -> memref<1x1x80xi32, #tpu.memory_space<vmem>>
        %dma_wait3A_89 = tpu.memref_squeeze %dma_wait3A_88 : memref<1x1x80xi32, #tpu.memory_space<vmem>> -> memref<80xi32, #tpu.memory_space<vmem>>
        %dma_wait3A_90 = arith.constant 0 : i32
        %dma_wait3A_91 = arith.constant 0 : i32
        %dma_wait3A_92 = tpu.memref_slice %arg2[%dma_wait3A_90, %dma_wait3A_91] : memref<1000000x128xf32, #tpu.memory_space<hbm>> -> memref<1000000x128xf32, #tpu.memory_space<hbm>>
        tpu.wait_indirect_dma semaphore(%arg13 : memref<!tpu.dma_semaphore, #tpu.memory_space<semaphore_mem>>) src(%dma_wait3A_92 : memref<1000000x128xf32, #tpu.memory_space<hbm>>) dst(%dma_wait3A_86 : memref<80x128xf32, #tpu.memory_space<vmem>>)
        %dma_wait3A_93 = arith.constant 0 : i32
        %dma_wait3A_94 = arith.constant 0 : i32
        %dma_wait3A_95 = arith.constant 80 : i32
        %dma_wait3A_96 = arith.constant 0 : i32
        %dma_wait3A_97 = tpu.memref_slice %arg10[%dma_wait3A_95, %dma_wait3A_96] : memref<160x128xf32, #tpu.memory_space<vmem>> -> memref<80x128xf32, #tpu.memory_space<vmem>>
        %dma_wait3A_98 = arith.constant 0 : i32
        %dma_wait3A_99 = tpu.memref_slice %arg6[%dma_wait3A_93, %dma_wait3A_94, %dma_wait3A_98] : memref<40x2x80xi32, #tpu.memory_space<vmem>> -> memref<1x1x80xi32, #tpu.memory_space<vmem>>
        %dma_wait3A_100 = tpu.memref_squeeze %dma_wait3A_99 : memref<1x1x80xi32, #tpu.memory_space<vmem>> -> memref<80xi32, #tpu.memory_space<vmem>>
        %dma_wait3A_101 = arith.constant 0 : i32
        %dma_wait3A_102 = arith.constant 0 : i32
        %dma_wait3A_103 = tpu.memref_slice %arg2[%dma_wait3A_101, %dma_wait3A_102] : memref<1000000x128xf32, #tpu.memory_space<hbm>> -> memref<1000000x128xf32, #tpu.memory_space<hbm>>
        tpu.wait_indirect_dma semaphore(%arg13 : memref<!tpu.dma_semaphore, #tpu.memory_space<semaphore_mem>>) src(%dma_wait3A_103 : memref<1000000x128xf32, #tpu.memory_space<hbm>>) dst(%dma_wait3A_97 : memref<80x128xf32, #tpu.memory_space<vmem>>)
        %rem3A_104 = arith.constant 5 : i32
        %rem3A_105 = arith.remsi %scan3A_62, %rem3A_104 : i32
        %eq3A_106 = arith.constant 0 : i32
        %eq3A_107 = arith.cmpi eq, %rem3A_105, %eq3A_106 : i32
        %convert_element_type3A_108 = arith.extui %eq3A_107 : i1 to i32
        %cond3A_109 = arith.constant 0 : i32
        %cond3A_110 = arith.cmpi ne, %convert_element_type3A_108, %cond3A_109 : i32
        scf.if %cond3A_110 {
          %scan3A_138 = arith.constant 0 : i32
          %scan3A_139 = arith.constant 0 : i32
          %scan3A_140 = arith.constant 160 : i32
          %scan3A_141 = arith.addi %scan3A_139, %scan3A_140 : i32
          %scan3A_142 = arith.constant 2 : i32
          scf.for %scan3A_144 = %scan3A_139 to %scan3A_141 step %scan3A_142  : i32 {
            %add3A_145 = arith.constant 0 : i32
            %add3A_146 = arith.addi %add3A_145, %scan3A_144 : i32
            %get3A = arith.index_cast %add3A_146 : i32 to index
            %get3A_147 = arith.constant 0 : index
            %get3A_148 = tpu.vector_load %arg7[%get3A, %get3A_147] {strides = array<i32>} : memref<320x128xf32, #tpu.memory_space<vmem>>, vector<1x16xf32>,
            %get3A_149 = vector.shape_cast %get3A_148 : vector<1x16xf32> to vector<16xf32>
            %swap3A = arith.index_cast %scan3A_144 : i32 to index
            %swap3A_150 = arith.constant 0 : index
            %swap3A_151 = tpu.vector_load %arg10[%swap3A, %swap3A_150] {strides = array<i32>} : memref<160x128xf32, #tpu.memory_space<vmem>>, vector<1x16xf32>,
            %swap3A_152 = vector.shape_cast %swap3A_151 : vector<1x16xf32> to vector<16xf32>
            %swap3A_153 = vector.shape_cast %get3A_149 : vector<16xf32> to vector<1x16xf32>
            tpu.vector_store %arg10[%swap3A, %swap3A_150], %swap3A_153 {add = true, strides = array<i32>} : memref<160x128xf32, #tpu.memory_space<vmem>>, vector<1x16xf32>,
            %get3A_154 = arith.index_cast %add3A_146 : i32 to index
            %get3A_155 = arith.constant 16 : index
            %get3A_156 = tpu.vector_load %arg7[%get3A_154, %get3A_155] {strides = array<i32>} : memref<320x128xf32, #tpu.memory_space<vmem>>, vector<1x16xf32>,
            %get3A_157 = vector.shape_cast %get3A_156 : vector<1x16xf32> to vector<16xf32>
            %swap3A_158 = arith.index_cast %scan3A_144 : i32 to index
            %swap3A_159 = arith.constant 16 : index
            %swap3A_160 = tpu.vector_load %arg10[%swap3A_158, %swap3A_159] {strides = array<i32>} : memref<160x128xf32, #tpu.memory_space<vmem>>, vector<1x16xf32>,
            %swap3A_161 = vector.shape_cast %swap3A_160 : vector<1x16xf32> to vector<16xf32>
            %swap3A_162 = vector.shape_cast %get3A_157 : vector<16xf32> to vector<1x16xf32>
            tpu.vector_store %arg10[%swap3A_158, %swap3A_159], %swap3A_162 {add = true, strides = array<i32>} : memref<160x128xf32, #tpu.memory_space<vmem>>, vector<1x16xf32>,
            %get3A_163 = arith.index_cast %add3A_146 : i32 to index
            %get3A_164 = arith.constant 32 : index
            %get3A_165 = tpu.vector_load %arg7[%get3A_163, %get3A_164] {strides = array<i32>} : memref<320x128xf32, #tpu.memory_space<vmem>>, vector<1x16xf32>,
            %get3A_166 = vector.shape_cast %get3A_165 : vector<1x16xf32> to vector<16xf32>
            %swap3A_167 = arith.index_cast %scan3A_144 : i32 to index
            %swap3A_168 = arith.constant 32 : index
            %swap3A_169 = tpu.vector_load %arg10[%swap3A_167, %swap3A_168] {strides = array<i32>} : memref<160x128xf32, #tpu.memory_space<vmem>>, vector<1x16xf32>,
            %swap3A_170 = vector.shape_cast %swap3A_169 : vector<1x16xf32> to vector<16xf32>
            %swap3A_171 = vector.shape_cast %get3A_166 : vector<16xf32> to vector<1x16xf32>
            tpu.vector_store %arg10[%swap3A_167, %swap3A_168], %swap3A_171 {add = true, strides = array<i32>} : memref<160x128xf32, #tpu.memory_space<vmem>>, vector<1x16xf32>,
            %get3A_172 = arith.index_cast %add3A_146 : i32 to index
            %get3A_173 = arith.constant 48 : index
            %get3A_174 = tpu.vector_load %arg7[%get3A_172, %get3A_173] {strides = array<i32>} : memref<320x128xf32, #tpu.memory_space<vmem>>, vector<1x16xf32>,
            %get3A_175 = vector.shape_cast %get3A_174 : vector<1x16xf32> to vector<16xf32>
            %swap3A_176 = arith.index_cast %scan3A_144 : i32 to index
            %swap3A_177 = arith.constant 48 : index
            %swap3A_178 = tpu.vector_load %arg10[%swap3A_176, %swap3A_177] {strides = array<i32>} : memref<160x128xf32, #tpu.memory_space<vmem>>, vector<1x16xf32>,
            %swap3A_179 = vector.shape_cast %swap3A_178 : vector<1x16xf32> to vector<16xf32>
            %swap3A_180 = vector.shape_cast %get3A_175 : vector<16xf32> to vector<1x16xf32>
            tpu.vector_store %arg10[%swap3A_176, %swap3A_177], %swap3A_180 {add = true, strides = array<i32>} : memref<160x128xf32, #tpu.memory_space<vmem>>, vector<1x16xf32>,
            %get3A_181 = arith.index_cast %add3A_146 : i32 to index
            %get3A_182 = arith.constant 64 : index
            %get3A_183 = tpu.vector_load %arg7[%get3A_181, %get3A_182] {strides = array<i32>} : memref<320x128xf32, #tpu.memory_space<vmem>>, vector<1x16xf32>,
            %get3A_184 = vector.shape_cast %get3A_183 : vector<1x16xf32> to vector<16xf32>
            %swap3A_185 = arith.index_cast %scan3A_144 : i32 to index
            %swap3A_186 = arith.constant 64 : index
            %swap3A_187 = tpu.vector_load %arg10[%swap3A_185, %swap3A_186] {strides = array<i32>} : memref<160x128xf32, #tpu.memory_space<vmem>>, vector<1x16xf32>,
            %swap3A_188 = vector.shape_cast %swap3A_187 : vector<1x16xf32> to vector<16xf32>
            %swap3A_189 = vector.shape_cast %get3A_184 : vector<16xf32> to vector<1x16xf32>
            tpu.vector_store %arg10[%swap3A_185, %swap3A_186], %swap3A_189 {add = true, strides = array<i32>} : memref<160x128xf32, #tpu.memory_space<vmem>>, vector<1x16xf32>,
            %get3A_190 = arith.index_cast %add3A_146 : i32 to index
            %get3A_191 = arith.constant 80 : index
            %get3A_192 = tpu.vector_load %arg7[%get3A_190, %get3A_191] {strides = array<i32>} : memref<320x128xf32, #tpu.memory_space<vmem>>, vector<1x16xf32>,
            %get3A_193 = vector.shape_cast %get3A_192 : vector<1x16xf32> to vector<16xf32>
            %swap3A_194 = arith.index_cast %scan3A_144 : i32 to index
            %swap3A_195 = arith.constant 80 : index
            %swap3A_196 = tpu.vector_load %arg10[%swap3A_194, %swap3A_195] {strides = array<i32>} : memref<160x128xf32, #tpu.memory_space<vmem>>, vector<1x16xf32>,
            %swap3A_197 = vector.shape_cast %swap3A_196 : vector<1x16xf32> to vector<16xf32>
            %swap3A_198 = vector.shape_cast %get3A_193 : vector<16xf32> to vector<1x16xf32>
            tpu.vector_store %arg10[%swap3A_194, %swap3A_195], %swap3A_198 {add = true, strides = array<i32>} : memref<160x128xf32, #tpu.memory_space<vmem>>, vector<1x16xf32>,
            %get3A_199 = arith.index_cast %add3A_146 : i32 to index
            %get3A_200 = arith.constant 96 : index
            %get3A_201 = tpu.vector_load %arg7[%get3A_199, %get3A_200] {strides = array<i32>} : memref<320x128xf32, #tpu.memory_space<vmem>>, vector<1x16xf32>,
            %get3A_202 = vector.shape_cast %get3A_201 : vector<1x16xf32> to vector<16xf32>
            %swap3A_203 = arith.index_cast %scan3A_144 : i32 to index
            %swap3A_204 = arith.constant 96 : index
            %swap3A_205 = tpu.vector_load %arg10[%swap3A_203, %swap3A_204] {strides = array<i32>} : memref<160x128xf32, #tpu.memory_space<vmem>>, vector<1x16xf32>,
            %swap3A_206 = vector.shape_cast %swap3A_205 : vector<1x16xf32> to vector<16xf32>
            %swap3A_207 = vector.shape_cast %get3A_202 : vector<16xf32> to vector<1x16xf32>
            tpu.vector_store %arg10[%swap3A_203, %swap3A_204], %swap3A_207 {add = true, strides = array<i32>} : memref<160x128xf32, #tpu.memory_space<vmem>>, vector<1x16xf32>,
            %get3A_208 = arith.index_cast %add3A_146 : i32 to index
            %get3A_209 = arith.constant 112 : index
            %get3A_210 = tpu.vector_load %arg7[%get3A_208, %get3A_209] {strides = array<i32>} : memref<320x128xf32, #tpu.memory_space<vmem>>, vector<1x16xf32>,
            %get3A_211 = vector.shape_cast %get3A_210 : vector<1x16xf32> to vector<16xf32>
            %swap3A_212 = arith.index_cast %scan3A_144 : i32 to index
            %swap3A_213 = arith.constant 112 : index
            %swap3A_214 = tpu.vector_load %arg10[%swap3A_212, %swap3A_213] {strides = array<i32>} : memref<160x128xf32, #tpu.memory_space<vmem>>, vector<1x16xf32>,
            %swap3A_215 = vector.shape_cast %swap3A_214 : vector<1x16xf32> to vector<16xf32>
            %swap3A_216 = vector.shape_cast %get3A_211 : vector<16xf32> to vector<1x16xf32>
            tpu.vector_store %arg10[%swap3A_212, %swap3A_213], %swap3A_216 {add = true, strides = array<i32>} : memref<160x128xf32, #tpu.memory_space<vmem>>, vector<1x16xf32>,
            %scan3A_217 = arith.constant 1 : i32
            %scan3A_218 = arith.addi %scan3A_144, %scan3A_217 : i32
            %add3A_219 = arith.constant 0 : i32
            %add3A_220 = arith.addi %add3A_219, %scan3A_218 : i32
            %get3A_221 = arith.index_cast %add3A_220 : i32 to index
            %get3A_222 = arith.constant 0 : index
            %get3A_223 = tpu.vector_load %arg7[%get3A_221, %get3A_222] {strides = array<i32>} : memref<320x128xf32, #tpu.memory_space<vmem>>, vector<1x16xf32>,
            %get3A_224 = vector.shape_cast %get3A_223 : vector<1x16xf32> to vector<16xf32>
            %swap3A_225 = arith.index_cast %scan3A_218 : i32 to index
            %swap3A_226 = arith.constant 0 : index
            %swap3A_227 = tpu.vector_load %arg10[%swap3A_225, %swap3A_226] {strides = array<i32>} : memref<160x128xf32, #tpu.memory_space<vmem>>, vector<1x16xf32>,
            %swap3A_228 = vector.shape_cast %swap3A_227 : vector<1x16xf32> to vector<16xf32>
            %swap3A_229 = vector.shape_cast %get3A_224 : vector<16xf32> to vector<1x16xf32>
            tpu.vector_store %arg10[%swap3A_225, %swap3A_226], %swap3A_229 {add = true, strides = array<i32>} : memref<160x128xf32, #tpu.memory_space<vmem>>, vector<1x16xf32>,
            %get3A_230 = arith.index_cast %add3A_220 : i32 to index
            %get3A_231 = arith.constant 16 : index
            %get3A_232 = tpu.vector_load %arg7[%get3A_230, %get3A_231] {strides = array<i32>} : memref<320x128xf32, #tpu.memory_space<vmem>>, vector<1x16xf32>,
            %get3A_233 = vector.shape_cast %get3A_232 : vector<1x16xf32> to vector<16xf32>
            %swap3A_234 = arith.index_cast %scan3A_218 : i32 to index
            %swap3A_235 = arith.constant 16 : index
            %swap3A_236 = tpu.vector_load %arg10[%swap3A_234, %swap3A_235] {strides = array<i32>} : memref<160x128xf32, #tpu.memory_space<vmem>>, vector<1x16xf32>,
            %swap3A_237 = vector.shape_cast %swap3A_236 : vector<1x16xf32> to vector<16xf32>
            %swap3A_238 = vector.shape_cast %get3A_233 : vector<16xf32> to vector<1x16xf32>
            tpu.vector_store %arg10[%swap3A_234, %swap3A_235], %swap3A_238 {add = true, strides = array<i32>} : memref<160x128xf32, #tpu.memory_space<vmem>>, vector<1x16xf32>,
            %get3A_239 = arith.index_cast %add3A_220 : i32 to index
            %get3A_240 = arith.constant 32 : index
            %get3A_241 = tpu.vector_load %arg7[%get3A_239, %get3A_240] {strides = array<i32>} : memref<320x128xf32, #tpu.memory_space<vmem>>, vector<1x16xf32>,
            %get3A_242 = vector.shape_cast %get3A_241 : vector<1x16xf32> to vector<16xf32>
            %swap3A_243 = arith.index_cast %scan3A_218 : i32 to index
            %swap3A_244 = arith.constant 32 : index
            %swap3A_245 = tpu.vector_load %arg10[%swap3A_243, %swap3A_244] {strides = array<i32>} : memref<160x128xf32, #tpu.memory_space<vmem>>, vector<1x16xf32>,
            %swap3A_246 = vector.shape_cast %swap3A_245 : vector<1x16xf32> to vector<16xf32>
            %swap3A_247 = vector.shape_cast %get3A_242 : vector<16xf32> to vector<1x16xf32>
            tpu.vector_store %arg10[%swap3A_243, %swap3A_244], %swap3A_247 {add = true, strides = array<i32>} : memref<160x128xf32, #tpu.memory_space<vmem>>, vector<1x16xf32>,
            %get3A_248 = arith.index_cast %add3A_220 : i32 to index
            %get3A_249 = arith.constant 48 : index
            %get3A_250 = tpu.vector_load %arg7[%get3A_248, %get3A_249] {strides = array<i32>} : memref<320x128xf32, #tpu.memory_space<vmem>>, vector<1x16xf32>,
            %get3A_251 = vector.shape_cast %get3A_250 : vector<1x16xf32> to vector<16xf32>
            %swap3A_252 = arith.index_cast %scan3A_218 : i32 to index
            %swap3A_253 = arith.constant 48 : index
            %swap3A_254 = tpu.vector_load %arg10[%swap3A_252, %swap3A_253] {strides = array<i32>} : memref<160x128xf32, #tpu.memory_space<vmem>>, vector<1x16xf32>,
            %swap3A_255 = vector.shape_cast %swap3A_254 : vector<1x16xf32> to vector<16xf32>
            %swap3A_256 = vector.shape_cast %get3A_251 : vector<16xf32> to vector<1x16xf32>
            tpu.vector_store %arg10[%swap3A_252, %swap3A_253], %swap3A_256 {add = true, strides = array<i32>} : memref<160x128xf32, #tpu.memory_space<vmem>>, vector<1x16xf32>,
            %get3A_257 = arith.index_cast %add3A_220 : i32 to index
            %get3A_258 = arith.constant 64 : index
            %get3A_259 = tpu.vector_load %arg7[%get3A_257, %get3A_258] {strides = array<i32>} : memref<320x128xf32, #tpu.memory_space<vmem>>, vector<1x16xf32>,
            %get3A_260 = vector.shape_cast %get3A_259 : vector<1x16xf32> to vector<16xf32>
            %swap3A_261 = arith.index_cast %scan3A_218 : i32 to index
            %swap3A_262 = arith.constant 64 : index
            %swap3A_263 = tpu.vector_load %arg10[%swap3A_261, %swap3A_262] {strides = array<i32>} : memref<160x128xf32, #tpu.memory_space<vmem>>, vector<1x16xf32>,
            %swap3A_264 = vector.shape_cast %swap3A_263 : vector<1x16xf32> to vector<16xf32>
            %swap3A_265 = vector.shape_cast %get3A_260 : vector<16xf32> to vector<1x16xf32>
            tpu.vector_store %arg10[%swap3A_261, %swap3A_262], %swap3A_265 {add = true, strides = array<i32>} : memref<160x128xf32, #tpu.memory_space<vmem>>, vector<1x16xf32>,
            %get3A_266 = arith.index_cast %add3A_220 : i32 to index
            %get3A_267 = arith.constant 80 : index
            %get3A_268 = tpu.vector_load %arg7[%get3A_266, %get3A_267] {strides = array<i32>} : memref<320x128xf32, #tpu.memory_space<vmem>>, vector<1x16xf32>,
            %get3A_269 = vector.shape_cast %get3A_268 : vector<1x16xf32> to vector<16xf32>
            %swap3A_270 = arith.index_cast %scan3A_218 : i32 to index
            %swap3A_271 = arith.constant 80 : index
            %swap3A_272 = tpu.vector_load %arg10[%swap3A_270, %swap3A_271] {strides = array<i32>} : memref<160x128xf32, #tpu.memory_space<vmem>>, vector<1x16xf32>,
            %swap3A_273 = vector.shape_cast %swap3A_272 : vector<1x16xf32> to vector<16xf32>
            %swap3A_274 = vector.shape_cast %get3A_269 : vector<16xf32> to vector<1x16xf32>
            tpu.vector_store %arg10[%swap3A_270, %swap3A_271], %swap3A_274 {add = true, strides = array<i32>} : memref<160x128xf32, #tpu.memory_space<vmem>>, vector<1x16xf32>,
            %get3A_275 = arith.index_cast %add3A_220 : i32 to index
            %get3A_276 = arith.constant 96 : index
            %get3A_277 = tpu.vector_load %arg7[%get3A_275, %get3A_276] {strides = array<i32>} : memref<320x128xf32, #tpu.memory_space<vmem>>, vector<1x16xf32>,
            %get3A_278 = vector.shape_cast %get3A_277 : vector<1x16xf32> to vector<16xf32>
            %swap3A_279 = arith.index_cast %scan3A_218 : i32 to index
            %swap3A_280 = arith.constant 96 : index
            %swap3A_281 = tpu.vector_load %arg10[%swap3A_279, %swap3A_280] {strides = array<i32>} : memref<160x128xf32, #tpu.memory_space<vmem>>, vector<1x16xf32>,
            %swap3A_282 = vector.shape_cast %swap3A_281 : vector<1x16xf32> to vector<16xf32>
            %swap3A_283 = vector.shape_cast %get3A_278 : vector<16xf32> to vector<1x16xf32>
            tpu.vector_store %arg10[%swap3A_279, %swap3A_280], %swap3A_283 {add = true, strides = array<i32>} : memref<160x128xf32, #tpu.memory_space<vmem>>, vector<1x16xf32>,
            %get3A_284 = arith.index_cast %add3A_220 : i32 to index
            %get3A_285 = arith.constant 112 : index
            %get3A_286 = tpu.vector_load %arg7[%get3A_284, %get3A_285] {strides = array<i32>} : memref<320x128xf32, #tpu.memory_space<vmem>>, vector<1x16xf32>,
            %get3A_287 = vector.shape_cast %get3A_286 : vector<1x16xf32> to vector<16xf32>
            %swap3A_288 = arith.index_cast %scan3A_218 : i32 to index
            %swap3A_289 = arith.constant 112 : index
            %swap3A_290 = tpu.vector_load %arg10[%swap3A_288, %swap3A_289] {strides = array<i32>} : memref<160x128xf32, #tpu.memory_space<vmem>>, vector<1x16xf32>,
            %swap3A_291 = vector.shape_cast %swap3A_290 : vector<1x16xf32> to vector<16xf32>
            %swap3A_292 = vector.shape_cast %get3A_287 : vector<16xf32> to vector<1x16xf32>
            tpu.vector_store %arg10[%swap3A_288, %swap3A_289], %swap3A_292 {add = true, strides = array<i32>} : memref<160x128xf32, #tpu.memory_space<vmem>>, vector<1x16xf32>,
          }
          %scan3A_143 = arith.constant 160 : i32
        } else {
        }
        %eq3A_111 = arith.constant 1 : i32
        %eq3A_112 = arith.cmpi eq, %rem3A_105, %eq3A_111 : i32
        %convert_element_type3A_113 = arith.extui %eq3A_112 : i1 to i32
        %cond3A_114 = arith.constant 0 : i32
        %cond3A_115 = arith.cmpi ne, %convert_element_type3A_113, %cond3A_114 : i32
        scf.if %cond3A_115 {
          %scan3A_138 = arith.constant 0 : i32
          %scan3A_139 = arith.constant 0 : i32
          %scan3A_140 = arith.constant 160 : i32
          %scan3A_141 = arith.addi %scan3A_139, %scan3A_140 : i32
          %scan3A_142 = arith.constant 2 : i32
          scf.for %scan3A_144 = %scan3A_139 to %scan3A_141 step %scan3A_142  : i32 {
            %add3A_145 = arith.constant 160 : i32
            %add3A_146 = arith.addi %add3A_145, %scan3A_144 : i32
            %get3A = arith.index_cast %add3A_146 : i32 to index
            %get3A_147 = arith.constant 0 : index
            %get3A_148 = tpu.vector_load %arg7[%get3A, %get3A_147] {strides = array<i32>} : memref<320x128xf32, #tpu.memory_space<vmem>>, vector<1x16xf32>,
            %get3A_149 = vector.shape_cast %get3A_148 : vector<1x16xf32> to vector<16xf32>
            %swap3A = arith.index_cast %scan3A_144 : i32 to index
            %swap3A_150 = arith.constant 0 : index
            %swap3A_151 = tpu.vector_load %arg10[%swap3A, %swap3A_150] {strides = array<i32>} : memref<160x128xf32, #tpu.memory_space<vmem>>, vector<1x16xf32>,
            %swap3A_152 = vector.shape_cast %swap3A_151 : vector<1x16xf32> to vector<16xf32>
            %swap3A_153 = vector.shape_cast %get3A_149 : vector<16xf32> to vector<1x16xf32>
            tpu.vector_store %arg10[%swap3A, %swap3A_150], %swap3A_153 {add = true, strides = array<i32>} : memref<160x128xf32, #tpu.memory_space<vmem>>, vector<1x16xf32>,
            %get3A_154 = arith.index_cast %add3A_146 : i32 to index
            %get3A_155 = arith.constant 16 : index
            %get3A_156 = tpu.vector_load %arg7[%get3A_154, %get3A_155] {strides = array<i32>} : memref<320x128xf32, #tpu.memory_space<vmem>>, vector<1x16xf32>,
            %get3A_157 = vector.shape_cast %get3A_156 : vector<1x16xf32> to vector<16xf32>
            %swap3A_158 = arith.index_cast %scan3A_144 : i32 to index
            %swap3A_159 = arith.constant 16 : index
            %swap3A_160 = tpu.vector_load %arg10[%swap3A_158, %swap3A_159] {strides = array<i32>} : memref<160x128xf32, #tpu.memory_space<vmem>>, vector<1x16xf32>,
            %swap3A_161 = vector.shape_cast %swap3A_160 : vector<1x16xf32> to vector<16xf32>
            %swap3A_162 = vector.shape_cast %get3A_157 : vector<16xf32> to vector<1x16xf32>
            tpu.vector_store %arg10[%swap3A_158, %swap3A_159], %swap3A_162 {add = true, strides = array<i32>} : memref<160x128xf32, #tpu.memory_space<vmem>>, vector<1x16xf32>,
            %get3A_163 = arith.index_cast %add3A_146 : i32 to index
            %get3A_164 = arith.constant 32 : index
            %get3A_165 = tpu.vector_load %arg7[%get3A_163, %get3A_164] {strides = array<i32>} : memref<320x128xf32, #tpu.memory_space<vmem>>, vector<1x16xf32>,
            %get3A_166 = vector.shape_cast %get3A_165 : vector<1x16xf32> to vector<16xf32>
            %swap3A_167 = arith.index_cast %scan3A_144 : i32 to index
            %swap3A_168 = arith.constant 32 : index
            %swap3A_169 = tpu.vector_load %arg10[%swap3A_167, %swap3A_168] {strides = array<i32>} : memref<160x128xf32, #tpu.memory_space<vmem>>, vector<1x16xf32>,
            %swap3A_170 = vector.shape_cast %swap3A_169 : vector<1x16xf32> to vector<16xf32>
            %swap3A_171 = vector.shape_cast %get3A_166 : vector<16xf32> to vector<1x16xf32>
            tpu.vector_store %arg10[%swap3A_167, %swap3A_168], %swap3A_171 {add = true, strides = array<i32>} : memref<160x128xf32, #tpu.memory_space<vmem>>, vector<1x16xf32>,
            %get3A_172 = arith.index_cast %add3A_146 : i32 to index
            %get3A_173 = arith.constant 48 : index
            %get3A_174 = tpu.vector_load %arg7[%get3A_172, %get3A_173] {strides = array<i32>} : memref<320x128xf32, #tpu.memory_space<vmem>>, vector<1x16xf32>,
            %get3A_175 = vector.shape_cast %get3A_174 : vector<1x16xf32> to vector<16xf32>
            %swap3A_176 = arith.index_cast %scan3A_144 : i32 to index
            %swap3A_177 = arith.constant 48 : index
            %swap3A_178 = tpu.vector_load %arg10[%swap3A_176, %swap3A_177] {strides = array<i32>} : memref<160x128xf32, #tpu.memory_space<vmem>>, vector<1x16xf32>,
            %swap3A_179 = vector.shape_cast %swap3A_178 : vector<1x16xf32> to vector<16xf32>
            %swap3A_180 = vector.shape_cast %get3A_175 : vector<16xf32> to vector<1x16xf32>
            tpu.vector_store %arg10[%swap3A_176, %swap3A_177], %swap3A_180 {add = true, strides = array<i32>} : memref<160x128xf32, #tpu.memory_space<vmem>>, vector<1x16xf32>,
            %get3A_181 = arith.index_cast %add3A_146 : i32 to index
            %get3A_182 = arith.constant 64 : index
            %get3A_183 = tpu.vector_load %arg7[%get3A_181, %get3A_182] {strides = array<i32>} : memref<320x128xf32, #tpu.memory_space<vmem>>, vector<1x16xf32>,
            %get3A_184 = vector.shape_cast %get3A_183 : vector<1x16xf32> to vector<16xf32>
            %swap3A_185 = arith.index_cast %scan3A_144 : i32 to index
            %swap3A_186 = arith.constant 64 : index
            %swap3A_187 = tpu.vector_load %arg10[%swap3A_185, %swap3A_186] {strides = array<i32>} : memref<160x128xf32, #tpu.memory_space<vmem>>, vector<1x16xf32>,
            %swap3A_188 = vector.shape_cast %swap3A_187 : vector<1x16xf32> to vector<16xf32>
            %swap3A_189 = vector.shape_cast %get3A_184 : vector<16xf32> to vector<1x16xf32>
            tpu.vector_store %arg10[%swap3A_185, %swap3A_186], %swap3A_189 {add = true, strides = array<i32>} : memref<160x128xf32, #tpu.memory_space<vmem>>, vector<1x16xf32>,
            %get3A_190 = arith.index_cast %add3A_146 : i32 to index
            %get3A_191 = arith.constant 80 : index
            %get3A_192 = tpu.vector_load %arg7[%get3A_190, %get3A_191] {strides = array<i32>} : memref<320x128xf32, #tpu.memory_space<vmem>>, vector<1x16xf32>,
            %get3A_193 = vector.shape_cast %get3A_192 : vector<1x16xf32> to vector<16xf32>
            %swap3A_194 = arith.index_cast %scan3A_144 : i32 to index
            %swap3A_195 = arith.constant 80 : index
            %swap3A_196 = tpu.vector_load %arg10[%swap3A_194, %swap3A_195] {strides = array<i32>} : memref<160x128xf32, #tpu.memory_space<vmem>>, vector<1x16xf32>,
            %swap3A_197 = vector.shape_cast %swap3A_196 : vector<1x16xf32> to vector<16xf32>
            %swap3A_198 = vector.shape_cast %get3A_193 : vector<16xf32> to vector<1x16xf32>
            tpu.vector_store %arg10[%swap3A_194, %swap3A_195], %swap3A_198 {add = true, strides = array<i32>} : memref<160x128xf32, #tpu.memory_space<vmem>>, vector<1x16xf32>,
            %get3A_199 = arith.index_cast %add3A_146 : i32 to index
            %get3A_200 = arith.constant 96 : index
            %get3A_201 = tpu.vector_load %arg7[%get3A_199, %get3A_200] {strides = array<i32>} : memref<320x128xf32, #tpu.memory_space<vmem>>, vector<1x16xf32>,
            %get3A_202 = vector.shape_cast %get3A_201 : vector<1x16xf32> to vector<16xf32>
            %swap3A_203 = arith.index_cast %scan3A_144 : i32 to index
            %swap3A_204 = arith.constant 96 : index
            %swap3A_205 = tpu.vector_load %arg10[%swap3A_203, %swap3A_204] {strides = array<i32>} : memref<160x128xf32, #tpu.memory_space<vmem>>, vector<1x16xf32>,
            %swap3A_206 = vector.shape_cast %swap3A_205 : vector<1x16xf32> to vector<16xf32>
            %swap3A_207 = vector.shape_cast %get3A_202 : vector<16xf32> to vector<1x16xf32>
            tpu.vector_store %arg10[%swap3A_203, %swap3A_204], %swap3A_207 {add = true, strides = array<i32>} : memref<160x128xf32, #tpu.memory_space<vmem>>, vector<1x16xf32>,
            %get3A_208 = arith.index_cast %add3A_146 : i32 to index
            %get3A_209 = arith.constant 112 : index
            %get3A_210 = tpu.vector_load %arg7[%get3A_208, %get3A_209] {strides = array<i32>} : memref<320x128xf32, #tpu.memory_space<vmem>>, vector<1x16xf32>,
            %get3A_211 = vector.shape_cast %get3A_210 : vector<1x16xf32> to vector<16xf32>
            %swap3A_212 = arith.index_cast %scan3A_144 : i32 to index
            %swap3A_213 = arith.constant 112 : index
            %swap3A_214 = tpu.vector_load %arg10[%swap3A_212, %swap3A_213] {strides = array<i32>} : memref<160x128xf32, #tpu.memory_space<vmem>>, vector<1x16xf32>,
            %swap3A_215 = vector.shape_cast %swap3A_214 : vector<1x16xf32> to vector<16xf32>
            %swap3A_216 = vector.shape_cast %get3A_211 : vector<16xf32> to vector<1x16xf32>
            tpu.vector_store %arg10[%swap3A_212, %swap3A_213], %swap3A_216 {add = true, strides = array<i32>} : memref<160x128xf32, #tpu.memory_space<vmem>>, vector<1x16xf32>,
            %scan3A_217 = arith.constant 1 : i32
            %scan3A_218 = arith.addi %scan3A_144, %scan3A_217 : i32
            %add3A_219 = arith.constant 160 : i32
            %add3A_220 = arith.addi %add3A_219, %scan3A_218 : i32
            %get3A_221 = arith.index_cast %add3A_220 : i32 to index
            %get3A_222 = arith.constant 0 : index
            %get3A_223 = tpu.vector_load %arg7[%get3A_221, %get3A_222] {strides = array<i32>} : memref<320x128xf32, #tpu.memory_space<vmem>>, vector<1x16xf32>,
            %get3A_224 = vector.shape_cast %get3A_223 : vector<1x16xf32> to vector<16xf32>
            %swap3A_225 = arith.index_cast %scan3A_218 : i32 to index
            %swap3A_226 = arith.constant 0 : index
            %swap3A_227 = tpu.vector_load %arg10[%swap3A_225, %swap3A_226] {strides = array<i32>} : memref<160x128xf32, #tpu.memory_space<vmem>>, vector<1x16xf32>,
            %swap3A_228 = vector.shape_cast %swap3A_227 : vector<1x16xf32> to vector<16xf32>
            %swap3A_229 = vector.shape_cast %get3A_224 : vector<16xf32> to vector<1x16xf32>
            tpu.vector_store %arg10[%swap3A_225, %swap3A_226], %swap3A_229 {add = true, strides = array<i32>} : memref<160x128xf32, #tpu.memory_space<vmem>>, vector<1x16xf32>,
            %get3A_230 = arith.index_cast %add3A_220 : i32 to index
            %get3A_231 = arith.constant 16 : index
            %get3A_232 = tpu.vector_load %arg7[%get3A_230, %get3A_231] {strides = array<i32>} : memref<320x128xf32, #tpu.memory_space<vmem>>, vector<1x16xf32>,
            %get3A_233 = vector.shape_cast %get3A_232 : vector<1x16xf32> to vector<16xf32>
            %swap3A_234 = arith.index_cast %scan3A_218 : i32 to index
            %swap3A_235 = arith.constant 16 : index
            %swap3A_236 = tpu.vector_load %arg10[%swap3A_234, %swap3A_235] {strides = array<i32>} : memref<160x128xf32, #tpu.memory_space<vmem>>, vector<1x16xf32>,
            %swap3A_237 = vector.shape_cast %swap3A_236 : vector<1x16xf32> to vector<16xf32>
            %swap3A_238 = vector.shape_cast %get3A_233 : vector<16xf32> to vector<1x16xf32>
            tpu.vector_store %arg10[%swap3A_234, %swap3A_235], %swap3A_238 {add = true, strides = array<i32>} : memref<160x128xf32, #tpu.memory_space<vmem>>, vector<1x16xf32>,
            %get3A_239 = arith.index_cast %add3A_220 : i32 to index
            %get3A_240 = arith.constant 32 : index
            %get3A_241 = tpu.vector_load %arg7[%get3A_239, %get3A_240] {strides = array<i32>} : memref<320x128xf32, #tpu.memory_space<vmem>>, vector<1x16xf32>,
            %get3A_242 = vector.shape_cast %get3A_241 : vector<1x16xf32> to vector<16xf32>
            %swap3A_243 = arith.index_cast %scan3A_218 : i32 to index
            %swap3A_244 = arith.constant 32 : index
            %swap3A_245 = tpu.vector_load %arg10[%swap3A_243, %swap3A_244] {strides = array<i32>} : memref<160x128xf32, #tpu.memory_space<vmem>>, vector<1x16xf32>,
            %swap3A_246 = vector.shape_cast %swap3A_245 : vector<1x16xf32> to vector<16xf32>
            %swap3A_247 = vector.shape_cast %get3A_242 : vector<16xf32> to vector<1x16xf32>
            tpu.vector_store %arg10[%swap3A_243, %swap3A_244], %swap3A_247 {add = true, strides = array<i32>} : memref<160x128xf32, #tpu.memory_space<vmem>>, vector<1x16xf32>,
            %get3A_248 = arith.index_cast %add3A_220 : i32 to index
            %get3A_249 = arith.constant 48 : index
            %get3A_250 = tpu.vector_load %arg7[%get3A_248, %get3A_249] {strides = array<i32>} : memref<320x128xf32, #tpu.memory_space<vmem>>, vector<1x16xf32>,
            %get3A_251 = vector.shape_cast %get3A_250 : vector<1x16xf32> to vector<16xf32>
            %swap3A_252 = arith.index_cast %scan3A_218 : i32 to index
            %swap3A_253 = arith.constant 48 : index
            %swap3A_254 = tpu.vector_load %arg10[%swap3A_252, %swap3A_253] {strides = array<i32>} : memref<160x128xf32, #tpu.memory_space<vmem>>, vector<1x16xf32>,
            %swap3A_255 = vector.shape_cast %swap3A_254 : vector<1x16xf32> to vector<16xf32>
            %swap3A_256 = vector.shape_cast %get3A_251 : vector<16xf32> to vector<1x16xf32>
            tpu.vector_store %arg10[%swap3A_252, %swap3A_253], %swap3A_256 {add = true, strides = array<i32>} : memref<160x128xf32, #tpu.memory_space<vmem>>, vector<1x16xf32>,
            %get3A_257 = arith.index_cast %add3A_220 : i32 to index
            %get3A_258 = arith.constant 64 : index
            %get3A_259 = tpu.vector_load %arg7[%get3A_257, %get3A_258] {strides = array<i32>} : memref<320x128xf32, #tpu.memory_space<vmem>>, vector<1x16xf32>,
            %get3A_260 = vector.shape_cast %get3A_259 : vector<1x16xf32> to vector<16xf32>
            %swap3A_261 = arith.index_cast %scan3A_218 : i32 to index
            %swap3A_262 = arith.constant 64 : index
            %swap3A_263 = tpu.vector_load %arg10[%swap3A_261, %swap3A_262] {strides = array<i32>} : memref<160x128xf32, #tpu.memory_space<vmem>>, vector<1x16xf32>,
            %swap3A_264 = vector.shape_cast %swap3A_263 : vector<1x16xf32> to vector<16xf32>
            %swap3A_265 = vector.shape_cast %get3A_260 : vector<16xf32> to vector<1x16xf32>
            tpu.vector_store %arg10[%swap3A_261, %swap3A_262], %swap3A_265 {add = true, strides = array<i32>} : memref<160x128xf32, #tpu.memory_space<vmem>>, vector<1x16xf32>,
            %get3A_266 = arith.index_cast %add3A_220 : i32 to index
            %get3A_267 = arith.constant 80 : index
            %get3A_268 = tpu.vector_load %arg7[%get3A_266, %get3A_267] {strides = array<i32>} : memref<320x128xf32, #tpu.memory_space<vmem>>, vector<1x16xf32>,
            %get3A_269 = vector.shape_cast %get3A_268 : vector<1x16xf32> to vector<16xf32>
            %swap3A_270 = arith.index_cast %scan3A_218 : i32 to index
            %swap3A_271 = arith.constant 80 : index
            %swap3A_272 = tpu.vector_load %arg10[%swap3A_270, %swap3A_271] {strides = array<i32>} : memref<160x128xf32, #tpu.memory_space<vmem>>, vector<1x16xf32>,
            %swap3A_273 = vector.shape_cast %swap3A_272 : vector<1x16xf32> to vector<16xf32>
            %swap3A_274 = vector.shape_cast %get3A_269 : vector<16xf32> to vector<1x16xf32>
            tpu.vector_store %arg10[%swap3A_270, %swap3A_271], %swap3A_274 {add = true, strides = array<i32>} : memref<160x128xf32, #tpu.memory_space<vmem>>, vector<1x16xf32>,
            %get3A_275 = arith.index_cast %add3A_220 : i32 to index
            %get3A_276 = arith.constant 96 : index
            %get3A_277 = tpu.vector_load %arg7[%get3A_275, %get3A_276] {strides = array<i32>} : memref<320x128xf32, #tpu.memory_space<vmem>>, vector<1x16xf32>,
            %get3A_278 = vector.shape_cast %get3A_277 : vector<1x16xf32> to vector<16xf32>
            %swap3A_279 = arith.index_cast %scan3A_218 : i32 to index
            %swap3A_280 = arith.constant 96 : index
            %swap3A_281 = tpu.vector_load %arg10[%swap3A_279, %swap3A_280] {strides = array<i32>} : memref<160x128xf32, #tpu.memory_space<vmem>>, vector<1x16xf32>,
            %swap3A_282 = vector.shape_cast %swap3A_281 : vector<1x16xf32> to vector<16xf32>
            %swap3A_283 = vector.shape_cast %get3A_278 : vector<16xf32> to vector<1x16xf32>
            tpu.vector_store %arg10[%swap3A_279, %swap3A_280], %swap3A_283 {add = true, strides = array<i32>} : memref<160x128xf32, #tpu.memory_space<vmem>>, vector<1x16xf32>,
            %get3A_284 = arith.index_cast %add3A_220 : i32 to index
            %get3A_285 = arith.constant 112 : index
            %get3A_286 = tpu.vector_load %arg7[%get3A_284, %get3A_285] {strides = array<i32>} : memref<320x128xf32, #tpu.memory_space<vmem>>, vector<1x16xf32>,
            %get3A_287 = vector.shape_cast %get3A_286 : vector<1x16xf32> to vector<16xf32>
            %swap3A_288 = arith.index_cast %scan3A_218 : i32 to index
            %swap3A_289 = arith.constant 112 : index
            %swap3A_290 = tpu.vector_load %arg10[%swap3A_288, %swap3A_289] {strides = array<i32>} : memref<160x128xf32, #tpu.memory_space<vmem>>, vector<1x16xf32>,
            %swap3A_291 = vector.shape_cast %swap3A_290 : vector<1x16xf32> to vector<16xf32>
            %swap3A_292 = vector.shape_cast %get3A_287 : vector<16xf32> to vector<1x16xf32>
            tpu.vector_store %arg10[%swap3A_288, %swap3A_289], %swap3A_292 {add = true, strides = array<i32>} : memref<160x128xf32, #tpu.memory_space<vmem>>, vector<1x16xf32>,
          }
          %scan3A_143 = arith.constant 160 : i32
        } else {
        }
        %eq3A_116 = arith.constant 2 : i32
        %eq3A_117 = arith.cmpi eq, %rem3A_105, %eq3A_116 : i32
        %convert_element_type3A_118 = arith.extui %eq3A_117 : i1 to i32
        %cond3A_119 = arith.constant 0 : i32
        %cond3A_120 = arith.cmpi ne, %convert_element_type3A_118, %cond3A_119 : i32
        scf.if %cond3A_120 {
          %scan3A_138 = arith.constant 0 : i32
          %scan3A_139 = arith.constant 0 : i32
          %scan3A_140 = arith.constant 160 : i32
          %scan3A_141 = arith.addi %scan3A_139, %scan3A_140 : i32
          %scan3A_142 = arith.constant 2 : i32
          scf.for %scan3A_144 = %scan3A_139 to %scan3A_141 step %scan3A_142  : i32 {
            %add3A_145 = arith.constant 120 : i32
            %add3A_146 = arith.addi %add3A_145, %scan3A_144 : i32
            %get3A = arith.index_cast %add3A_146 : i32 to index
            %get3A_147 = arith.constant 0 : index
            %get3A_148 = tpu.vector_load %arg7[%get3A, %get3A_147] {strides = array<i32>} : memref<320x128xf32, #tpu.memory_space<vmem>>, vector<1x16xf32>,
            %get3A_149 = vector.shape_cast %get3A_148 : vector<1x16xf32> to vector<16xf32>
            %swap3A = arith.index_cast %scan3A_144 : i32 to index
            %swap3A_150 = arith.constant 0 : index
            %swap3A_151 = tpu.vector_load %arg10[%swap3A, %swap3A_150] {strides = array<i32>} : memref<160x128xf32, #tpu.memory_space<vmem>>, vector<1x16xf32>,
            %swap3A_152 = vector.shape_cast %swap3A_151 : vector<1x16xf32> to vector<16xf32>
            %swap3A_153 = vector.shape_cast %get3A_149 : vector<16xf32> to vector<1x16xf32>
            tpu.vector_store %arg10[%swap3A, %swap3A_150], %swap3A_153 {add = true, strides = array<i32>} : memref<160x128xf32, #tpu.memory_space<vmem>>, vector<1x16xf32>,
            %get3A_154 = arith.index_cast %add3A_146 : i32 to index
            %get3A_155 = arith.constant 16 : index
            %get3A_156 = tpu.vector_load %arg7[%get3A_154, %get3A_155] {strides = array<i32>} : memref<320x128xf32, #tpu.memory_space<vmem>>, vector<1x16xf32>,
            %get3A_157 = vector.shape_cast %get3A_156 : vector<1x16xf32> to vector<16xf32>
            %swap3A_158 = arith.index_cast %scan3A_144 : i32 to index
            %swap3A_159 = arith.constant 16 : index
            %swap3A_160 = tpu.vector_load %arg10[%swap3A_158, %swap3A_159] {strides = array<i32>} : memref<160x128xf32, #tpu.memory_space<vmem>>, vector<1x16xf32>,
            %swap3A_161 = vector.shape_cast %swap3A_160 : vector<1x16xf32> to vector<16xf32>
            %swap3A_162 = vector.shape_cast %get3A_157 : vector<16xf32> to vector<1x16xf32>
            tpu.vector_store %arg10[%swap3A_158, %swap3A_159], %swap3A_162 {add = true, strides = array<i32>} : memref<160x128xf32, #tpu.memory_space<vmem>>, vector<1x16xf32>,
            %get3A_163 = arith.index_cast %add3A_146 : i32 to index
            %get3A_164 = arith.constant 32 : index
            %get3A_165 = tpu.vector_load %arg7[%get3A_163, %get3A_164] {strides = array<i32>} : memref<320x128xf32, #tpu.memory_space<vmem>>, vector<1x16xf32>,
            %get3A_166 = vector.shape_cast %get3A_165 : vector<1x16xf32> to vector<16xf32>
            %swap3A_167 = arith.index_cast %scan3A_144 : i32 to index
            %swap3A_168 = arith.constant 32 : index
            %swap3A_169 = tpu.vector_load %arg10[%swap3A_167, %swap3A_168] {strides = array<i32>} : memref<160x128xf32, #tpu.memory_space<vmem>>, vector<1x16xf32>,
            %swap3A_170 = vector.shape_cast %swap3A_169 : vector<1x16xf32> to vector<16xf32>
            %swap3A_171 = vector.shape_cast %get3A_166 : vector<16xf32> to vector<1x16xf32>
            tpu.vector_store %arg10[%swap3A_167, %swap3A_168], %swap3A_171 {add = true, strides = array<i32>} : memref<160x128xf32, #tpu.memory_space<vmem>>, vector<1x16xf32>,
            %get3A_172 = arith.index_cast %add3A_146 : i32 to index
            %get3A_173 = arith.constant 48 : index
            %get3A_174 = tpu.vector_load %arg7[%get3A_172, %get3A_173] {strides = array<i32>} : memref<320x128xf32, #tpu.memory_space<vmem>>, vector<1x16xf32>,
            %get3A_175 = vector.shape_cast %get3A_174 : vector<1x16xf32> to vector<16xf32>
            %swap3A_176 = arith.index_cast %scan3A_144 : i32 to index
            %swap3A_177 = arith.constant 48 : index
            %swap3A_178 = tpu.vector_load %arg10[%swap3A_176, %swap3A_177] {strides = array<i32>} : memref<160x128xf32, #tpu.memory_space<vmem>>, vector<1x16xf32>,
            %swap3A_179 = vector.shape_cast %swap3A_178 : vector<1x16xf32> to vector<16xf32>
            %swap3A_180 = vector.shape_cast %get3A_175 : vector<16xf32> to vector<1x16xf32>
            tpu.vector_store %arg10[%swap3A_176, %swap3A_177], %swap3A_180 {add = true, strides = array<i32>} : memref<160x128xf32, #tpu.memory_space<vmem>>, vector<1x16xf32>,
            %get3A_181 = arith.index_cast %add3A_146 : i32 to index
            %get3A_182 = arith.constant 64 : index
            %get3A_183 = tpu.vector_load %arg7[%get3A_181, %get3A_182] {strides = array<i32>} : memref<320x128xf32, #tpu.memory_space<vmem>>, vector<1x16xf32>,
            %get3A_184 = vector.shape_cast %get3A_183 : vector<1x16xf32> to vector<16xf32>
            %swap3A_185 = arith.index_cast %scan3A_144 : i32 to index
            %swap3A_186 = arith.constant 64 : index
            %swap3A_187 = tpu.vector_load %arg10[%swap3A_185, %swap3A_186] {strides = array<i32>} : memref<160x128xf32, #tpu.memory_space<vmem>>, vector<1x16xf32>,
            %swap3A_188 = vector.shape_cast %swap3A_187 : vector<1x16xf32> to vector<16xf32>
            %swap3A_189 = vector.shape_cast %get3A_184 : vector<16xf32> to vector<1x16xf32>
            tpu.vector_store %arg10[%swap3A_185, %swap3A_186], %swap3A_189 {add = true, strides = array<i32>} : memref<160x128xf32, #tpu.memory_space<vmem>>, vector<1x16xf32>,
            %get3A_190 = arith.index_cast %add3A_146 : i32 to index
            %get3A_191 = arith.constant 80 : index
            %get3A_192 = tpu.vector_load %arg7[%get3A_190, %get3A_191] {strides = array<i32>} : memref<320x128xf32, #tpu.memory_space<vmem>>, vector<1x16xf32>,
            %get3A_193 = vector.shape_cast %get3A_192 : vector<1x16xf32> to vector<16xf32>
            %swap3A_194 = arith.index_cast %scan3A_144 : i32 to index
            %swap3A_195 = arith.constant 80 : index
            %swap3A_196 = tpu.vector_load %arg10[%swap3A_194, %swap3A_195] {strides = array<i32>} : memref<160x128xf32, #tpu.memory_space<vmem>>, vector<1x16xf32>,
            %swap3A_197 = vector.shape_cast %swap3A_196 : vector<1x16xf32> to vector<16xf32>
            %swap3A_198 = vector.shape_cast %get3A_193 : vector<16xf32> to vector<1x16xf32>
            tpu.vector_store %arg10[%swap3A_194, %swap3A_195], %swap3A_198 {add = true, strides = array<i32>} : memref<160x128xf32, #tpu.memory_space<vmem>>, vector<1x16xf32>,
            %get3A_199 = arith.index_cast %add3A_146 : i32 to index
            %get3A_200 = arith.constant 96 : index
            %get3A_201 = tpu.vector_load %arg7[%get3A_199, %get3A_200] {strides = array<i32>} : memref<320x128xf32, #tpu.memory_space<vmem>>, vector<1x16xf32>,
            %get3A_202 = vector.shape_cast %get3A_201 : vector<1x16xf32> to vector<16xf32>
            %swap3A_203 = arith.index_cast %scan3A_144 : i32 to index
            %swap3A_204 = arith.constant 96 : index
            %swap3A_205 = tpu.vector_load %arg10[%swap3A_203, %swap3A_204] {strides = array<i32>} : memref<160x128xf32, #tpu.memory_space<vmem>>, vector<1x16xf32>,
            %swap3A_206 = vector.shape_cast %swap3A_205 : vector<1x16xf32> to vector<16xf32>
            %swap3A_207 = vector.shape_cast %get3A_202 : vector<16xf32> to vector<1x16xf32>
            tpu.vector_store %arg10[%swap3A_203, %swap3A_204], %swap3A_207 {add = true, strides = array<i32>} : memref<160x128xf32, #tpu.memory_space<vmem>>, vector<1x16xf32>,
            %get3A_208 = arith.index_cast %add3A_146 : i32 to index
            %get3A_209 = arith.constant 112 : index
            %get3A_210 = tpu.vector_load %arg7[%get3A_208, %get3A_209] {strides = array<i32>} : memref<320x128xf32, #tpu.memory_space<vmem>>, vector<1x16xf32>,
            %get3A_211 = vector.shape_cast %get3A_210 : vector<1x16xf32> to vector<16xf32>
            %swap3A_212 = arith.index_cast %scan3A_144 : i32 to index
            %swap3A_213 = arith.constant 112 : index
            %swap3A_214 = tpu.vector_load %arg10[%swap3A_212, %swap3A_213] {strides = array<i32>} : memref<160x128xf32, #tpu.memory_space<vmem>>, vector<1x16xf32>,
            %swap3A_215 = vector.shape_cast %swap3A_214 : vector<1x16xf32> to vector<16xf32>
            %swap3A_216 = vector.shape_cast %get3A_211 : vector<16xf32> to vector<1x16xf32>
            tpu.vector_store %arg10[%swap3A_212, %swap3A_213], %swap3A_216 {add = true, strides = array<i32>} : memref<160x128xf32, #tpu.memory_space<vmem>>, vector<1x16xf32>,
            %scan3A_217 = arith.constant 1 : i32
            %scan3A_218 = arith.addi %scan3A_144, %scan3A_217 : i32
            %add3A_219 = arith.constant 120 : i32
            %add3A_220 = arith.addi %add3A_219, %scan3A_218 : i32
            %get3A_221 = arith.index_cast %add3A_220 : i32 to index
            %get3A_222 = arith.constant 0 : index
            %get3A_223 = tpu.vector_load %arg7[%get3A_221, %get3A_222] {strides = array<i32>} : memref<320x128xf32, #tpu.memory_space<vmem>>, vector<1x16xf32>,
            %get3A_224 = vector.shape_cast %get3A_223 : vector<1x16xf32> to vector<16xf32>
            %swap3A_225 = arith.index_cast %scan3A_218 : i32 to index
            %swap3A_226 = arith.constant 0 : index
            %swap3A_227 = tpu.vector_load %arg10[%swap3A_225, %swap3A_226] {strides = array<i32>} : memref<160x128xf32, #tpu.memory_space<vmem>>, vector<1x16xf32>,
            %swap3A_228 = vector.shape_cast %swap3A_227 : vector<1x16xf32> to vector<16xf32>
            %swap3A_229 = vector.shape_cast %get3A_224 : vector<16xf32> to vector<1x16xf32>
            tpu.vector_store %arg10[%swap3A_225, %swap3A_226], %swap3A_229 {add = true, strides = array<i32>} : memref<160x128xf32, #tpu.memory_space<vmem>>, vector<1x16xf32>,
            %get3A_230 = arith.index_cast %add3A_220 : i32 to index
            %get3A_231 = arith.constant 16 : index
            %get3A_232 = tpu.vector_load %arg7[%get3A_230, %get3A_231] {strides = array<i32>} : memref<320x128xf32, #tpu.memory_space<vmem>>, vector<1x16xf32>,
            %get3A_233 = vector.shape_cast %get3A_232 : vector<1x16xf32> to vector<16xf32>
            %swap3A_234 = arith.index_cast %scan3A_218 : i32 to index
            %swap3A_235 = arith.constant 16 : index
            %swap3A_236 = tpu.vector_load %arg10[%swap3A_234, %swap3A_235] {strides = array<i32>} : memref<160x128xf32, #tpu.memory_space<vmem>>, vector<1x16xf32>,
            %swap3A_237 = vector.shape_cast %swap3A_236 : vector<1x16xf32> to vector<16xf32>
            %swap3A_238 = vector.shape_cast %get3A_233 : vector<16xf32> to vector<1x16xf32>
            tpu.vector_store %arg10[%swap3A_234, %swap3A_235], %swap3A_238 {add = true, strides = array<i32>} : memref<160x128xf32, #tpu.memory_space<vmem>>, vector<1x16xf32>,
            %get3A_239 = arith.index_cast %add3A_220 : i32 to index
            %get3A_240 = arith.constant 32 : index
            %get3A_241 = tpu.vector_load %arg7[%get3A_239, %get3A_240] {strides = array<i32>} : memref<320x128xf32, #tpu.memory_space<vmem>>, vector<1x16xf32>,
            %get3A_242 = vector.shape_cast %get3A_241 : vector<1x16xf32> to vector<16xf32>
            %swap3A_243 = arith.index_cast %scan3A_218 : i32 to index
            %swap3A_244 = arith.constant 32 : index
            %swap3A_245 = tpu.vector_load %arg10[%swap3A_243, %swap3A_244] {strides = array<i32>} : memref<160x128xf32, #tpu.memory_space<vmem>>, vector<1x16xf32>,
            %swap3A_246 = vector.shape_cast %swap3A_245 : vector<1x16xf32> to vector<16xf32>
            %swap3A_247 = vector.shape_cast %get3A_242 : vector<16xf32> to vector<1x16xf32>
            tpu.vector_store %arg10[%swap3A_243, %swap3A_244], %swap3A_247 {add = true, strides = array<i32>} : memref<160x128xf32, #tpu.memory_space<vmem>>, vector<1x16xf32>,
            %get3A_248 = arith.index_cast %add3A_220 : i32 to index
            %get3A_249 = arith.constant 48 : index
            %get3A_250 = tpu.vector_load %arg7[%get3A_248, %get3A_249] {strides = array<i32>} : memref<320x128xf32, #tpu.memory_space<vmem>>, vector<1x16xf32>,
            %get3A_251 = vector.shape_cast %get3A_250 : vector<1x16xf32> to vector<16xf32>
            %swap3A_252 = arith.index_cast %scan3A_218 : i32 to index
            %swap3A_253 = arith.constant 48 : index
            %swap3A_254 = tpu.vector_load %arg10[%swap3A_252, %swap3A_253] {strides = array<i32>} : memref<160x128xf32, #tpu.memory_space<vmem>>, vector<1x16xf32>,
            %swap3A_255 = vector.shape_cast %swap3A_254 : vector<1x16xf32> to vector<16xf32>
            %swap3A_256 = vector.shape_cast %get3A_251 : vector<16xf32> to vector<1x16xf32>
            tpu.vector_store %arg10[%swap3A_252, %swap3A_253], %swap3A_256 {add = true, strides = array<i32>} : memref<160x128xf32, #tpu.memory_space<vmem>>, vector<1x16xf32>,
            %get3A_257 = arith.index_cast %add3A_220 : i32 to index
            %get3A_258 = arith.constant 64 : index
            %get3A_259 = tpu.vector_load %arg7[%get3A_257, %get3A_258] {strides = array<i32>} : memref<320x128xf32, #tpu.memory_space<vmem>>, vector<1x16xf32>,
            %get3A_260 = vector.shape_cast %get3A_259 : vector<1x16xf32> to vector<16xf32>
            %swap3A_261 = arith.index_cast %scan3A_218 : i32 to index
            %swap3A_262 = arith.constant 64 : index
            %swap3A_263 = tpu.vector_load %arg10[%swap3A_261, %swap3A_262] {strides = array<i32>} : memref<160x128xf32, #tpu.memory_space<vmem>>, vector<1x16xf32>,
            %swap3A_264 = vector.shape_cast %swap3A_263 : vector<1x16xf32> to vector<16xf32>
            %swap3A_265 = vector.shape_cast %get3A_260 : vector<16xf32> to vector<1x16xf32>
            tpu.vector_store %arg10[%swap3A_261, %swap3A_262], %swap3A_265 {add = true, strides = array<i32>} : memref<160x128xf32, #tpu.memory_space<vmem>>, vector<1x16xf32>,
            %get3A_266 = arith.index_cast %add3A_220 : i32 to index
            %get3A_267 = arith.constant 80 : index
            %get3A_268 = tpu.vector_load %arg7[%get3A_266, %get3A_267] {strides = array<i32>} : memref<320x128xf32, #tpu.memory_space<vmem>>, vector<1x16xf32>,
            %get3A_269 = vector.shape_cast %get3A_268 : vector<1x16xf32> to vector<16xf32>
            %swap3A_270 = arith.index_cast %scan3A_218 : i32 to index
            %swap3A_271 = arith.constant 80 : index
            %swap3A_272 = tpu.vector_load %arg10[%swap3A_270, %swap3A_271] {strides = array<i32>} : memref<160x128xf32, #tpu.memory_space<vmem>>, vector<1x16xf32>,
            %swap3A_273 = vector.shape_cast %swap3A_272 : vector<1x16xf32> to vector<16xf32>
            %swap3A_274 = vector.shape_cast %get3A_269 : vector<16xf32> to vector<1x16xf32>
            tpu.vector_store %arg10[%swap3A_270, %swap3A_271], %swap3A_274 {add = true, strides = array<i32>} : memref<160x128xf32, #tpu.memory_space<vmem>>, vector<1x16xf32>,
            %get3A_275 = arith.index_cast %add3A_220 : i32 to index
            %get3A_276 = arith.constant 96 : index
            %get3A_277 = tpu.vector_load %arg7[%get3A_275, %get3A_276] {strides = array<i32>} : memref<320x128xf32, #tpu.memory_space<vmem>>, vector<1x16xf32>,
            %get3A_278 = vector.shape_cast %get3A_277 : vector<1x16xf32> to vector<16xf32>
            %swap3A_279 = arith.index_cast %scan3A_218 : i32 to index
            %swap3A_280 = arith.constant 96 : index
            %swap3A_281 = tpu.vector_load %arg10[%swap3A_279, %swap3A_280] {strides = array<i32>} : memref<160x128xf32, #tpu.memory_space<vmem>>, vector<1x16xf32>,
            %swap3A_282 = vector.shape_cast %swap3A_281 : vector<1x16xf32> to vector<16xf32>
            %swap3A_283 = vector.shape_cast %get3A_278 : vector<16xf32> to vector<1x16xf32>
            tpu.vector_store %arg10[%swap3A_279, %swap3A_280], %swap3A_283 {add = true, strides = array<i32>} : memref<160x128xf32, #tpu.memory_space<vmem>>, vector<1x16xf32>,
            %get3A_284 = arith.index_cast %add3A_220 : i32 to index
            %get3A_285 = arith.constant 112 : index
            %get3A_286 = tpu.vector_load %arg7[%get3A_284, %get3A_285] {strides = array<i32>} : memref<320x128xf32, #tpu.memory_space<vmem>>, vector<1x16xf32>,
            %get3A_287 = vector.shape_cast %get3A_286 : vector<1x16xf32> to vector<16xf32>
            %swap3A_288 = arith.index_cast %scan3A_218 : i32 to index
            %swap3A_289 = arith.constant 112 : index
            %swap3A_290 = tpu.vector_load %arg10[%swap3A_288, %swap3A_289] {strides = array<i32>} : memref<160x128xf32, #tpu.memory_space<vmem>>, vector<1x16xf32>,
            %swap3A_291 = vector.shape_cast %swap3A_290 : vector<1x16xf32> to vector<16xf32>
            %swap3A_292 = vector.shape_cast %get3A_287 : vector<16xf32> to vector<1x16xf32>
            tpu.vector_store %arg10[%swap3A_288, %swap3A_289], %swap3A_292 {add = true, strides = array<i32>} : memref<160x128xf32, #tpu.memory_space<vmem>>, vector<1x16xf32>,
          }
          %scan3A_143 = arith.constant 160 : i32
        } else {
        }
        %eq3A_121 = arith.constant 3 : i32
        %eq3A_122 = arith.cmpi eq, %rem3A_105, %eq3A_121 : i32
        %convert_element_type3A_123 = arith.extui %eq3A_122 : i1 to i32
        %cond3A_124 = arith.constant 0 : i32
        %cond3A_125 = arith.cmpi ne, %convert_element_type3A_123, %cond3A_124 : i32
        scf.if %cond3A_125 {
          %scan3A_138 = arith.constant 0 : i32
          %scan3A_139 = arith.constant 0 : i32
          %scan3A_140 = arith.constant 160 : i32
          %scan3A_141 = arith.addi %scan3A_139, %scan3A_140 : i32
          %scan3A_142 = arith.constant 2 : i32
          scf.for %scan3A_144 = %scan3A_139 to %scan3A_141 step %scan3A_142  : i32 {
            %add3A_145 = arith.constant 80 : i32
            %add3A_146 = arith.addi %add3A_145, %scan3A_144 : i32
            %get3A = arith.index_cast %add3A_146 : i32 to index
            %get3A_147 = arith.constant 0 : index
            %get3A_148 = tpu.vector_load %arg7[%get3A, %get3A_147] {strides = array<i32>} : memref<320x128xf32, #tpu.memory_space<vmem>>, vector<1x16xf32>,
            %get3A_149 = vector.shape_cast %get3A_148 : vector<1x16xf32> to vector<16xf32>
            %swap3A = arith.index_cast %scan3A_144 : i32 to index
            %swap3A_150 = arith.constant 0 : index
            %swap3A_151 = tpu.vector_load %arg10[%swap3A, %swap3A_150] {strides = array<i32>} : memref<160x128xf32, #tpu.memory_space<vmem>>, vector<1x16xf32>,
            %swap3A_152 = vector.shape_cast %swap3A_151 : vector<1x16xf32> to vector<16xf32>
            %swap3A_153 = vector.shape_cast %get3A_149 : vector<16xf32> to vector<1x16xf32>
            tpu.vector_store %arg10[%swap3A, %swap3A_150], %swap3A_153 {add = true, strides = array<i32>} : memref<160x128xf32, #tpu.memory_space<vmem>>, vector<1x16xf32>,
            %get3A_154 = arith.index_cast %add3A_146 : i32 to index
            %get3A_155 = arith.constant 16 : index
            %get3A_156 = tpu.vector_load %arg7[%get3A_154, %get3A_155] {strides = array<i32>} : memref<320x128xf32, #tpu.memory_space<vmem>>, vector<1x16xf32>,
            %get3A_157 = vector.shape_cast %get3A_156 : vector<1x16xf32> to vector<16xf32>
            %swap3A_158 = arith.index_cast %scan3A_144 : i32 to index
            %swap3A_159 = arith.constant 16 : index
            %swap3A_160 = tpu.vector_load %arg10[%swap3A_158, %swap3A_159] {strides = array<i32>} : memref<160x128xf32, #tpu.memory_space<vmem>>, vector<1x16xf32>,
            %swap3A_161 = vector.shape_cast %swap3A_160 : vector<1x16xf32> to vector<16xf32>
            %swap3A_162 = vector.shape_cast %get3A_157 : vector<16xf32> to vector<1x16xf32>
            tpu.vector_store %arg10[%swap3A_158, %swap3A_159], %swap3A_162 {add = true, strides = array<i32>} : memref<160x128xf32, #tpu.memory_space<vmem>>, vector<1x16xf32>,
            %get3A_163 = arith.index_cast %add3A_146 : i32 to index
            %get3A_164 = arith.constant 32 : index
            %get3A_165 = tpu.vector_load %arg7[%get3A_163, %get3A_164] {strides = array<i32>} : memref<320x128xf32, #tpu.memory_space<vmem>>, vector<1x16xf32>,
            %get3A_166 = vector.shape_cast %get3A_165 : vector<1x16xf32> to vector<16xf32>
            %swap3A_167 = arith.index_cast %scan3A_144 : i32 to index
            %swap3A_168 = arith.constant 32 : index
            %swap3A_169 = tpu.vector_load %arg10[%swap3A_167, %swap3A_168] {strides = array<i32>} : memref<160x128xf32, #tpu.memory_space<vmem>>, vector<1x16xf32>,
            %swap3A_170 = vector.shape_cast %swap3A_169 : vector<1x16xf32> to vector<16xf32>
            %swap3A_171 = vector.shape_cast %get3A_166 : vector<16xf32> to vector<1x16xf32>
            tpu.vector_store %arg10[%swap3A_167, %swap3A_168], %swap3A_171 {add = true, strides = array<i32>} : memref<160x128xf32, #tpu.memory_space<vmem>>, vector<1x16xf32>,
            %get3A_172 = arith.index_cast %add3A_146 : i32 to index
            %get3A_173 = arith.constant 48 : index
            %get3A_174 = tpu.vector_load %arg7[%get3A_172, %get3A_173] {strides = array<i32>} : memref<320x128xf32, #tpu.memory_space<vmem>>, vector<1x16xf32>,
            %get3A_175 = vector.shape_cast %get3A_174 : vector<1x16xf32> to vector<16xf32>
            %swap3A_176 = arith.index_cast %scan3A_144 : i32 to index
            %swap3A_177 = arith.constant 48 : index
            %swap3A_178 = tpu.vector_load %arg10[%swap3A_176, %swap3A_177] {strides = array<i32>} : memref<160x128xf32, #tpu.memory_space<vmem>>, vector<1x16xf32>,
            %swap3A_179 = vector.shape_cast %swap3A_178 : vector<1x16xf32> to vector<16xf32>
            %swap3A_180 = vector.shape_cast %get3A_175 : vector<16xf32> to vector<1x16xf32>
            tpu.vector_store %arg10[%swap3A_176, %swap3A_177], %swap3A_180 {add = true, strides = array<i32>} : memref<160x128xf32, #tpu.memory_space<vmem>>, vector<1x16xf32>,
            %get3A_181 = arith.index_cast %add3A_146 : i32 to index
            %get3A_182 = arith.constant 64 : index
            %get3A_183 = tpu.vector_load %arg7[%get3A_181, %get3A_182] {strides = array<i32>} : memref<320x128xf32, #tpu.memory_space<vmem>>, vector<1x16xf32>,
            %get3A_184 = vector.shape_cast %get3A_183 : vector<1x16xf32> to vector<16xf32>
            %swap3A_185 = arith.index_cast %scan3A_144 : i32 to index
            %swap3A_186 = arith.constant 64 : index
            %swap3A_187 = tpu.vector_load %arg10[%swap3A_185, %swap3A_186] {strides = array<i32>} : memref<160x128xf32, #tpu.memory_space<vmem>>, vector<1x16xf32>,
            %swap3A_188 = vector.shape_cast %swap3A_187 : vector<1x16xf32> to vector<16xf32>
            %swap3A_189 = vector.shape_cast %get3A_184 : vector<16xf32> to vector<1x16xf32>
            tpu.vector_store %arg10[%swap3A_185, %swap3A_186], %swap3A_189 {add = true, strides = array<i32>} : memref<160x128xf32, #tpu.memory_space<vmem>>, vector<1x16xf32>,
            %get3A_190 = arith.index_cast %add3A_146 : i32 to index
            %get3A_191 = arith.constant 80 : index
            %get3A_192 = tpu.vector_load %arg7[%get3A_190, %get3A_191] {strides = array<i32>} : memref<320x128xf32, #tpu.memory_space<vmem>>, vector<1x16xf32>,
            %get3A_193 = vector.shape_cast %get3A_192 : vector<1x16xf32> to vector<16xf32>
            %swap3A_194 = arith.index_cast %scan3A_144 : i32 to index
            %swap3A_195 = arith.constant 80 : index
            %swap3A_196 = tpu.vector_load %arg10[%swap3A_194, %swap3A_195] {strides = array<i32>} : memref<160x128xf32, #tpu.memory_space<vmem>>, vector<1x16xf32>,
            %swap3A_197 = vector.shape_cast %swap3A_196 : vector<1x16xf32> to vector<16xf32>
            %swap3A_198 = vector.shape_cast %get3A_193 : vector<16xf32> to vector<1x16xf32>
            tpu.vector_store %arg10[%swap3A_194, %swap3A_195], %swap3A_198 {add = true, strides = array<i32>} : memref<160x128xf32, #tpu.memory_space<vmem>>, vector<1x16xf32>,
            %get3A_199 = arith.index_cast %add3A_146 : i32 to index
            %get3A_200 = arith.constant 96 : index
            %get3A_201 = tpu.vector_load %arg7[%get3A_199, %get3A_200] {strides = array<i32>} : memref<320x128xf32, #tpu.memory_space<vmem>>, vector<1x16xf32>,
            %get3A_202 = vector.shape_cast %get3A_201 : vector<1x16xf32> to vector<16xf32>
            %swap3A_203 = arith.index_cast %scan3A_144 : i32 to index
            %swap3A_204 = arith.constant 96 : index
            %swap3A_205 = tpu.vector_load %arg10[%swap3A_203, %swap3A_204] {strides = array<i32>} : memref<160x128xf32, #tpu.memory_space<vmem>>, vector<1x16xf32>,
            %swap3A_206 = vector.shape_cast %swap3A_205 : vector<1x16xf32> to vector<16xf32>
            %swap3A_207 = vector.shape_cast %get3A_202 : vector<16xf32> to vector<1x16xf32>
            tpu.vector_store %arg10[%swap3A_203, %swap3A_204], %swap3A_207 {add = true, strides = array<i32>} : memref<160x128xf32, #tpu.memory_space<vmem>>, vector<1x16xf32>,
            %get3A_208 = arith.index_cast %add3A_146 : i32 to index
            %get3A_209 = arith.constant 112 : index
            %get3A_210 = tpu.vector_load %arg7[%get3A_208, %get3A_209] {strides = array<i32>} : memref<320x128xf32, #tpu.memory_space<vmem>>, vector<1x16xf32>,
            %get3A_211 = vector.shape_cast %get3A_210 : vector<1x16xf32> to vector<16xf32>
            %swap3A_212 = arith.index_cast %scan3A_144 : i32 to index
            %swap3A_213 = arith.constant 112 : index
            %swap3A_214 = tpu.vector_load %arg10[%swap3A_212, %swap3A_213] {strides = array<i32>} : memref<160x128xf32, #tpu.memory_space<vmem>>, vector<1x16xf32>,
            %swap3A_215 = vector.shape_cast %swap3A_214 : vector<1x16xf32> to vector<16xf32>
            %swap3A_216 = vector.shape_cast %get3A_211 : vector<16xf32> to vector<1x16xf32>
            tpu.vector_store %arg10[%swap3A_212, %swap3A_213], %swap3A_216 {add = true, strides = array<i32>} : memref<160x128xf32, #tpu.memory_space<vmem>>, vector<1x16xf32>,
            %scan3A_217 = arith.constant 1 : i32
            %scan3A_218 = arith.addi %scan3A_144, %scan3A_217 : i32
            %add3A_219 = arith.constant 80 : i32
            %add3A_220 = arith.addi %add3A_219, %scan3A_218 : i32
            %get3A_221 = arith.index_cast %add3A_220 : i32 to index
            %get3A_222 = arith.constant 0 : index
            %get3A_223 = tpu.vector_load %arg7[%get3A_221, %get3A_222] {strides = array<i32>} : memref<320x128xf32, #tpu.memory_space<vmem>>, vector<1x16xf32>,
            %get3A_224 = vector.shape_cast %get3A_223 : vector<1x16xf32> to vector<16xf32>
            %swap3A_225 = arith.index_cast %scan3A_218 : i32 to index
            %swap3A_226 = arith.constant 0 : index
            %swap3A_227 = tpu.vector_load %arg10[%swap3A_225, %swap3A_226] {strides = array<i32>} : memref<160x128xf32, #tpu.memory_space<vmem>>, vector<1x16xf32>,
            %swap3A_228 = vector.shape_cast %swap3A_227 : vector<1x16xf32> to vector<16xf32>
            %swap3A_229 = vector.shape_cast %get3A_224 : vector<16xf32> to vector<1x16xf32>
            tpu.vector_store %arg10[%swap3A_225, %swap3A_226], %swap3A_229 {add = true, strides = array<i32>} : memref<160x128xf32, #tpu.memory_space<vmem>>, vector<1x16xf32>,
            %get3A_230 = arith.index_cast %add3A_220 : i32 to index
            %get3A_231 = arith.constant 16 : index
            %get3A_232 = tpu.vector_load %arg7[%get3A_230, %get3A_231] {strides = array<i32>} : memref<320x128xf32, #tpu.memory_space<vmem>>, vector<1x16xf32>,
            %get3A_233 = vector.shape_cast %get3A_232 : vector<1x16xf32> to vector<16xf32>
            %swap3A_234 = arith.index_cast %scan3A_218 : i32 to index
            %swap3A_235 = arith.constant 16 : index
            %swap3A_236 = tpu.vector_load %arg10[%swap3A_234, %swap3A_235] {strides = array<i32>} : memref<160x128xf32, #tpu.memory_space<vmem>>, vector<1x16xf32>,
            %swap3A_237 = vector.shape_cast %swap3A_236 : vector<1x16xf32> to vector<16xf32>
            %swap3A_238 = vector.shape_cast %get3A_233 : vector<16xf32> to vector<1x16xf32>
            tpu.vector_store %arg10[%swap3A_234, %swap3A_235], %swap3A_238 {add = true, strides = array<i32>} : memref<160x128xf32, #tpu.memory_space<vmem>>, vector<1x16xf32>,
            %get3A_239 = arith.index_cast %add3A_220 : i32 to index
            %get3A_240 = arith.constant 32 : index
            %get3A_241 = tpu.vector_load %arg7[%get3A_239, %get3A_240] {strides = array<i32>} : memref<320x128xf32, #tpu.memory_space<vmem>>, vector<1x16xf32>,
            %get3A_242 = vector.shape_cast %get3A_241 : vector<1x16xf32> to vector<16xf32>
            %swap3A_243 = arith.index_cast %scan3A_218 : i32 to index
            %swap3A_244 = arith.constant 32 : index
            %swap3A_245 = tpu.vector_load %arg10[%swap3A_243, %swap3A_244] {strides = array<i32>} : memref<160x128xf32, #tpu.memory_space<vmem>>, vector<1x16xf32>,
            %swap3A_246 = vector.shape_cast %swap3A_245 : vector<1x16xf32> to vector<16xf32>
            %swap3A_247 = vector.shape_cast %get3A_242 : vector<16xf32> to vector<1x16xf32>
            tpu.vector_store %arg10[%swap3A_243, %swap3A_244], %swap3A_247 {add = true, strides = array<i32>} : memref<160x128xf32, #tpu.memory_space<vmem>>, vector<1x16xf32>,
            %get3A_248 = arith.index_cast %add3A_220 : i32 to index
            %get3A_249 = arith.constant 48 : index
            %get3A_250 = tpu.vector_load %arg7[%get3A_248, %get3A_249] {strides = array<i32>} : memref<320x128xf32, #tpu.memory_space<vmem>>, vector<1x16xf32>,
            %get3A_251 = vector.shape_cast %get3A_250 : vector<1x16xf32> to vector<16xf32>
            %swap3A_252 = arith.index_cast %scan3A_218 : i32 to index
            %swap3A_253 = arith.constant 48 : index
            %swap3A_254 = tpu.vector_load %arg10[%swap3A_252, %swap3A_253] {strides = array<i32>} : memref<160x128xf32, #tpu.memory_space<vmem>>, vector<1x16xf32>,
            %swap3A_255 = vector.shape_cast %swap3A_254 : vector<1x16xf32> to vector<16xf32>
            %swap3A_256 = vector.shape_cast %get3A_251 : vector<16xf32> to vector<1x16xf32>
            tpu.vector_store %arg10[%swap3A_252, %swap3A_253], %swap3A_256 {add = true, strides = array<i32>} : memref<160x128xf32, #tpu.memory_space<vmem>>, vector<1x16xf32>,
            %get3A_257 = arith.index_cast %add3A_220 : i32 to index
            %get3A_258 = arith.constant 64 : index
            %get3A_259 = tpu.vector_load %arg7[%get3A_257, %get3A_258] {strides = array<i32>} : memref<320x128xf32, #tpu.memory_space<vmem>>, vector<1x16xf32>,
            %get3A_260 = vector.shape_cast %get3A_259 : vector<1x16xf32> to vector<16xf32>
            %swap3A_261 = arith.index_cast %scan3A_218 : i32 to index
            %swap3A_262 = arith.constant 64 : index
            %swap3A_263 = tpu.vector_load %arg10[%swap3A_261, %swap3A_262] {strides = array<i32>} : memref<160x128xf32, #tpu.memory_space<vmem>>, vector<1x16xf32>,
            %swap3A_264 = vector.shape_cast %swap3A_263 : vector<1x16xf32> to vector<16xf32>
            %swap3A_265 = vector.shape_cast %get3A_260 : vector<16xf32> to vector<1x16xf32>
            tpu.vector_store %arg10[%swap3A_261, %swap3A_262], %swap3A_265 {add = true, strides = array<i32>} : memref<160x128xf32, #tpu.memory_space<vmem>>, vector<1x16xf32>,
            %get3A_266 = arith.index_cast %add3A_220 : i32 to index
            %get3A_267 = arith.constant 80 : index
            %get3A_268 = tpu.vector_load %arg7[%get3A_266, %get3A_267] {strides = array<i32>} : memref<320x128xf32, #tpu.memory_space<vmem>>, vector<1x16xf32>,
            %get3A_269 = vector.shape_cast %get3A_268 : vector<1x16xf32> to vector<16xf32>
            %swap3A_270 = arith.index_cast %scan3A_218 : i32 to index
            %swap3A_271 = arith.constant 80 : index
            %swap3A_272 = tpu.vector_load %arg10[%swap3A_270, %swap3A_271] {strides = array<i32>} : memref<160x128xf32, #tpu.memory_space<vmem>>, vector<1x16xf32>,
            %swap3A_273 = vector.shape_cast %swap3A_272 : vector<1x16xf32> to vector<16xf32>
            %swap3A_274 = vector.shape_cast %get3A_269 : vector<16xf32> to vector<1x16xf32>
            tpu.vector_store %arg10[%swap3A_270, %swap3A_271], %swap3A_274 {add = true, strides = array<i32>} : memref<160x128xf32, #tpu.memory_space<vmem>>, vector<1x16xf32>,
            %get3A_275 = arith.index_cast %add3A_220 : i32 to index
            %get3A_276 = arith.constant 96 : index
            %get3A_277 = tpu.vector_load %arg7[%get3A_275, %get3A_276] {strides = array<i32>} : memref<320x128xf32, #tpu.memory_space<vmem>>, vector<1x16xf32>,
            %get3A_278 = vector.shape_cast %get3A_277 : vector<1x16xf32> to vector<16xf32>
            %swap3A_279 = arith.index_cast %scan3A_218 : i32 to index
            %swap3A_280 = arith.constant 96 : index
            %swap3A_281 = tpu.vector_load %arg10[%swap3A_279, %swap3A_280] {strides = array<i32>} : memref<160x128xf32, #tpu.memory_space<vmem>>, vector<1x16xf32>,
            %swap3A_282 = vector.shape_cast %swap3A_281 : vector<1x16xf32> to vector<16xf32>
            %swap3A_283 = vector.shape_cast %get3A_278 : vector<16xf32> to vector<1x16xf32>
            tpu.vector_store %arg10[%swap3A_279, %swap3A_280], %swap3A_283 {add = true, strides = array<i32>} : memref<160x128xf32, #tpu.memory_space<vmem>>, vector<1x16xf32>,
            %get3A_284 = arith.index_cast %add3A_220 : i32 to index
            %get3A_285 = arith.constant 112 : index
            %get3A_286 = tpu.vector_load %arg7[%get3A_284, %get3A_285] {strides = array<i32>} : memref<320x128xf32, #tpu.memory_space<vmem>>, vector<1x16xf32>,
            %get3A_287 = vector.shape_cast %get3A_286 : vector<1x16xf32> to vector<16xf32>
            %swap3A_288 = arith.index_cast %scan3A_218 : i32 to index
            %swap3A_289 = arith.constant 112 : index
            %swap3A_290 = tpu.vector_load %arg10[%swap3A_288, %swap3A_289] {strides = array<i32>} : memref<160x128xf32, #tpu.memory_space<vmem>>, vector<1x16xf32>,
            %swap3A_291 = vector.shape_cast %swap3A_290 : vector<1x16xf32> to vector<16xf32>
            %swap3A_292 = vector.shape_cast %get3A_287 : vector<16xf32> to vector<1x16xf32>
            tpu.vector_store %arg10[%swap3A_288, %swap3A_289], %swap3A_292 {add = true, strides = array<i32>} : memref<160x128xf32, #tpu.memory_space<vmem>>, vector<1x16xf32>,
          }
          %scan3A_143 = arith.constant 160 : i32
        } else {
        }
        %eq3A_126 = arith.constant 4 : i32
        %eq3A_127 = arith.cmpi eq, %rem3A_105, %eq3A_126 : i32
        %convert_element_type3A_128 = arith.extui %eq3A_127 : i1 to i32
        %cond3A_129 = arith.constant 0 : i32
        %cond3A_130 = arith.cmpi ne, %convert_element_type3A_128, %cond3A_129 : i32
        scf.if %cond3A_130 {
          %scan3A_138 = arith.constant 0 : i32
          %scan3A_139 = arith.constant 0 : i32
          %scan3A_140 = arith.constant 160 : i32
          %scan3A_141 = arith.addi %scan3A_139, %scan3A_140 : i32
          %scan3A_142 = arith.constant 2 : i32
          scf.for %scan3A_144 = %scan3A_139 to %scan3A_141 step %scan3A_142  : i32 {
            %add3A_145 = arith.constant 40 : i32
            %add3A_146 = arith.addi %add3A_145, %scan3A_144 : i32
            %get3A = arith.index_cast %add3A_146 : i32 to index
            %get3A_147 = arith.constant 0 : index
            %get3A_148 = tpu.vector_load %arg7[%get3A, %get3A_147] {strides = array<i32>} : memref<320x128xf32, #tpu.memory_space<vmem>>, vector<1x16xf32>,
            %get3A_149 = vector.shape_cast %get3A_148 : vector<1x16xf32> to vector<16xf32>
            %swap3A = arith.index_cast %scan3A_144 : i32 to index
            %swap3A_150 = arith.constant 0 : index
            %swap3A_151 = tpu.vector_load %arg10[%swap3A, %swap3A_150] {strides = array<i32>} : memref<160x128xf32, #tpu.memory_space<vmem>>, vector<1x16xf32>,
            %swap3A_152 = vector.shape_cast %swap3A_151 : vector<1x16xf32> to vector<16xf32>
            %swap3A_153 = vector.shape_cast %get3A_149 : vector<16xf32> to vector<1x16xf32>
            tpu.vector_store %arg10[%swap3A, %swap3A_150], %swap3A_153 {add = true, strides = array<i32>} : memref<160x128xf32, #tpu.memory_space<vmem>>, vector<1x16xf32>,
            %get3A_154 = arith.index_cast %add3A_146 : i32 to index
            %get3A_155 = arith.constant 16 : index
            %get3A_156 = tpu.vector_load %arg7[%get3A_154, %get3A_155] {strides = array<i32>} : memref<320x128xf32, #tpu.memory_space<vmem>>, vector<1x16xf32>,
            %get3A_157 = vector.shape_cast %get3A_156 : vector<1x16xf32> to vector<16xf32>
            %swap3A_158 = arith.index_cast %scan3A_144 : i32 to index
            %swap3A_159 = arith.constant 16 : index
            %swap3A_160 = tpu.vector_load %arg10[%swap3A_158, %swap3A_159] {strides = array<i32>} : memref<160x128xf32, #tpu.memory_space<vmem>>, vector<1x16xf32>,
            %swap3A_161 = vector.shape_cast %swap3A_160 : vector<1x16xf32> to vector<16xf32>
            %swap3A_162 = vector.shape_cast %get3A_157 : vector<16xf32> to vector<1x16xf32>
            tpu.vector_store %arg10[%swap3A_158, %swap3A_159], %swap3A_162 {add = true, strides = array<i32>} : memref<160x128xf32, #tpu.memory_space<vmem>>, vector<1x16xf32>,
            %get3A_163 = arith.index_cast %add3A_146 : i32 to index
            %get3A_164 = arith.constant 32 : index
            %get3A_165 = tpu.vector_load %arg7[%get3A_163, %get3A_164] {strides = array<i32>} : memref<320x128xf32, #tpu.memory_space<vmem>>, vector<1x16xf32>,
            %get3A_166 = vector.shape_cast %get3A_165 : vector<1x16xf32> to vector<16xf32>
            %swap3A_167 = arith.index_cast %scan3A_144 : i32 to index
            %swap3A_168 = arith.constant 32 : index
            %swap3A_169 = tpu.vector_load %arg10[%swap3A_167, %swap3A_168] {strides = array<i32>} : memref<160x128xf32, #tpu.memory_space<vmem>>, vector<1x16xf32>,
            %swap3A_170 = vector.shape_cast %swap3A_169 : vector<1x16xf32> to vector<16xf32>
            %swap3A_171 = vector.shape_cast %get3A_166 : vector<16xf32> to vector<1x16xf32>
            tpu.vector_store %arg10[%swap3A_167, %swap3A_168], %swap3A_171 {add = true, strides = array<i32>} : memref<160x128xf32, #tpu.memory_space<vmem>>, vector<1x16xf32>,
            %get3A_172 = arith.index_cast %add3A_146 : i32 to index
            %get3A_173 = arith.constant 48 : index
            %get3A_174 = tpu.vector_load %arg7[%get3A_172, %get3A_173] {strides = array<i32>} : memref<320x128xf32, #tpu.memory_space<vmem>>, vector<1x16xf32>,
            %get3A_175 = vector.shape_cast %get3A_174 : vector<1x16xf32> to vector<16xf32>
            %swap3A_176 = arith.index_cast %scan3A_144 : i32 to index
            %swap3A_177 = arith.constant 48 : index
            %swap3A_178 = tpu.vector_load %arg10[%swap3A_176, %swap3A_177] {strides = array<i32>} : memref<160x128xf32, #tpu.memory_space<vmem>>, vector<1x16xf32>,
            %swap3A_179 = vector.shape_cast %swap3A_178 : vector<1x16xf32> to vector<16xf32>
            %swap3A_180 = vector.shape_cast %get3A_175 : vector<16xf32> to vector<1x16xf32>
            tpu.vector_store %arg10[%swap3A_176, %swap3A_177], %swap3A_180 {add = true, strides = array<i32>} : memref<160x128xf32, #tpu.memory_space<vmem>>, vector<1x16xf32>,
            %get3A_181 = arith.index_cast %add3A_146 : i32 to index
            %get3A_182 = arith.constant 64 : index
            %get3A_183 = tpu.vector_load %arg7[%get3A_181, %get3A_182] {strides = array<i32>} : memref<320x128xf32, #tpu.memory_space<vmem>>, vector<1x16xf32>,
            %get3A_184 = vector.shape_cast %get3A_183 : vector<1x16xf32> to vector<16xf32>
            %swap3A_185 = arith.index_cast %scan3A_144 : i32 to index
            %swap3A_186 = arith.constant 64 : index
            %swap3A_187 = tpu.vector_load %arg10[%swap3A_185, %swap3A_186] {strides = array<i32>} : memref<160x128xf32, #tpu.memory_space<vmem>>, vector<1x16xf32>,
            %swap3A_188 = vector.shape_cast %swap3A_187 : vector<1x16xf32> to vector<16xf32>
            %swap3A_189 = vector.shape_cast %get3A_184 : vector<16xf32> to vector<1x16xf32>
            tpu.vector_store %arg10[%swap3A_185, %swap3A_186], %swap3A_189 {add = true, strides = array<i32>} : memref<160x128xf32, #tpu.memory_space<vmem>>, vector<1x16xf32>,
            %get3A_190 = arith.index_cast %add3A_146 : i32 to index
            %get3A_191 = arith.constant 80 : index
            %get3A_192 = tpu.vector_load %arg7[%get3A_190, %get3A_191] {strides = array<i32>} : memref<320x128xf32, #tpu.memory_space<vmem>>, vector<1x16xf32>,
            %get3A_193 = vector.shape_cast %get3A_192 : vector<1x16xf32> to vector<16xf32>
            %swap3A_194 = arith.index_cast %scan3A_144 : i32 to index
            %swap3A_195 = arith.constant 80 : index
            %swap3A_196 = tpu.vector_load %arg10[%swap3A_194, %swap3A_195] {strides = array<i32>} : memref<160x128xf32, #tpu.memory_space<vmem>>, vector<1x16xf32>,
            %swap3A_197 = vector.shape_cast %swap3A_196 : vector<1x16xf32> to vector<16xf32>
            %swap3A_198 = vector.shape_cast %get3A_193 : vector<16xf32> to vector<1x16xf32>
            tpu.vector_store %arg10[%swap3A_194, %swap3A_195], %swap3A_198 {add = true, strides = array<i32>} : memref<160x128xf32, #tpu.memory_space<vmem>>, vector<1x16xf32>,
            %get3A_199 = arith.index_cast %add3A_146 : i32 to index
            %get3A_200 = arith.constant 96 : index
            %get3A_201 = tpu.vector_load %arg7[%get3A_199, %get3A_200] {strides = array<i32>} : memref<320x128xf32, #tpu.memory_space<vmem>>, vector<1x16xf32>,
            %get3A_202 = vector.shape_cast %get3A_201 : vector<1x16xf32> to vector<16xf32>
            %swap3A_203 = arith.index_cast %scan3A_144 : i32 to index
            %swap3A_204 = arith.constant 96 : index
            %swap3A_205 = tpu.vector_load %arg10[%swap3A_203, %swap3A_204] {strides = array<i32>} : memref<160x128xf32, #tpu.memory_space<vmem>>, vector<1x16xf32>,
            %swap3A_206 = vector.shape_cast %swap3A_205 : vector<1x16xf32> to vector<16xf32>
            %swap3A_207 = vector.shape_cast %get3A_202 : vector<16xf32> to vector<1x16xf32>
            tpu.vector_store %arg10[%swap3A_203, %swap3A_204], %swap3A_207 {add = true, strides = array<i32>} : memref<160x128xf32, #tpu.memory_space<vmem>>, vector<1x16xf32>,
            %get3A_208 = arith.index_cast %add3A_146 : i32 to index
            %get3A_209 = arith.constant 112 : index
            %get3A_210 = tpu.vector_load %arg7[%get3A_208, %get3A_209] {strides = array<i32>} : memref<320x128xf32, #tpu.memory_space<vmem>>, vector<1x16xf32>,
            %get3A_211 = vector.shape_cast %get3A_210 : vector<1x16xf32> to vector<16xf32>
            %swap3A_212 = arith.index_cast %scan3A_144 : i32 to index
            %swap3A_213 = arith.constant 112 : index
            %swap3A_214 = tpu.vector_load %arg10[%swap3A_212, %swap3A_213] {strides = array<i32>} : memref<160x128xf32, #tpu.memory_space<vmem>>, vector<1x16xf32>,
            %swap3A_215 = vector.shape_cast %swap3A_214 : vector<1x16xf32> to vector<16xf32>
            %swap3A_216 = vector.shape_cast %get3A_211 : vector<16xf32> to vector<1x16xf32>
            tpu.vector_store %arg10[%swap3A_212, %swap3A_213], %swap3A_216 {add = true, strides = array<i32>} : memref<160x128xf32, #tpu.memory_space<vmem>>, vector<1x16xf32>,
            %scan3A_217 = arith.constant 1 : i32
            %scan3A_218 = arith.addi %scan3A_144, %scan3A_217 : i32
            %add3A_219 = arith.constant 40 : i32
            %add3A_220 = arith.addi %add3A_219, %scan3A_218 : i32
            %get3A_221 = arith.index_cast %add3A_220 : i32 to index
            %get3A_222 = arith.constant 0 : index
            %get3A_223 = tpu.vector_load %arg7[%get3A_221, %get3A_222] {strides = array<i32>} : memref<320x128xf32, #tpu.memory_space<vmem>>, vector<1x16xf32>,
            %get3A_224 = vector.shape_cast %get3A_223 : vector<1x16xf32> to vector<16xf32>
            %swap3A_225 = arith.index_cast %scan3A_218 : i32 to index
            %swap3A_226 = arith.constant 0 : index
            %swap3A_227 = tpu.vector_load %arg10[%swap3A_225, %swap3A_226] {strides = array<i32>} : memref<160x128xf32, #tpu.memory_space<vmem>>, vector<1x16xf32>,
            %swap3A_228 = vector.shape_cast %swap3A_227 : vector<1x16xf32> to vector<16xf32>
            %swap3A_229 = vector.shape_cast %get3A_224 : vector<16xf32> to vector<1x16xf32>
            tpu.vector_store %arg10[%swap3A_225, %swap3A_226], %swap3A_229 {add = true, strides = array<i32>} : memref<160x128xf32, #tpu.memory_space<vmem>>, vector<1x16xf32>,
            %get3A_230 = arith.index_cast %add3A_220 : i32 to index
            %get3A_231 = arith.constant 16 : index
            %get3A_232 = tpu.vector_load %arg7[%get3A_230, %get3A_231] {strides = array<i32>} : memref<320x128xf32, #tpu.memory_space<vmem>>, vector<1x16xf32>,
            %get3A_233 = vector.shape_cast %get3A_232 : vector<1x16xf32> to vector<16xf32>
            %swap3A_234 = arith.index_cast %scan3A_218 : i32 to index
            %swap3A_235 = arith.constant 16 : index
            %swap3A_236 = tpu.vector_load %arg10[%swap3A_234, %swap3A_235] {strides = array<i32>} : memref<160x128xf32, #tpu.memory_space<vmem>>, vector<1x16xf32>,
            %swap3A_237 = vector.shape_cast %swap3A_236 : vector<1x16xf32> to vector<16xf32>
            %swap3A_238 = vector.shape_cast %get3A_233 : vector<16xf32> to vector<1x16xf32>
            tpu.vector_store %arg10[%swap3A_234, %swap3A_235], %swap3A_238 {add = true, strides = array<i32>} : memref<160x128xf32, #tpu.memory_space<vmem>>, vector<1x16xf32>,
            %get3A_239 = arith.index_cast %add3A_220 : i32 to index
            %get3A_240 = arith.constant 32 : index
            %get3A_241 = tpu.vector_load %arg7[%get3A_239, %get3A_240] {strides = array<i32>} : memref<320x128xf32, #tpu.memory_space<vmem>>, vector<1x16xf32>,
            %get3A_242 = vector.shape_cast %get3A_241 : vector<1x16xf32> to vector<16xf32>
            %swap3A_243 = arith.index_cast %scan3A_218 : i32 to index
            %swap3A_244 = arith.constant 32 : index
            %swap3A_245 = tpu.vector_load %arg10[%swap3A_243, %swap3A_244] {strides = array<i32>} : memref<160x128xf32, #tpu.memory_space<vmem>>, vector<1x16xf32>,
            %swap3A_246 = vector.shape_cast %swap3A_245 : vector<1x16xf32> to vector<16xf32>
            %swap3A_247 = vector.shape_cast %get3A_242 : vector<16xf32> to vector<1x16xf32>
            tpu.vector_store %arg10[%swap3A_243, %swap3A_244], %swap3A_247 {add = true, strides = array<i32>} : memref<160x128xf32, #tpu.memory_space<vmem>>, vector<1x16xf32>,
            %get3A_248 = arith.index_cast %add3A_220 : i32 to index
            %get3A_249 = arith.constant 48 : index
            %get3A_250 = tpu.vector_load %arg7[%get3A_248, %get3A_249] {strides = array<i32>} : memref<320x128xf32, #tpu.memory_space<vmem>>, vector<1x16xf32>,
            %get3A_251 = vector.shape_cast %get3A_250 : vector<1x16xf32> to vector<16xf32>
            %swap3A_252 = arith.index_cast %scan3A_218 : i32 to index
            %swap3A_253 = arith.constant 48 : index
            %swap3A_254 = tpu.vector_load %arg10[%swap3A_252, %swap3A_253] {strides = array<i32>} : memref<160x128xf32, #tpu.memory_space<vmem>>, vector<1x16xf32>,
            %swap3A_255 = vector.shape_cast %swap3A_254 : vector<1x16xf32> to vector<16xf32>
            %swap3A_256 = vector.shape_cast %get3A_251 : vector<16xf32> to vector<1x16xf32>
            tpu.vector_store %arg10[%swap3A_252, %swap3A_253], %swap3A_256 {add = true, strides = array<i32>} : memref<160x128xf32, #tpu.memory_space<vmem>>, vector<1x16xf32>,
            %get3A_257 = arith.index_cast %add3A_220 : i32 to index
            %get3A_258 = arith.constant 64 : index
            %get3A_259 = tpu.vector_load %arg7[%get3A_257, %get3A_258] {strides = array<i32>} : memref<320x128xf32, #tpu.memory_space<vmem>>, vector<1x16xf32>,
            %get3A_260 = vector.shape_cast %get3A_259 : vector<1x16xf32> to vector<16xf32>
            %swap3A_261 = arith.index_cast %scan3A_218 : i32 to index
            %swap3A_262 = arith.constant 64 : index
            %swap3A_263 = tpu.vector_load %arg10[%swap3A_261, %swap3A_262] {strides = array<i32>} : memref<160x128xf32, #tpu.memory_space<vmem>>, vector<1x16xf32>,
            %swap3A_264 = vector.shape_cast %swap3A_263 : vector<1x16xf32> to vector<16xf32>
            %swap3A_265 = vector.shape_cast %get3A_260 : vector<16xf32> to vector<1x16xf32>
            tpu.vector_store %arg10[%swap3A_261, %swap3A_262], %swap3A_265 {add = true, strides = array<i32>} : memref<160x128xf32, #tpu.memory_space<vmem>>, vector<1x16xf32>,
            %get3A_266 = arith.index_cast %add3A_220 : i32 to index
            %get3A_267 = arith.constant 80 : index
            %get3A_268 = tpu.vector_load %arg7[%get3A_266, %get3A_267] {strides = array<i32>} : memref<320x128xf32, #tpu.memory_space<vmem>>, vector<1x16xf32>,
            %get3A_269 = vector.shape_cast %get3A_268 : vector<1x16xf32> to vector<16xf32>
            %swap3A_270 = arith.index_cast %scan3A_218 : i32 to index
            %swap3A_271 = arith.constant 80 : index
            %swap3A_272 = tpu.vector_load %arg10[%swap3A_270, %swap3A_271] {strides = array<i32>} : memref<160x128xf32, #tpu.memory_space<vmem>>, vector<1x16xf32>,
            %swap3A_273 = vector.shape_cast %swap3A_272 : vector<1x16xf32> to vector<16xf32>
            %swap3A_274 = vector.shape_cast %get3A_269 : vector<16xf32> to vector<1x16xf32>
            tpu.vector_store %arg10[%swap3A_270, %swap3A_271], %swap3A_274 {add = true, strides = array<i32>} : memref<160x128xf32, #tpu.memory_space<vmem>>, vector<1x16xf32>,
            %get3A_275 = arith.index_cast %add3A_220 : i32 to index
            %get3A_276 = arith.constant 96 : index
            %get3A_277 = tpu.vector_load %arg7[%get3A_275, %get3A_276] {strides = array<i32>} : memref<320x128xf32, #tpu.memory_space<vmem>>, vector<1x16xf32>,
            %get3A_278 = vector.shape_cast %get3A_277 : vector<1x16xf32> to vector<16xf32>
            %swap3A_279 = arith.index_cast %scan3A_218 : i32 to index
            %swap3A_280 = arith.constant 96 : index
            %swap3A_281 = tpu.vector_load %arg10[%swap3A_279, %swap3A_280] {strides = array<i32>} : memref<160x128xf32, #tpu.memory_space<vmem>>, vector<1x16xf32>,
            %swap3A_282 = vector.shape_cast %swap3A_281 : vector<1x16xf32> to vector<16xf32>
            %swap3A_283 = vector.shape_cast %get3A_278 : vector<16xf32> to vector<1x16xf32>
            tpu.vector_store %arg10[%swap3A_279, %swap3A_280], %swap3A_283 {add = true, strides = array<i32>} : memref<160x128xf32, #tpu.memory_space<vmem>>, vector<1x16xf32>,
            %get3A_284 = arith.index_cast %add3A_220 : i32 to index
            %get3A_285 = arith.constant 112 : index
            %get3A_286 = tpu.vector_load %arg7[%get3A_284, %get3A_285] {strides = array<i32>} : memref<320x128xf32, #tpu.memory_space<vmem>>, vector<1x16xf32>,
            %get3A_287 = vector.shape_cast %get3A_286 : vector<1x16xf32> to vector<16xf32>
            %swap3A_288 = arith.index_cast %scan3A_218 : i32 to index
            %swap3A_289 = arith.constant 112 : index
            %swap3A_290 = tpu.vector_load %arg10[%swap3A_288, %swap3A_289] {strides = array<i32>} : memref<160x128xf32, #tpu.memory_space<vmem>>, vector<1x16xf32>,
            %swap3A_291 = vector.shape_cast %swap3A_290 : vector<1x16xf32> to vector<16xf32>
            %swap3A_292 = vector.shape_cast %get3A_287 : vector<16xf32> to vector<1x16xf32>
            tpu.vector_store %arg10[%swap3A_288, %swap3A_289], %swap3A_292 {add = true, strides = array<i32>} : memref<160x128xf32, #tpu.memory_space<vmem>>, vector<1x16xf32>,
          }
          %scan3A_143 = arith.constant 160 : i32
        } else {
        }
        %mul3A_131 = arith.constant 160 : i32
        %mul3A_132 = arith.muli %scan3A_62, %mul3A_131 : i32
        %add3A_133 = arith.addi %mul3A_2, %mul3A_132 : i32
        %dma_start3A_134 = arith.constant 0 : i32
        %dma_start3A_135 = tpu.memref_slice %arg5[%add3A_133, %dma_start3A_134] : memref<204800x128xf32, #tpu.memory_space<hbm>> -> memref<160x128xf32, #tpu.memory_space<hbm>>
        %dma_start3A_136 = arith.constant 0 : i32
        %dma_start3A_137 = tpu.memref_slice %arg5[%add3A_133, %dma_start3A_136] : memref<204800x128xf32, #tpu.memory_space<hbm>> -> memref<160x128xf32, #tpu.memory_space<hbm>>
        tpu.enqueue_dma source(%arg10 : memref<160x128xf32, #tpu.memory_space<vmem>>) target(%dma_start3A_137 : memref<160x128xf32, #tpu.memory_space<hbm>>) target_semaphore(%arg16 : memref<!tpu.dma_semaphore, #tpu.memory_space<semaphore_mem>>)
      } else {
      }
      %add3A_76 = arith.constant 2 : i32
      %add3A_77 = arith.addi %scan3A_62, %add3A_76 : i32
      %lt3A = arith.constant 40 : i32
      %lt3A_78 = arith.cmpi slt, %add3A_77, %lt3A : i32
      %convert_element_type3A_79 = arith.extui %lt3A_78 : i1 to i32
      %cond3A_80 = arith.constant 0 : i32
      %cond3A_81 = arith.cmpi ne, %convert_element_type3A_79, %cond3A_80 : i32
      scf.if %cond3A_81 {
        %add3A_82 = arith.constant 2 : i32
        %add3A_83 = arith.addi %scan3A_62, %add3A_82 : i32
        %rem3A_84 = arith.constant 3 : i32
        %rem3A_85 = arith.remsi %add3A_83, %rem3A_84 : i32
        %eq3A_86 = arith.constant 0 : i32
        %eq3A_87 = arith.cmpi eq, %rem3A_85, %eq3A_86 : i32
        %convert_element_type3A_88 = arith.extui %eq3A_87 : i1 to i32
        %cond3A_89 = arith.constant 0 : i32
        %cond3A_90 = arith.cmpi ne, %convert_element_type3A_88, %cond3A_89 : i32
        scf.if %cond3A_90 {
          %ge3A = arith.constant 1 : i32
          %ge3A_101 = arith.cmpi sge, %scan3A_62, %ge3A : i32
          %convert_element_type3A_102 = arith.extui %ge3A_101 : i1 to i32
          %cond3A_103 = arith.constant 0 : i32
          %cond3A_104 = arith.cmpi ne, %convert_element_type3A_102, %cond3A_103 : i32
          scf.if %cond3A_104 {
            %dma_wait3A_127 = arith.constant 0 : i32
            %dma_wait3A_128 = tpu.memref_slice %arg5[%mul3A_2, %dma_wait3A_127] : memref<204800x128xf32, #tpu.memory_space<hbm>> -> memref<160x128xf32, #tpu.memory_space<hbm>>
            %dma_wait3A_129 = arith.constant 0 : i32
            %dma_wait3A_130 = tpu.memref_slice %arg5[%mul3A_2, %dma_wait3A_129] : memref<204800x128xf32, #tpu.memory_space<hbm>> -> memref<160x128xf32, #tpu.memory_space<hbm>>
            tpu.wait_dma2 semaphore(%arg14 : memref<!tpu.dma_semaphore, #tpu.memory_space<semaphore_mem>>) src(%arg8 : memref<160x128xf32, #tpu.memory_space<vmem>>) dst(%dma_wait3A_130 : memref<160x128xf32, #tpu.memory_space<hbm>>)
          } else {
          }
          %add3A_105 = arith.constant 2 : i32
          %add3A_106 = arith.addi %scan3A_62, %add3A_105 : i32
          %dma_start3A_107 = arith.constant 0 : i32
          %dma_start3A_108 = arith.constant 0 : i32
          %dma_start3A_109 = arith.constant 0 : i32
          %dma_start3A_110 = tpu.memref_slice %arg8[%dma_start3A_108, %dma_start3A_109] : memref<160x128xf32, #tpu.memory_space<vmem>> -> memref<80x128xf32, #tpu.memory_space<vmem>>
          %dma_start3A_111 = arith.constant 0 : i32
          %dma_start3A_112 = tpu.memref_slice %arg6[%add3A_106, %dma_start3A_107, %dma_start3A_111] : memref<40x2x80xi32, #tpu.memory_space<vmem>> -> memref<1x1x80xi32, #tpu.memory_space<vmem>>
          %dma_start3A_113 = tpu.memref_squeeze %dma_start3A_112 : memref<1x1x80xi32, #tpu.memory_space<vmem>> -> memref<80xi32, #tpu.memory_space<vmem>>
          %dma_start3A_114 = arith.constant 0 : i32
          %dma_start3A_115 = arith.constant 0 : i32
          %dma_start3A_116 = tpu.memref_slice %arg2[%dma_start3A_114, %dma_start3A_115] : memref<1000000x128xf32, #tpu.memory_space<hbm>> -> memref<1000000x128xf32, #tpu.memory_space<hbm>>
          tpu.enqueue_indirect_dma source(%dma_start3A_116 : memref<1000000x128xf32, #tpu.memory_space<hbm>>) target(%dma_start3A_110 : memref<80x128xf32, #tpu.memory_space<vmem>>) offsets(%dma_start3A_113 : memref<80xi32, #tpu.memory_space<vmem>>) semaphore(%arg11 : memref<!tpu.dma_semaphore, #tpu.memory_space<semaphore_mem>>)
          %dma_start3A_117 = arith.constant 1 : i32
          %dma_start3A_118 = arith.constant 80 : i32
          %dma_start3A_119 = arith.constant 0 : i32
          %dma_start3A_120 = tpu.memref_slice %arg8[%dma_start3A_118, %dma_start3A_119] : memref<160x128xf32, #tpu.memory_space<vmem>> -> memref<80x128xf32, #tpu.memory_space<vmem>>
          %dma_start3A_121 = arith.constant 0 : i32
          %dma_start3A_122 = tpu.memref_slice %arg6[%add3A_106, %dma_start3A_117, %dma_start3A_121] : memref<40x2x80xi32, #tpu.memory_space<vmem>> -> memref<1x1x80xi32, #tpu.memory_space<vmem>>
          %dma_start3A_123 = tpu.memref_squeeze %dma_start3A_122 : memref<1x1x80xi32, #tpu.memory_space<vmem>> -> memref<80xi32, #tpu.memory_space<vmem>>
          %dma_start3A_124 = arith.constant 0 : i32
          %dma_start3A_125 = arith.constant 0 : i32
          %dma_start3A_126 = tpu.memref_slice %arg2[%dma_start3A_124, %dma_start3A_125] : memref<1000000x128xf32, #tpu.memory_space<hbm>> -> memref<1000000x128xf32, #tpu.memory_space<hbm>>
          tpu.enqueue_indirect_dma source(%dma_start3A_126 : memref<1000000x128xf32, #tpu.memory_space<hbm>>) target(%dma_start3A_120 : memref<80x128xf32, #tpu.memory_space<vmem>>) offsets(%dma_start3A_123 : memref<80xi32, #tpu.memory_space<vmem>>) semaphore(%arg11 : memref<!tpu.dma_semaphore, #tpu.memory_space<semaphore_mem>>)
        } else {
        }
        %eq3A_91 = arith.constant 1 : i32
        %eq3A_92 = arith.cmpi eq, %rem3A_85, %eq3A_91 : i32
        %convert_element_type3A_93 = arith.extui %eq3A_92 : i1 to i32
        %cond3A_94 = arith.constant 0 : i32
        %cond3A_95 = arith.cmpi ne, %convert_element_type3A_93, %cond3A_94 : i32
        scf.if %cond3A_95 {
          %ge3A = arith.constant 1 : i32
          %ge3A_101 = arith.cmpi sge, %scan3A_62, %ge3A : i32
          %convert_element_type3A_102 = arith.extui %ge3A_101 : i1 to i32
          %cond3A_103 = arith.constant 0 : i32
          %cond3A_104 = arith.cmpi ne, %convert_element_type3A_102, %cond3A_103 : i32
          scf.if %cond3A_104 {
            %dma_wait3A_127 = arith.constant 0 : i32
            %dma_wait3A_128 = tpu.memref_slice %arg5[%mul3A_2, %dma_wait3A_127] : memref<204800x128xf32, #tpu.memory_space<hbm>> -> memref<160x128xf32, #tpu.memory_space<hbm>>
            %dma_wait3A_129 = arith.constant 0 : i32
            %dma_wait3A_130 = tpu.memref_slice %arg5[%mul3A_2, %dma_wait3A_129] : memref<204800x128xf32, #tpu.memory_space<hbm>> -> memref<160x128xf32, #tpu.memory_space<hbm>>
            tpu.wait_dma2 semaphore(%arg15 : memref<!tpu.dma_semaphore, #tpu.memory_space<semaphore_mem>>) src(%arg9 : memref<160x128xf32, #tpu.memory_space<vmem>>) dst(%dma_wait3A_130 : memref<160x128xf32, #tpu.memory_space<hbm>>)
          } else {
          }
          %add3A_105 = arith.constant 2 : i32
          %add3A_106 = arith.addi %scan3A_62, %add3A_105 : i32
          %dma_start3A_107 = arith.constant 0 : i32
          %dma_start3A_108 = arith.constant 0 : i32
          %dma_start3A_109 = arith.constant 0 : i32
          %dma_start3A_110 = tpu.memref_slice %arg9[%dma_start3A_108, %dma_start3A_109] : memref<160x128xf32, #tpu.memory_space<vmem>> -> memref<80x128xf32, #tpu.memory_space<vmem>>
          %dma_start3A_111 = arith.constant 0 : i32
          %dma_start3A_112 = tpu.memref_slice %arg6[%add3A_106, %dma_start3A_107, %dma_start3A_111] : memref<40x2x80xi32, #tpu.memory_space<vmem>> -> memref<1x1x80xi32, #tpu.memory_space<vmem>>
          %dma_start3A_113 = tpu.memref_squeeze %dma_start3A_112 : memref<1x1x80xi32, #tpu.memory_space<vmem>> -> memref<80xi32, #tpu.memory_space<vmem>>
          %dma_start3A_114 = arith.constant 0 : i32
          %dma_start3A_115 = arith.constant 0 : i32
          %dma_start3A_116 = tpu.memref_slice %arg2[%dma_start3A_114, %dma_start3A_115] : memref<1000000x128xf32, #tpu.memory_space<hbm>> -> memref<1000000x128xf32, #tpu.memory_space<hbm>>
          tpu.enqueue_indirect_dma source(%dma_start3A_116 : memref<1000000x128xf32, #tpu.memory_space<hbm>>) target(%dma_start3A_110 : memref<80x128xf32, #tpu.memory_space<vmem>>) offsets(%dma_start3A_113 : memref<80xi32, #tpu.memory_space<vmem>>) semaphore(%arg12 : memref<!tpu.dma_semaphore, #tpu.memory_space<semaphore_mem>>)
          %dma_start3A_117 = arith.constant 1 : i32
          %dma_start3A_118 = arith.constant 80 : i32
          %dma_start3A_119 = arith.constant 0 : i32
          %dma_start3A_120 = tpu.memref_slice %arg9[%dma_start3A_118, %dma_start3A_119] : memref<160x128xf32, #tpu.memory_space<vmem>> -> memref<80x128xf32, #tpu.memory_space<vmem>>
          %dma_start3A_121 = arith.constant 0 : i32
          %dma_start3A_122 = tpu.memref_slice %arg6[%add3A_106, %dma_start3A_117, %dma_start3A_121] : memref<40x2x80xi32, #tpu.memory_space<vmem>> -> memref<1x1x80xi32, #tpu.memory_space<vmem>>
          %dma_start3A_123 = tpu.memref_squeeze %dma_start3A_122 : memref<1x1x80xi32, #tpu.memory_space<vmem>> -> memref<80xi32, #tpu.memory_space<vmem>>
          %dma_start3A_124 = arith.constant 0 : i32
          %dma_start3A_125 = arith.constant 0 : i32
          %dma_start3A_126 = tpu.memref_slice %arg2[%dma_start3A_124, %dma_start3A_125] : memref<1000000x128xf32, #tpu.memory_space<hbm>> -> memref<1000000x128xf32, #tpu.memory_space<hbm>>
          tpu.enqueue_indirect_dma source(%dma_start3A_126 : memref<1000000x128xf32, #tpu.memory_space<hbm>>) target(%dma_start3A_120 : memref<80x128xf32, #tpu.memory_space<vmem>>) offsets(%dma_start3A_123 : memref<80xi32, #tpu.memory_space<vmem>>) semaphore(%arg12 : memref<!tpu.dma_semaphore, #tpu.memory_space<semaphore_mem>>)
        } else {
        }
        %eq3A_96 = arith.constant 2 : i32
        %eq3A_97 = arith.cmpi eq, %rem3A_85, %eq3A_96 : i32
        %convert_element_type3A_98 = arith.extui %eq3A_97 : i1 to i32
        %cond3A_99 = arith.constant 0 : i32
        %cond3A_100 = arith.cmpi ne, %convert_element_type3A_98, %cond3A_99 : i32
        scf.if %cond3A_100 {
          %ge3A = arith.constant 1 : i32
          %ge3A_101 = arith.cmpi sge, %scan3A_62, %ge3A : i32
          %convert_element_type3A_102 = arith.extui %ge3A_101 : i1 to i32
          %cond3A_103 = arith.constant 0 : i32
          %cond3A_104 = arith.cmpi ne, %convert_element_type3A_102, %cond3A_103 : i32
          scf.if %cond3A_104 {
            %dma_wait3A_127 = arith.constant 0 : i32
            %dma_wait3A_128 = tpu.memref_slice %arg5[%mul3A_2, %dma_wait3A_127] : memref<204800x128xf32, #tpu.memory_space<hbm>> -> memref<160x128xf32, #tpu.memory_space<hbm>>
            %dma_wait3A_129 = arith.constant 0 : i32
            %dma_wait3A_130 = tpu.memref_slice %arg5[%mul3A_2, %dma_wait3A_129] : memref<204800x128xf32, #tpu.memory_space<hbm>> -> memref<160x128xf32, #tpu.memory_space<hbm>>
            tpu.wait_dma2 semaphore(%arg16 : memref<!tpu.dma_semaphore, #tpu.memory_space<semaphore_mem>>) src(%arg10 : memref<160x128xf32, #tpu.memory_space<vmem>>) dst(%dma_wait3A_130 : memref<160x128xf32, #tpu.memory_space<hbm>>)
          } else {
          }
          %add3A_105 = arith.constant 2 : i32
          %add3A_106 = arith.addi %scan3A_62, %add3A_105 : i32
          %dma_start3A_107 = arith.constant 0 : i32
          %dma_start3A_108 = arith.constant 0 : i32
          %dma_start3A_109 = arith.constant 0 : i32
          %dma_start3A_110 = tpu.memref_slice %arg10[%dma_start3A_108, %dma_start3A_109] : memref<160x128xf32, #tpu.memory_space<vmem>> -> memref<80x128xf32, #tpu.memory_space<vmem>>
          %dma_start3A_111 = arith.constant 0 : i32
          %dma_start3A_112 = tpu.memref_slice %arg6[%add3A_106, %dma_start3A_107, %dma_start3A_111] : memref<40x2x80xi32, #tpu.memory_space<vmem>> -> memref<1x1x80xi32, #tpu.memory_space<vmem>>
          %dma_start3A_113 = tpu.memref_squeeze %dma_start3A_112 : memref<1x1x80xi32, #tpu.memory_space<vmem>> -> memref<80xi32, #tpu.memory_space<vmem>>
          %dma_start3A_114 = arith.constant 0 : i32
          %dma_start3A_115 = arith.constant 0 : i32
          %dma_start3A_116 = tpu.memref_slice %arg2[%dma_start3A_114, %dma_start3A_115] : memref<1000000x128xf32, #tpu.memory_space<hbm>> -> memref<1000000x128xf32, #tpu.memory_space<hbm>>
          tpu.enqueue_indirect_dma source(%dma_start3A_116 : memref<1000000x128xf32, #tpu.memory_space<hbm>>) target(%dma_start3A_110 : memref<80x128xf32, #tpu.memory_space<vmem>>) offsets(%dma_start3A_113 : memref<80xi32, #tpu.memory_space<vmem>>) semaphore(%arg13 : memref<!tpu.dma_semaphore, #tpu.memory_space<semaphore_mem>>)
          %dma_start3A_117 = arith.constant 1 : i32
          %dma_start3A_118 = arith.constant 80 : i32
          %dma_start3A_119 = arith.constant 0 : i32
          %dma_start3A_120 = tpu.memref_slice %arg10[%dma_start3A_118, %dma_start3A_119] : memref<160x128xf32, #tpu.memory_space<vmem>> -> memref<80x128xf32, #tpu.memory_space<vmem>>
          %dma_start3A_121 = arith.constant 0 : i32
          %dma_start3A_122 = tpu.memref_slice %arg6[%add3A_106, %dma_start3A_117, %dma_start3A_121] : memref<40x2x80xi32, #tpu.memory_space<vmem>> -> memref<1x1x80xi32, #tpu.memory_space<vmem>>
          %dma_start3A_123 = tpu.memref_squeeze %dma_start3A_122 : memref<1x1x80xi32, #tpu.memory_space<vmem>> -> memref<80xi32, #tpu.memory_space<vmem>>
          %dma_start3A_124 = arith.constant 0 : i32
          %dma_start3A_125 = arith.constant 0 : i32
          %dma_start3A_126 = tpu.memref_slice %arg2[%dma_start3A_124, %dma_start3A_125] : memref<1000000x128xf32, #tpu.memory_space<hbm>> -> memref<1000000x128xf32, #tpu.memory_space<hbm>>
          tpu.enqueue_indirect_dma source(%dma_start3A_126 : memref<1000000x128xf32, #tpu.memory_space<hbm>>) target(%dma_start3A_120 : memref<80x128xf32, #tpu.memory_space<vmem>>) offsets(%dma_start3A_123 : memref<80xi32, #tpu.memory_space<vmem>>) semaphore(%arg13 : memref<!tpu.dma_semaphore, #tpu.memory_space<semaphore_mem>>)
        } else {
        }
      } else {
      }
    }
    %scan3A_50 = arith.constant 40 : i32
    %dma_wait3A = arith.constant 0 : i32
    %dma_wait3A_51 = tpu.memref_slice %arg5[%mul3A_2, %dma_wait3A] : memref<204800x128xf32, #tpu.memory_space<hbm>> -> memref<160x128xf32, #tpu.memory_space<hbm>>
    %dma_wait3A_52 = arith.constant 0 : i32
    %dma_wait3A_53 = tpu.memref_slice %arg5[%mul3A_2, %dma_wait3A_52] : memref<204800x128xf32, #tpu.memory_space<hbm>> -> memref<160x128xf32, #tpu.memory_space<hbm>>
    tpu.wait_dma2 semaphore(%arg14 : memref<!tpu.dma_semaphore, #tpu.memory_space<semaphore_mem>>) src(%arg8 : memref<160x128xf32, #tpu.memory_space<vmem>>) dst(%dma_wait3A_53 : memref<160x128xf32, #tpu.memory_space<hbm>>)
    %dma_wait3A_54 = arith.constant 0 : i32
    %dma_wait3A_55 = tpu.memref_slice %arg5[%mul3A_2, %dma_wait3A_54] : memref<204800x128xf32, #tpu.memory_space<hbm>> -> memref<160x128xf32, #tpu.memory_space<hbm>>
    %dma_wait3A_56 = arith.constant 0 : i32
    %dma_wait3A_57 = tpu.memref_slice %arg5[%mul3A_2, %dma_wait3A_56] : memref<204800x128xf32, #tpu.memory_space<hbm>> -> memref<160x128xf32, #tpu.memory_space<hbm>>
    tpu.wait_dma2 semaphore(%arg15 : memref<!tpu.dma_semaphore, #tpu.memory_space<semaphore_mem>>) src(%arg9 : memref<160x128xf32, #tpu.memory_space<vmem>>) dst(%dma_wait3A_57 : memref<160x128xf32, #tpu.memory_space<hbm>>)
    %dma_wait3A_58 = arith.constant 0 : i32
    %dma_wait3A_59 = tpu.memref_slice %arg5[%mul3A_2, %dma_wait3A_58] : memref<204800x128xf32, #tpu.memory_space<hbm>> -> memref<160x128xf32, #tpu.memory_space<hbm>>
    %dma_wait3A_60 = arith.constant 0 : i32
    %dma_wait3A_61 = tpu.memref_slice %arg5[%mul3A_2, %dma_wait3A_60] : memref<204800x128xf32, #tpu.memory_space<hbm>> -> memref<160x128xf32, #tpu.memory_space<hbm>>
    tpu.wait_dma2 semaphore(%arg16 : memref<!tpu.dma_semaphore, #tpu.memory_space<semaphore_mem>>) src(%arg10 : memref<160x128xf32, #tpu.memory_space<vmem>>) dst(%dma_wait3A_61 : memref<160x128xf32, #tpu.memory_space<hbm>>)
    return
  }
}

</mosaic_0001>

<sc_bundles>
// kernel: kernel.3.cloned.1.call-start
scs
__scs_entry_jumppad:
0x0: {  	(pc) =	sbr.rel $0x88, $3  }
0x1: {  	(tag) =	ssettag $0x0;
	lr =	simm.s32 $0x1  }
0x2: {  	[smem:$0x3F9F] =	sst lr;
	_ =	strace $0xD0000000  }
0x3: {  	_ = 	snop  }
0x4: {  	_ = 	snop  }
0x5: {  	_ = 	snop  }
0x6: {  	_ = 	snop  }
0x7: {  	_ = 	snop  }
__scs_overlays_trampoline_lowered:
0x8: {  	[smem:$0x3FAE] =	sst s0  }
0x9: {  	[smem:$0x3FAF] =	sst s1  }
0xa: {  	[smem:$0x3FB0] =	sst s2  }
0xb: {  	[smem:$0x3FB1] =	sst s3  }
0xc: {  	[smem:$0x3FB2] =	sst s4  }
0xd: {  	[smem:$0x3FB3] =	sst s5  }
0xe: {  	[smem:$0x3FB4] =	sst s6  }
0xf: {  	[smem:$0x3FB5] =	sst s7  }
0x10: {  	[smem:$0x3FB6] =	sst s8  }
0x11: {  	[smem:$0x3FB7] =	sst s9;
	s0 =	simm.s32 @!p0 $0x0  }
0x12: {  	s1 =	sld [smem:$0x3F9D];
	s0 =	simm.s32 @p0 $0x1  }
0x13: {  	[smem:$0x3FB8] =	sst s0;
	s0 =	simm.s32 @!p1 $0x0  }
0x14: {  	s2 =	sld [smem:$0x3F9C];
	s0 =	simm.s32 @p1 $0x1  }
0x15: {  	[smem:$0x3FB9] =	sst s0;
	s0 =	simm.s32 @!p2 $0x0  }
0x16: {  	s3 =	sld [smem:$0x3FDB];
	s0 =	simm.s32 @p2 $0x1  }
0x17: {  	s4 =	simm.s32 $0x1BF5;
	[smem:$0x3FBB] =	sst s0  }
0x18: {  	s0 =	sld [smem:$0x3F9E];
	_ =	swait.ge [sflag:s4], $0x0  }
0x19: {  	s7 =	sld [smem:$0x3F9F]  }
0x1a: {  	s8 =	sadd.s32 $0xFFFFE003, lr  }
0x1b: {  	s9 =	sadd.s32 $0xFFFFFEF7, lr;
	s5 =	simm.s32 $0xFFFFFFFF;
	p2 =	slt.u32 s8, $0xFFFFF086  }
0x1c: {  	p1 =	slt.u32 s9, $0xF7A;
	s5 =	simm.s32 @!p2 $0x0  }
0x1d: {  	s5 =	simm.s32 @p1 $0x1;
	p0 =	seq.s32 s7, s2  }
0x1e: {  	s7 =	smul.u32 @!p0 $0xF7A, s2;
	p2 =	seq.s32 @!p0 s5, $0x0  }
0x1f: {  	s9 =	smul.u32 $0xF7A, s1;
	s8 =	simm.s32 @!p0 $0x1BF5;
	p2 =	por !p2, p0  }
0x20: {  	[sflag:s8] =	ssyncset.s32 @!p0 $0xFFFFF086;
	s6 =	sadd.s32 @!p0 s3, s7;
	s7 =	simm.s32 @!p0 $0x108  }
0x21: {  	s3 =	sadd.s32 s3, s9;
	s6 =	sadd.s32 @!p0 $0x88, s6;
	s7 =	simm.s32 @p2 $0x1082  }
0x22: {  	[simem:s7], [sflag:s8] =	dma.local @!p0 [hbm:s6], $0xF7A  }
0x23: {  	s9 =	sor.u32 $0xD0000000, s2;
	s6 =	simm.s32 $0x108;
	_ =	swait.ge @!p0 [sflag:s8], $0x0  }
0x24: {  	s3 =	sadd.s32 $0x88, s3;
	s6 =	simm.s32 @!p1 $0x1082;
	[sflag:s4] =	ssyncset.s32 $0xFFFFF086  }
0x25: {  	[simem:s6], [sflag:s4] =	dma.local [hbm:s3], $0xF7A  }
0x26: {  	[smem:$0x3F9F] =	sst s1;
	(tag) =	ssettag s2;
	_ =	strace s9  }
0x27: {  	s1 =	sld [smem:$0x3FAF]  }
0x28: {  	s2 =	sld [smem:$0x3FB0]  }
0x29: {  	s4 =	sld [smem:$0x3FB2]  }
0x2a: {  	p0 =	seq.s32 s5, $0x0;
	s5 =	sld [smem:$0x3FB3]  }
0x2b: {  	s6 =	sld [smem:$0x3FB4]  }
0x2c: {  	s7 =	sld [smem:$0x3FB5]  }
0x2d: {  	s3 =	simm.s32 $0x108;
	s8 =	sld [smem:$0x3FB6]  }
0x2e: {  	s3 =	simm.s32 @!p0 $0x1082;
	s9 =	sld [smem:$0x3FB7]  }
0x2f: {  	lr =	sadd.s32 s0, s3;
	s0 =	sld [smem:$0x3FAE]  }
0x30: {  	s3 =	sld [smem:$0x3FB1]  }
0x31: {  	[smem:$0x3FBA] =	sst s10  }
0x32: {  	s10 =	sld [smem:$0x3FB8];
	_ =	sdelay $0x3  }
0x33: {  	p0 =	seq.s32 s10, $0x1;
	s10 =	sld [smem:$0x3FBA];
	_ =	sdelay $0x3  }
0x34: {  	[smem:$0x3FBA] =	sst s10  }
0x35: {  	s10 =	sld [smem:$0x3FB9];
	_ =	sdelay $0x3  }
0x36: {  	p1 =	seq.s32 s10, $0x1;
	s10 =	sld [smem:$0x3FBA];
	_ =	sdelay $0x3  }
0x37: {  	[smem:$0x3FBA] =	sst s10  }
0x38: {  	s10 =	sld [smem:$0x3FBB]  }
0x39: {  	_ = 	snop;
	(pc) =	sbr.ind lr, $3  }
0x3a: {  	_ = 	snop  }
0x3b: {  	_ = 	snop  }
0x3c: {  	p2 =	seq.s32 s10, $0x1;
	s10 =	sld [smem:$0x3FBA]  }
0x3d: {  	_ =	shalt  }
0x3e: {  	_ =	shalt  }
0x3f: {  	_ =	shalt  }
0x40: {  	_ =	shalt  }
0x41: {  	_ =	shalt  }
0x42: {  	_ =	shalt  }
0x43: {  	_ =	shalt  }
0x44: {  	_ =	shalt  }
0x45: {  	_ =	shalt  }
0x46: {  	_ =	shalt  }
0x47: {  	_ =	shalt  }
0x48: {  	_ =	shalt  }
0x49: {  	_ =	shalt  }
0x4a: {  	_ =	shalt  }
0x4b: {  	_ =	shalt  }
0x4c: {  	_ =	shalt  }
0x4d: {  	_ =	shalt  }
0x4e: {  	_ =	shalt  }
0x4f: {  	_ =	shalt  }
0x50: {  	_ =	shalt  }
0x51: {  	_ =	shalt  }
0x52: {  	_ =	shalt  }
0x53: {  	_ =	shalt  }
0x54: {  	_ =	shalt  }
0x55: {  	_ =	shalt  }
0x56: {  	_ =	shalt  }
0x57: {  	_ =	shalt  }
0x58: {  	_ =	shalt  }
0x59: {  	_ =	shalt  }
0x5a: {  	_ =	shalt  }
0x5b: {  	_ =	shalt  }
0x5c: {  	_ =	shalt  }
0x5d: {  	_ =	shalt  }
0x5e: {  	_ =	shalt  }
0x5f: {  	_ =	shalt  }
0x60: {  	_ =	shalt  }
0x61: {  	_ =	shalt  }
0x62: {  	_ =	shalt  }
0x63: {  	_ =	shalt  }
0x64: {  	_ =	shalt  }
0x65: {  	_ =	shalt  }
0x66: {  	_ =	shalt  }
0x67: {  	_ =	shalt  }
0x68: {  	_ =	shalt  }
0x69: {  	_ =	shalt  }
0x6a: {  	_ =	shalt  }
0x6b: {  	_ =	shalt  }
0x6c: {  	_ =	shalt  }
0x6d: {  	_ =	shalt  }
0x6e: {  	_ =	shalt  }
0x6f: {  	_ =	shalt  }
0x70: {  	_ =	shalt  }
0x71: {  	_ =	shalt  }
0x72: {  	_ =	shalt  }
0x73: {  	_ =	shalt  }
0x74: {  	_ =	shalt  }
0x75: {  	_ =	shalt  }
0x76: {  	_ =	shalt  }
0x77: {  	_ =	shalt  }
0x78: {  	_ =	shalt  }
0x79: {  	_ =	shalt  }
0x7a: {  	_ =	shalt  }
0x7b: {  	_ =	shalt  }
0x7c: {  	_ =	shalt  }
0x7d: {  	_ =	shalt  }
0x7e: {  	_ =	shalt  }
0x7f: {  	_ =	shalt  }
0x80: {  	_ =	shalt  }
0x81: {  	_ =	shalt  }
0x82: {  	_ =	shalt  }
0x83: {  	_ =	shalt  }
0x84: {  	_ =	shalt  }
0x85: {  	_ =	shalt  }
0x86: {  	_ =	shalt  }
0x87: {  	_ =	shalt  }
.Lfunc_end0:
.L_simem_size_0:
called_computation_lowered:
.L_overlay_start_0:
0x88: {  	s2 =	sld [smem:$0x3FD9]  }
0x89: {  	s3 =	sld [smem:$0x3FFE];
	_ =	sdelay $0x1  }
0x8a: {  	s1 =	srdreg.scid  }
0x8b: {  	s0 =	sand.u32 $0x1, s1  }
0x8c: {  	s17 =	sshll.u32 s0, $0xA;
	s2 =	sadd.s32 s3, s2  }
0x8d: {  	s2 =	sadd.s32 s2, s17  }
0x8e: {  	[smem:$0x3FC6] =	sst s2  }
0x8f: {  	_ = 	snop  }
0x90: {  	s2 =	sld [smem:$0x3FC8]  }
0x91: {  	s18 =	sld [smem:$0x3FD0];
	(tm) =	ssettm $0x1  }
0x92: {  	s4 =	sld [smem:$0x3FFB];
	_ =	sdelay $0x3  }
0x93: {  	_ =	strace s4  }
0x94: {  	s4 =	sld [smem:$0x3FFC];
	_ =	sdelay $0x3  }
0x95: {  	_ =	strace s4  }
0x96: {  	s4 =	sld [smem:$0x3FFD];
	_ =	sdelay $0x3  }
0x97: {  	_ =	strace s4  }
0x98: {  	_ =	strace $0x8FFFFFFF  }
0x99: {  	s19 =	sld [smem:$0x3FDB];
	_ =	sdelay $0x1  }
0x9a: {  	s5 =	simm.s32 $_scs_section_size  }
0x9b: {  	s6 =	simm.s32 $_size__tile_overlayer_lowered;
	s7 =	simm.s32 $_tile_overlayer_lowered  }
0x9c: {  	s22 =	simm.s32 $0x1BFF;
	s21 =	sshll.u32 s7, $0x1;
	s4 =	sadd.s32 s5, s19  }
0x9d: {  	s8 =	simm.s32 $0x0;
	s20 =	sshll.u32 s6, $0x1;
	s6 =	sadd.s32 s21, s4  }
0x9e: {  	[timem:s8], [sflag:s22] =	dma.local [hbm:s6], s20  }
0x9f: {  	_ =	swait.ge [sflag:s22], s20  }
0xa0: {  	s5 =	ssub.s32 $0x0, s20;
	[sflag:s22] =	ssyncset.done $0x0  }
0xa1: {  	[sflag:s22] =	ssyncadd.s32 s5;
	_ =	sdelay $0x1  }
0xa2: {  	s23 =	simm.s32 $0x1B8B  }
0xa3: {  	_ =	swait.ge [sflag:s23], $0x1  }
0xa4: {  	[sflag:s23] =	ssyncset.done $0x0  }
0xa5: {  	s25 =	simm.s32 $0x1B8E;
	s24 =	sld [smem:$0x3FFE];
	[sflag:s23] =	ssyncadd.s32 $0xFFFFFFFF  }
0xa6: {  	s26 =	simm.s32 $execute0_lowered;
	[smem:$0x3FD2] =	sst s25  }
0xa7: {  	s6 =	sshll.u32 s26, $0x1;
	_ =	strace $0x80000046;
	[dreg:$0x1] =	wrdreg $0xFFFFFFFF  }
0xa8: {  	s28 =	simm.s32 $_size_execute0_lowered;
	s4 =	sadd.s32 s4, s6;
	[dreg:$0x0] =	wrdreg $0x0  }
0xa9: {  	s6 =	sshll.u32 s28, $0x1;
	[dreg:$0x2] =	wrdreg s4  }
0xaa: {  	[dreg:$0x3] =	wrdreg s6  }
0xab: {  	[dreg:$0x4] =	wrdreg $0xC0  }
0xac: {  	_ =	task [dreg:s8], $0x5FFFF  }
0xad: {  	[dreg:$0x1] =	wrdreg $0xFFFFFFFF  }
0xae: {  	[dreg:$0x0] =	wrdreg $0x60  }
0xaf: {  	[dreg:$0x2] =	wrdreg s2  }
0xb0: {  	[dreg:$0x3] =	wrdreg s24  }
0xb1: {  	[dreg:$0x4] =	wrdreg s18  }
0xb2: {  	[dreg:$0x5] =	wrdreg $0x9  }
0xb3: {  	_ =	task.clear_ibuf [dreg:s8], $0x6FFFF;
	_ =	strace $0x90000046  }
0xb4: {  	s29 =	simm.s32 $0x9;
	_ =	strace $0x80000048  }
0xb5: {  	_ =	swait.ge [sflag:s29], $0x1  }
0xb6: {  	[sflag:s29] =	ssyncadd.s32 $0xFFFFFFFF  }
0xb7: {  	_ =	strace $0x90000048  }
0xb8: {  	_ =	sfence  }
0xb9: {  	s30 =	sld [smem:$0x0];
	_ =	sdelay $0x2  }
0xba: {  	s31 =	sshll.u32 s1, $0xD;
	s1 =	sshrl.u32 s1, $0x2  }
0xbb: {  	s3 =	sand.u32 $0x4000, s31;
	s1 =	sadd.s32 s1, s30  }
0xbc: {  	s0 =	sor.u32 s3, s0;
	s1 =	sshll.u32 s1, $0x11  }
0xbd: {  	s0 =	sor.u32 s1, s0  }
0xbe: {  	s0 =	sadd.s32 $0x8F2B, s0  }
0xbf: {  	[sflag:s0] =	ssyncadd.remote.s32 $0x1  }
0xc0: {  	_ =	sfence.sel $0xFFFF  }
0xc1: {  	[dreg:$0x0] =	wrdreg $0xFFFFFFFF;
	(pc) =	sbr.abs _section_cstart, $3  }
0xc2: {  	[dreg:$0x1] =	wrdreg $0xFFFFFFFF  }
0xc3: {  	_ =	task.clear_ibuf [dreg:s8], $0x2FFFF;
	_ =	strace $0x9FFFFFFF  }
0xc4: {  	(tm) =	ssettm $0x7FFFFFFF  }
0xc5: {  	_ =	shalt  }
tec
execute0_lowered:
.L_overlay_start_1:
0x0: {  	(tag) =	ssettag $0x1  }
0x1: {  	s1 =	rddreg [dreg:$0x0]  }
0x2: {  	s7 =	rddreg [dreg:$0x1];
	s0 =	srdreg.scid  }
0x3: {  	s2 =	stileid.u32;
	s4 =	rddreg [dreg:$0x2]  }
0x4: {  	s5 =	simm.s32 $0x0;
	s9 =	simm.s32 $0x7;
	s10 =	simm.s32 $0x50  }
0x5: {  	s11 =	simm.s32 $0xC800;
	s13 =	simm.s32 $0xF000;
	s15 =	simm.s32 $0x11800  }
0x6: {  	s17 =	simm.s32 $0x14000;
	s18 =	simm.s32 $0x3;
	s19 =	simm.s32 $0x16800  }
0x7: {  	s20 =	simm.s32 $0x19000;
	s21 =	simm.s32 $0x4;
	s22 =	simm.s32 $0x5  }
0x8: {  	s23 =	simm.s32 $0x6;
	s0 =	sand.u32 $0x1, s0;
	s2 =	sshll.u32 s2, $0x1  }
.Ltmp0:
0x9: {  	s24 =	simm.s32 $0x2;
	s2 =	sor.u32 s0, s2;
	(pc) =	sbr.rel .LBB2_1-.Ltmp0, $4  }
0xa: {  	s25 =	simm.s32 $0x1;
	s0 =	ssub.s32 $0x2, s0;
	s3 =	smul.u32 $0x500, s2  }
0xb: {  	s26 =	simm.s32 $0x0;
	[smem:$0x7FF] =	sst s5;
	s6 =	sshrl.u32 s0, $0x1  }
0xc: {  	_ =	strace $0x80000047;
	s0 =	ssub.s32 s0, s6;
	s3 =	sadd.s32 s3, s7  }
0xd: {  	s6 =	smul.u32 $0x1900, s2;
	s8 =	smax.u32 s0, $0x1;
	s7 =	sadd.s32 $0x1400, s3  }
.LBB2_71:
0xe: {  	_ =	swait.ge [sflag:s21], $0x5000  }
0xf: {  	[sflag:s21] =	ssyncset.done $0x0  }
0x10: {  	s26 =	sadd.s32 $0x1, s26;
	[sflag:s21] =	ssyncadd.s32 $0xFFFFB000  }
0x11: {  	p0 =	sne.s32 s26, s8;
	_ =	swait.ge [sflag:s22], $0x5000  }
.Ltmp1:
0x12: {  	[sflag:s22] =	ssyncset.done $0x0;
	(pc) =	sbr.rel @!p0 .LBB2_72-.Ltmp1, $4  }
0x13: {  	[sflag:s22] =	ssyncadd.s32 $0xFFFFB000  }
0x14: {  	_ =	swait.ge [sflag:s23], $0x5000  }
0x15: {  	[sflag:s23] =	ssyncset.done $0x0  }
0x16: {  	[sflag:s23] =	ssyncadd.s32 $0xFFFFB000  }
.LBB2_1:
0x17: {  	[tilespmem:s5], [sflag:$0x7] =	stream.linear.gather [hbm4b:s7+s5], $0x2800, $0x38;
	[tilespmem:$0x1B800] =	vst v63  }
0x18: {  	_ =	swait.ge [sflag:s9], $0x2800  }
0x19: {  	[sflag:s9] =	ssyncset.done $0x0  }
0x1a: {  	[sflag:s9] =	ssyncadd.s32 $0xFFFFD800  }
0x1b: {  	s14 =	simm.s32 $0x2800;
	s0 =	rddreg [dreg:$0x1]  }
0x1c: {  	[tilespmem:s14], [sflag:$0x7] =	stream.linear.gather [hbm4b:s0+s5], $0xA000, $0x38;
	[tilespmem:$0x1B800] =	vst v63  }
0x1d: {  	_ =	swait.ge [sflag:s9], $0xA000  }
0x1e: {  	[sflag:s9] =	ssyncset.done $0x0  }
0x1f: {  	[sflag:s9] =	ssyncadd.s32 $0xFFFF6000  }
0x20: {  	[tilespmem:s11], [sflag:$0x1] =	stream.indirect.gather [hbm4b:s1+s10], $0x80, s5, s10, $0xb8;
	[tilespmem:$0x1B800] =	vst v63  }
0x21: {  	s16 =	simm.s32 $0x80  }
0x22: {  	[tilespmem:s13], [sflag:$0x1] =	stream.indirect.gather [hbm4b:s1+s10], $0x80, s16, s10, $0xb8;
	[tilespmem:$0x1B800] =	vst v63  }
.Ltmp2:
0x23: {  	_ = 	snop;
	(pc) =	sbr.rel .LBB2_2-.Ltmp2, $4  }
0x24: {  	s28 =	simm.s32 $0x100;
	s30 =	simm.s32 $0x180  }
0x25: {  	[tilespmem:s15], [sflag:$0x2] =	stream.indirect.gather [hbm4b:s1+s10], $0x80, s28, s10, $0xb8;
	[tilespmem:$0x1B800] =	vst v63  }
0x26: {  	s29 =	simm.s32 $0xFFFFFFFE;
	s31 =	simm.s32 $0x0;
	s16 =	simm.s32 $0x16880  }
0x27: {  	[tilespmem:s17], [sflag:$0x2] =	stream.indirect.gather [hbm4b:s1+s10], $0x80, s30, s10, $0xb8;
	[tilespmem:$0x1B800] =	vst v63  }
.LBB2_69:
0x28: {  	p0 =	seq.s32 s31, $0x0  }
0x29: {  	s2 =	simm.s32 @!p0 $0x6  }
0x2a: {  	_ =	swait.ge @!p0 [sflag:s2], $0x5000  }
0x2b: {  	s0 =	sshll.u32 s0, $0x8;
	[sflag:s2] =	ssyncset.done @!p0 $0x0  }
0x2c: {  	s0 =	sand.u32 $0x3FFFFF00, s0;
	[sflag:s2] =	ssyncadd.s32 @!p0 $0xFFFFB000  }
0x2d: {  	[tilespmem:s19], [sflag:$0x3] =	stream.indirect.gather [hbm4b:s1+s10], $0x80, s0, s10, $0xb8;
	[tilespmem:$0x1B800] =	vst v63  }
0x2e: {  	s0 =	sor.u32 $0x80, s0  }
0x2f: {  	[tilespmem:s20], [sflag:$0x3] =	stream.indirect.gather [hbm4b:s1+s10], $0x80, s0, s10, $0xb8;
	[tilespmem:$0x1B800] =	vst v63  }
.LBB2_70:
0x30: {  	s31 =	sadd.s32 $0x1, s31  }
0x31: {  	p0 =	sne.s32 s31, $0x28  }
.Ltmp3:
0x32: {  	_ = 	snop;
	(pc) =	sbr.rel @!p0 .LBB2_71-.Ltmp3, $2  }
0x33: {  	_ =	sdelay $0x2  }
0x34: {  	s29 =	sadd.s32 $0x1, s29;
	s16 =	sadd.s32 $0x80, s16;
	s14 =	sadd.s32 $0x80, s14  }
.LBB2_2:
0x35: {  	s0 =	smul.u32 $0xAB, s31;
	_ =	sdelay $0x1  }
0x36: {  	s0 =	sshrl.u32 s0, $0x9  }
0x37: {  	s0 =	sand.u32 $0x7F, s0  }
0x38: {  	s0 =	smul.u32 $0x3, s0;
	_ =	sdelay $0x1  }
0x39: {  	s0 =	ssub.s32 s31, s0  }
0x3a: {  	s0 =	sand.u32 $0xFF, s0  }
0x3b: {  	p0 =	seq.s32 s0, $0x2  }
.Ltmp4:
0x3c: {  	_ = 	snop;
	(pc) =	sbr.rel @p0 .LBB2_44-.Ltmp4, $1  }
0x3d: {  	_ =	sdelay $0x3  }
0x3e: {  	p0 =	seq.s32 s0, $0x1  }
.Ltmp5:
0x3f: {  	_ = 	snop;
	(pc) =	sbr.rel @!p0 .LBB2_4-.Ltmp5, $1  }
0x40: {  	_ =	sdelay $0x3  }
0x41: {  	s0 =	smul.u32 $0xCD, s31;
	_ =	sdelay $0x1  }
0x42: {  	s0 =	sshrl.u32 s0, $0xA  }
0x43: {  	s0 =	sand.u32 $0x3F, s0  }
0x44: {  	s0 =	smul.u32 $0x5, s0;
	_ =	sdelay $0x1  }
0x45: {  	s0 =	ssub.s32 s31, s0  }
0x46: {  	s3 =	sand.u32 $0xFF, s0  }
0x47: {  	_ =	swait.ge [sflag:s24], $0x2800;
	p0 =	sgt.s32 s3, $0x1  }
.Ltmp6:
0x48: {  	[sflag:s24] =	ssyncset.done $0x0;
	(pc) =	sbr.rel @!p0 .LBB2_25-.Ltmp6, $4  }
0x49: {  	[sflag:s24] =	ssyncadd.s32 $0xFFFFD800  }
0x4a: {  	_ =	swait.ge [sflag:s24], $0x2800  }
0x4b: {  	[sflag:s24] =	ssyncset.done $0x0  }
0x4c: {  	s2 =	simm.s32 $0x0;
	[sflag:s24] =	ssyncadd.s32 $0xFFFFD800;
	s0 =	simm.s32 $0xFFFFFFFE  }
0x4d: {  	p0 =	seq.s32 s3, $0x2  }
.Ltmp7:
0x4e: {  	_ = 	snop;
	(pc) =	sbr.rel @p0 .LBB2_37-.Ltmp7, $1  }
0x4f: {  	_ =	sdelay $0x3  }
0x50: {  	p0 =	seq.s32 s3, $0x3  }
.Ltmp8:
0x51: {  	_ = 	snop;
	(pc) =	sbr.rel @!p0 .LBB2_40-.Ltmp8, $1  }
0x52: {  	_ =	sdelay $0x3  }
0x53: {  	s3 =	sshra.s32 s2, $0x2  }
0x54: {  	v0 =	vld [tilespmem:s3+$0x50F0]  }
0x55: {  	v1 =	vld [tilespmem:s3+$0x5000]  }
0x56: {  	v2 =	vld [tilespmem:s3+$0x5010]  }
0x57: {  	v3 =	vld [tilespmem:s3+$0x5020]  }
0x58: {  	v4 =	vld [tilespmem:s3+$0x5030]  }
0x59: {  	v5 =	vld [tilespmem:s3+$0x5040]  }
0x5a: {  	v6 =	vld [tilespmem:s3+$0x5050]  }
0x5b: {  	v7 =	vld [tilespmem:s3+$0x5060]  }
0x5c: {  	v8 =	vld [tilespmem:s3+$0x5070]  }
0x5d: {  	v9 =	vld [tilespmem:s3+$0x5080]  }
0x5e: {  	v10 =	vld [tilespmem:s3+$0x5090]  }
0x5f: {  	v11 =	vld [tilespmem:s3+$0x50A0]  }
0x60: {  	v12 =	vld [tilespmem:s3+$0x50B0]  }
0x61: {  	v13 =	vld [tilespmem:s3+$0x50C0]  }
0x62: {  	v14 =	vld [tilespmem:s3+$0x50D0]  }
0x63: {  	[tilespmem:s3+$0x118F0] =	vst.add.f32.msk $0xffff, v0  }
0x64: {  	v0 =	vld [tilespmem:s3+$0x50E0]  }
0x65: {  	[tilespmem:s3+$0x11800] =	vst.add.f32.msk $0xffff, v1  }
0x66: {  	[tilespmem:s3+$0x11810] =	vst.add.f32.msk $0xffff, v2  }
0x67: {  	[tilespmem:s3+$0x11820] =	vst.add.f32.msk $0xffff, v3  }
0x68: {  	[tilespmem:s3+$0x11830] =	vst.add.f32.msk $0xffff, v4  }
0x69: {  	[tilespmem:s3+$0x11840] =	vst.add.f32.msk $0xffff, v5  }
0x6a: {  	[tilespmem:s3+$0x11850] =	vst.add.f32.msk $0xffff, v6  }
0x6b: {  	[tilespmem:s3+$0x11860] =	vst.add.f32.msk $0xffff, v7  }
0x6c: {  	[tilespmem:s3+$0x11870] =	vst.add.f32.msk $0xffff, v8  }
0x6d: {  	[tilespmem:s3+$0x11880] =	vst.add.f32.msk $0xffff, v9  }
0x6e: {  	[tilespmem:s3+$0x11890] =	vst.add.f32.msk $0xffff, v10  }
0x6f: {  	[tilespmem:s3+$0x118A0] =	vst.add.f32.msk $0xffff, v11  }
0x70: {  	[tilespmem:s3+$0x118B0] =	vst.add.f32.msk $0xffff, v12  }
0x71: {  	[tilespmem:s3+$0x118C0] =	vst.add.f32.msk $0xffff, v13  }
0x72: {  	s0 =	sadd.s32 $0x2, s0;
	s2 =	sadd.s32 $0x400, s2;
	[tilespmem:s3+$0x118D0] =	vst.add.f32.msk $0xffff, v14  }
.LBB2_32:
0x73: {  	s0 =	sadd.s32 $0x2, s0;
	[tilespmem:s3+$0x118E0] =	vst.add.f32.msk $0xffff, v0;
	s3 =	sshra.s32 s2, $0x2  }
0x74: {  	v0 =	vld [tilespmem:s3+$0x50F0];
	p0 =	slt.u32 s0, $0x9E  }
0x75: {  	v1 =	vld [tilespmem:s3+$0x5000]  }
0x76: {  	v2 =	vld [tilespmem:s3+$0x5010]  }
0x77: {  	v3 =	vld [tilespmem:s3+$0x5020]  }
0x78: {  	v4 =	vld [tilespmem:s3+$0x5030]  }
0x79: {  	[tilespmem:s3+$0x118F0] =	vst.add.f32.msk $0xffff, v0  }
0x7a: {  	v5 =	vld [tilespmem:s3+$0x5040]  }
0x7b: {  	v6 =	vld [tilespmem:s3+$0x5050]  }
0x7c: {  	v7 =	vld [tilespmem:s3+$0x5060]  }
0x7d: {  	v8 =	vld [tilespmem:s3+$0x5070]  }
0x7e: {  	v9 =	vld [tilespmem:s3+$0x5080]  }
0x7f: {  	v10 =	vld [tilespmem:s3+$0x5090]  }
0x80: {  	v11 =	vld [tilespmem:s3+$0x50A0]  }
0x81: {  	v12 =	vld [tilespmem:s3+$0x50B0]  }
0x82: {  	v13 =	vld [tilespmem:s3+$0x50C0]  }
0x83: {  	v14 =	vld [tilespmem:s3+$0x50D0]  }
0x84: {  	v0 =	vld [tilespmem:s3+$0x50E0]  }
0x85: {  	[tilespmem:s3+$0x11800] =	vst.add.f32.msk $0xffff, v1  }
0x86: {  	[tilespmem:s3+$0x11810] =	vst.add.f32.msk $0xffff, v2  }
0x87: {  	[tilespmem:s3+$0x11820] =	vst.add.f32.msk $0xffff, v3  }
0x88: {  	[tilespmem:s3+$0x11830] =	vst.add.f32.msk $0xffff, v4  }
0x89: {  	[tilespmem:s3+$0x11840] =	vst.add.f32.msk $0xffff, v5  }
0x8a: {  	[tilespmem:s3+$0x11850] =	vst.add.f32.msk $0xffff, v6  }
0x8b: {  	[tilespmem:s3+$0x11860] =	vst.add.f32.msk $0xffff, v7  }
0x8c: {  	[tilespmem:s3+$0x11870] =	vst.add.f32.msk $0xffff, v8  }
0x8d: {  	[tilespmem:s3+$0x11880] =	vst.add.f32.msk $0xffff, v9  }
.Ltmp9:
0x8e: {  	[tilespmem:s3+$0x11890] =	vst.add.f32.msk $0xffff, v10;
	(pc) =	sbr.rel @p0 .LBB2_32-.Ltmp9, $4  }
0x8f: {  	[tilespmem:s3+$0x118A0] =	vst.add.f32.msk $0xffff, v11  }
0x90: {  	[tilespmem:s3+$0x118B0] =	vst.add.f32.msk $0xffff, v12  }
0x91: {  	[tilespmem:s3+$0x118C0] =	vst.add.f32.msk $0xffff, v13  }
0x92: {  	s2 =	sadd.s32 $0x400, s2;
	[tilespmem:s3+$0x118D0] =	vst.add.f32.msk $0xffff, v14  }
.Ltmp10:
0x93: {  	(pc) =	sbr.rel .LBB2_43-.Ltmp10, $2  }
0x94: {  	_ =	sdelay $0x2  }
0x95: {  	[tilespmem:s3+$0x118E0] =	vst.add.f32.msk $0xffff, v0  }
.LBB2_44:
0x96: {  	s0 =	smulhi.u32 $0xCCCCCCCD, s31;
	_ =	sdelay $0x1  }
0x97: {  	s12 =	sshrl.u32 s0, $0x2  }
0x98: {  	s3 =	smul.u32 $0x5, s12;
	_ =	sdelay $0x1  }
0x99: {  	s28 =	ssub.s32 s31, s3  }
0x9a: {  	_ =	swait.ge [sflag:s18], $0x2800;
	p0 =	sgt.s32 s28, $0x1  }
.Ltmp11:
0x9b: {  	[sflag:s18] =	ssyncset.done $0x0;
	(pc) =	sbr.rel @!p0 .LBB2_45-.Ltmp11, $4  }
0x9c: {  	[sflag:s18] =	ssyncadd.s32 $0xFFFFD800  }
0x9d: {  	_ =	swait.ge [sflag:s18], $0x2800  }
0x9e: {  	[sflag:s18] =	ssyncset.done $0x0  }
0x9f: {  	s2 =	simm.s32 $0xFFFFFFFE;
	s0 =	simm.s32 $0x0;
	[sflag:s18] =	ssyncadd.s32 $0xFFFFD800  }
0xa0: {  	p0 =	seq.s32 s28, $0x2  }
.Ltmp12:
0xa1: {  	_ = 	snop;
	(pc) =	sbr.rel @p0 .LBB2_57-.Ltmp12, $2  }
0xa2: {  	_ =	sdelay $0x2  }
0xa3: {  	s3 =	sshra.s32 s0, $0x2  }
0xa4: {  	p0 =	seq.s32 s28, $0x3  }
.Ltmp13:
0xa5: {  	_ = 	snop;
	(pc) =	sbr.rel @!p0 .LBB2_60-.Ltmp13, $1  }
0xa6: {  	_ =	sdelay $0x3  }
0xa7: {  	v0 =	vld [tilespmem:s3+$0x50F0]  }
0xa8: {  	v1 =	vld [tilespmem:s3+$0x5000]  }
0xa9: {  	v2 =	vld [tilespmem:s3+$0x5010]  }
0xaa: {  	v3 =	vld [tilespmem:s3+$0x5020]  }
0xab: {  	v4 =	vld [tilespmem:s3+$0x5030]  }
0xac: {  	v5 =	vld [tilespmem:s3+$0x5040]  }
0xad: {  	v6 =	vld [tilespmem:s3+$0x5050]  }
0xae: {  	v7 =	vld [tilespmem:s3+$0x5060]  }
0xaf: {  	v8 =	vld [tilespmem:s3+$0x5070]  }
0xb0: {  	v9 =	vld [tilespmem:s3+$0x5080]  }
0xb1: {  	v10 =	vld [tilespmem:s3+$0x5090]  }
0xb2: {  	v11 =	vld [tilespmem:s3+$0x50A0]  }
0xb3: {  	v12 =	vld [tilespmem:s3+$0x50B0]  }
0xb4: {  	v13 =	vld [tilespmem:s3+$0x50C0]  }
0xb5: {  	v14 =	vld [tilespmem:s3+$0x50D0]  }
0xb6: {  	[tilespmem:s3+$0x168F0] =	vst.add.f32.msk $0xffff, v0  }
0xb7: {  	v0 =	vld [tilespmem:s3+$0x50E0]  }
0xb8: {  	[tilespmem:s3+$0x16800] =	vst.add.f32.msk $0xffff, v1  }
0xb9: {  	[tilespmem:s3+$0x16810] =	vst.add.f32.msk $0xffff, v2  }
0xba: {  	[tilespmem:s3+$0x16820] =	vst.add.f32.msk $0xffff, v3  }
0xbb: {  	[tilespmem:s3+$0x16830] =	vst.add.f32.msk $0xffff, v4  }
0xbc: {  	[tilespmem:s3+$0x16840] =	vst.add.f32.msk $0xffff, v5  }
0xbd: {  	[tilespmem:s3+$0x16850] =	vst.add.f32.msk $0xffff, v6  }
0xbe: {  	[tilespmem:s3+$0x16860] =	vst.add.f32.msk $0xffff, v7  }
0xbf: {  	[tilespmem:s3+$0x16870] =	vst.add.f32.msk $0xffff, v8  }
0xc0: {  	[tilespmem:s3+$0x16880] =	vst.add.f32.msk $0xffff, v9  }
0xc1: {  	[tilespmem:s3+$0x16890] =	vst.add.f32.msk $0xffff, v10  }
0xc2: {  	[tilespmem:s3+$0x168A0] =	vst.add.f32.msk $0xffff, v11  }
0xc3: {  	[tilespmem:s3+$0x168B0] =	vst.add.f32.msk $0xffff, v12  }
0xc4: {  	[tilespmem:s3+$0x168C0] =	vst.add.f32.msk $0xffff, v13  }
0xc5: {  	s2 =	sadd.s32 $0x2, s2;
	s0 =	sadd.s32 $0x400, s0;
	[tilespmem:s3+$0x168D0] =	vst.add.f32.msk $0xffff, v14  }
.LBB2_52:
0xc6: {  	s2 =	sadd.s32 $0x2, s2;
	[tilespmem:s3+$0x168E0] =	vst.add.f32.msk $0xffff, v0;
	s3 =	sshra.s32 s0, $0x2  }
0xc7: {  	v0 =	vld [tilespmem:s3+$0x50F0];
	p0 =	slt.u32 s2, $0x9E  }
0xc8: {  	v1 =	vld [tilespmem:s3+$0x5000]  }
0xc9: {  	v2 =	vld [tilespmem:s3+$0x5010]  }
0xca: {  	v3 =	vld [tilespmem:s3+$0x5020]  }
0xcb: {  	v4 =	vld [tilespmem:s3+$0x5030]  }
0xcc: {  	[tilespmem:s3+$0x168F0] =	vst.add.f32.msk $0xffff, v0  }
0xcd: {  	v5 =	vld [tilespmem:s3+$0x5040]  }
0xce: {  	v6 =	vld [tilespmem:s3+$0x5050]  }
0xcf: {  	v7 =	vld [tilespmem:s3+$0x5060]  }
0xd0: {  	v8 =	vld [tilespmem:s3+$0x5070]  }
0xd1: {  	v9 =	vld [tilespmem:s3+$0x5080]  }
0xd2: {  	v10 =	vld [tilespmem:s3+$0x5090]  }
0xd3: {  	v11 =	vld [tilespmem:s3+$0x50A0]  }
0xd4: {  	v12 =	vld [tilespmem:s3+$0x50B0]  }
0xd5: {  	v13 =	vld [tilespmem:s3+$0x50C0]  }
0xd6: {  	v14 =	vld [tilespmem:s3+$0x50D0]  }
0xd7: {  	v0 =	vld [tilespmem:s3+$0x50E0]  }
0xd8: {  	[tilespmem:s3+$0x16800] =	vst.add.f32.msk $0xffff, v1  }
0xd9: {  	[tilespmem:s3+$0x16810] =	vst.add.f32.msk $0xffff, v2  }
0xda: {  	[tilespmem:s3+$0x16820] =	vst.add.f32.msk $0xffff, v3  }
0xdb: {  	[tilespmem:s3+$0x16830] =	vst.add.f32.msk $0xffff, v4  }
0xdc: {  	[tilespmem:s3+$0x16840] =	vst.add.f32.msk $0xffff, v5  }
0xdd: {  	[tilespmem:s3+$0x16850] =	vst.add.f32.msk $0xffff, v6  }
0xde: {  	[tilespmem:s3+$0x16860] =	vst.add.f32.msk $0xffff, v7  }
0xdf: {  	[tilespmem:s3+$0x16870] =	vst.add.f32.msk $0xffff, v8  }
0xe0: {  	[tilespmem:s3+$0x16880] =	vst.add.f32.msk $0xffff, v9  }
.Ltmp14:
0xe1: {  	[tilespmem:s3+$0x16890] =	vst.add.f32.msk $0xffff, v10;
	(pc) =	sbr.rel @p0 .LBB2_52-.Ltmp14, $4  }
0xe2: {  	[tilespmem:s3+$0x168A0] =	vst.add.f32.msk $0xffff, v11  }
0xe3: {  	[tilespmem:s3+$0x168B0] =	vst.add.f32.msk $0xffff, v12  }
0xe4: {  	[tilespmem:s3+$0x168C0] =	vst.add.f32.msk $0xffff, v13  }
0xe5: {  	s0 =	sadd.s32 $0x400, s0;
	[tilespmem:s3+$0x168D0] =	vst.add.f32.msk $0xffff, v14  }
.Ltmp15:
0xe6: {  	(pc) =	sbr.rel .LBB2_63-.Ltmp15, $2  }
0xe7: {  	_ =	sdelay $0x2  }
0xe8: {  	[tilespmem:s3+$0x168E0] =	vst.add.f32.msk $0xffff, v0  }
.LBB2_4:
0xe9: {  	s0 =	smul.u32 $0xCD, s31;
	_ =	sdelay $0x1  }
0xea: {  	s0 =	sshrl.u32 s0, $0xA  }
0xeb: {  	s0 =	sand.u32 $0x3F, s0  }
0xec: {  	s0 =	smul.u32 $0x5, s0;
	_ =	sdelay $0x1  }
0xed: {  	s0 =	ssub.s32 s31, s0  }
0xee: {  	s3 =	sand.u32 $0xFF, s0  }
0xef: {  	_ =	swait.ge [sflag:s25], $0x2800;
	p0 =	sgt.s32 s3, $0x1  }
.Ltmp16:
0xf0: {  	[sflag:s25] =	ssyncset.done $0x0;
	(pc) =	sbr.rel @!p0 .LBB2_5-.Ltmp16, $4  }
0xf1: {  	[sflag:s25] =	ssyncadd.s32 $0xFFFFD800  }
0xf2: {  	_ =	swait.ge [sflag:s25], $0x2800  }
0xf3: {  	[sflag:s25] =	ssyncset.done $0x0  }
0xf4: {  	s2 =	simm.s32 $0x0;
	[sflag:s25] =	ssyncadd.s32 $0xFFFFD800;
	s0 =	simm.s32 $0xFFFFFFFE  }
0xf5: {  	p0 =	seq.s32 s3, $0x2  }
.Ltmp17:
0xf6: {  	_ = 	snop;
	(pc) =	sbr.rel @p0 .LBB2_17-.Ltmp17, $1  }
0xf7: {  	_ =	sdelay $0x3  }
0xf8: {  	p0 =	seq.s32 s3, $0x3  }
.Ltmp18:
0xf9: {  	_ = 	snop;
	(pc) =	sbr.rel @!p0 .LBB2_20-.Ltmp18, $1  }
0xfa: {  	_ =	sdelay $0x3  }
0xfb: {  	s3 =	sshra.s32 s2, $0x2  }
0xfc: {  	v0 =	vld [tilespmem:s3+$0x50F0]  }
0xfd: {  	v1 =	vld [tilespmem:s3+$0x5000]  }
0xfe: {  	v2 =	vld [tilespmem:s3+$0x5010]  }
0xff: {  	v3 =	vld [tilespmem:s3+$0x5020]  }
0x100: {  	v4 =	vld [tilespmem:s3+$0x5030]  }
0x101: {  	v5 =	vld [tilespmem:s3+$0x5040]  }
0x102: {  	v6 =	vld [tilespmem:s3+$0x5050]  }
0x103: {  	v7 =	vld [tilespmem:s3+$0x5060]  }
0x104: {  	v8 =	vld [tilespmem:s3+$0x5070]  }
0x105: {  	v9 =	vld [tilespmem:s3+$0x5080]  }
0x106: {  	v10 =	vld [tilespmem:s3+$0x5090]  }
0x107: {  	v11 =	vld [tilespmem:s3+$0x50A0]  }
0x108: {  	v12 =	vld [tilespmem:s3+$0x50B0]  }
0x109: {  	v13 =	vld [tilespmem:s3+$0x50C0]  }
0x10a: {  	v14 =	vld [tilespmem:s3+$0x50D0]  }
0x10b: {  	[tilespmem:s3+$0xC8F0] =	vst.add.f32.msk $0xffff, v0  }
0x10c: {  	v0 =	vld [tilespmem:s3+$0x50E0]  }
0x10d: {  	[tilespmem:s3+$0xC800] =	vst.add.f32.msk $0xffff, v1  }
0x10e: {  	[tilespmem:s3+$0xC810] =	vst.add.f32.msk $0xffff, v2  }
0x10f: {  	[tilespmem:s3+$0xC820] =	vst.add.f32.msk $0xffff, v3  }
0x110: {  	[tilespmem:s3+$0xC830] =	vst.add.f32.msk $0xffff, v4  }
0x111: {  	[tilespmem:s3+$0xC840] =	vst.add.f32.msk $0xffff, v5  }
0x112: {  	[tilespmem:s3+$0xC850] =	vst.add.f32.msk $0xffff, v6  }
0x113: {  	[tilespmem:s3+$0xC860] =	vst.add.f32.msk $0xffff, v7  }
0x114: {  	[tilespmem:s3+$0xC870] =	vst.add.f32.msk $0xffff, v8  }
0x115: {  	[tilespmem:s3+$0xC880] =	vst.add.f32.msk $0xffff, v9  }
0x116: {  	[tilespmem:s3+$0xC890] =	vst.add.f32.msk $0xffff, v10  }
0x117: {  	[tilespmem:s3+$0xC8A0] =	vst.add.f32.msk $0xffff, v11  }
0x118: {  	[tilespmem:s3+$0xC8B0] =	vst.add.f32.msk $0xffff, v12  }
0x119: {  	[tilespmem:s3+$0xC8C0] =	vst.add.f32.msk $0xffff, v13  }
0x11a: {  	s0 =	sadd.s32 $0x2, s0;
	s2 =	sadd.s32 $0x400, s2;
	[tilespmem:s3+$0xC8D0] =	vst.add.f32.msk $0xffff, v14  }
.LBB2_12:
0x11b: {  	s0 =	sadd.s32 $0x2, s0;
	[tilespmem:s3+$0xC8E0] =	vst.add.f32.msk $0xffff, v0;
	s3 =	sshra.s32 s2, $0x2  }
0x11c: {  	v0 =	vld [tilespmem:s3+$0x50F0];
	p0 =	slt.u32 s0, $0x9E  }
0x11d: {  	v1 =	vld [tilespmem:s3+$0x5000]  }
0x11e: {  	v2 =	vld [tilespmem:s3+$0x5010]  }
0x11f: {  	v3 =	vld [tilespmem:s3+$0x5020]  }
0x120: {  	v4 =	vld [tilespmem:s3+$0x5030]  }
0x121: {  	[tilespmem:s3+$0xC8F0] =	vst.add.f32.msk $0xffff, v0  }
0x122: {  	v5 =	vld [tilespmem:s3+$0x5040]  }
0x123: {  	v6 =	vld [tilespmem:s3+$0x5050]  }
0x124: {  	v7 =	vld [tilespmem:s3+$0x5060]  }
0x125: {  	v8 =	vld [tilespmem:s3+$0x5070]  }
0x126: {  	v9 =	vld [tilespmem:s3+$0x5080]  }
0x127: {  	v10 =	vld [tilespmem:s3+$0x5090]  }
0x128: {  	v11 =	vld [tilespmem:s3+$0x50A0]  }
0x129: {  	v12 =	vld [tilespmem:s3+$0x50B0]  }
0x12a: {  	v13 =	vld [tilespmem:s3+$0x50C0]  }
0x12b: {  	v14 =	vld [tilespmem:s3+$0x50D0]  }
0x12c: {  	v0 =	vld [tilespmem:s3+$0x50E0]  }
0x12d: {  	[tilespmem:s3+$0xC800] =	vst.add.f32.msk $0xffff, v1  }
0x12e: {  	[tilespmem:s3+$0xC810] =	vst.add.f32.msk $0xffff, v2  }
0x12f: {  	[tilespmem:s3+$0xC820] =	vst.add.f32.msk $0xffff, v3  }
0x130: {  	[tilespmem:s3+$0xC830] =	vst.add.f32.msk $0xffff, v4  }
0x131: {  	[tilespmem:s3+$0xC840] =	vst.add.f32.msk $0xffff, v5  }
0x132: {  	[tilespmem:s3+$0xC850] =	vst.add.f32.msk $0xffff, v6  }
0x133: {  	[tilespmem:s3+$0xC860] =	vst.add.f32.msk $0xffff, v7  }
0x134: {  	[tilespmem:s3+$0xC870] =	vst.add.f32.msk $0xffff, v8  }
0x135: {  	[tilespmem:s3+$0xC880] =	vst.add.f32.msk $0xffff, v9  }
.Ltmp19:
0x136: {  	[tilespmem:s3+$0xC890] =	vst.add.f32.msk $0xffff, v10;
	(pc) =	sbr.rel @p0 .LBB2_12-.Ltmp19, $4  }
0x137: {  	[tilespmem:s3+$0xC8A0] =	vst.add.f32.msk $0xffff, v11  }
0x138: {  	[tilespmem:s3+$0xC8B0] =	vst.add.f32.msk $0xffff, v12  }
0x139: {  	[tilespmem:s3+$0xC8C0] =	vst.add.f32.msk $0xffff, v13  }
0x13a: {  	s2 =	sadd.s32 $0x400, s2;
	[tilespmem:s3+$0xC8D0] =	vst.add.f32.msk $0xffff, v14  }
.Ltmp20:
0x13b: {  	(pc) =	sbr.rel .LBB2_23-.Ltmp20, $2  }
0x13c: {  	_ =	sdelay $0x2  }
0x13d: {  	[tilespmem:s3+$0xC8E0] =	vst.add.f32.msk $0xffff, v0  }
.LBB2_25:
0x13e: {  	p0 =	seq.s32 s3, $0x0  }
.Ltmp21:
0x13f: {  	_ = 	snop;
	(pc) =	sbr.rel @!p0 .LBB2_34-.Ltmp21, $1  }
0x140: {  	_ =	sdelay $0x3  }
0x141: {  	s3 =	sshra.s32 s2, $0x2  }
0x142: {  	v0 =	vld [tilespmem:s3+$0x28F0]  }
0x143: {  	v1 =	vld [tilespmem:s3+$0x2800]  }
0x144: {  	v2 =	vld [tilespmem:s3+$0x2810]  }
0x145: {  	v3 =	vld [tilespmem:s3+$0x2820]  }
0x146: {  	v4 =	vld [tilespmem:s3+$0x2830]  }
0x147: {  	v5 =	vld [tilespmem:s3+$0x2840]  }
0x148: {  	v6 =	vld [tilespmem:s3+$0x2850]  }
0x149: {  	v7 =	vld [tilespmem:s3+$0x2860]  }
0x14a: {  	v8 =	vld [tilespmem:s3+$0x2870]  }
0x14b: {  	v9 =	vld [tilespmem:s3+$0x2880]  }
0x14c: {  	v10 =	vld [tilespmem:s3+$0x2890]  }
0x14d: {  	v11 =	vld [tilespmem:s3+$0x28A0]  }
0x14e: {  	v12 =	vld [tilespmem:s3+$0x28B0]  }
0x14f: {  	v13 =	vld [tilespmem:s3+$0x28C0]  }
0x150: {  	v14 =	vld [tilespmem:s3+$0x28D0]  }
0x151: {  	[tilespmem:s3+$0x118F0] =	vst.add.f32.msk $0xffff, v0  }
0x152: {  	v0 =	vld [tilespmem:s3+$0x28E0]  }
0x153: {  	[tilespmem:s3+$0x11800] =	vst.add.f32.msk $0xffff, v1  }
0x154: {  	[tilespmem:s3+$0x11810] =	vst.add.f32.msk $0xffff, v2  }
0x155: {  	[tilespmem:s3+$0x11820] =	vst.add.f32.msk $0xffff, v3  }
0x156: {  	[tilespmem:s3+$0x11830] =	vst.add.f32.msk $0xffff, v4  }
0x157: {  	[tilespmem:s3+$0x11840] =	vst.add.f32.msk $0xffff, v5  }
0x158: {  	[tilespmem:s3+$0x11850] =	vst.add.f32.msk $0xffff, v6  }
0x159: {  	[tilespmem:s3+$0x11860] =	vst.add.f32.msk $0xffff, v7  }
0x15a: {  	[tilespmem:s3+$0x11870] =	vst.add.f32.msk $0xffff, v8  }
0x15b: {  	[tilespmem:s3+$0x11880] =	vst.add.f32.msk $0xffff, v9  }
0x15c: {  	[tilespmem:s3+$0x11890] =	vst.add.f32.msk $0xffff, v10  }
0x15d: {  	[tilespmem:s3+$0x118A0] =	vst.add.f32.msk $0xffff, v11  }
0x15e: {  	[tilespmem:s3+$0x118B0] =	vst.add.f32.msk $0xffff, v12  }
0x15f: {  	[tilespmem:s3+$0x118C0] =	vst.add.f32.msk $0xffff, v13  }
0x160: {  	s0 =	sadd.s32 $0x2, s0;
	s2 =	sadd.s32 $0x400, s2;
	[tilespmem:s3+$0x118D0] =	vst.add.f32.msk $0xffff, v14  }
.LBB2_27:
0x161: {  	s0 =	sadd.s32 $0x2, s0;
	[tilespmem:s3+$0x118E0] =	vst.add.f32.msk $0xffff, v0;
	s3 =	sshra.s32 s2, $0x2  }
0x162: {  	v0 =	vld [tilespmem:s3+$0x28F0];
	p0 =	slt.u32 s0, $0x9E  }
0x163: {  	v1 =	vld [tilespmem:s3+$0x2800]  }
0x164: {  	v2 =	vld [tilespmem:s3+$0x2810]  }
0x165: {  	v3 =	vld [tilespmem:s3+$0x2820]  }
0x166: {  	v4 =	vld [tilespmem:s3+$0x2830]  }
0x167: {  	[tilespmem:s3+$0x118F0] =	vst.add.f32.msk $0xffff, v0  }
0x168: {  	v5 =	vld [tilespmem:s3+$0x2840]  }
0x169: {  	v6 =	vld [tilespmem:s3+$0x2850]  }
0x16a: {  	v7 =	vld [tilespmem:s3+$0x2860]  }
0x16b: {  	v8 =	vld [tilespmem:s3+$0x2870]  }
0x16c: {  	v9 =	vld [tilespmem:s3+$0x2880]  }
0x16d: {  	v10 =	vld [tilespmem:s3+$0x2890]  }
0x16e: {  	v11 =	vld [tilespmem:s3+$0x28A0]  }
0x16f: {  	v12 =	vld [tilespmem:s3+$0x28B0]  }
0x170: {  	v13 =	vld [tilespmem:s3+$0x28C0]  }
0x171: {  	v14 =	vld [tilespmem:s3+$0x28D0]  }
0x172: {  	v0 =	vld [tilespmem:s3+$0x28E0]  }
0x173: {  	[tilespmem:s3+$0x11800] =	vst.add.f32.msk $0xffff, v1  }
0x174: {  	[tilespmem:s3+$0x11810] =	vst.add.f32.msk $0xffff, v2  }
0x175: {  	[tilespmem:s3+$0x11820] =	vst.add.f32.msk $0xffff, v3  }
0x176: {  	[tilespmem:s3+$0x11830] =	vst.add.f32.msk $0xffff, v4  }
0x177: {  	[tilespmem:s3+$0x11840] =	vst.add.f32.msk $0xffff, v5  }
0x178: {  	[tilespmem:s3+$0x11850] =	vst.add.f32.msk $0xffff, v6  }
0x179: {  	[tilespmem:s3+$0x11860] =	vst.add.f32.msk $0xffff, v7  }
0x17a: {  	[tilespmem:s3+$0x11870] =	vst.add.f32.msk $0xffff, v8  }
0x17b: {  	[tilespmem:s3+$0x11880] =	vst.add.f32.msk $0xffff, v9  }
.Ltmp22:
0x17c: {  	[tilespmem:s3+$0x11890] =	vst.add.f32.msk $0xffff, v10;
	(pc) =	sbr.rel @p0 .LBB2_27-.Ltmp22, $4  }
0x17d: {  	[tilespmem:s3+$0x118A0] =	vst.add.f32.msk $0xffff, v11  }
0x17e: {  	[tilespmem:s3+$0x118B0] =	vst.add.f32.msk $0xffff, v12  }
0x17f: {  	[tilespmem:s3+$0x118C0] =	vst.add.f32.msk $0xffff, v13  }
0x180: {  	s2 =	sadd.s32 $0x400, s2;
	[tilespmem:s3+$0x118D0] =	vst.add.f32.msk $0xffff, v14  }
.Ltmp23:
0x181: {  	(pc) =	sbr.rel .LBB2_43-.Ltmp23, $2  }
0x182: {  	_ =	sdelay $0x2  }
0x183: {  	[tilespmem:s3+$0x118E0] =	vst.add.f32.msk $0xffff, v0  }
.LBB2_45:
0x184: {  	p0 =	seq.s32 s28, $0x0  }
.Ltmp24:
0x185: {  	_ = 	snop;
	(pc) =	sbr.rel @!p0 .LBB2_54-.Ltmp24, $1  }
0x186: {  	_ =	sdelay $0x3  }
0x187: {  	s0 =	smul.u32 $0xFFFFF600, s12;
	_ =	sdelay $0x1  }
0x188: {  	s0 =	sshra.s32 s0, $0x2  }
0x189: {  	s28 =	sadd.s32 s0, s14  }
0x18a: {  	v0 =	vld [tilespmem:s28+$0x0];
	_ =	sdelay $0x3  }
0x18b: {  	s2 =	sadd.s32 s0, s16  }
0x18c: {  	[tilespmem:s2+$0xFFFFFF80] =	vst.add.f32.msk $0xffff, v0  }
0x18d: {  	v0 =	vld [tilespmem:s28+$0x10];
	_ =	sdelay $0x4  }
0x18e: {  	[tilespmem:s2+$0xFFFFFF90] =	vst.add.f32.msk $0xffff, v0  }
0x18f: {  	v0 =	vld [tilespmem:s28+$0x20];
	_ =	sdelay $0x4  }
0x190: {  	[tilespmem:s2+$0xFFFFFFA0] =	vst.add.f32.msk $0xffff, v0  }
0x191: {  	v0 =	vld [tilespmem:s28+$0x30];
	_ =	sdelay $0x4  }
0x192: {  	[tilespmem:s2+$0xFFFFFFB0] =	vst.add.f32.msk $0xffff, v0  }
0x193: {  	v0 =	vld [tilespmem:s28+$0x40];
	_ =	sdelay $0x4  }
0x194: {  	[tilespmem:s2+$0xFFFFFFC0] =	vst.add.f32.msk $0xffff, v0  }
0x195: {  	v0 =	vld [tilespmem:s28+$0x50];
	_ =	sdelay $0x4  }
0x196: {  	[tilespmem:s2+$0xFFFFFFD0] =	vst.add.f32.msk $0xffff, v0  }
0x197: {  	v0 =	vld [tilespmem:s28+$0x60];
	_ =	sdelay $0x4  }
0x198: {  	[tilespmem:s2+$0xFFFFFFE0] =	vst.add.f32.msk $0xffff, v0  }
0x199: {  	v0 =	vld [tilespmem:s28+$0x70];
	_ =	sdelay $0x4  }
0x19a: {  	[tilespmem:s2+$0xFFFFFFF0] =	vst.add.f32.msk $0xffff, v0  }
0x19b: {  	v0 =	vld [tilespmem:s28+$0x80];
	_ =	sdelay $0x4  }
0x19c: {  	[tilespmem:s2+$0x0] =	vst.add.f32.msk $0xffff, v0  }
0x19d: {  	v0 =	vld [tilespmem:s28+$0x90];
	_ =	sdelay $0x4  }
0x19e: {  	[tilespmem:s2+$0x10] =	vst.add.f32.msk $0xffff, v0  }
0x19f: {  	v0 =	vld [tilespmem:s28+$0xA0];
	_ =	sdelay $0x4  }
0x1a0: {  	[tilespmem:s2+$0x20] =	vst.add.f32.msk $0xffff, v0  }
0x1a1: {  	v0 =	vld [tilespmem:s28+$0xB0];
	_ =	sdelay $0x4  }
0x1a2: {  	[tilespmem:s2+$0x30] =	vst.add.f32.msk $0xffff, v0  }
0x1a3: {  	v0 =	vld [tilespmem:s28+$0xC0];
	_ =	sdelay $0x4  }
0x1a4: {  	[tilespmem:s2+$0x40] =	vst.add.f32.msk $0xffff, v0  }
0x1a5: {  	v0 =	vld [tilespmem:s28+$0xD0];
	_ =	sdelay $0x4  }
0x1a6: {  	s3 =	ssub.s32 s29, s3;
	[tilespmem:s2+$0x50] =	vst.add.f32.msk $0xffff, v0  }
0x1a7: {  	s12 =	sadd.s32 $0x2, s3;
	v0 =	vld [tilespmem:s28+$0xE0]  }
0x1a8: {  	p0 =	slt.u32 s12, $0x9E  }
.Ltmp25:
0x1a9: {  	_ = 	snop;
	(pc) =	sbr.rel @!p0 .LBB2_48-.Ltmp25, $3  }
0x1aa: {  	_ =	sdelay $0x1  }
0x1ab: {  	[tilespmem:s2+$0x60] =	vst.add.f32.msk $0xffff, v0  }
0x1ac: {  	s30 =	smov.u32 s16;
	v0 =	vld [tilespmem:s28+$0xF0];
	s28 =	smov.u32 s14  }
.LBB2_47:
0x1ad: {  	_ =	sdelay $0x2  }
0x1ae: {  	s12 =	sadd.s32 $0x2, s12;
	s28 =	sadd.s32 $0x100, s28  }
0x1af: {  	s3 =	sadd.s32 s0, s28;
	p0 =	slt.u32 s12, $0x9E;
	[tilespmem:s2+$0x70] =	vst.add.f32.msk $0xffff, v0  }
0x1b0: {  	v0 =	vld [tilespmem:s3+$0x0];
	_ =	sdelay $0x2  }
0x1b1: {  	s30 =	sadd.s32 $0x100, s30  }
0x1b2: {  	s2 =	sadd.s32 s0, s30  }
0x1b3: {  	[tilespmem:s2+$0xFFFFFF80] =	vst.add.f32.msk $0xffff, v0  }
0x1b4: {  	v0 =	vld [tilespmem:s3+$0x10];
	_ =	sdelay $0x4  }
0x1b5: {  	[tilespmem:s2+$0xFFFFFF90] =	vst.add.f32.msk $0xffff, v0  }
0x1b6: {  	v0 =	vld [tilespmem:s3+$0x20];
	_ =	sdelay $0x4  }
0x1b7: {  	[tilespmem:s2+$0xFFFFFFA0] =	vst.add.f32.msk $0xffff, v0  }
0x1b8: {  	v0 =	vld [tilespmem:s3+$0x30];
	_ =	sdelay $0x4  }
0x1b9: {  	[tilespmem:s2+$0xFFFFFFB0] =	vst.add.f32.msk $0xffff, v0  }
0x1ba: {  	v0 =	vld [tilespmem:s3+$0x40];
	_ =	sdelay $0x4  }
0x1bb: {  	[tilespmem:s2+$0xFFFFFFC0] =	vst.add.f32.msk $0xffff, v0  }
0x1bc: {  	v0 =	vld [tilespmem:s3+$0x50];
	_ =	sdelay $0x4  }
0x1bd: {  	[tilespmem:s2+$0xFFFFFFD0] =	vst.add.f32.msk $0xffff, v0  }
0x1be: {  	v0 =	vld [tilespmem:s3+$0x60];
	_ =	sdelay $0x4  }
0x1bf: {  	[tilespmem:s2+$0xFFFFFFE0] =	vst.add.f32.msk $0xffff, v0  }
0x1c0: {  	v0 =	vld [tilespmem:s3+$0x70];
	_ =	sdelay $0x4  }
0x1c1: {  	[tilespmem:s2+$0xFFFFFFF0] =	vst.add.f32.msk $0xffff, v0  }
0x1c2: {  	v0 =	vld [tilespmem:s3+$0x80];
	_ =	sdelay $0x4  }
0x1c3: {  	[tilespmem:s2+$0x0] =	vst.add.f32.msk $0xffff, v0  }
0x1c4: {  	v0 =	vld [tilespmem:s3+$0x90];
	_ =	sdelay $0x4  }
0x1c5: {  	[tilespmem:s2+$0x10] =	vst.add.f32.msk $0xffff, v0  }
0x1c6: {  	v0 =	vld [tilespmem:s3+$0xA0];
	_ =	sdelay $0x4  }
0x1c7: {  	[tilespmem:s2+$0x20] =	vst.add.f32.msk $0xffff, v0  }
0x1c8: {  	v0 =	vld [tilespmem:s3+$0xB0];
	_ =	sdelay $0x4  }
0x1c9: {  	[tilespmem:s2+$0x30] =	vst.add.f32.msk $0xffff, v0  }
0x1ca: {  	v0 =	vld [tilespmem:s3+$0xC0];
	_ =	sdelay $0x4  }
0x1cb: {  	[tilespmem:s2+$0x40] =	vst.add.f32.msk $0xffff, v0  }
0x1cc: {  	v0 =	vld [tilespmem:s3+$0xD0];
	_ =	sdelay $0x4  }
0x1cd: {  	[tilespmem:s2+$0x50] =	vst.add.f32.msk $0xffff, v0  }
0x1ce: {  	v0 =	vld [tilespmem:s3+$0xE0];
	_ =	sdelay $0x1  }
.Ltmp26:
0x1cf: {  	(pc) =	sbr.rel @p0 .LBB2_47-.Ltmp26, $3  }
0x1d0: {  	_ =	sdelay $0x1  }
0x1d1: {  	[tilespmem:s2+$0x60] =	vst.add.f32.msk $0xffff, v0  }
0x1d2: {  	v0 =	vld [tilespmem:s3+$0xF0]  }
.LBB2_48:
.Ltmp27:
0x1d3: {  	_ = 	snop;
	(pc) =	sbr.rel .LBB2_63-.Ltmp27, $2  }
0x1d4: {  	_ =	sdelay $0x2  }
0x1d5: {  	[tilespmem:s2+$0x70] =	vst.add.f32.msk $0xffff, v0  }
.LBB2_5:
0x1d6: {  	p0 =	seq.s32 s3, $0x0  }
.Ltmp28:
0x1d7: {  	_ = 	snop;
	(pc) =	sbr.rel @!p0 .LBB2_14-.Ltmp28, $1  }
0x1d8: {  	_ =	sdelay $0x3  }
0x1d9: {  	s3 =	sshra.s32 s2, $0x2  }
0x1da: {  	v0 =	vld [tilespmem:s3+$0x28F0]  }
0x1db: {  	v1 =	vld [tilespmem:s3+$0x2800]  }
0x1dc: {  	v2 =	vld [tilespmem:s3+$0x2810]  }
0x1dd: {  	v3 =	vld [tilespmem:s3+$0x2820]  }
0x1de: {  	v4 =	vld [tilespmem:s3+$0x2830]  }
0x1df: {  	v5 =	vld [tilespmem:s3+$0x2840]  }
0x1e0: {  	v6 =	vld [tilespmem:s3+$0x2850]  }
0x1e1: {  	v7 =	vld [tilespmem:s3+$0x2860]  }
0x1e2: {  	v8 =	vld [tilespmem:s3+$0x2870]  }
0x1e3: {  	v9 =	vld [tilespmem:s3+$0x2880]  }
0x1e4: {  	v10 =	vld [tilespmem:s3+$0x2890]  }
0x1e5: {  	v11 =	vld [tilespmem:s3+$0x28A0]  }
0x1e6: {  	v12 =	vld [tilespmem:s3+$0x28B0]  }
0x1e7: {  	v13 =	vld [tilespmem:s3+$0x28C0]  }
0x1e8: {  	v14 =	vld [tilespmem:s3+$0x28D0]  }
0x1e9: {  	[tilespmem:s3+$0xC8F0] =	vst.add.f32.msk $0xffff, v0  }
0x1ea: {  	v0 =	vld [tilespmem:s3+$0x28E0]  }
0x1eb: {  	[tilespmem:s3+$0xC800] =	vst.add.f32.msk $0xffff, v1  }
0x1ec: {  	[tilespmem:s3+$0xC810] =	vst.add.f32.msk $0xffff, v2  }
0x1ed: {  	[tilespmem:s3+$0xC820] =	vst.add.f32.msk $0xffff, v3  }
0x1ee: {  	[tilespmem:s3+$0xC830] =	vst.add.f32.msk $0xffff, v4  }
0x1ef: {  	[tilespmem:s3+$0xC840] =	vst.add.f32.msk $0xffff, v5  }
0x1f0: {  	[tilespmem:s3+$0xC850] =	vst.add.f32.msk $0xffff, v6  }
0x1f1: {  	[tilespmem:s3+$0xC860] =	vst.add.f32.msk $0xffff, v7  }
0x1f2: {  	[tilespmem:s3+$0xC870] =	vst.add.f32.msk $0xffff, v8  }
0x1f3: {  	[tilespmem:s3+$0xC880] =	vst.add.f32.msk $0xffff, v9  }
0x1f4: {  	[tilespmem:s3+$0xC890] =	vst.add.f32.msk $0xffff, v10  }
0x1f5: {  	[tilespmem:s3+$0xC8A0] =	vst.add.f32.msk $0xffff, v11  }
0x1f6: {  	[tilespmem:s3+$0xC8B0] =	vst.add.f32.msk $0xffff, v12  }
0x1f7: {  	[tilespmem:s3+$0xC8C0] =	vst.add.f32.msk $0xffff, v13  }
0x1f8: {  	s0 =	sadd.s32 $0x2, s0;
	s2 =	sadd.s32 $0x400, s2;
	[tilespmem:s3+$0xC8D0] =	vst.add.f32.msk $0xffff, v14  }
.LBB2_7:
0x1f9: {  	s0 =	sadd.s32 $0x2, s0;
	[tilespmem:s3+$0xC8E0] =	vst.add.f32.msk $0xffff, v0;
	s3 =	sshra.s32 s2, $0x2  }
0x1fa: {  	v0 =	vld [tilespmem:s3+$0x28F0];
	p0 =	slt.u32 s0, $0x9E  }
0x1fb: {  	v1 =	vld [tilespmem:s3+$0x2800]  }
0x1fc: {  	v2 =	vld [tilespmem:s3+$0x2810]  }
0x1fd: {  	v3 =	vld [tilespmem:s3+$0x2820]  }
0x1fe: {  	v4 =	vld [tilespmem:s3+$0x2830]  }
0x1ff: {  	[tilespmem:s3+$0xC8F0] =	vst.add.f32.msk $0xffff, v0  }
0x200: {  	v5 =	vld [tilespmem:s3+$0x2840]  }
0x201: {  	v6 =	vld [tilespmem:s3+$0x2850]  }
0x202: {  	v7 =	vld [tilespmem:s3+$0x2860]  }
0x203: {  	v8 =	vld [tilespmem:s3+$0x2870]  }
0x204: {  	v9 =	vld [tilespmem:s3+$0x2880]  }
0x205: {  	v10 =	vld [tilespmem:s3+$0x2890]  }
0x206: {  	v11 =	vld [tilespmem:s3+$0x28A0]  }
0x207: {  	v12 =	vld [tilespmem:s3+$0x28B0]  }
0x208: {  	v13 =	vld [tilespmem:s3+$0x28C0]  }
0x209: {  	v14 =	vld [tilespmem:s3+$0x28D0]  }
0x20a: {  	v0 =	vld [tilespmem:s3+$0x28E0]  }
0x20b: {  	[tilespmem:s3+$0xC800] =	vst.add.f32.msk $0xffff, v1  }
0x20c: {  	[tilespmem:s3+$0xC810] =	vst.add.f32.msk $0xffff, v2  }
0x20d: {  	[tilespmem:s3+$0xC820] =	vst.add.f32.msk $0xffff, v3  }
0x20e: {  	[tilespmem:s3+$0xC830] =	vst.add.f32.msk $0xffff, v4  }
0x20f: {  	[tilespmem:s3+$0xC840] =	vst.add.f32.msk $0xffff, v5  }
0x210: {  	[tilespmem:s3+$0xC850] =	vst.add.f32.msk $0xffff, v6  }
0x211: {  	[tilespmem:s3+$0xC860] =	vst.add.f32.msk $0xffff, v7  }
0x212: {  	[tilespmem:s3+$0xC870] =	vst.add.f32.msk $0xffff, v8  }
0x213: {  	[tilespmem:s3+$0xC880] =	vst.add.f32.msk $0xffff, v9  }
.Ltmp29:
0x214: {  	[tilespmem:s3+$0xC890] =	vst.add.f32.msk $0xffff, v10;
	(pc) =	sbr.rel @p0 .LBB2_7-.Ltmp29, $4  }
0x215: {  	[tilespmem:s3+$0xC8A0] =	vst.add.f32.msk $0xffff, v11  }
0x216: {  	[tilespmem:s3+$0xC8B0] =	vst.add.f32.msk $0xffff, v12  }
0x217: {  	[tilespmem:s3+$0xC8C0] =	vst.add.f32.msk $0xffff, v13  }
0x218: {  	s2 =	sadd.s32 $0x400, s2;
	[tilespmem:s3+$0xC8D0] =	vst.add.f32.msk $0xffff, v14  }
.Ltmp30:
0x219: {  	(pc) =	sbr.rel .LBB2_23-.Ltmp30, $2  }
0x21a: {  	_ =	sdelay $0x2  }
0x21b: {  	[tilespmem:s3+$0xC8E0] =	vst.add.f32.msk $0xffff, v0  }
.LBB2_37:
0x21c: {  	s3 =	sshra.s32 s2, $0x2  }
0x21d: {  	v0 =	vld [tilespmem:s3+$0x64F0]  }
0x21e: {  	v1 =	vld [tilespmem:s3+$0x6400]  }
0x21f: {  	v2 =	vld [tilespmem:s3+$0x6410]  }
0x220: {  	v3 =	vld [tilespmem:s3+$0x6420]  }
0x221: {  	v4 =	vld [tilespmem:s3+$0x6430]  }
0x222: {  	v5 =	vld [tilespmem:s3+$0x6440]  }
0x223: {  	v6 =	vld [tilespmem:s3+$0x6450]  }
0x224: {  	v7 =	vld [tilespmem:s3+$0x6460]  }
0x225: {  	v8 =	vld [tilespmem:s3+$0x6470]  }
0x226: {  	v9 =	vld [tilespmem:s3+$0x6480]  }
0x227: {  	v10 =	vld [tilespmem:s3+$0x6490]  }
0x228: {  	v11 =	vld [tilespmem:s3+$0x64A0]  }
0x229: {  	v12 =	vld [tilespmem:s3+$0x64B0]  }
0x22a: {  	v13 =	vld [tilespmem:s3+$0x64C0]  }
0x22b: {  	v14 =	vld [tilespmem:s3+$0x64D0]  }
0x22c: {  	[tilespmem:s3+$0x118F0] =	vst.add.f32.msk $0xffff, v0  }
0x22d: {  	v0 =	vld [tilespmem:s3+$0x64E0]  }
0x22e: {  	[tilespmem:s3+$0x11800] =	vst.add.f32.msk $0xffff, v1  }
0x22f: {  	[tilespmem:s3+$0x11810] =	vst.add.f32.msk $0xffff, v2  }
0x230: {  	[tilespmem:s3+$0x11820] =	vst.add.f32.msk $0xffff, v3  }
0x231: {  	[tilespmem:s3+$0x11830] =	vst.add.f32.msk $0xffff, v4  }
0x232: {  	[tilespmem:s3+$0x11840] =	vst.add.f32.msk $0xffff, v5  }
0x233: {  	[tilespmem:s3+$0x11850] =	vst.add.f32.msk $0xffff, v6  }
0x234: {  	[tilespmem:s3+$0x11860] =	vst.add.f32.msk $0xffff, v7  }
0x235: {  	[tilespmem:s3+$0x11870] =	vst.add.f32.msk $0xffff, v8  }
0x236: {  	[tilespmem:s3+$0x11880] =	vst.add.f32.msk $0xffff, v9  }
0x237: {  	[tilespmem:s3+$0x11890] =	vst.add.f32.msk $0xffff, v10  }
0x238: {  	[tilespmem:s3+$0x118A0] =	vst.add.f32.msk $0xffff, v11  }
0x239: {  	[tilespmem:s3+$0x118B0] =	vst.add.f32.msk $0xffff, v12  }
0x23a: {  	[tilespmem:s3+$0x118C0] =	vst.add.f32.msk $0xffff, v13  }
0x23b: {  	s0 =	sadd.s32 $0x2, s0;
	s2 =	sadd.s32 $0x400, s2;
	[tilespmem:s3+$0x118D0] =	vst.add.f32.msk $0xffff, v14  }
.LBB2_38:
0x23c: {  	s0 =	sadd.s32 $0x2, s0;
	[tilespmem:s3+$0x118E0] =	vst.add.f32.msk $0xffff, v0;
	s3 =	sshra.s32 s2, $0x2  }
0x23d: {  	v0 =	vld [tilespmem:s3+$0x64F0];
	p0 =	slt.u32 s0, $0x9E  }
0x23e: {  	v1 =	vld [tilespmem:s3+$0x6400]  }
0x23f: {  	v2 =	vld [tilespmem:s3+$0x6410]  }
0x240: {  	v3 =	vld [tilespmem:s3+$0x6420]  }
0x241: {  	v4 =	vld [tilespmem:s3+$0x6430]  }
0x242: {  	[tilespmem:s3+$0x118F0] =	vst.add.f32.msk $0xffff, v0  }
0x243: {  	v5 =	vld [tilespmem:s3+$0x6440]  }
0x244: {  	v6 =	vld [tilespmem:s3+$0x6450]  }
0x245: {  	v7 =	vld [tilespmem:s3+$0x6460]  }
0x246: {  	v8 =	vld [tilespmem:s3+$0x6470]  }
0x247: {  	v9 =	vld [tilespmem:s3+$0x6480]  }
0x248: {  	v10 =	vld [tilespmem:s3+$0x6490]  }
0x249: {  	v11 =	vld [tilespmem:s3+$0x64A0]  }
0x24a: {  	v12 =	vld [tilespmem:s3+$0x64B0]  }
0x24b: {  	v13 =	vld [tilespmem:s3+$0x64C0]  }
0x24c: {  	v14 =	vld [tilespmem:s3+$0x64D0]  }
0x24d: {  	v0 =	vld [tilespmem:s3+$0x64E0]  }
0x24e: {  	[tilespmem:s3+$0x11800] =	vst.add.f32.msk $0xffff, v1  }
0x24f: {  	[tilespmem:s3+$0x11810] =	vst.add.f32.msk $0xffff, v2  }
0x250: {  	[tilespmem:s3+$0x11820] =	vst.add.f32.msk $0xffff, v3  }
0x251: {  	[tilespmem:s3+$0x11830] =	vst.add.f32.msk $0xffff, v4  }
0x252: {  	[tilespmem:s3+$0x11840] =	vst.add.f32.msk $0xffff, v5  }
0x253: {  	[tilespmem:s3+$0x11850] =	vst.add.f32.msk $0xffff, v6  }
0x254: {  	[tilespmem:s3+$0x11860] =	vst.add.f32.msk $0xffff, v7  }
0x255: {  	[tilespmem:s3+$0x11870] =	vst.add.f32.msk $0xffff, v8  }
0x256: {  	[tilespmem:s3+$0x11880] =	vst.add.f32.msk $0xffff, v9  }
.Ltmp31:
0x257: {  	[tilespmem:s3+$0x11890] =	vst.add.f32.msk $0xffff, v10;
	(pc) =	sbr.rel @p0 .LBB2_38-.Ltmp31, $4  }
0x258: {  	[tilespmem:s3+$0x118A0] =	vst.add.f32.msk $0xffff, v11  }
0x259: {  	[tilespmem:s3+$0x118B0] =	vst.add.f32.msk $0xffff, v12  }
0x25a: {  	[tilespmem:s3+$0x118C0] =	vst.add.f32.msk $0xffff, v13  }
0x25b: {  	s2 =	sadd.s32 $0x400, s2;
	[tilespmem:s3+$0x118D0] =	vst.add.f32.msk $0xffff, v14  }
.Ltmp32:
0x25c: {  	(pc) =	sbr.rel .LBB2_43-.Ltmp32, $2  }
0x25d: {  	_ =	sdelay $0x2  }
0x25e: {  	[tilespmem:s3+$0x118E0] =	vst.add.f32.msk $0xffff, v0  }
.LBB2_57:
0x25f: {  	v0 =	vld [tilespmem:s3+$0x64F0]  }
0x260: {  	v1 =	vld [tilespmem:s3+$0x6400]  }
0x261: {  	v2 =	vld [tilespmem:s3+$0x6410]  }
0x262: {  	v3 =	vld [tilespmem:s3+$0x6420]  }
0x263: {  	v4 =	vld [tilespmem:s3+$0x6430]  }
0x264: {  	v5 =	vld [tilespmem:s3+$0x6440]  }
0x265: {  	v6 =	vld [tilespmem:s3+$0x6450]  }
0x266: {  	v7 =	vld [tilespmem:s3+$0x6460]  }
0x267: {  	v8 =	vld [tilespmem:s3+$0x6470]  }
0x268: {  	v9 =	vld [tilespmem:s3+$0x6480]  }
0x269: {  	v10 =	vld [tilespmem:s3+$0x6490]  }
0x26a: {  	v11 =	vld [tilespmem:s3+$0x64A0]  }
0x26b: {  	v12 =	vld [tilespmem:s3+$0x64B0]  }
0x26c: {  	v13 =	vld [tilespmem:s3+$0x64C0]  }
0x26d: {  	v14 =	vld [tilespmem:s3+$0x64D0]  }
0x26e: {  	[tilespmem:s3+$0x168F0] =	vst.add.f32.msk $0xffff, v0  }
0x26f: {  	v0 =	vld [tilespmem:s3+$0x64E0]  }
0x270: {  	[tilespmem:s3+$0x16800] =	vst.add.f32.msk $0xffff, v1  }
0x271: {  	[tilespmem:s3+$0x16810] =	vst.add.f32.msk $0xffff, v2  }
0x272: {  	[tilespmem:s3+$0x16820] =	vst.add.f32.msk $0xffff, v3  }
0x273: {  	[tilespmem:s3+$0x16830] =	vst.add.f32.msk $0xffff, v4  }
0x274: {  	[tilespmem:s3+$0x16840] =	vst.add.f32.msk $0xffff, v5  }
0x275: {  	[tilespmem:s3+$0x16850] =	vst.add.f32.msk $0xffff, v6  }
0x276: {  	[tilespmem:s3+$0x16860] =	vst.add.f32.msk $0xffff, v7  }
0x277: {  	[tilespmem:s3+$0x16870] =	vst.add.f32.msk $0xffff, v8  }
0x278: {  	[tilespmem:s3+$0x16880] =	vst.add.f32.msk $0xffff, v9  }
0x279: {  	[tilespmem:s3+$0x16890] =	vst.add.f32.msk $0xffff, v10  }
0x27a: {  	[tilespmem:s3+$0x168A0] =	vst.add.f32.msk $0xffff, v11  }
0x27b: {  	[tilespmem:s3+$0x168B0] =	vst.add.f32.msk $0xffff, v12  }
0x27c: {  	[tilespmem:s3+$0x168C0] =	vst.add.f32.msk $0xffff, v13  }
0x27d: {  	s2 =	sadd.s32 $0x2, s2;
	s0 =	sadd.s32 $0x400, s0;
	[tilespmem:s3+$0x168D0] =	vst.add.f32.msk $0xffff, v14  }
.LBB2_58:
0x27e: {  	s2 =	sadd.s32 $0x2, s2;
	[tilespmem:s3+$0x168E0] =	vst.add.f32.msk $0xffff, v0;
	s3 =	sshra.s32 s0, $0x2  }
0x27f: {  	v0 =	vld [tilespmem:s3+$0x64F0];
	p0 =	slt.u32 s2, $0x9E  }
0x280: {  	v1 =	vld [tilespmem:s3+$0x6400]  }
0x281: {  	v2 =	vld [tilespmem:s3+$0x6410]  }
0x282: {  	v3 =	vld [tilespmem:s3+$0x6420]  }
0x283: {  	v4 =	vld [tilespmem:s3+$0x6430]  }
0x284: {  	[tilespmem:s3+$0x168F0] =	vst.add.f32.msk $0xffff, v0  }
0x285: {  	v5 =	vld [tilespmem:s3+$0x6440]  }
0x286: {  	v6 =	vld [tilespmem:s3+$0x6450]  }
0x287: {  	v7 =	vld [tilespmem:s3+$0x6460]  }
0x288: {  	v8 =	vld [tilespmem:s3+$0x6470]  }
0x289: {  	v9 =	vld [tilespmem:s3+$0x6480]  }
0x28a: {  	v10 =	vld [tilespmem:s3+$0x6490]  }
0x28b: {  	v11 =	vld [tilespmem:s3+$0x64A0]  }
0x28c: {  	v12 =	vld [tilespmem:s3+$0x64B0]  }
0x28d: {  	v13 =	vld [tilespmem:s3+$0x64C0]  }
0x28e: {  	v14 =	vld [tilespmem:s3+$0x64D0]  }
0x28f: {  	v0 =	vld [tilespmem:s3+$0x64E0]  }
0x290: {  	[tilespmem:s3+$0x16800] =	vst.add.f32.msk $0xffff, v1  }
0x291: {  	[tilespmem:s3+$0x16810] =	vst.add.f32.msk $0xffff, v2  }
0x292: {  	[tilespmem:s3+$0x16820] =	vst.add.f32.msk $0xffff, v3  }
0x293: {  	[tilespmem:s3+$0x16830] =	vst.add.f32.msk $0xffff, v4  }
0x294: {  	[tilespmem:s3+$0x16840] =	vst.add.f32.msk $0xffff, v5  }
0x295: {  	[tilespmem:s3+$0x16850] =	vst.add.f32.msk $0xffff, v6  }
0x296: {  	[tilespmem:s3+$0x16860] =	vst.add.f32.msk $0xffff, v7  }
0x297: {  	[tilespmem:s3+$0x16870] =	vst.add.f32.msk $0xffff, v8  }
0x298: {  	[tilespmem:s3+$0x16880] =	vst.add.f32.msk $0xffff, v9  }
.Ltmp33:
0x299: {  	[tilespmem:s3+$0x16890] =	vst.add.f32.msk $0xffff, v10;
	(pc) =	sbr.rel @p0 .LBB2_58-.Ltmp33, $4  }
0x29a: {  	[tilespmem:s3+$0x168A0] =	vst.add.f32.msk $0xffff, v11  }
0x29b: {  	[tilespmem:s3+$0x168B0] =	vst.add.f32.msk $0xffff, v12  }
0x29c: {  	[tilespmem:s3+$0x168C0] =	vst.add.f32.msk $0xffff, v13  }
0x29d: {  	s0 =	sadd.s32 $0x400, s0;
	[tilespmem:s3+$0x168D0] =	vst.add.f32.msk $0xffff, v14  }
.Ltmp34:
0x29e: {  	(pc) =	sbr.rel .LBB2_63-.Ltmp34, $2  }
0x29f: {  	_ =	sdelay $0x2  }
0x2a0: {  	[tilespmem:s3+$0x168E0] =	vst.add.f32.msk $0xffff, v0  }
.LBB2_40:
0x2a1: {  	s3 =	sshra.s32 s2, $0x2  }
0x2a2: {  	v0 =	vld [tilespmem:s3+$0x3CF0]  }
0x2a3: {  	v1 =	vld [tilespmem:s3+$0x3C00]  }
0x2a4: {  	v2 =	vld [tilespmem:s3+$0x3C10]  }
0x2a5: {  	v3 =	vld [tilespmem:s3+$0x3C20]  }
0x2a6: {  	v4 =	vld [tilespmem:s3+$0x3C30]  }
0x2a7: {  	v5 =	vld [tilespmem:s3+$0x3C40]  }
0x2a8: {  	v6 =	vld [tilespmem:s3+$0x3C50]  }
0x2a9: {  	v7 =	vld [tilespmem:s3+$0x3C60]  }
0x2aa: {  	v8 =	vld [tilespmem:s3+$0x3C70]  }
0x2ab: {  	v9 =	vld [tilespmem:s3+$0x3C80]  }
0x2ac: {  	v10 =	vld [tilespmem:s3+$0x3C90]  }
0x2ad: {  	v11 =	vld [tilespmem:s3+$0x3CA0]  }
0x2ae: {  	v12 =	vld [tilespmem:s3+$0x3CB0]  }
0x2af: {  	v13 =	vld [tilespmem:s3+$0x3CC0]  }
0x2b0: {  	v14 =	vld [tilespmem:s3+$0x3CD0]  }
0x2b1: {  	[tilespmem:s3+$0x118F0] =	vst.add.f32.msk $0xffff, v0  }
0x2b2: {  	v0 =	vld [tilespmem:s3+$0x3CE0]  }
0x2b3: {  	[tilespmem:s3+$0x11800] =	vst.add.f32.msk $0xffff, v1  }
0x2b4: {  	[tilespmem:s3+$0x11810] =	vst.add.f32.msk $0xffff, v2  }
0x2b5: {  	[tilespmem:s3+$0x11820] =	vst.add.f32.msk $0xffff, v3  }
0x2b6: {  	[tilespmem:s3+$0x11830] =	vst.add.f32.msk $0xffff, v4  }
0x2b7: {  	[tilespmem:s3+$0x11840] =	vst.add.f32.msk $0xffff, v5  }
0x2b8: {  	[tilespmem:s3+$0x11850] =	vst.add.f32.msk $0xffff, v6  }
0x2b9: {  	[tilespmem:s3+$0x11860] =	vst.add.f32.msk $0xffff, v7  }
0x2ba: {  	[tilespmem:s3+$0x11870] =	vst.add.f32.msk $0xffff, v8  }
0x2bb: {  	[tilespmem:s3+$0x11880] =	vst.add.f32.msk $0xffff, v9  }
0x2bc: {  	[tilespmem:s3+$0x11890] =	vst.add.f32.msk $0xffff, v10  }
0x2bd: {  	[tilespmem:s3+$0x118A0] =	vst.add.f32.msk $0xffff, v11  }
0x2be: {  	[tilespmem:s3+$0x118B0] =	vst.add.f32.msk $0xffff, v12  }
0x2bf: {  	[tilespmem:s3+$0x118C0] =	vst.add.f32.msk $0xffff, v13  }
0x2c0: {  	s0 =	sadd.s32 $0x2, s0;
	s2 =	sadd.s32 $0x400, s2;
	[tilespmem:s3+$0x118D0] =	vst.add.f32.msk $0xffff, v14  }
.LBB2_41:
0x2c1: {  	s0 =	sadd.s32 $0x2, s0;
	[tilespmem:s3+$0x118E0] =	vst.add.f32.msk $0xffff, v0;
	s3 =	sshra.s32 s2, $0x2  }
0x2c2: {  	v0 =	vld [tilespmem:s3+$0x3CF0];
	p0 =	slt.u32 s0, $0x9E  }
0x2c3: {  	v1 =	vld [tilespmem:s3+$0x3C00]  }
0x2c4: {  	v2 =	vld [tilespmem:s3+$0x3C10]  }
0x2c5: {  	v3 =	vld [tilespmem:s3+$0x3C20]  }
0x2c6: {  	v4 =	vld [tilespmem:s3+$0x3C30]  }
0x2c7: {  	[tilespmem:s3+$0x118F0] =	vst.add.f32.msk $0xffff, v0  }
0x2c8: {  	v5 =	vld [tilespmem:s3+$0x3C40]  }
0x2c9: {  	v6 =	vld [tilespmem:s3+$0x3C50]  }
0x2ca: {  	v7 =	vld [tilespmem:s3+$0x3C60]  }
0x2cb: {  	v8 =	vld [tilespmem:s3+$0x3C70]  }
0x2cc: {  	v9 =	vld [tilespmem:s3+$0x3C80]  }
0x2cd: {  	v10 =	vld [tilespmem:s3+$0x3C90]  }
0x2ce: {  	v11 =	vld [tilespmem:s3+$0x3CA0]  }
0x2cf: {  	v12 =	vld [tilespmem:s3+$0x3CB0]  }
0x2d0: {  	v13 =	vld [tilespmem:s3+$0x3CC0]  }
0x2d1: {  	v14 =	vld [tilespmem:s3+$0x3CD0]  }
0x2d2: {  	v0 =	vld [tilespmem:s3+$0x3CE0]  }
0x2d3: {  	[tilespmem:s3+$0x11800] =	vst.add.f32.msk $0xffff, v1  }
0x2d4: {  	[tilespmem:s3+$0x11810] =	vst.add.f32.msk $0xffff, v2  }
0x2d5: {  	[tilespmem:s3+$0x11820] =	vst.add.f32.msk $0xffff, v3  }
0x2d6: {  	[tilespmem:s3+$0x11830] =	vst.add.f32.msk $0xffff, v4  }
0x2d7: {  	[tilespmem:s3+$0x11840] =	vst.add.f32.msk $0xffff, v5  }
0x2d8: {  	[tilespmem:s3+$0x11850] =	vst.add.f32.msk $0xffff, v6  }
0x2d9: {  	[tilespmem:s3+$0x11860] =	vst.add.f32.msk $0xffff, v7  }
0x2da: {  	[tilespmem:s3+$0x11870] =	vst.add.f32.msk $0xffff, v8  }
0x2db: {  	[tilespmem:s3+$0x11880] =	vst.add.f32.msk $0xffff, v9  }
.Ltmp35:
0x2dc: {  	[tilespmem:s3+$0x11890] =	vst.add.f32.msk $0xffff, v10;
	(pc) =	sbr.rel @p0 .LBB2_41-.Ltmp35, $4  }
0x2dd: {  	[tilespmem:s3+$0x118A0] =	vst.add.f32.msk $0xffff, v11  }
0x2de: {  	[tilespmem:s3+$0x118B0] =	vst.add.f32.msk $0xffff, v12  }
0x2df: {  	[tilespmem:s3+$0x118C0] =	vst.add.f32.msk $0xffff, v13  }
0x2e0: {  	s2 =	sadd.s32 $0x400, s2;
	[tilespmem:s3+$0x118D0] =	vst.add.f32.msk $0xffff, v14  }
.Ltmp36:
0x2e1: {  	(pc) =	sbr.rel .LBB2_43-.Ltmp36, $2  }
0x2e2: {  	_ =	sdelay $0x2  }
0x2e3: {  	[tilespmem:s3+$0x118E0] =	vst.add.f32.msk $0xffff, v0  }
.LBB2_34:
0x2e4: {  	s3 =	sshra.s32 s2, $0x2  }
0x2e5: {  	v0 =	vld [tilespmem:s3+$0x78F0]  }
0x2e6: {  	v1 =	vld [tilespmem:s3+$0x7800]  }
0x2e7: {  	v2 =	vld [tilespmem:s3+$0x7810]  }
0x2e8: {  	v3 =	vld [tilespmem:s3+$0x7820]  }
0x2e9: {  	v4 =	vld [tilespmem:s3+$0x7830]  }
0x2ea: {  	v5 =	vld [tilespmem:s3+$0x7840]  }
0x2eb: {  	v6 =	vld [tilespmem:s3+$0x7850]  }
0x2ec: {  	v7 =	vld [tilespmem:s3+$0x7860]  }
0x2ed: {  	v8 =	vld [tilespmem:s3+$0x7870]  }
0x2ee: {  	v9 =	vld [tilespmem:s3+$0x7880]  }
0x2ef: {  	v10 =	vld [tilespmem:s3+$0x7890]  }
0x2f0: {  	v11 =	vld [tilespmem:s3+$0x78A0]  }
0x2f1: {  	v12 =	vld [tilespmem:s3+$0x78B0]  }
0x2f2: {  	v13 =	vld [tilespmem:s3+$0x78C0]  }
0x2f3: {  	v14 =	vld [tilespmem:s3+$0x78D0]  }
0x2f4: {  	[tilespmem:s3+$0x118F0] =	vst.add.f32.msk $0xffff, v0  }
0x2f5: {  	v0 =	vld [tilespmem:s3+$0x78E0]  }
0x2f6: {  	[tilespmem:s3+$0x11800] =	vst.add.f32.msk $0xffff, v1  }
0x2f7: {  	[tilespmem:s3+$0x11810] =	vst.add.f32.msk $0xffff, v2  }
0x2f8: {  	[tilespmem:s3+$0x11820] =	vst.add.f32.msk $0xffff, v3  }
0x2f9: {  	[tilespmem:s3+$0x11830] =	vst.add.f32.msk $0xffff, v4  }
0x2fa: {  	[tilespmem:s3+$0x11840] =	vst.add.f32.msk $0xffff, v5  }
0x2fb: {  	[tilespmem:s3+$0x11850] =	vst.add.f32.msk $0xffff, v6  }
0x2fc: {  	[tilespmem:s3+$0x11860] =	vst.add.f32.msk $0xffff, v7  }
0x2fd: {  	[tilespmem:s3+$0x11870] =	vst.add.f32.msk $0xffff, v8  }
0x2fe: {  	[tilespmem:s3+$0x11880] =	vst.add.f32.msk $0xffff, v9  }
0x2ff: {  	[tilespmem:s3+$0x11890] =	vst.add.f32.msk $0xffff, v10  }
0x300: {  	[tilespmem:s3+$0x118A0] =	vst.add.f32.msk $0xffff, v11  }
0x301: {  	[tilespmem:s3+$0x118B0] =	vst.add.f32.msk $0xffff, v12  }
0x302: {  	[tilespmem:s3+$0x118C0] =	vst.add.f32.msk $0xffff, v13  }
0x303: {  	s0 =	sadd.s32 $0x2, s0;
	s2 =	sadd.s32 $0x400, s2;
	[tilespmem:s3+$0x118D0] =	vst.add.f32.msk $0xffff, v14  }
.LBB2_35:
0x304: {  	s0 =	sadd.s32 $0x2, s0;
	[tilespmem:s3+$0x118E0] =	vst.add.f32.msk $0xffff, v0;
	s3 =	sshra.s32 s2, $0x2  }
0x305: {  	v0 =	vld [tilespmem:s3+$0x78F0];
	p0 =	slt.u32 s0, $0x9E  }
0x306: {  	v1 =	vld [tilespmem:s3+$0x7800]  }
0x307: {  	v2 =	vld [tilespmem:s3+$0x7810]  }
0x308: {  	v3 =	vld [tilespmem:s3+$0x7820]  }
0x309: {  	v4 =	vld [tilespmem:s3+$0x7830]  }
0x30a: {  	[tilespmem:s3+$0x118F0] =	vst.add.f32.msk $0xffff, v0  }
0x30b: {  	v5 =	vld [tilespmem:s3+$0x7840]  }
0x30c: {  	v6 =	vld [tilespmem:s3+$0x7850]  }
0x30d: {  	v7 =	vld [tilespmem:s3+$0x7860]  }
0x30e: {  	v8 =	vld [tilespmem:s3+$0x7870]  }
0x30f: {  	v9 =	vld [tilespmem:s3+$0x7880]  }
0x310: {  	v10 =	vld [tilespmem:s3+$0x7890]  }
0x311: {  	v11 =	vld [tilespmem:s3+$0x78A0]  }
0x312: {  	v12 =	vld [tilespmem:s3+$0x78B0]  }
0x313: {  	v13 =	vld [tilespmem:s3+$0x78C0]  }
0x314: {  	v14 =	vld [tilespmem:s3+$0x78D0]  }
0x315: {  	v0 =	vld [tilespmem:s3+$0x78E0]  }
0x316: {  	[tilespmem:s3+$0x11800] =	vst.add.f32.msk $0xffff, v1  }
0x317: {  	[tilespmem:s3+$0x11810] =	vst.add.f32.msk $0xffff, v2  }
0x318: {  	[tilespmem:s3+$0x11820] =	vst.add.f32.msk $0xffff, v3  }
0x319: {  	[tilespmem:s3+$0x11830] =	vst.add.f32.msk $0xffff, v4  }
0x31a: {  	[tilespmem:s3+$0x11840] =	vst.add.f32.msk $0xffff, v5  }
0x31b: {  	[tilespmem:s3+$0x11850] =	vst.add.f32.msk $0xffff, v6  }
0x31c: {  	[tilespmem:s3+$0x11860] =	vst.add.f32.msk $0xffff, v7  }
0x31d: {  	[tilespmem:s3+$0x11870] =	vst.add.f32.msk $0xffff, v8  }
0x31e: {  	[tilespmem:s3+$0x11880] =	vst.add.f32.msk $0xffff, v9  }
.Ltmp37:
0x31f: {  	[tilespmem:s3+$0x11890] =	vst.add.f32.msk $0xffff, v10;
	(pc) =	sbr.rel @p0 .LBB2_35-.Ltmp37, $4  }
0x320: {  	[tilespmem:s3+$0x118A0] =	vst.add.f32.msk $0xffff, v11  }
0x321: {  	[tilespmem:s3+$0x118B0] =	vst.add.f32.msk $0xffff, v12  }
0x322: {  	[tilespmem:s3+$0x118C0] =	vst.add.f32.msk $0xffff, v13  }
0x323: {  	s2 =	sadd.s32 $0x400, s2;
	[tilespmem:s3+$0x118D0] =	vst.add.f32.msk $0xffff, v14  }
0x324: {  	[tilespmem:s3+$0x118E0] =	vst.add.f32.msk $0xffff, v0  }
.LBB2_43:
0x325: {  	s0 =	smul.u32 $0xA0, s31  }
.Ltmp38:
0x326: {  	_ = 	snop;
	(pc) =	sbr.rel .LBB2_64-.Ltmp38, $4  }
0x327: {  	s0 =	sadd.s32 s6, s0  }
0x328: {  	s0 =	sshll.u32 s0, $0x4  }
0x329: {  	s0 =	sadd.s32 s4, s0  }
0x32a: {  	[hbm4b:s0+s5] =	stream.linear.scatter [tilespmem:s15], [sflag:$0x5], $0x5000, $0x38;
	[tilespmem:$0x1B800] =	vst v63  }
.LBB2_60:
0x32b: {  	v0 =	vld [tilespmem:s3+$0x3CF0]  }
0x32c: {  	v1 =	vld [tilespmem:s3+$0x3C00]  }
0x32d: {  	v2 =	vld [tilespmem:s3+$0x3C10]  }
0x32e: {  	v3 =	vld [tilespmem:s3+$0x3C20]  }
0x32f: {  	v4 =	vld [tilespmem:s3+$0x3C30]  }
0x330: {  	v5 =	vld [tilespmem:s3+$0x3C40]  }
0x331: {  	v6 =	vld [tilespmem:s3+$0x3C50]  }
0x332: {  	v7 =	vld [tilespmem:s3+$0x3C60]  }
0x333: {  	v8 =	vld [tilespmem:s3+$0x3C70]  }
0x334: {  	v9 =	vld [tilespmem:s3+$0x3C80]  }
0x335: {  	v10 =	vld [tilespmem:s3+$0x3C90]  }
0x336: {  	v11 =	vld [tilespmem:s3+$0x3CA0]  }
0x337: {  	v12 =	vld [tilespmem:s3+$0x3CB0]  }
0x338: {  	v13 =	vld [tilespmem:s3+$0x3CC0]  }
0x339: {  	v14 =	vld [tilespmem:s3+$0x3CD0]  }
0x33a: {  	[tilespmem:s3+$0x168F0] =	vst.add.f32.msk $0xffff, v0  }
0x33b: {  	v0 =	vld [tilespmem:s3+$0x3CE0]  }
0x33c: {  	[tilespmem:s3+$0x16800] =	vst.add.f32.msk $0xffff, v1  }
0x33d: {  	[tilespmem:s3+$0x16810] =	vst.add.f32.msk $0xffff, v2  }
0x33e: {  	[tilespmem:s3+$0x16820] =	vst.add.f32.msk $0xffff, v3  }
0x33f: {  	[tilespmem:s3+$0x16830] =	vst.add.f32.msk $0xffff, v4  }
0x340: {  	[tilespmem:s3+$0x16840] =	vst.add.f32.msk $0xffff, v5  }
0x341: {  	[tilespmem:s3+$0x16850] =	vst.add.f32.msk $0xffff, v6  }
0x342: {  	[tilespmem:s3+$0x16860] =	vst.add.f32.msk $0xffff, v7  }
0x343: {  	[tilespmem:s3+$0x16870] =	vst.add.f32.msk $0xffff, v8  }
0x344: {  	[tilespmem:s3+$0x16880] =	vst.add.f32.msk $0xffff, v9  }
0x345: {  	[tilespmem:s3+$0x16890] =	vst.add.f32.msk $0xffff, v10  }
0x346: {  	[tilespmem:s3+$0x168A0] =	vst.add.f32.msk $0xffff, v11  }
0x347: {  	[tilespmem:s3+$0x168B0] =	vst.add.f32.msk $0xffff, v12  }
0x348: {  	[tilespmem:s3+$0x168C0] =	vst.add.f32.msk $0xffff, v13  }
0x349: {  	s2 =	sadd.s32 $0x2, s2;
	s0 =	sadd.s32 $0x400, s0;
	[tilespmem:s3+$0x168D0] =	vst.add.f32.msk $0xffff, v14  }
.LBB2_61:
0x34a: {  	s2 =	sadd.s32 $0x2, s2;
	[tilespmem:s3+$0x168E0] =	vst.add.f32.msk $0xffff, v0;
	s3 =	sshra.s32 s0, $0x2  }
0x34b: {  	v0 =	vld [tilespmem:s3+$0x3CF0];
	p0 =	slt.u32 s2, $0x9E  }
0x34c: {  	v1 =	vld [tilespmem:s3+$0x3C00]  }
0x34d: {  	v2 =	vld [tilespmem:s3+$0x3C10]  }
0x34e: {  	v3 =	vld [tilespmem:s3+$0x3C20]  }
0x34f: {  	v4 =	vld [tilespmem:s3+$0x3C30]  }
0x350: {  	[tilespmem:s3+$0x168F0] =	vst.add.f32.msk $0xffff, v0  }
0x351: {  	v5 =	vld [tilespmem:s3+$0x3C40]  }
0x352: {  	v6 =	vld [tilespmem:s3+$0x3C50]  }
0x353: {  	v7 =	vld [tilespmem:s3+$0x3C60]  }
0x354: {  	v8 =	vld [tilespmem:s3+$0x3C70]  }
0x355: {  	v9 =	vld [tilespmem:s3+$0x3C80]  }
0x356: {  	v10 =	vld [tilespmem:s3+$0x3C90]  }
0x357: {  	v11 =	vld [tilespmem:s3+$0x3CA0]  }
0x358: {  	v12 =	vld [tilespmem:s3+$0x3CB0]  }
0x359: {  	v13 =	vld [tilespmem:s3+$0x3CC0]  }
0x35a: {  	v14 =	vld [tilespmem:s3+$0x3CD0]  }
0x35b: {  	v0 =	vld [tilespmem:s3+$0x3CE0]  }
0x35c: {  	[tilespmem:s3+$0x16800] =	vst.add.f32.msk $0xffff, v1  }
0x35d: {  	[tilespmem:s3+$0x16810] =	vst.add.f32.msk $0xffff, v2  }
0x35e: {  	[tilespmem:s3+$0x16820] =	vst.add.f32.msk $0xffff, v3  }
0x35f: {  	[tilespmem:s3+$0x16830] =	vst.add.f32.msk $0xffff, v4  }
0x360: {  	[tilespmem:s3+$0x16840] =	vst.add.f32.msk $0xffff, v5  }
0x361: {  	[tilespmem:s3+$0x16850] =	vst.add.f32.msk $0xffff, v6  }
0x362: {  	[tilespmem:s3+$0x16860] =	vst.add.f32.msk $0xffff, v7  }
0x363: {  	[tilespmem:s3+$0x16870] =	vst.add.f32.msk $0xffff, v8  }
0x364: {  	[tilespmem:s3+$0x16880] =	vst.add.f32.msk $0xffff, v9  }
.Ltmp39:
0x365: {  	[tilespmem:s3+$0x16890] =	vst.add.f32.msk $0xffff, v10;
	(pc) =	sbr.rel @p0 .LBB2_61-.Ltmp39, $4  }
0x366: {  	[tilespmem:s3+$0x168A0] =	vst.add.f32.msk $0xffff, v11  }
0x367: {  	[tilespmem:s3+$0x168B0] =	vst.add.f32.msk $0xffff, v12  }
0x368: {  	[tilespmem:s3+$0x168C0] =	vst.add.f32.msk $0xffff, v13  }
0x369: {  	s0 =	sadd.s32 $0x400, s0;
	[tilespmem:s3+$0x168D0] =	vst.add.f32.msk $0xffff, v14  }
.Ltmp40:
0x36a: {  	(pc) =	sbr.rel .LBB2_63-.Ltmp40, $2  }
0x36b: {  	_ =	sdelay $0x2  }
0x36c: {  	[tilespmem:s3+$0x168E0] =	vst.add.f32.msk $0xffff, v0  }
.LBB2_54:
0x36d: {  	s3 =	sshra.s32 s0, $0x2  }
0x36e: {  	v0 =	vld [tilespmem:s3+$0x78F0]  }
0x36f: {  	v1 =	vld [tilespmem:s3+$0x7800]  }
0x370: {  	v2 =	vld [tilespmem:s3+$0x7810]  }
0x371: {  	v3 =	vld [tilespmem:s3+$0x7820]  }
0x372: {  	v4 =	vld [tilespmem:s3+$0x7830]  }
0x373: {  	v5 =	vld [tilespmem:s3+$0x7840]  }
0x374: {  	v6 =	vld [tilespmem:s3+$0x7850]  }
0x375: {  	v7 =	vld [tilespmem:s3+$0x7860]  }
0x376: {  	v8 =	vld [tilespmem:s3+$0x7870]  }
0x377: {  	v9 =	vld [tilespmem:s3+$0x7880]  }
0x378: {  	v10 =	vld [tilespmem:s3+$0x7890]  }
0x379: {  	v11 =	vld [tilespmem:s3+$0x78A0]  }
0x37a: {  	v12 =	vld [tilespmem:s3+$0x78B0]  }
0x37b: {  	v13 =	vld [tilespmem:s3+$0x78C0]  }
0x37c: {  	v14 =	vld [tilespmem:s3+$0x78D0]  }
0x37d: {  	[tilespmem:s3+$0x168F0] =	vst.add.f32.msk $0xffff, v0  }
0x37e: {  	v0 =	vld [tilespmem:s3+$0x78E0]  }
0x37f: {  	[tilespmem:s3+$0x16800] =	vst.add.f32.msk $0xffff, v1  }
0x380: {  	[tilespmem:s3+$0x16810] =	vst.add.f32.msk $0xffff, v2  }
0x381: {  	[tilespmem:s3+$0x16820] =	vst.add.f32.msk $0xffff, v3  }
0x382: {  	[tilespmem:s3+$0x16830] =	vst.add.f32.msk $0xffff, v4  }
0x383: {  	[tilespmem:s3+$0x16840] =	vst.add.f32.msk $0xffff, v5  }
0x384: {  	[tilespmem:s3+$0x16850] =	vst.add.f32.msk $0xffff, v6  }
0x385: {  	[tilespmem:s3+$0x16860] =	vst.add.f32.msk $0xffff, v7  }
0x386: {  	[tilespmem:s3+$0x16870] =	vst.add.f32.msk $0xffff, v8  }
0x387: {  	[tilespmem:s3+$0x16880] =	vst.add.f32.msk $0xffff, v9  }
0x388: {  	[tilespmem:s3+$0x16890] =	vst.add.f32.msk $0xffff, v10  }
0x389: {  	[tilespmem:s3+$0x168A0] =	vst.add.f32.msk $0xffff, v11  }
0x38a: {  	[tilespmem:s3+$0x168B0] =	vst.add.f32.msk $0xffff, v12  }
0x38b: {  	[tilespmem:s3+$0x168C0] =	vst.add.f32.msk $0xffff, v13  }
0x38c: {  	s2 =	sadd.s32 $0x2, s2;
	s0 =	sadd.s32 $0x400, s0;
	[tilespmem:s3+$0x168D0] =	vst.add.f32.msk $0xffff, v14  }
.LBB2_55:
0x38d: {  	s2 =	sadd.s32 $0x2, s2;
	[tilespmem:s3+$0x168E0] =	vst.add.f32.msk $0xffff, v0;
	s3 =	sshra.s32 s0, $0x2  }
0x38e: {  	v0 =	vld [tilespmem:s3+$0x78F0];
	p0 =	slt.u32 s2, $0x9E  }
0x38f: {  	v1 =	vld [tilespmem:s3+$0x7800]  }
0x390: {  	v2 =	vld [tilespmem:s3+$0x7810]  }
0x391: {  	v3 =	vld [tilespmem:s3+$0x7820]  }
0x392: {  	v4 =	vld [tilespmem:s3+$0x7830]  }
0x393: {  	[tilespmem:s3+$0x168F0] =	vst.add.f32.msk $0xffff, v0  }
0x394: {  	v5 =	vld [tilespmem:s3+$0x7840]  }
0x395: {  	v6 =	vld [tilespmem:s3+$0x7850]  }
0x396: {  	v7 =	vld [tilespmem:s3+$0x7860]  }
0x397: {  	v8 =	vld [tilespmem:s3+$0x7870]  }
0x398: {  	v9 =	vld [tilespmem:s3+$0x7880]  }
0x399: {  	v10 =	vld [tilespmem:s3+$0x7890]  }
0x39a: {  	v11 =	vld [tilespmem:s3+$0x78A0]  }
0x39b: {  	v12 =	vld [tilespmem:s3+$0x78B0]  }
0x39c: {  	v13 =	vld [tilespmem:s3+$0x78C0]  }
0x39d: {  	v14 =	vld [tilespmem:s3+$0x78D0]  }
0x39e: {  	v0 =	vld [tilespmem:s3+$0x78E0]  }
0x39f: {  	[tilespmem:s3+$0x16800] =	vst.add.f32.msk $0xffff, v1  }
0x3a0: {  	[tilespmem:s3+$0x16810] =	vst.add.f32.msk $0xffff, v2  }
0x3a1: {  	[tilespmem:s3+$0x16820] =	vst.add.f32.msk $0xffff, v3  }
0x3a2: {  	[tilespmem:s3+$0x16830] =	vst.add.f32.msk $0xffff, v4  }
0x3a3: {  	[tilespmem:s3+$0x16840] =	vst.add.f32.msk $0xffff, v5  }
0x3a4: {  	[tilespmem:s3+$0x16850] =	vst.add.f32.msk $0xffff, v6  }
0x3a5: {  	[tilespmem:s3+$0x16860] =	vst.add.f32.msk $0xffff, v7  }
0x3a6: {  	[tilespmem:s3+$0x16870] =	vst.add.f32.msk $0xffff, v8  }
0x3a7: {  	[tilespmem:s3+$0x16880] =	vst.add.f32.msk $0xffff, v9  }
.Ltmp41:
0x3a8: {  	[tilespmem:s3+$0x16890] =	vst.add.f32.msk $0xffff, v10;
	(pc) =	sbr.rel @p0 .LBB2_55-.Ltmp41, $4  }
0x3a9: {  	[tilespmem:s3+$0x168A0] =	vst.add.f32.msk $0xffff, v11  }
0x3aa: {  	[tilespmem:s3+$0x168B0] =	vst.add.f32.msk $0xffff, v12  }
0x3ab: {  	[tilespmem:s3+$0x168C0] =	vst.add.f32.msk $0xffff, v13  }
0x3ac: {  	s0 =	sadd.s32 $0x400, s0;
	[tilespmem:s3+$0x168D0] =	vst.add.f32.msk $0xffff, v14  }
0x3ad: {  	[tilespmem:s3+$0x168E0] =	vst.add.f32.msk $0xffff, v0  }
.LBB2_63:
0x3ae: {  	s0 =	smul.u32 $0xA0, s31  }
.Ltmp42:
0x3af: {  	_ = 	snop;
	(pc) =	sbr.rel .LBB2_64-.Ltmp42, $4  }
0x3b0: {  	s0 =	sadd.s32 s6, s0  }
0x3b1: {  	s0 =	sshll.u32 s0, $0x4  }
0x3b2: {  	s0 =	sadd.s32 s4, s0  }
0x3b3: {  	[hbm4b:s0+s5] =	stream.linear.scatter [tilespmem:s19], [sflag:$0x6], $0x5000, $0x38;
	[tilespmem:$0x1B800] =	vst v63  }
.LBB2_17:
0x3b4: {  	s3 =	sshra.s32 s2, $0x2  }
0x3b5: {  	v0 =	vld [tilespmem:s3+$0x64F0]  }
0x3b6: {  	v1 =	vld [tilespmem:s3+$0x6400]  }
0x3b7: {  	v2 =	vld [tilespmem:s3+$0x6410]  }
0x3b8: {  	v3 =	vld [tilespmem:s3+$0x6420]  }
0x3b9: {  	v4 =	vld [tilespmem:s3+$0x6430]  }
0x3ba: {  	v5 =	vld [tilespmem:s3+$0x6440]  }
0x3bb: {  	v6 =	vld [tilespmem:s3+$0x6450]  }
0x3bc: {  	v7 =	vld [tilespmem:s3+$0x6460]  }
0x3bd: {  	v8 =	vld [tilespmem:s3+$0x6470]  }
0x3be: {  	v9 =	vld [tilespmem:s3+$0x6480]  }
0x3bf: {  	v10 =	vld [tilespmem:s3+$0x6490]  }
0x3c0: {  	v11 =	vld [tilespmem:s3+$0x64A0]  }
0x3c1: {  	v12 =	vld [tilespmem:s3+$0x64B0]  }
0x3c2: {  	v13 =	vld [tilespmem:s3+$0x64C0]  }
0x3c3: {  	v14 =	vld [tilespmem:s3+$0x64D0]  }
0x3c4: {  	[tilespmem:s3+$0xC8F0] =	vst.add.f32.msk $0xffff, v0  }
0x3c5: {  	v0 =	vld [tilespmem:s3+$0x64E0]  }
0x3c6: {  	[tilespmem:s3+$0xC800] =	vst.add.f32.msk $0xffff, v1  }
0x3c7: {  	[tilespmem:s3+$0xC810] =	vst.add.f32.msk $0xffff, v2  }
0x3c8: {  	[tilespmem:s3+$0xC820] =	vst.add.f32.msk $0xffff, v3  }
0x3c9: {  	[tilespmem:s3+$0xC830] =	vst.add.f32.msk $0xffff, v4  }
0x3ca: {  	[tilespmem:s3+$0xC840] =	vst.add.f32.msk $0xffff, v5  }
0x3cb: {  	[tilespmem:s3+$0xC850] =	vst.add.f32.msk $0xffff, v6  }
0x3cc: {  	[tilespmem:s3+$0xC860] =	vst.add.f32.msk $0xffff, v7  }
0x3cd: {  	[tilespmem:s3+$0xC870] =	vst.add.f32.msk $0xffff, v8  }
0x3ce: {  	[tilespmem:s3+$0xC880] =	vst.add.f32.msk $0xffff, v9  }
0x3cf: {  	[tilespmem:s3+$0xC890] =	vst.add.f32.msk $0xffff, v10  }
0x3d0: {  	[tilespmem:s3+$0xC8A0] =	vst.add.f32.msk $0xffff, v11  }
0x3d1: {  	[tilespmem:s3+$0xC8B0] =	vst.add.f32.msk $0xffff, v12  }
0x3d2: {  	[tilespmem:s3+$0xC8C0] =	vst.add.f32.msk $0xffff, v13  }
0x3d3: {  	s0 =	sadd.s32 $0x2, s0;
	s2 =	sadd.s32 $0x400, s2;
	[tilespmem:s3+$0xC8D0] =	vst.add.f32.msk $0xffff, v14  }
.LBB2_18:
0x3d4: {  	s0 =	sadd.s32 $0x2, s0;
	[tilespmem:s3+$0xC8E0] =	vst.add.f32.msk $0xffff, v0;
	s3 =	sshra.s32 s2, $0x2  }
0x3d5: {  	v0 =	vld [tilespmem:s3+$0x64F0];
	p0 =	slt.u32 s0, $0x9E  }
0x3d6: {  	v1 =	vld [tilespmem:s3+$0x6400]  }
0x3d7: {  	v2 =	vld [tilespmem:s3+$0x6410]  }
0x3d8: {  	v3 =	vld [tilespmem:s3+$0x6420]  }
0x3d9: {  	v4 =	vld [tilespmem:s3+$0x6430]  }
0x3da: {  	[tilespmem:s3+$0xC8F0] =	vst.add.f32.msk $0xffff, v0  }
0x3db: {  	v5 =	vld [tilespmem:s3+$0x6440]  }
0x3dc: {  	v6 =	vld [tilespmem:s3+$0x6450]  }
0x3dd: {  	v7 =	vld [tilespmem:s3+$0x6460]  }
0x3de: {  	v8 =	vld [tilespmem:s3+$0x6470]  }
0x3df: {  	v9 =	vld [tilespmem:s3+$0x6480]  }
0x3e0: {  	v10 =	vld [tilespmem:s3+$0x6490]  }
0x3e1: {  	v11 =	vld [tilespmem:s3+$0x64A0]  }
0x3e2: {  	v12 =	vld [tilespmem:s3+$0x64B0]  }
0x3e3: {  	v13 =	vld [tilespmem:s3+$0x64C0]  }
0x3e4: {  	v14 =	vld [tilespmem:s3+$0x64D0]  }
0x3e5: {  	v0 =	vld [tilespmem:s3+$0x64E0]  }
0x3e6: {  	[tilespmem:s3+$0xC800] =	vst.add.f32.msk $0xffff, v1  }
0x3e7: {  	[tilespmem:s3+$0xC810] =	vst.add.f32.msk $0xffff, v2  }
0x3e8: {  	[tilespmem:s3+$0xC820] =	vst.add.f32.msk $0xffff, v3  }
0x3e9: {  	[tilespmem:s3+$0xC830] =	vst.add.f32.msk $0xffff, v4  }
0x3ea: {  	[tilespmem:s3+$0xC840] =	vst.add.f32.msk $0xffff, v5  }
0x3eb: {  	[tilespmem:s3+$0xC850] =	vst.add.f32.msk $0xffff, v6  }
0x3ec: {  	[tilespmem:s3+$0xC860] =	vst.add.f32.msk $0xffff, v7  }
0x3ed: {  	[tilespmem:s3+$0xC870] =	vst.add.f32.msk $0xffff, v8  }
0x3ee: {  	[tilespmem:s3+$0xC880] =	vst.add.f32.msk $0xffff, v9  }
.Ltmp43:
0x3ef: {  	[tilespmem:s3+$0xC890] =	vst.add.f32.msk $0xffff, v10;
	(pc) =	sbr.rel @p0 .LBB2_18-.Ltmp43, $4  }
0x3f0: {  	[tilespmem:s3+$0xC8A0] =	vst.add.f32.msk $0xffff, v11  }
0x3f1: {  	[tilespmem:s3+$0xC8B0] =	vst.add.f32.msk $0xffff, v12  }
0x3f2: {  	[tilespmem:s3+$0xC8C0] =	vst.add.f32.msk $0xffff, v13  }
0x3f3: {  	s2 =	sadd.s32 $0x400, s2;
	[tilespmem:s3+$0xC8D0] =	vst.add.f32.msk $0xffff, v14  }
.Ltmp44:
0x3f4: {  	(pc) =	sbr.rel .LBB2_23-.Ltmp44, $2  }
0x3f5: {  	_ =	sdelay $0x2  }
0x3f6: {  	[tilespmem:s3+$0xC8E0] =	vst.add.f32.msk $0xffff, v0  }
.LBB2_20:
0x3f7: {  	s3 =	sshra.s32 s2, $0x2  }
0x3f8: {  	v0 =	vld [tilespmem:s3+$0x3CF0]  }
0x3f9: {  	v1 =	vld [tilespmem:s3+$0x3C00]  }
0x3fa: {  	v2 =	vld [tilespmem:s3+$0x3C10]  }
0x3fb: {  	v3 =	vld [tilespmem:s3+$0x3C20]  }
0x3fc: {  	v4 =	vld [tilespmem:s3+$0x3C30]  }
0x3fd: {  	v5 =	vld [tilespmem:s3+$0x3C40]  }
0x3fe: {  	v6 =	vld [tilespmem:s3+$0x3C50]  }
0x3ff: {  	v7 =	vld [tilespmem:s3+$0x3C60]  }
0x400: {  	v8 =	vld [tilespmem:s3+$0x3C70]  }
0x401: {  	v9 =	vld [tilespmem:s3+$0x3C80]  }
0x402: {  	v10 =	vld [tilespmem:s3+$0x3C90]  }
0x403: {  	v11 =	vld [tilespmem:s3+$0x3CA0]  }
0x404: {  	v12 =	vld [tilespmem:s3+$0x3CB0]  }
0x405: {  	v13 =	vld [tilespmem:s3+$0x3CC0]  }
0x406: {  	v14 =	vld [tilespmem:s3+$0x3CD0]  }
0x407: {  	[tilespmem:s3+$0xC8F0] =	vst.add.f32.msk $0xffff, v0  }
0x408: {  	v0 =	vld [tilespmem:s3+$0x3CE0]  }
0x409: {  	[tilespmem:s3+$0xC800] =	vst.add.f32.msk $0xffff, v1  }
0x40a: {  	[tilespmem:s3+$0xC810] =	vst.add.f32.msk $0xffff, v2  }
0x40b: {  	[tilespmem:s3+$0xC820] =	vst.add.f32.msk $0xffff, v3  }
0x40c: {  	[tilespmem:s3+$0xC830] =	vst.add.f32.msk $0xffff, v4  }
0x40d: {  	[tilespmem:s3+$0xC840] =	vst.add.f32.msk $0xffff, v5  }
0x40e: {  	[tilespmem:s3+$0xC850] =	vst.add.f32.msk $0xffff, v6  }
0x40f: {  	[tilespmem:s3+$0xC860] =	vst.add.f32.msk $0xffff, v7  }
0x410: {  	[tilespmem:s3+$0xC870] =	vst.add.f32.msk $0xffff, v8  }
0x411: {  	[tilespmem:s3+$0xC880] =	vst.add.f32.msk $0xffff, v9  }
0x412: {  	[tilespmem:s3+$0xC890] =	vst.add.f32.msk $0xffff, v10  }
0x413: {  	[tilespmem:s3+$0xC8A0] =	vst.add.f32.msk $0xffff, v11  }
0x414: {  	[tilespmem:s3+$0xC8B0] =	vst.add.f32.msk $0xffff, v12  }
0x415: {  	[tilespmem:s3+$0xC8C0] =	vst.add.f32.msk $0xffff, v13  }
0x416: {  	s0 =	sadd.s32 $0x2, s0;
	s2 =	sadd.s32 $0x400, s2;
	[tilespmem:s3+$0xC8D0] =	vst.add.f32.msk $0xffff, v14  }
.LBB2_21:
0x417: {  	s0 =	sadd.s32 $0x2, s0;
	[tilespmem:s3+$0xC8E0] =	vst.add.f32.msk $0xffff, v0;
	s3 =	sshra.s32 s2, $0x2  }
0x418: {  	v0 =	vld [tilespmem:s3+$0x3CF0];
	p0 =	slt.u32 s0, $0x9E  }
0x419: {  	v1 =	vld [tilespmem:s3+$0x3C00]  }
0x41a: {  	v2 =	vld [tilespmem:s3+$0x3C10]  }
0x41b: {  	v3 =	vld [tilespmem:s3+$0x3C20]  }
0x41c: {  	v4 =	vld [tilespmem:s3+$0x3C30]  }
0x41d: {  	[tilespmem:s3+$0xC8F0] =	vst.add.f32.msk $0xffff, v0  }
0x41e: {  	v5 =	vld [tilespmem:s3+$0x3C40]  }
0x41f: {  	v6 =	vld [tilespmem:s3+$0x3C50]  }
0x420: {  	v7 =	vld [tilespmem:s3+$0x3C60]  }
0x421: {  	v8 =	vld [tilespmem:s3+$0x3C70]  }
0x422: {  	v9 =	vld [tilespmem:s3+$0x3C80]  }
0x423: {  	v10 =	vld [tilespmem:s3+$0x3C90]  }
0x424: {  	v11 =	vld [tilespmem:s3+$0x3CA0]  }
0x425: {  	v12 =	vld [tilespmem:s3+$0x3CB0]  }
0x426: {  	v13 =	vld [tilespmem:s3+$0x3CC0]  }
0x427: {  	v14 =	vld [tilespmem:s3+$0x3CD0]  }
0x428: {  	v0 =	vld [tilespmem:s3+$0x3CE0]  }
0x429: {  	[tilespmem:s3+$0xC800] =	vst.add.f32.msk $0xffff, v1  }
0x42a: {  	[tilespmem:s3+$0xC810] =	vst.add.f32.msk $0xffff, v2  }
0x42b: {  	[tilespmem:s3+$0xC820] =	vst.add.f32.msk $0xffff, v3  }
0x42c: {  	[tilespmem:s3+$0xC830] =	vst.add.f32.msk $0xffff, v4  }
0x42d: {  	[tilespmem:s3+$0xC840] =	vst.add.f32.msk $0xffff, v5  }
0x42e: {  	[tilespmem:s3+$0xC850] =	vst.add.f32.msk $0xffff, v6  }
0x42f: {  	[tilespmem:s3+$0xC860] =	vst.add.f32.msk $0xffff, v7  }
0x430: {  	[tilespmem:s3+$0xC870] =	vst.add.f32.msk $0xffff, v8  }
0x431: {  	[tilespmem:s3+$0xC880] =	vst.add.f32.msk $0xffff, v9  }
.Ltmp45:
0x432: {  	[tilespmem:s3+$0xC890] =	vst.add.f32.msk $0xffff, v10;
	(pc) =	sbr.rel @p0 .LBB2_21-.Ltmp45, $4  }
0x433: {  	[tilespmem:s3+$0xC8A0] =	vst.add.f32.msk $0xffff, v11  }
0x434: {  	[tilespmem:s3+$0xC8B0] =	vst.add.f32.msk $0xffff, v12  }
0x435: {  	[tilespmem:s3+$0xC8C0] =	vst.add.f32.msk $0xffff, v13  }
0x436: {  	s2 =	sadd.s32 $0x400, s2;
	[tilespmem:s3+$0xC8D0] =	vst.add.f32.msk $0xffff, v14  }
.Ltmp46:
0x437: {  	(pc) =	sbr.rel .LBB2_23-.Ltmp46, $2  }
0x438: {  	_ =	sdelay $0x2  }
0x439: {  	[tilespmem:s3+$0xC8E0] =	vst.add.f32.msk $0xffff, v0  }
.LBB2_14:
0x43a: {  	s3 =	sshra.s32 s2, $0x2  }
0x43b: {  	v0 =	vld [tilespmem:s3+$0x78F0]  }
0x43c: {  	v1 =	vld [tilespmem:s3+$0x7800]  }
0x43d: {  	v2 =	vld [tilespmem:s3+$0x7810]  }
0x43e: {  	v3 =	vld [tilespmem:s3+$0x7820]  }
0x43f: {  	v4 =	vld [tilespmem:s3+$0x7830]  }
0x440: {  	v5 =	vld [tilespmem:s3+$0x7840]  }
0x441: {  	v6 =	vld [tilespmem:s3+$0x7850]  }
0x442: {  	v7 =	vld [tilespmem:s3+$0x7860]  }
0x443: {  	v8 =	vld [tilespmem:s3+$0x7870]  }
0x444: {  	v9 =	vld [tilespmem:s3+$0x7880]  }
0x445: {  	v10 =	vld [tilespmem:s3+$0x7890]  }
0x446: {  	v11 =	vld [tilespmem:s3+$0x78A0]  }
0x447: {  	v12 =	vld [tilespmem:s3+$0x78B0]  }
0x448: {  	v13 =	vld [tilespmem:s3+$0x78C0]  }
0x449: {  	v14 =	vld [tilespmem:s3+$0x78D0]  }
0x44a: {  	[tilespmem:s3+$0xC8F0] =	vst.add.f32.msk $0xffff, v0  }
0x44b: {  	v0 =	vld [tilespmem:s3+$0x78E0]  }
0x44c: {  	[tilespmem:s3+$0xC800] =	vst.add.f32.msk $0xffff, v1  }
0x44d: {  	[tilespmem:s3+$0xC810] =	vst.add.f32.msk $0xffff, v2  }
0x44e: {  	[tilespmem:s3+$0xC820] =	vst.add.f32.msk $0xffff, v3  }
0x44f: {  	[tilespmem:s3+$0xC830] =	vst.add.f32.msk $0xffff, v4  }
0x450: {  	[tilespmem:s3+$0xC840] =	vst.add.f32.msk $0xffff, v5  }
0x451: {  	[tilespmem:s3+$0xC850] =	vst.add.f32.msk $0xffff, v6  }
0x452: {  	[tilespmem:s3+$0xC860] =	vst.add.f32.msk $0xffff, v7  }
0x453: {  	[tilespmem:s3+$0xC870] =	vst.add.f32.msk $0xffff, v8  }
0x454: {  	[tilespmem:s3+$0xC880] =	vst.add.f32.msk $0xffff, v9  }
0x455: {  	[tilespmem:s3+$0xC890] =	vst.add.f32.msk $0xffff, v10  }
0x456: {  	[tilespmem:s3+$0xC8A0] =	vst.add.f32.msk $0xffff, v11  }
0x457: {  	[tilespmem:s3+$0xC8B0] =	vst.add.f32.msk $0xffff, v12  }
0x458: {  	[tilespmem:s3+$0xC8C0] =	vst.add.f32.msk $0xffff, v13  }
0x459: {  	s0 =	sadd.s32 $0x2, s0;
	s2 =	sadd.s32 $0x400, s2;
	[tilespmem:s3+$0xC8D0] =	vst.add.f32.msk $0xffff, v14  }
.LBB2_15:
0x45a: {  	s0 =	sadd.s32 $0x2, s0;
	[tilespmem:s3+$0xC8E0] =	vst.add.f32.msk $0xffff, v0;
	s3 =	sshra.s32 s2, $0x2  }
0x45b: {  	v0 =	vld [tilespmem:s3+$0x78F0];
	p0 =	slt.u32 s0, $0x9E  }
0x45c: {  	v1 =	vld [tilespmem:s3+$0x7800]  }
0x45d: {  	v2 =	vld [tilespmem:s3+$0x7810]  }
0x45e: {  	v3 =	vld [tilespmem:s3+$0x7820]  }
0x45f: {  	v4 =	vld [tilespmem:s3+$0x7830]  }
0x460: {  	[tilespmem:s3+$0xC8F0] =	vst.add.f32.msk $0xffff, v0  }
0x461: {  	v5 =	vld [tilespmem:s3+$0x7840]  }
0x462: {  	v6 =	vld [tilespmem:s3+$0x7850]  }
0x463: {  	v7 =	vld [tilespmem:s3+$0x7860]  }
0x464: {  	v8 =	vld [tilespmem:s3+$0x7870]  }
0x465: {  	v9 =	vld [tilespmem:s3+$0x7880]  }
0x466: {  	v10 =	vld [tilespmem:s3+$0x7890]  }
0x467: {  	v11 =	vld [tilespmem:s3+$0x78A0]  }
0x468: {  	v12 =	vld [tilespmem:s3+$0x78B0]  }
0x469: {  	v13 =	vld [tilespmem:s3+$0x78C0]  }
0x46a: {  	v14 =	vld [tilespmem:s3+$0x78D0]  }
0x46b: {  	v0 =	vld [tilespmem:s3+$0x78E0]  }
0x46c: {  	[tilespmem:s3+$0xC800] =	vst.add.f32.msk $0xffff, v1  }
0x46d: {  	[tilespmem:s3+$0xC810] =	vst.add.f32.msk $0xffff, v2  }
0x46e: {  	[tilespmem:s3+$0xC820] =	vst.add.f32.msk $0xffff, v3  }
0x46f: {  	[tilespmem:s3+$0xC830] =	vst.add.f32.msk $0xffff, v4  }
0x470: {  	[tilespmem:s3+$0xC840] =	vst.add.f32.msk $0xffff, v5  }
0x471: {  	[tilespmem:s3+$0xC850] =	vst.add.f32.msk $0xffff, v6  }
0x472: {  	[tilespmem:s3+$0xC860] =	vst.add.f32.msk $0xffff, v7  }
0x473: {  	[tilespmem:s3+$0xC870] =	vst.add.f32.msk $0xffff, v8  }
0x474: {  	[tilespmem:s3+$0xC880] =	vst.add.f32.msk $0xffff, v9  }
.Ltmp47:
0x475: {  	[tilespmem:s3+$0xC890] =	vst.add.f32.msk $0xffff, v10;
	(pc) =	sbr.rel @p0 .LBB2_15-.Ltmp47, $4  }
0x476: {  	[tilespmem:s3+$0xC8A0] =	vst.add.f32.msk $0xffff, v11  }
0x477: {  	[tilespmem:s3+$0xC8B0] =	vst.add.f32.msk $0xffff, v12  }
0x478: {  	[tilespmem:s3+$0xC8C0] =	vst.add.f32.msk $0xffff, v13  }
0x479: {  	s2 =	sadd.s32 $0x400, s2;
	[tilespmem:s3+$0xC8D0] =	vst.add.f32.msk $0xffff, v14  }
0x47a: {  	[tilespmem:s3+$0xC8E0] =	vst.add.f32.msk $0xffff, v0  }
.LBB2_23:
0x47b: {  	s0 =	smul.u32 $0xA0, s31;
	_ =	sdelay $0x1  }
0x47c: {  	s0 =	sadd.s32 s6, s0  }
0x47d: {  	s0 =	sshll.u32 s0, $0x4  }
0x47e: {  	s0 =	sadd.s32 s4, s0  }
0x47f: {  	[hbm4b:s0+s5] =	stream.linear.scatter [tilespmem:s11], [sflag:$0x4], $0x5000, $0x38;
	[tilespmem:$0x1B800] =	vst v63  }
.LBB2_64:
0x480: {  	p0 =	sgt.u32 s31, $0x25  }
.Ltmp48:
0x481: {  	_ = 	snop;
	(pc) =	sbr.rel @p0 .LBB2_70-.Ltmp48, $1  }
0x482: {  	_ =	sdelay $0x3  }
0x483: {  	s0 =	sadd.s32 $0x2, s31  }
0x484: {  	s2 =	smul.u32 $0xAB, s0;
	_ =	sdelay $0x1  }
0x485: {  	s2 =	sshrl.u32 s2, $0x9  }
0x486: {  	s2 =	sand.u32 $0x7F, s2  }
0x487: {  	s2 =	smul.u32 $0x3, s2;
	_ =	sdelay $0x1  }
0x488: {  	s2 =	ssub.s32 s0, s2  }
0x489: {  	s2 =	sand.u32 $0xFF, s2  }
0x48a: {  	p0 =	seq.s32 s2, $0x2  }
.Ltmp49:
0x48b: {  	_ = 	snop;
	(pc) =	sbr.rel @p0 .LBB2_69-.Ltmp49, $1  }
0x48c: {  	_ =	sdelay $0x3  }
0x48d: {  	p0 =	seq.s32 s2, $0x1  }
.Ltmp50:
0x48e: {  	_ = 	snop;
	(pc) =	sbr.rel @!p0 .LBB2_67-.Ltmp50, $1  }
0x48f: {  	_ =	sdelay $0x3  }
0x490: {  	p0 =	seq.s32 s31, $0x0  }
0x491: {  	s2 =	simm.s32 @!p0 $0x5  }
0x492: {  	_ =	swait.ge @!p0 [sflag:s2], $0x5000  }
.Ltmp51:
0x493: {  	s0 =	sshll.u32 s0, $0x8;
	[sflag:s2] =	ssyncset.done @!p0 $0x0;
	(pc) =	sbr.rel .LBB2_70-.Ltmp51, $4  }
0x494: {  	s0 =	sand.u32 $0x3FFFFF00, s0;
	[sflag:s2] =	ssyncadd.s32 @!p0 $0xFFFFB000  }
0x495: {  	[tilespmem:s15], [sflag:$0x2] =	stream.indirect.gather [hbm4b:s1+s10], $0x80, s0, s10, $0xb8;
	[tilespmem:$0x1B800] =	vst v63  }
0x496: {  	s0 =	sor.u32 $0x80, s0  }
0x497: {  	[tilespmem:s17], [sflag:$0x2] =	stream.indirect.gather [hbm4b:s1+s10], $0x80, s0, s10, $0xb8;
	[tilespmem:$0x1B800] =	vst v63  }
.LBB2_67:
0x498: {  	p0 =	seq.s32 s31, $0x0  }
0x499: {  	s2 =	simm.s32 @!p0 $0x4  }
0x49a: {  	_ =	swait.ge @!p0 [sflag:s2], $0x5000  }
.Ltmp52:
0x49b: {  	s0 =	sshll.u32 s0, $0x8;
	[sflag:s2] =	ssyncset.done @!p0 $0x0;
	(pc) =	sbr.rel .LBB2_70-.Ltmp52, $4  }
0x49c: {  	s0 =	sand.u32 $0x3FFFFF00, s0;
	[sflag:s2] =	ssyncadd.s32 @!p0 $0xFFFFB000  }
0x49d: {  	[tilespmem:s11], [sflag:$0x1] =	stream.indirect.gather [hbm4b:s1+s10], $0x80, s0, s10, $0xb8;
	[tilespmem:$0x1B800] =	vst v63  }
0x49e: {  	s0 =	sor.u32 $0x80, s0  }
0x49f: {  	[tilespmem:s13], [sflag:$0x1] =	stream.indirect.gather [hbm4b:s1+s10], $0x80, s0, s10, $0xb8;
	[tilespmem:$0x1B800] =	vst v63  }
.LBB2_72:
0x4a0: {  	_ =	sfence.sel $0x180000  }
0x4a1: {  	[bflag:$0x0] =	sbarrier.arrive $0xFFFF  }
0x4a2: {  	_ =	strace $0x90000047  }
0x4a3: {  	s0 =	stileid.u32;
	[bflag:$0x2] =	sbarrier.arrive $0xFFFF  }
0x4a4: {  	p0 =	sne.s32 s0, $0x0;
	s0 =	rddreg [dreg:$0x3]  }
0x4a5: {  	s0 =	sadd.s32 @!p0 $0x100000, s0  }
0x4a6: {  	[sflag:s0] =	ssyncadd.tile.s32 @!p0 $0x1;
	_ =	shalt  }
.Lfunc_end2:
_tile_overlayer_lowered:
.L_overlay_start_2:
0x4a7: {  	(tag) =	ssettag $0x2  }
0x4a8: {  	s0 =	rddreg [dreg:$0x0];
	s2 =	stileid.u32  }
0x4a9: {  	s1 =	rddreg [dreg:$0x1];
	p0 =	sne.s32 s2, $0x0  }
0x4aa: {  	s3 =	rddreg [dreg:$0x2];
	[bflag:$0x3] =	sbarrier.arrive $0xFFFF;
	s2 =	simm.s32 @!p0 $0x1C07  }
0x4ab: {  	[timem:s3], [sflag:s2] =	dma.local @!p0 [hbm:s0], s1  }
0x4ac: {  	s0 =	simm.s32 @!p0 $0x7  }
0x4ad: {  	_ =	swait.ge @!p0 [sflag:s0], s1  }
0x4ae: {  	s1 =	ssub.s32 @!p0 $0x0, s1;
	[sflag:s0] =	ssyncset.done @!p0 $0x0  }
0x4af: {  	[sflag:s0] =	ssyncadd.s32 @!p0 s1  }
0x4b0: {  	[bflag:$0x3] =	sbarrier.arrive $0xFFFF  }
0x4b1: {  	_ =	shalt  }

</sc_bundles>
